<compile_context>
chip_gen: v7x
topology: tpu7x:2x2x1
jax: 0.10.2.dev20260603
libtpu: 0.0.44.dev20260713+nightly
codegen_flags: <defaults>
</compile_context>

<pallas_src>
import functools

import jax
import jax.numpy as jnp
from jax import lax
from jax.experimental import pallas as pl
from jax.experimental.pallas import tpu as pltpu
from jax.experimental.pallas import tpu_sc as plsc

N = 50000
E = 800000
H = 4
C = 16
HC = H * C
F_IN = 16
NUM_CLASSES = 5

NP = 50176
EP = 819200
NB = 1024
EB = 1280
NBLK = NP // NB
EBLK = EP // EB
NCORE = 2
NSUB = 16
NW = NCORE * NSUB
EPW = EP // NW
CH = 640
NCH = EPW // CH
RPT = NP // NSUB
RW = 24



def _full(*shape):
    return pl.BlockSpec(shape, lambda i: (0,) * len(shape))


def _prep_edges_body(eattr, We1, be1, We2, be2, M1, M2, out, mx):
    ea = jnp.maximum(eattr[...] @ We1[...] + be1[...], 0.0)
    ea = ea @ We2[...] + be2[...]
    ae = jnp.concatenate([ea @ M1[...], ea @ M2[...]], axis=1)
    out[...] = ae.T
    mx[...] = jnp.max(ae, axis=0)[None, None, :]


def _tc_prep_edges(eattr, We1, be1, We2, be2, M1, M2):
    last = E // EB - 1
    return pl.pallas_call(
        _prep_edges_body,
        grid=(EBLK,),
        in_specs=[
            pl.BlockSpec((EB, F_IN), lambda i: (jnp.minimum(i, last), 0)),
            _full(F_IN, C), _full(C,), _full(C, H), _full(H,),
            _full(H, H), _full(H, H),
        ],
        out_specs=[pl.BlockSpec((2 * H, EB), lambda i: (0, i)),
                   pl.BlockSpec((1, 1, 2 * H), lambda i: (i, 0, 0))],
        out_shape=[jax.ShapeDtypeStruct((2 * H, EP), jnp.float32),
                   jax.ShapeDtypeStruct((EBLK, 1, 2 * H), jnp.float32)],
    )(eattr, We1, be1, We2, be2, M1, M2)


def _emit_nodes_flat(hk, av, dv, h_ref, as_ref, ad_ref, mx_ref):
    h_ref[...] = hk
    a_s = jnp.sum(hk * av[0], axis=1)
    a_d = jnp.sum(hk * dv[0], axis=1)
    as_ref[...] = a_s
    ad_ref[...] = a_d
    mx_ref[...] = jnp.stack([jnp.max(a_s), jnp.max(a_d)])[None, None, :]


def _prep_nodes_body(x, W, asrc, adst, h_ref, as_ref, ad_ref, mx_ref):
    hk = x[...] @ W[0]
    _emit_nodes_flat(hk, asrc, adst, h_ref, as_ref, ad_ref, mx_ref)


def _node_out_specs():
    out_shapes = [jax.ShapeDtypeStruct((H * NP, C), jnp.float32),
                  jax.ShapeDtypeStruct((H * NP,), jnp.float32),
                  jax.ShapeDtypeStruct((H * NP,), jnp.float32),
                  jax.ShapeDtypeStruct((H * NBLK, 1, 2), jnp.float32)]
    out_specs = [pl.BlockSpec((NB, C), lambda h, j: (h * NBLK + j, 0)),
                 pl.BlockSpec((NB,), lambda h, j: (h * NBLK + j,)),
                 pl.BlockSpec((NB,), lambda h, j: (h * NBLK + j,)),
                 pl.BlockSpec((1, 1, 2), lambda h, j: (h * NBLK + j, 0, 0))]
    return out_shapes, out_specs


def _tc_prep_nodes(x_p, W, asrc, adst):
    out_shapes, out_specs = _node_out_specs()
    return pl.pallas_call(
        _prep_nodes_body,
        grid=(H, NBLK),
        in_specs=[
            pl.BlockSpec((NB, F_IN), lambda h, j: (j, 0)),
            pl.BlockSpec((1, F_IN, C), lambda h, j: (h, 0, 0)),
            pl.BlockSpec((1, 1, C), lambda h, j: (h, 0, 0)),
            pl.BlockSpec((1, 1, C), lambda h, j: (h, 0, 0)),
        ],
        out_specs=out_specs,
        out_shape=out_shapes,
    )(x_p, W, asrc, adst)


def _combine_head(k, lcol, B, Lsum, deg, asr, adr, hr, Kv, biasr):
    ae_s = Lsum[:, lcol] / deg
    a_self = asr + adr + ae_s
    a_self = jnp.maximum(a_self, 0.2 * a_self)
    p_self = jnp.exp(jnp.minimum(a_self - Kv[k, 0], 60.0))
    den = B[k, 0, :, C] + B[k, 1, :, C] + p_self
    num = (B[k, 0, :, 0:C] + B[k, 1, :, 0:C]
           + p_self[:, None] * hr)
    g = num / den[:, None] + biasr[k]
    return jnp.where(g > 0, g, jnp.exp(jnp.minimum(g, 0.0)) - 1.0)


def _combine_all(B, La, Kvv, bias, asv, adv, hv, loff):
    Lsum = La[0] + La[1]
    deg = jnp.maximum(Lsum[:, 2 * H], 1.0)
    return [
        _combine_head(k, loff + k, B, Lsum, deg, asv[k], adv[k], hv[k],
                      Kvv, bias)
        for k in range(H)
    ]


def _boundary_body(Bacc, Lacc, Kv, biasr, asrc2, adst2, W2q, asv, adv, hv,
                   h_ref, as_ref, ad_ref, mx_ref):
    gs = _combine_all(Bacc[...], Lacc[...], Kv[...], biasr[...],
                      asv[...], adv[...], hv[...], 0)
    W2v = W2q[...]
    hk = jnp.zeros((NB, C), jnp.float32)
    for k in range(H):
        hk = hk + gs[k] @ W2v[0, k]
    _emit_nodes_flat(hk, asrc2, adst2, h_ref, as_ref, ad_ref, mx_ref)


def _tc_boundary(Bacc1, Lout, Kv1, bias1r, asrc2, adst2, W2q, as1v, ad1v,
                 h1v):
    out_shapes, out_specs = _node_out_specs()
    return pl.pallas_call(
        _boundary_body,
        grid=(H, NBLK),
        in_specs=[
            pl.BlockSpec((H, NCORE, NB, RW), lambda h, j: (0, 0, j, 0)),
            pl.BlockSpec((NCORE, NB, C), lambda h, j: (0, j, 0)),
            pl.BlockSpec((H, C), lambda h, j: (0, 0)),
            pl.BlockSpec((H, C), lambda h, j: (0, 0)),
            pl.BlockSpec((1, 1, C), lambda h, j: (h, 0, 0)),
            pl.BlockSpec((1, 1, C), lambda h, j: (h, 0, 0)),
            pl.BlockSpec((1, H, C, C), lambda h, j: (h, 0, 0, 0)),
            pl.BlockSpec((H, NB), lambda h, j: (0, j)),
            pl.BlockSpec((H, NB), lambda h, j: (0, j)),
            pl.BlockSpec((H, NB, C), lambda h, j: (0, j, 0)),
        ],
        out_specs=out_specs,
        out_shape=out_shapes,
    )(Bacc1, Lout, Kv1, bias1r, asrc2, adst2, W2q, as1v, ad1v, h1v)


def _final_body(Bacc, Lacc, Kv, biasr, x, Wskip, bskip, Wcp, bc, asv, adv,
                hv, out):
    gs = _combine_all(Bacc[...], Lacc[...], Kv[...], biasr[...],
                      asv[...], adv[...], hv[...], H)
    Wcv = Wcp[...]
    skipb = x[...] @ Wskip[...] + bskip[...]
    acc = jnp.zeros((NB, NUM_CLASSES), jnp.float32)
    for k in range(H):
        gk = gs[k] + skipb[:, k * C:(k + 1) * C]
        acc = acc + gk @ Wcv[k]
    out[...] = acc + bc[...]


def _tc_final(Bacc2, Lout, Kv2, bias2r, x_p, Wskip, bskip, Wcp, bc,
              as2v, ad2v, h2v):
    return pl.pallas_call(
        _final_body,
        grid=(NBLK,),
        in_specs=[
            pl.BlockSpec((H, NCORE, NB, RW), lambda i: (0, 0, i, 0)),
            pl.BlockSpec((NCORE, NB, C), lambda i: (0, i, 0)),
            _full(H, C), _full(H, C),
            pl.BlockSpec((NB, F_IN), lambda i: (i, 0)),
            _full(F_IN, HC), _full(HC,), _full(H, C, NUM_CLASSES),
            _full(NUM_CLASSES,),
            pl.BlockSpec((H, NB), lambda i: (0, i)),
            pl.BlockSpec((H, NB), lambda i: (0, i)),
            pl.BlockSpec((H, NB, C), lambda i: (0, i, 0)),
        ],
        out_specs=pl.BlockSpec((NB, NUM_CLASSES), lambda i: (i, 0)),
        out_shape=jax.ShapeDtypeStruct((NP, NUM_CLASSES), jnp.float32),
    )(Bacc2, Lout, Kv2, bias2r, x_p, Wskip, bskip, Wcp, bc,
      as2v, ad2v, h2v)



def _mesh():
    return plsc.VectorSubcoreMesh(core_axis_name="c", subcore_axis_name="s",
                                  num_cores=NCORE, num_subcores=NSUB)


_SC_PARAMS = pltpu.CompilerParams(needs_layout_passes=False,
                                  use_tc_tiling_on_sc=False)


def _iota16():
    return lax.iota(jnp.int32, 16)


def _sc_loop_body(dst, ae_pl, z16, Lout, dstb, aeb8, Lrows, Lacc):
    cid = lax.axis_index("c")
    sid = lax.axis_index("s")
    wid = sid * NCORE + cid
    base0 = wid * EPW

    pltpu.sync_copy(z16.at[pl.ds(sid * RPT, RPT)],
                    Lacc.at[pl.ds(sid * RPT, RPT)])
    pltpu.sync_copy(z16.at[pl.ds(0, CH)], Lrows)
    plsc.subcore_barrier()

    def chunk_body(g, carry):
        base = base0 + g * CH
        pltpu.sync_copy(dst.at[pl.ds(base, CH)], dstb)
        pltpu.sync_copy(ae_pl.at[:, pl.ds(base, CH)], aeb8)

        def group(i, c):
            ii = _iota16() + i * 16
            for cc in range(2 * H):
                colv = aeb8[cc, pl.ds(i * 16, 16)]
                plsc.store_scatter(
                    Lrows, [ii, jnp.full((16,), cc, jnp.int32)], colv)
            plsc.store_scatter(
                Lrows, [ii, jnp.full((16,), 2 * H, jnp.int32)],
                jnp.ones((16,), jnp.float32))
            return c

        lax.fori_loop(0, CH // 16, group, 0)
        pltpu.sync_copy(Lrows, Lacc.at[dstb], add=True)
        return carry

    lax.fori_loop(0, NCH, chunk_body, 0)
    plsc.subcore_barrier()
    pltpu.sync_copy(Lacc.at[pl.ds(sid * RPT, RPT)],
                    Lout.at[pl.ds(cid * NP + sid * RPT, RPT)])


def _make_sc_loop():
    return pl.kernel(
        _sc_loop_body,
        out_type=jax.ShapeDtypeStruct((NCORE * NP, C), jnp.float32),
        mesh=_mesh(),
        scratch_types=[
            pltpu.VMEM((CH,), jnp.int32),
            pltpu.VMEM((2 * H, CH), jnp.float32),
            pltpu.VMEM((CH, C), jnp.float32),
            pltpu.VMEM_SHARED((NP, C), jnp.float32),
        ],
        compiler_params=_SC_PARAMS,
    )


NPAIR = NCH // 2


def _sc_msg_body(row_off, *args):
    (sd, ae_pl, asf, adf, hf, Kv, zRW,
     Bacc,
     sdbA, aebhA, sgA, dgA, asgA, adgA, rowsA,
     sdbB, aebhB, sgB, dgB, asgB, adgB, rowsB,
     kb, rowsS, sem, acc) = args
    cid = lax.axis_index("c")
    sid = lax.axis_index("s")
    wid = sid * NCORE + cid
    base0 = wid * EPW
    bufs = ((sdbA, aebhA, sgA, dgA, asgA, adgA, rowsA),
            (sdbB, aebhB, sgB, dgB, asgB, adgB, rowsB))

    pltpu.sync_copy(zRW.at[pl.ds(0, CH)], rowsS)

    def load_chunk(h, base, P):
        sdb, aebh, sg, dg = bufs[P][0:4]
        pltpu.sync_copy(sd.at[:, pl.ds(base, CH)], sdb)
        pltpu.sync_copy(ae_pl.at[row_off + h, pl.ds(base, CH)], aebh)
        off = h * NP

        def og(i, c):
            sg[pl.ds(i * 16, 16)] = sdb[0, pl.ds(i * 16, 16)] + off
            dg[pl.ds(i * 16, 16)] = sdb[1, pl.ds(i * 16, 16)] + off
            return c

        lax.fori_loop(0, CH // 16, og, 0)

    def issue_gathers(P):
        sg, dg, asg, adg, rows = bufs[P][2:7]
        d1 = pltpu.async_copy(asf.at[sg], asg, sem)
        d2 = pltpu.async_copy(adf.at[dg], adg, sem)
        d3 = pltpu.async_copy(hf.at[sg], rows, sem)
        return (d1, d2, d3)

    def wait_gathers(P):
        sg, dg, asg, adg, rows = bufs[P][2:7]
        pltpu.make_async_copy(asf.at[sg], asg, sem).wait()
        pltpu.make_async_copy(adf.at[dg], adg, sem).wait()
        pltpu.make_async_copy(hf.at[sg], rows, sem).wait()

    def compute_scatter(P):
        sdb, aebh, asg, adg, rows = (bufs[P][0], bufs[P][1], bufs[P][4],
                                     bufs[P][5], bufs[P][6])
        kv = kb[...]

        def group(i, c):
            ii = _iota16() + i * 16
            av = (asg[pl.ds(i * 16, 16)] + adg[pl.ds(i * 16, 16)]
                  + aebh[pl.ds(i * 16, 16)])
            av = jnp.maximum(av, 0.2 * av)
            p = jnp.exp(av - kv)
            for cc in range(C):
                ccv = jnp.full((16,), cc, jnp.int32)
                colv = plsc.load_gather(rows, [ii, ccv]) * p
                plsc.store_scatter(rowsS, [ii, ccv], colv)
            plsc.store_scatter(rowsS, [ii, jnp.full((16,), C, jnp.int32)], p)
            return c

        lax.fori_loop(0, CH // 16, group, 0)
        pltpu.sync_copy(rowsS, acc.at[sdb.at[1]], add=True)

    def head_body(h, carry):
        pltpu.sync_copy(zRW.at[pl.ds(sid * RPT, RPT)],
                        acc.at[pl.ds(sid * RPT, RPT)])
        pltpu.sync_copy(Kv.at[h], kb)
        plsc.subcore_barrier()

        load_chunk(h, base0, 0)
        issue_gathers(0)

        def pair_body(j, c2):
            c0 = base0 + (2 * j) * CH
            c1 = c0 + CH
            c2n = jnp.minimum(c0 + 2 * CH, EP - CH)
            load_chunk(h, c1, 1)
            wait_gathers(0)
            dsc = issue_gathers(1)
            compute_scatter(0)
            load_chunk(h, c2n, 0)
            for d in dsc:
                d.wait()
            issue_gathers(0)
            compute_scatter(1)
            return c2

        lax.fori_loop(0, NPAIR, pair_body, 0)
        wait_gathers(0)

        plsc.subcore_barrier()
        pltpu.sync_copy(
            acc.at[pl.ds(sid * RPT, RPT)],
            Bacc.at[pl.ds((h * NCORE + cid) * NP + sid * RPT, RPT)])
        plsc.subcore_barrier()
        return carry

    lax.fori_loop(0, H, head_body, 0)


def _make_sc_msg(row_off):
    chunk_bufs = [
        pltpu.VMEM((2, CH), jnp.int32),
        pltpu.VMEM((CH,), jnp.float32),
        pltpu.VMEM((CH,), jnp.int32),
        pltpu.VMEM((CH,), jnp.int32),
        pltpu.VMEM((CH,), jnp.float32),
        pltpu.VMEM((CH,), jnp.float32),
        pltpu.VMEM((CH, C), jnp.float32),
    ]
    return pl.kernel(
        functools.partial(_sc_msg_body, row_off),
        out_type=jax.ShapeDtypeStruct((H * NCORE * NP, RW), jnp.float32),
        mesh=_mesh(),
        scratch_types=chunk_bufs + chunk_bufs + [
            pltpu.VMEM((16,), jnp.float32),
            pltpu.VMEM((CH, RW), jnp.float32),
            pltpu.SemaphoreType.DMA,
            pltpu.VMEM_SHARED((NP, RW), jnp.float32),
        ],
        compiler_params=_SC_PARAMS,
    )



def _kub(nodemax, aemax):
    return jnp.maximum(nodemax[:, 0] + nodemax[:, 1]
                       + jnp.maximum(aemax, 0.0), 0.0)


def kernel(x, edge_index, edge_attr, We1, be1, We2, be2, W1, att_src1,
           att_dst1, lin_edge_W1, att_edge1, bias1, W2, att_src2, att_dst2,
           lin_edge_W2, att_edge2, bias2, Wskip, bskip, Wc, bc):
    src = edge_index[0]
    dst = edge_index[1]
    pad_e = jnp.full((EP - E,), N, jnp.int32)
    src_p = jnp.concatenate([src, pad_e])
    dst_p = jnp.concatenate([dst, pad_e])
    x_p = jnp.pad(x, ((0, NP - N), (0, 0)))

    M1 = jnp.einsum('fhc,hc->fh', lin_edge_W1.reshape(H, H, C), att_edge1)
    M2 = jnp.einsum('fhc,hc->fh', lin_edge_W2.reshape(H, H, C), att_edge2)

    ae_pl, aemaxb = _tc_prep_edges(edge_attr, We1, be1, We2, be2, M1, M2)
    aemax = jnp.max(aemaxb[:, 0, :], axis=0)

    W1t = W1.reshape(F_IN, H, C).transpose(1, 0, 2)
    h1f, as1f, ad1f, mx1 = _tc_prep_nodes(x_p, W1t, att_src1[:, None, :],
                                          att_dst1[:, None, :])
    ndmax1 = jnp.max(mx1.reshape(H, NBLK, 2), axis=1)

    z16 = jnp.zeros((NP, C), jnp.float32)
    zRW = jnp.zeros((NP, RW), jnp.float32)

    Lout = _make_sc_loop()(dst_p, ae_pl, z16).reshape(NCORE, NP, C)

    K1 = _kub(ndmax1, aemax[0:H])
    Kv1 = jnp.broadcast_to(K1[:, None], (H, C))

    sd = jnp.concatenate([src_p[None], dst_p[None]], axis=0)
    Bacc1 = _make_sc_msg(0)(
        sd, ae_pl, as1f, ad1f, h1f, Kv1, zRW,
    ).reshape(H, NCORE, NP, RW)

    bias1r = bias1.reshape(H, C)
    W2q = W2.reshape(H, C, H, C).transpose(2, 0, 1, 3)
    h2f, as2f, ad2f, mx2 = _tc_boundary(
        Bacc1, Lout, Kv1, bias1r, att_src2[:, None, :], att_dst2[:, None, :],
        W2q,
        as1f.reshape(H, NP), ad1f.reshape(H, NP), h1f.reshape(H, NP, C))
    ndmax2 = jnp.max(mx2.reshape(H, NBLK, 2), axis=1)

    K2 = _kub(ndmax2, aemax[H:2 * H])
    Kv2 = jnp.broadcast_to(K2[:, None], (H, C))

    Bacc2 = _make_sc_msg(H)(
        sd, ae_pl, as2f, ad2f, h2f, Kv2, zRW,
    ).reshape(H, NCORE, NP, RW)

    bias2r = bias2.reshape(H, C)
    Wcp = Wc.reshape(H, C, NUM_CLASSES)
    logits_p = _tc_final(
        Bacc2, Lout, Kv2, bias2r, x_p, Wskip, bskip, Wcp, bc,
        as2f.reshape(H, NP), ad2f.reshape(H, NP), h2f.reshape(H, NP, C))
    return logits_p[:N]

# --- scband reference (transcript-rebuilt; emitter-appended) ---
"""Pipeline reference for scband-focal-loss-classifier-15522011808333 (READ-ONLY COPY).

The authoritative reference and input builder live on the scoring server;
editing this copy changes nothing except your own understanding.
"""

import jax, jax.numpy as jnp
import numpy as np

N = 50000
E = 800000
H = 4
C = 16
F_IN = 16
F_EDGE = 16
NUM_CLASSES = 5


def gat_conv(h_in, src, dst, eattr, W, a_src, a_dst, We, a_e, b):
    # Linear projection to heads
    h = (h_in @ W).reshape(N, H, C)
    # add self loops; edge_attr fill_value='mean' (scatter-mean of edge_attr by dst)
    deg = jax.ops.segment_sum(jnp.ones(src.shape[0], dtype=jnp.float32), dst, num_segments=N)
    loop_attr = jax.ops.segment_sum(eattr, dst, num_segments=N) / jnp.maximum(deg, 1.0)[:, None]
    loop = jnp.arange(N, dtype=src.dtype)
    src_f = jnp.concatenate([src, loop])
    dst_f = jnp.concatenate([dst, loop])
    eattr_f = jnp.concatenate([eattr, loop_attr], axis=0)
    e = (eattr_f @ We).reshape(-1, H, C)
    alpha_src = (h * a_src[None]).sum(-1)  # [N, H]
    alpha_dst = (h * a_dst[None]).sum(-1)  # [N, H]
    alpha_e = (e * a_e[None]).sum(-1)      # [E+N, H]
    alpha = alpha_src[src_f] + alpha_dst[dst_f] + alpha_e
    alpha = jax.nn.leaky_relu(alpha, 0.2)
    # softmax over incoming edges per dst node
    amax = jax.ops.segment_max(alpha, dst_f, num_segments=N)
    alpha = jnp.exp(alpha - amax[dst_f])
    denom = jax.ops.segment_sum(alpha, dst_f, num_segments=N)
    alpha = alpha / (denom[dst_f] + 1e-16)
    # message = projected src features weighted by attention; aggregate by sum
    out = jax.ops.segment_sum(h[src_f] * alpha[..., None], dst_f, num_segments=N)
    return out.reshape(N, H * C) + b


def setup_inputs(seed: int = 0):
    key = jax.random.key(seed)
    ks = jax.random.split(key, 30)
    def p(k, shape, s=0.1):
        return jax.random.normal(k, shape, dtype=jnp.float32) * s
    inp = {}
    inp['x'] = jax.random.normal(ks[0], (N, F_IN), dtype=jnp.float32)
    inp['edge_index'] = jax.random.randint(ks[1], (2, E), 0, N, dtype=jnp.int32)
    inp['edge_attr'] = jax.random.normal(ks[2], (E, F_EDGE), dtype=jnp.float32)
    # edge encoder: Linear(16,16) -> ReLU -> Linear(16, H)
    inp['We1'] = p(ks[3], (F_EDGE, C)); inp['be1'] = jnp.zeros((C,), jnp.float32)
    inp['We2'] = p(ks[4], (C, H));      inp['be2'] = jnp.zeros((H,), jnp.float32)
    # GATConv 1: in=16, out=16, heads=4, edge_dim=4
    inp['W1'] = p(ks[5], (F_IN, H * C))
    inp['att_src1'] = p(ks[6], (H, C)); inp['att_dst1'] = p(ks[7], (H, C))
    inp['lin_edge_W1'] = p(ks[8], (H, H * C)); inp['att_edge1'] = p(ks[9], (H, C))
    inp['bias1'] = jnp.zeros((H * C,), jnp.float32)
    # GATConv 2: in=64, out=16, heads=4, edge_dim=4
    inp['W2'] = p(ks[10], (H * C, H * C))
    inp['att_src2'] = p(ks[11], (H, C)); inp['att_dst2'] = p(ks[12], (H, C))
    inp['lin_edge_W2'] = p(ks[13], (H, H * C)); inp['att_edge2'] = p(ks[14], (H, C))
    inp['bias2'] = jnp.zeros((H * C,), jnp.float32)
    # skip projection and classifier
    inp['Wskip'] = p(ks[15], (F_IN, H * C)); inp['bskip'] = jnp.zeros((H * C,), jnp.float32)
    inp['Wc'] = p(ks[16], (H * C, NUM_CLASSES)); inp['bc'] = jnp.zeros((NUM_CLASSES,), jnp.float32)
    return inp


def reference(x, edge_index, edge_attr, We1, be1, We2, be2, W1, att_src1, att_dst1, lin_edge_W1, att_edge1, bias1, W2, att_src2, att_dst2, lin_edge_W2, att_edge2, bias2, Wskip, bskip, Wc, bc):
    src, dst = edge_index[0], edge_index[1]
    # edge encoder
    ea = jax.nn.relu(edge_attr @ We1 + be1) @ We2 + be2  # [E, H]
    skip = x @ Wskip + bskip
    h = gat_conv(x, src, dst, ea, W1, att_src1, att_dst1, lin_edge_W1, att_edge1, bias1)
    h = jax.nn.elu(h)
    # dropout p=0.0 / eval mode -> identity
    h = gat_conv(h, src, dst, ea, W2, att_src2, att_dst2, lin_edge_W2, att_edge2, bias2)
    h = jax.nn.elu(h)
    h = h + skip
    logits = h @ Wc + bc
    return logits

if __name__ == "__main__":
    import jax
    _d = setup_inputs()
    print(jax.jit(kernel)(*tuple(_d.values())))

</pallas_src>

<mosaic_0001>
#map = affine_map<(d0, d1) -> (0, 0)>
#map1 = affine_map<(d0, d1) -> (0)>
module attributes {stable_mosaic.version = 14 : i64} {
  func.func @_sc_msg_body(%arg0: i32, %arg1: i32, %arg2: memref<2x819200xi32, #tpu.memory_space<hbm>>, %arg3: memref<8x819200xf32, #tpu.memory_space<hbm>>, %arg4: memref<200704xf32, #tpu.memory_space<hbm>>, %arg5: memref<200704xf32, #tpu.memory_space<hbm>>, %arg6: memref<200704x16xf32, #tpu.memory_space<hbm>>, %arg7: memref<4x16xf32, #tpu.memory_space<hbm>>, %arg8: memref<50176x24xf32, #tpu.memory_space<hbm>>, %arg9: memref<401408x24xf32, #tpu.memory_space<hbm>>, %arg10: memref<2x640xi32, #tpu.memory_space<vmem>>, %arg11: memref<640xf32, #tpu.memory_space<vmem>>, %arg12: memref<640xi32, #tpu.memory_space<vmem>>, %arg13: memref<640xi32, #tpu.memory_space<vmem>>, %arg14: memref<640xf32, #tpu.memory_space<vmem>>, %arg15: memref<640xf32, #tpu.memory_space<vmem>>, %arg16: memref<640x16xf32, #tpu.memory_space<vmem>>, %arg17: memref<2x640xi32, #tpu.memory_space<vmem>>, %arg18: memref<640xf32, #tpu.memory_space<vmem>>, %arg19: memref<640xi32, #tpu.memory_space<vmem>>, %arg20: memref<640xi32, #tpu.memory_space<vmem>>, %arg21: memref<640xf32, #tpu.memory_space<vmem>>, %arg22: memref<640xf32, #tpu.memory_space<vmem>>, %arg23: memref<640x16xf32, #tpu.memory_space<vmem>>, %arg24: memref<16xf32, #tpu.memory_space<vmem>>, %arg25: memref<640x24xf32, #tpu.memory_space<vmem>>, %arg26: memref<!tpu.dma_semaphore, #tpu.memory_space<semaphore_mem>>, %arg27: memref<50176x24xf32, #tpu.memory_space<vmem_shared>>) attributes {dimension_semantics = [#tpu.dimension_semantics<core_parallel>, #tpu.dimension_semantics<subcore_parallel>], iteration_bounds = array<i64: 2, 16>, scalar_prefetch = 0 : i64, scratch_operands = 18 : i64, tpu.core_type = #tpu.core_type<sc_vector_subcore>, window_params = [{transform_indices = #map}, {transform_indices = #map}, {transform_indices = #map1}, {transform_indices = #map1}, {transform_indices = #map}, {transform_indices = #map}, {transform_indices = #map}, {transform_indices = #map}]} {
    %mul3A = arith.constant 2 : i32
    %mul3A_0 = arith.muli %arg1, %mul3A : i32
    %add3A = arith.addi %mul3A_0, %arg0 : i32
    %mul3A_1 = arith.constant 25600 : i32
    %mul3A_2 = arith.muli %add3A, %mul3A_1 : i32
    "tpu.region"() ({
      %run_scoped3A = tpu.sem_alloc : memref<!tpu.dma_semaphore, #tpu.memory_space<semaphore_mem>>
      %dma_start3A = arith.constant 0 : i32
      %dma_start3A_8 = arith.constant 0 : i32
      %dma_start3A_9 = tpu.memref_slice %arg8[%dma_start3A, %dma_start3A_8] : memref<50176x24xf32, #tpu.memory_space<hbm>> -> memref<640x24xf32, #tpu.memory_space<hbm>>
      %dma_start3A_10 = arith.constant 0 : i32
      %dma_start3A_11 = arith.constant 0 : i32
      %dma_start3A_12 = tpu.memref_slice %arg8[%dma_start3A_10, %dma_start3A_11] : memref<50176x24xf32, #tpu.memory_space<hbm>> -> memref<640x24xf32, #tpu.memory_space<hbm>>
      tpu.enqueue_dma source(%dma_start3A_12 : memref<640x24xf32, #tpu.memory_space<hbm>>) target(%arg25 : memref<640x24xf32, #tpu.memory_space<vmem>>) target_semaphore(%run_scoped3A : memref<!tpu.dma_semaphore, #tpu.memory_space<semaphore_mem>>)
      %dma_wait3A = arith.constant 0 : i32
      %dma_wait3A_13 = arith.constant 0 : i32
      %dma_wait3A_14 = tpu.memref_slice %arg8[%dma_wait3A, %dma_wait3A_13] : memref<50176x24xf32, #tpu.memory_space<hbm>> -> memref<640x24xf32, #tpu.memory_space<hbm>>
      %dma_wait3A_15 = arith.constant 0 : i32
      %dma_wait3A_16 = arith.constant 0 : i32
      %dma_wait3A_17 = tpu.memref_slice %arg8[%dma_wait3A_15, %dma_wait3A_16] : memref<50176x24xf32, #tpu.memory_space<hbm>> -> memref<640x24xf32, #tpu.memory_space<hbm>>
      tpu.wait_dma2 semaphore(%run_scoped3A : memref<!tpu.dma_semaphore, #tpu.memory_space<semaphore_mem>>) src(%dma_wait3A_17 : memref<640x24xf32, #tpu.memory_space<hbm>>) dst(%arg25 : memref<640x24xf32, #tpu.memory_space<vmem>>)
      tpu.yield
    }) : () -> ()
    %scan3A = arith.constant 0 : i32
    %scan3A_3 = arith.constant 0 : i32
    %scan3A_4 = arith.constant 4 : i32
    %scan3A_5 = arith.addi %scan3A_3, %scan3A_4 : i32
    %scan3A_6 = arith.constant 1 : i32
    scf.for %scan3A_8 = %scan3A_3 to %scan3A_5 step %scan3A_6  : i32 {
      %mul3A_9 = arith.constant 3136 : i32
      %mul3A_10 = arith.muli %arg1, %mul3A_9 : i32
      %mul3A_11 = arith.constant 3136 : i32
      %mul3A_12 = arith.muli %arg1, %mul3A_11 : i32
      "tpu.region"() ({
        %run_scoped3A = tpu.sem_alloc : memref<!tpu.dma_semaphore, #tpu.memory_space<semaphore_mem>>
        %dma_start3A_53 = arith.constant 0 : i32
        %dma_start3A_54 = tpu.memref_slice %arg27[%mul3A_12, %dma_start3A_53] : memref<50176x24xf32, #tpu.memory_space<vmem_shared>> -> memref<3136x24xf32, #tpu.memory_space<vmem_shared>>
        %dma_start3A_55 = arith.constant 0 : i32
        %dma_start3A_56 = tpu.memref_slice %arg8[%mul3A_10, %dma_start3A_55] : memref<50176x24xf32, #tpu.memory_space<hbm>> -> memref<3136x24xf32, #tpu.memory_space<hbm>>
        tpu.enqueue_dma source(%dma_start3A_56 : memref<3136x24xf32, #tpu.memory_space<hbm>>) target(%dma_start3A_54 : memref<3136x24xf32, #tpu.memory_space<vmem_shared>>) target_semaphore(%run_scoped3A : memref<!tpu.dma_semaphore, #tpu.memory_space<semaphore_mem>>)
        %dma_wait3A_57 = arith.constant 0 : i32
        %dma_wait3A_58 = tpu.memref_slice %arg27[%mul3A_12, %dma_wait3A_57] : memref<50176x24xf32, #tpu.memory_space<vmem_shared>> -> memref<3136x24xf32, #tpu.memory_space<vmem_shared>>
        %dma_wait3A_59 = arith.constant 0 : i32
        %dma_wait3A_60 = tpu.memref_slice %arg8[%mul3A_10, %dma_wait3A_59] : memref<50176x24xf32, #tpu.memory_space<hbm>> -> memref<3136x24xf32, #tpu.memory_space<hbm>>
        tpu.wait_dma2 semaphore(%run_scoped3A : memref<!tpu.dma_semaphore, #tpu.memory_space<semaphore_mem>>) src(%dma_wait3A_60 : memref<3136x24xf32, #tpu.memory_space<hbm>>) dst(%dma_wait3A_58 : memref<3136x24xf32, #tpu.memory_space<vmem_shared>>)
        tpu.yield
      }) : () -> ()
      "tpu.region"() ({
        %run_scoped3A = tpu.sem_alloc : memref<!tpu.dma_semaphore, #tpu.memory_space<semaphore_mem>>
        %dma_start3A_53 = arith.constant 0 : i32
        %dma_start3A_54 = tpu.memref_slice %arg7[%scan3A_8, %dma_start3A_53] : memref<4x16xf32, #tpu.memory_space<hbm>> -> memref<1x16xf32, #tpu.memory_space<hbm>>
        %dma_start3A_55 = tpu.memref_squeeze %dma_start3A_54 : memref<1x16xf32, #tpu.memory_space<hbm>> -> memref<16xf32, #tpu.memory_space<hbm>>
        %dma_start3A_56 = arith.constant 0 : i32
        %dma_start3A_57 = tpu.memref_slice %arg7[%scan3A_8, %dma_start3A_56] : memref<4x16xf32, #tpu.memory_space<hbm>> -> memref<1x16xf32, #tpu.memory_space<hbm>>
        %dma_start3A_58 = tpu.memref_squeeze %dma_start3A_57 : memref<1x16xf32, #tpu.memory_space<hbm>> -> memref<16xf32, #tpu.memory_space<hbm>>
        tpu.enqueue_dma source(%dma_start3A_58 : memref<16xf32, #tpu.memory_space<hbm>>) target(%arg24 : memref<16xf32, #tpu.memory_space<vmem>>) target_semaphore(%run_scoped3A : memref<!tpu.dma_semaphore, #tpu.memory_space<semaphore_mem>>)
        %dma_wait3A_59 = arith.constant 0 : i32
        %dma_wait3A_60 = tpu.memref_slice %arg7[%scan3A_8, %dma_wait3A_59] : memref<4x16xf32, #tpu.memory_space<hbm>> -> memref<1x16xf32, #tpu.memory_space<hbm>>
        %dma_wait3A_61 = tpu.memref_squeeze %dma_wait3A_60 : memref<1x16xf32, #tpu.memory_space<hbm>> -> memref<16xf32, #tpu.memory_space<hbm>>
        %dma_wait3A_62 = arith.constant 0 : i32
        %dma_wait3A_63 = tpu.memref_slice %arg7[%scan3A_8, %dma_wait3A_62] : memref<4x16xf32, #tpu.memory_space<hbm>> -> memref<1x16xf32, #tpu.memory_space<hbm>>
        %dma_wait3A_64 = tpu.memref_squeeze %dma_wait3A_63 : memref<1x16xf32, #tpu.memory_space<hbm>> -> memref<16xf32, #tpu.memory_space<hbm>>
        tpu.wait_dma2 semaphore(%run_scoped3A : memref<!tpu.dma_semaphore, #tpu.memory_space<semaphore_mem>>) src(%dma_wait3A_64 : memref<16xf32, #tpu.memory_space<hbm>>) dst(%arg24 : memref<16xf32, #tpu.memory_space<vmem>>)
        tpu.yield
      }) : () -> ()
      %barrier3A = arith.constant 0 : index
      tpu.barrier barrier_id(%barrier3A)
      "tpu.region"() ({
        %run_scoped3A = tpu.sem_alloc : memref<!tpu.dma_semaphore, #tpu.memory_space<semaphore_mem>>
        %dma_start3A_53 = arith.constant 0 : i32
        %dma_start3A_54 = tpu.memref_slice %arg2[%dma_start3A_53, %mul3A_2] : memref<2x819200xi32, #tpu.memory_space<hbm>> -> memref<2x640xi32, #tpu.memory_space<hbm>>
        %dma_start3A_55 = arith.constant 0 : i32
        %dma_start3A_56 = tpu.memref_slice %arg2[%dma_start3A_55, %mul3A_2] : memref<2x819200xi32, #tpu.memory_space<hbm>> -> memref<2x640xi32, #tpu.memory_space<hbm>>
        tpu.enqueue_dma source(%dma_start3A_56 : memref<2x640xi32, #tpu.memory_space<hbm>>) target(%arg10 : memref<2x640xi32, #tpu.memory_space<vmem>>) target_semaphore(%run_scoped3A : memref<!tpu.dma_semaphore, #tpu.memory_space<semaphore_mem>>)
        %dma_wait3A_57 = arith.constant 0 : i32
        %dma_wait3A_58 = tpu.memref_slice %arg2[%dma_wait3A_57, %mul3A_2] : memref<2x819200xi32, #tpu.memory_space<hbm>> -> memref<2x640xi32, #tpu.memory_space<hbm>>
        %dma_wait3A_59 = arith.constant 0 : i32
        %dma_wait3A_60 = tpu.memref_slice %arg2[%dma_wait3A_59, %mul3A_2] : memref<2x819200xi32, #tpu.memory_space<hbm>> -> memref<2x640xi32, #tpu.memory_space<hbm>>
        tpu.wait_dma2 semaphore(%run_scoped3A : memref<!tpu.dma_semaphore, #tpu.memory_space<semaphore_mem>>) src(%dma_wait3A_60 : memref<2x640xi32, #tpu.memory_space<hbm>>) dst(%arg10 : memref<2x640xi32, #tpu.memory_space<vmem>>)
        tpu.yield
      }) : () -> ()
      %add3A_13 = arith.constant 0 : i32
      %add3A_14 = arith.addi %add3A_13, %scan3A_8 : i32
      "tpu.region"() ({
        %run_scoped3A = tpu.sem_alloc : memref<!tpu.dma_semaphore, #tpu.memory_space<semaphore_mem>>
        %dma_start3A_53 = tpu.memref_slice %arg3[%add3A_14, %mul3A_2] : memref<8x819200xf32, #tpu.memory_space<hbm>> -> memref<1x640xf32, #tpu.memory_space<hbm>>
        %dma_start3A_54 = tpu.memref_squeeze %dma_start3A_53 : memref<1x640xf32, #tpu.memory_space<hbm>> -> memref<640xf32, #tpu.memory_space<hbm>>
        %dma_start3A_55 = tpu.memref_slice %arg3[%add3A_14, %mul3A_2] : memref<8x819200xf32, #tpu.memory_space<hbm>> -> memref<1x640xf32, #tpu.memory_space<hbm>>
        %dma_start3A_56 = tpu.memref_squeeze %dma_start3A_55 : memref<1x640xf32, #tpu.memory_space<hbm>> -> memref<640xf32, #tpu.memory_space<hbm>>
        tpu.enqueue_dma source(%dma_start3A_56 : memref<640xf32, #tpu.memory_space<hbm>>) target(%arg11 : memref<640xf32, #tpu.memory_space<vmem>>) target_semaphore(%run_scoped3A : memref<!tpu.dma_semaphore, #tpu.memory_space<semaphore_mem>>)
        %dma_wait3A_57 = tpu.memref_slice %arg3[%add3A_14, %mul3A_2] : memref<8x819200xf32, #tpu.memory_space<hbm>> -> memref<1x640xf32, #tpu.memory_space<hbm>>
        %dma_wait3A_58 = tpu.memref_squeeze %dma_wait3A_57 : memref<1x640xf32, #tpu.memory_space<hbm>> -> memref<640xf32, #tpu.memory_space<hbm>>
        %dma_wait3A_59 = tpu.memref_slice %arg3[%add3A_14, %mul3A_2] : memref<8x819200xf32, #tpu.memory_space<hbm>> -> memref<1x640xf32, #tpu.memory_space<hbm>>
        %dma_wait3A_60 = tpu.memref_squeeze %dma_wait3A_59 : memref<1x640xf32, #tpu.memory_space<hbm>> -> memref<640xf32, #tpu.memory_space<hbm>>
        tpu.wait_dma2 semaphore(%run_scoped3A : memref<!tpu.dma_semaphore, #tpu.memory_space<semaphore_mem>>) src(%dma_wait3A_60 : memref<640xf32, #tpu.memory_space<hbm>>) dst(%arg11 : memref<640xf32, #tpu.memory_space<vmem>>)
        tpu.yield
      }) : () -> ()
      %mul3A_15 = arith.constant 50176 : i32
      %mul3A_16 = arith.muli %scan3A_8, %mul3A_15 : i32
      %scan3A_17 = arith.constant 0 : i32
      %scan3A_18 = arith.constant 0 : i32
      %scan3A_19 = arith.constant 40 : i32
      %scan3A_20 = arith.addi %scan3A_18, %scan3A_19 : i32
      %scan3A_21 = arith.constant 1 : i32
      scf.for %scan3A_53 = %scan3A_18 to %scan3A_20 step %scan3A_21  : i32 {
        %mul3A_54 = arith.constant 16 : i32
        %mul3A_55 = arith.muli %scan3A_53, %mul3A_54 : i32
        %get3A = arith.constant 0 : i32
        %get3A_56 = arith.index_cast %get3A : i32 to index
        %get3A_57 = arith.index_cast %mul3A_55 : i32 to index
        %get3A_58 = tpu.vector_load %arg10[%get3A_56, %get3A_57] {strides = array<i32>} : memref<2x640xi32, #tpu.memory_space<vmem>>, vector<16xi32>,
        %add3A_59 = vector.broadcast %mul3A_16 : i32 to vector<16xi32>
        %add3A_60 = arith.addi %get3A_58, %add3A_59 : vector<16xi32>
        %mul3A_61 = arith.constant 16 : i32
        %mul3A_62 = arith.muli %scan3A_53, %mul3A_61 : i32
        %swap3A = arith.index_cast %mul3A_62 : i32 to index
        %swap3A_63 = tpu.vector_load %arg12[%swap3A] {strides = array<i32>} : memref<640xi32, #tpu.memory_space<vmem>>, vector<16xi32>,
        tpu.vector_store %arg12[%swap3A], %add3A_60 {strides = array<i32>} : memref<640xi32, #tpu.memory_space<vmem>>, vector<16xi32>,
        %mul3A_64 = arith.constant 16 : i32
        %mul3A_65 = arith.muli %scan3A_53, %mul3A_64 : i32
        %get3A_66 = arith.constant 1 : i32
        %get3A_67 = arith.index_cast %get3A_66 : i32 to index
        %get3A_68 = arith.index_cast %mul3A_65 : i32 to index
        %get3A_69 = tpu.vector_load %arg10[%get3A_67, %get3A_68] {strides = array<i32>} : memref<2x640xi32, #tpu.memory_space<vmem>>, vector<16xi32>,
        %add3A_70 = vector.broadcast %mul3A_16 : i32 to vector<16xi32>
        %add3A_71 = arith.addi %get3A_69, %add3A_70 : vector<16xi32>
        %mul3A_72 = arith.constant 16 : i32
        %mul3A_73 = arith.muli %scan3A_53, %mul3A_72 : i32
        %swap3A_74 = arith.index_cast %mul3A_73 : i32 to index
        %swap3A_75 = tpu.vector_load %arg13[%swap3A_74] {strides = array<i32>} : memref<640xi32, #tpu.memory_space<vmem>>, vector<16xi32>,
        tpu.vector_store %arg13[%swap3A_74], %add3A_71 {strides = array<i32>} : memref<640xi32, #tpu.memory_space<vmem>>, vector<16xi32>,
      }
      %scan3A_22 = arith.constant 40 : i32
      %dma_start3A = arith.constant 0 : i32
      %dma_start3A_23 = tpu.memref_slice %arg4[%dma_start3A] : memref<200704xf32, #tpu.memory_space<hbm>> -> memref<200704xf32, #tpu.memory_space<hbm>>
      tpu.enqueue_indirect_dma source(%dma_start3A_23 : memref<200704xf32, #tpu.memory_space<hbm>>) target(%arg14 : memref<640xf32, #tpu.memory_space<vmem>>) offsets(%arg12 : memref<640xi32, #tpu.memory_space<vmem>>) semaphore(%arg26 : memref<!tpu.dma_semaphore, #tpu.memory_space<semaphore_mem>>)
      %dma_start3A_24 = arith.constant 0 : i32
      %dma_start3A_25 = tpu.memref_slice %arg5[%dma_start3A_24] : memref<200704xf32, #tpu.memory_space<hbm>> -> memref<200704xf32, #tpu.memory_space<hbm>>
      tpu.enqueue_indirect_dma source(%dma_start3A_25 : memref<200704xf32, #tpu.memory_space<hbm>>) target(%arg15 : memref<640xf32, #tpu.memory_space<vmem>>) offsets(%arg13 : memref<640xi32, #tpu.memory_space<vmem>>) semaphore(%arg26 : memref<!tpu.dma_semaphore, #tpu.memory_space<semaphore_mem>>)
      %dma_start3A_26 = arith.constant 0 : i32
      %dma_start3A_27 = arith.constant 0 : i32
      %dma_start3A_28 = tpu.memref_slice %arg6[%dma_start3A_26, %dma_start3A_27] : memref<200704x16xf32, #tpu.memory_space<hbm>> -> memref<200704x16xf32, #tpu.memory_space<hbm>>
      tpu.enqueue_indirect_dma source(%dma_start3A_28 : memref<200704x16xf32, #tpu.memory_space<hbm>>) target(%arg16 : memref<640x16xf32, #tpu.memory_space<vmem>>) offsets(%arg12 : memref<640xi32, #tpu.memory_space<vmem>>) semaphore(%arg26 : memref<!tpu.dma_semaphore, #tpu.memory_space<semaphore_mem>>)
      %scan3A_29 = arith.constant 0 : i32
      %scan3A_30 = arith.constant 0 : i32
      %scan3A_31 = arith.constant 20 : i32
      %scan3A_32 = arith.addi %scan3A_30, %scan3A_31 : i32
      %scan3A_33 = arith.constant 1 : i32
      scf.for %scan3A_53 = %scan3A_30 to %scan3A_32 step %scan3A_33  : i32 {
        %mul3A_54 = arith.constant 2 : i32
        %mul3A_55 = arith.muli %mul3A_54, %scan3A_53 : i32
        %mul3A_56 = arith.constant 640 : i32
        %mul3A_57 = arith.muli %mul3A_55, %mul3A_56 : i32
        %add3A_58 = arith.addi %mul3A_2, %mul3A_57 : i32
        %add3A_59 = arith.constant 640 : i32
        %add3A_60 = arith.addi %add3A_58, %add3A_59 : i32
        %add3A_61 = arith.constant 1280 : i32
        %add3A_62 = arith.addi %add3A_58, %add3A_61 : i32
        %min3A = arith.constant 818560 : i32
        %min3A_63 = arith.minsi %add3A_62, %min3A : i32
        "tpu.region"() ({
          %run_scoped3A_128 = tpu.sem_alloc : memref<!tpu.dma_semaphore, #tpu.memory_space<semaphore_mem>>
          %dma_start3A_129 = arith.constant 0 : i32
          %dma_start3A_130 = tpu.memref_slice %arg2[%dma_start3A_129, %add3A_60] : memref<2x819200xi32, #tpu.memory_space<hbm>> -> memref<2x640xi32, #tpu.memory_space<hbm>>
          %dma_start3A_131 = arith.constant 0 : i32
          %dma_start3A_132 = tpu.memref_slice %arg2[%dma_start3A_131, %add3A_60] : memref<2x819200xi32, #tpu.memory_space<hbm>> -> memref<2x640xi32, #tpu.memory_space<hbm>>
          tpu.enqueue_dma source(%dma_start3A_132 : memref<2x640xi32, #tpu.memory_space<hbm>>) target(%arg17 : memref<2x640xi32, #tpu.memory_space<vmem>>) target_semaphore(%run_scoped3A_128 : memref<!tpu.dma_semaphore, #tpu.memory_space<semaphore_mem>>)
          %dma_wait3A_133 = arith.constant 0 : i32
          %dma_wait3A_134 = tpu.memref_slice %arg2[%dma_wait3A_133, %add3A_60] : memref<2x819200xi32, #tpu.memory_space<hbm>> -> memref<2x640xi32, #tpu.memory_space<hbm>>
          %dma_wait3A_135 = arith.constant 0 : i32
          %dma_wait3A_136 = tpu.memref_slice %arg2[%dma_wait3A_135, %add3A_60] : memref<2x819200xi32, #tpu.memory_space<hbm>> -> memref<2x640xi32, #tpu.memory_space<hbm>>
          tpu.wait_dma2 semaphore(%run_scoped3A_128 : memref<!tpu.dma_semaphore, #tpu.memory_space<semaphore_mem>>) src(%dma_wait3A_136 : memref<2x640xi32, #tpu.memory_space<hbm>>) dst(%arg17 : memref<2x640xi32, #tpu.memory_space<vmem>>)
          tpu.yield
        }) : () -> ()
        %add3A_64 = arith.constant 0 : i32
        %add3A_65 = arith.addi %add3A_64, %scan3A_8 : i32
        "tpu.region"() ({
          %run_scoped3A_128 = tpu.sem_alloc : memref<!tpu.dma_semaphore, #tpu.memory_space<semaphore_mem>>
          %dma_start3A_129 = tpu.memref_slice %arg3[%add3A_65, %add3A_60] : memref<8x819200xf32, #tpu.memory_space<hbm>> -> memref<1x640xf32, #tpu.memory_space<hbm>>
          %dma_start3A_130 = tpu.memref_squeeze %dma_start3A_129 : memref<1x640xf32, #tpu.memory_space<hbm>> -> memref<640xf32, #tpu.memory_space<hbm>>
          %dma_start3A_131 = tpu.memref_slice %arg3[%add3A_65, %add3A_60] : memref<8x819200xf32, #tpu.memory_space<hbm>> -> memref<1x640xf32, #tpu.memory_space<hbm>>
          %dma_start3A_132 = tpu.memref_squeeze %dma_start3A_131 : memref<1x640xf32, #tpu.memory_space<hbm>> -> memref<640xf32, #tpu.memory_space<hbm>>
          tpu.enqueue_dma source(%dma_start3A_132 : memref<640xf32, #tpu.memory_space<hbm>>) target(%arg18 : memref<640xf32, #tpu.memory_space<vmem>>) target_semaphore(%run_scoped3A_128 : memref<!tpu.dma_semaphore, #tpu.memory_space<semaphore_mem>>)
          %dma_wait3A_133 = tpu.memref_slice %arg3[%add3A_65, %add3A_60] : memref<8x819200xf32, #tpu.memory_space<hbm>> -> memref<1x640xf32, #tpu.memory_space<hbm>>
          %dma_wait3A_134 = tpu.memref_squeeze %dma_wait3A_133 : memref<1x640xf32, #tpu.memory_space<hbm>> -> memref<640xf32, #tpu.memory_space<hbm>>
          %dma_wait3A_135 = tpu.memref_slice %arg3[%add3A_65, %add3A_60] : memref<8x819200xf32, #tpu.memory_space<hbm>> -> memref<1x640xf32, #tpu.memory_space<hbm>>
          %dma_wait3A_136 = tpu.memref_squeeze %dma_wait3A_135 : memref<1x640xf32, #tpu.memory_space<hbm>> -> memref<640xf32, #tpu.memory_space<hbm>>
          tpu.wait_dma2 semaphore(%run_scoped3A_128 : memref<!tpu.dma_semaphore, #tpu.memory_space<semaphore_mem>>) src(%dma_wait3A_136 : memref<640xf32, #tpu.memory_space<hbm>>) dst(%arg18 : memref<640xf32, #tpu.memory_space<vmem>>)
          tpu.yield
        }) : () -> ()
        %mul3A_66 = arith.constant 50176 : i32
        %mul3A_67 = arith.muli %scan3A_8, %mul3A_66 : i32
        %scan3A_68 = arith.constant 0 : i32
        %scan3A_69 = arith.constant 0 : i32
        %scan3A_70 = arith.constant 40 : i32
        %scan3A_71 = arith.addi %scan3A_69, %scan3A_70 : i32
        %scan3A_72 = arith.constant 1 : i32
        scf.for %scan3A_128 = %scan3A_69 to %scan3A_71 step %scan3A_72  : i32 {
          %mul3A_129 = arith.constant 16 : i32
          %mul3A_130 = arith.muli %scan3A_128, %mul3A_129 : i32
          %get3A_131 = arith.constant 0 : i32
          %get3A_132 = arith.index_cast %get3A_131 : i32 to index
          %get3A_133 = arith.index_cast %mul3A_130 : i32 to index
          %get3A_134 = tpu.vector_load %arg17[%get3A_132, %get3A_133] {strides = array<i32>} : memref<2x640xi32, #tpu.memory_space<vmem>>, vector<16xi32>,
          %add3A_135 = vector.broadcast %mul3A_67 : i32 to vector<16xi32>
          %add3A_136 = arith.addi %get3A_134, %add3A_135 : vector<16xi32>
          %mul3A_137 = arith.constant 16 : i32
          %mul3A_138 = arith.muli %scan3A_128, %mul3A_137 : i32
          %swap3A = arith.index_cast %mul3A_138 : i32 to index
          %swap3A_139 = tpu.vector_load %arg19[%swap3A] {strides = array<i32>} : memref<640xi32, #tpu.memory_space<vmem>>, vector<16xi32>,
          tpu.vector_store %arg19[%swap3A], %add3A_136 {strides = array<i32>} : memref<640xi32, #tpu.memory_space<vmem>>, vector<16xi32>,
          %mul3A_140 = arith.constant 16 : i32
          %mul3A_141 = arith.muli %scan3A_128, %mul3A_140 : i32
          %get3A_142 = arith.constant 1 : i32
          %get3A_143 = arith.index_cast %get3A_142 : i32 to index
          %get3A_144 = arith.index_cast %mul3A_141 : i32 to index
          %get3A_145 = tpu.vector_load %arg17[%get3A_143, %get3A_144] {strides = array<i32>} : memref<2x640xi32, #tpu.memory_space<vmem>>, vector<16xi32>,
          %add3A_146 = vector.broadcast %mul3A_67 : i32 to vector<16xi32>
          %add3A_147 = arith.addi %get3A_145, %add3A_146 : vector<16xi32>
          %mul3A_148 = arith.constant 16 : i32
          %mul3A_149 = arith.muli %scan3A_128, %mul3A_148 : i32
          %swap3A_150 = arith.index_cast %mul3A_149 : i32 to index
          %swap3A_151 = tpu.vector_load %arg20[%swap3A_150] {strides = array<i32>} : memref<640xi32, #tpu.memory_space<vmem>>, vector<16xi32>,
          tpu.vector_store %arg20[%swap3A_150], %add3A_147 {strides = array<i32>} : memref<640xi32, #tpu.memory_space<vmem>>, vector<16xi32>,
        }
        %scan3A_73 = arith.constant 40 : i32
        %dma_wait3A_74 = arith.constant 0 : i32
        %dma_wait3A_75 = tpu.memref_slice %arg4[%dma_wait3A_74] : memref<200704xf32, #tpu.memory_space<hbm>> -> memref<200704xf32, #tpu.memory_space<hbm>>
        tpu.wait_indirect_dma semaphore(%arg26 : memref<!tpu.dma_semaphore, #tpu.memory_space<semaphore_mem>>) src(%dma_wait3A_75 : memref<200704xf32, #tpu.memory_space<hbm>>) dst(%arg14 : memref<640xf32, #tpu.memory_space<vmem>>)
        %dma_wait3A_76 = arith.constant 0 : i32
        %dma_wait3A_77 = tpu.memref_slice %arg5[%dma_wait3A_76] : memref<200704xf32, #tpu.memory_space<hbm>> -> memref<200704xf32, #tpu.memory_space<hbm>>
        tpu.wait_indirect_dma semaphore(%arg26 : memref<!tpu.dma_semaphore, #tpu.memory_space<semaphore_mem>>) src(%dma_wait3A_77 : memref<200704xf32, #tpu.memory_space<hbm>>) dst(%arg15 : memref<640xf32, #tpu.memory_space<vmem>>)
        %dma_wait3A_78 = arith.constant 0 : i32
        %dma_wait3A_79 = arith.constant 0 : i32
        %dma_wait3A_80 = tpu.memref_slice %arg6[%dma_wait3A_78, %dma_wait3A_79] : memref<200704x16xf32, #tpu.memory_space<hbm>> -> memref<200704x16xf32, #tpu.memory_space<hbm>>
        tpu.wait_indirect_dma semaphore(%arg26 : memref<!tpu.dma_semaphore, #tpu.memory_space<semaphore_mem>>) src(%dma_wait3A_80 : memref<200704x16xf32, #tpu.memory_space<hbm>>) dst(%arg16 : memref<640x16xf32, #tpu.memory_space<vmem>>)
        %dma_start3A_81 = arith.constant 0 : i32
        %dma_start3A_82 = tpu.memref_slice %arg4[%dma_start3A_81] : memref<200704xf32, #tpu.memory_space<hbm>> -> memref<200704xf32, #tpu.memory_space<hbm>>
        tpu.enqueue_indirect_dma source(%dma_start3A_82 : memref<200704xf32, #tpu.memory_space<hbm>>) target(%arg21 : memref<640xf32, #tpu.memory_space<vmem>>) offsets(%arg19 : memref<640xi32, #tpu.memory_space<vmem>>) semaphore(%arg26 : memref<!tpu.dma_semaphore, #tpu.memory_space<semaphore_mem>>)
        %dma_start3A_83 = arith.constant 0 : i32
        %dma_start3A_84 = tpu.memref_slice %arg5[%dma_start3A_83] : memref<200704xf32, #tpu.memory_space<hbm>> -> memref<200704xf32, #tpu.memory_space<hbm>>
        tpu.enqueue_indirect_dma source(%dma_start3A_84 : memref<200704xf32, #tpu.memory_space<hbm>>) target(%arg22 : memref<640xf32, #tpu.memory_space<vmem>>) offsets(%arg20 : memref<640xi32, #tpu.memory_space<vmem>>) semaphore(%arg26 : memref<!tpu.dma_semaphore, #tpu.memory_space<semaphore_mem>>)
        %dma_start3A_85 = arith.constant 0 : i32
        %dma_start3A_86 = arith.constant 0 : i32
        %dma_start3A_87 = tpu.memref_slice %arg6[%dma_start3A_85, %dma_start3A_86] : memref<200704x16xf32, #tpu.memory_space<hbm>> -> memref<200704x16xf32, #tpu.memory_space<hbm>>
        tpu.enqueue_indirect_dma source(%dma_start3A_87 : memref<200704x16xf32, #tpu.memory_space<hbm>>) target(%arg23 : memref<640x16xf32, #tpu.memory_space<vmem>>) offsets(%arg19 : memref<640xi32, #tpu.memory_space<vmem>>) semaphore(%arg26 : memref<!tpu.dma_semaphore, #tpu.memory_space<semaphore_mem>>)
        %get3A = arith.constant 0 : index
        %get3A_88 = tpu.vector_load %arg24[%get3A] {strides = array<i32>} : memref<16xf32, #tpu.memory_space<vmem>>, vector<16xf32>,
        %scan3A_89 = arith.constant 0 : i32
        %scan3A_90 = arith.constant 0 : i32
        %scan3A_91 = arith.constant 40 : i32
        %scan3A_92 = arith.addi %scan3A_90, %scan3A_91 : i32
        %scan3A_93 = arith.constant 1 : i32
        scf.for %scan3A_128 = %scan3A_90 to %scan3A_92 step %scan3A_93  : i32 {
          %iota3A = tpu.iota {dimensions = array<i32: 0>} : vector<16xi32>
          %mul3A_129 = arith.constant 16 : i32
          %mul3A_130 = arith.muli %scan3A_128, %mul3A_129 : i32
          %add3A_131 = vector.broadcast %mul3A_130 : i32 to vector<16xi32>
          %add3A_132 = arith.addi %iota3A, %add3A_131 : vector<16xi32>
          %mul3A_133 = arith.constant 16 : i32
          %mul3A_134 = arith.muli %scan3A_128, %mul3A_133 : i32
          %get3A_135 = arith.index_cast %mul3A_134 : i32 to index
          %get3A_136 = tpu.vector_load %arg14[%get3A_135] {strides = array<i32>} : memref<640xf32, #tpu.memory_space<vmem>>, vector<16xf32>,
          %mul3A_137 = arith.constant 16 : i32
          %mul3A_138 = arith.muli %scan3A_128, %mul3A_137 : i32
          %get3A_139 = arith.index_cast %mul3A_138 : i32 to index
          %get3A_140 = tpu.vector_load %arg15[%get3A_139] {strides = array<i32>} : memref<640xf32, #tpu.memory_space<vmem>>, vector<16xf32>,
          %add3A_141 = arith.addf %get3A_136, %get3A_140 : vector<16xf32>
          %mul3A_142 = arith.constant 16 : i32
          %mul3A_143 = arith.muli %scan3A_128, %mul3A_142 : i32
          %get3A_144 = arith.index_cast %mul3A_143 : i32 to index
          %get3A_145 = tpu.vector_load %arg11[%get3A_144] {strides = array<i32>} : memref<640xf32, #tpu.memory_space<vmem>>, vector<16xf32>,
          %add3A_146 = arith.addf %add3A_141, %get3A_145 : vector<16xf32>
          %mul3A_147 = arith.constant 2.000000e-01 : f32
          %mul3A_148 = vector.broadcast %mul3A_147 : f32 to vector<16xf32>
          %mul3A_149 = arith.mulf %mul3A_148, %add3A_146 : vector<16xf32>
          %max3A = arith.maximumf %add3A_146, %mul3A_149 : vector<16xf32>
          %sub3A = arith.subf %max3A, %get3A_88 : vector<16xf32>
          %exp3A = math.exp %sub3A : vector<16xf32>
          %broadcast_in_dim3A = arith.constant 0 : i32
          %broadcast_in_dim3A_150 = vector.broadcast %broadcast_in_dim3A : i32 to vector<16xi32>
          %gather3A = tpu.vector_load_idx %arg16[%add3A_132, %broadcast_in_dim3A_150] : memref<640x16xf32, #tpu.memory_space<vmem>>[vector<16xi32>, vector<16xi32>], vector<16xf32>,
          %mul3A_151 = arith.mulf %gather3A, %exp3A : vector<16xf32>
          tpu.vector_store_idx %arg25[%add3A_132, %broadcast_in_dim3A_150], %mul3A_151 : memref<640x24xf32, #tpu.memory_space<vmem>>[vector<16xi32>, vector<16xi32>], vector<16xf32>,
          %broadcast_in_dim3A_152 = arith.constant 1 : i32
          %broadcast_in_dim3A_153 = vector.broadcast %broadcast_in_dim3A_152 : i32 to vector<16xi32>
          %gather3A_154 = tpu.vector_load_idx %arg16[%add3A_132, %broadcast_in_dim3A_153] : memref<640x16xf32, #tpu.memory_space<vmem>>[vector<16xi32>, vector<16xi32>], vector<16xf32>,
          %mul3A_155 = arith.mulf %gather3A_154, %exp3A : vector<16xf32>
          tpu.vector_store_idx %arg25[%add3A_132, %broadcast_in_dim3A_153], %mul3A_155 : memref<640x24xf32, #tpu.memory_space<vmem>>[vector<16xi32>, vector<16xi32>], vector<16xf32>,
          %broadcast_in_dim3A_156 = arith.constant 2 : i32
          %broadcast_in_dim3A_157 = vector.broadcast %broadcast_in_dim3A_156 : i32 to vector<16xi32>
          %gather3A_158 = tpu.vector_load_idx %arg16[%add3A_132, %broadcast_in_dim3A_157] : memref<640x16xf32, #tpu.memory_space<vmem>>[vector<16xi32>, vector<16xi32>], vector<16xf32>,
          %mul3A_159 = arith.mulf %gather3A_158, %exp3A : vector<16xf32>
          tpu.vector_store_idx %arg25[%add3A_132, %broadcast_in_dim3A_157], %mul3A_159 : memref<640x24xf32, #tpu.memory_space<vmem>>[vector<16xi32>, vector<16xi32>], vector<16xf32>,
          %broadcast_in_dim3A_160 = arith.constant 3 : i32
          %broadcast_in_dim3A_161 = vector.broadcast %broadcast_in_dim3A_160 : i32 to vector<16xi32>
          %gather3A_162 = tpu.vector_load_idx %arg16[%add3A_132, %broadcast_in_dim3A_161] : memref<640x16xf32, #tpu.memory_space<vmem>>[vector<16xi32>, vector<16xi32>], vector<16xf32>,
          %mul3A_163 = arith.mulf %gather3A_162, %exp3A : vector<16xf32>
          tpu.vector_store_idx %arg25[%add3A_132, %broadcast_in_dim3A_161], %mul3A_163 : memref<640x24xf32, #tpu.memory_space<vmem>>[vector<16xi32>, vector<16xi32>], vector<16xf32>,
          %broadcast_in_dim3A_164 = arith.constant 4 : i32
          %broadcast_in_dim3A_165 = vector.broadcast %broadcast_in_dim3A_164 : i32 to vector<16xi32>
          %gather3A_166 = tpu.vector_load_idx %arg16[%add3A_132, %broadcast_in_dim3A_165] : memref<640x16xf32, #tpu.memory_space<vmem>>[vector<16xi32>, vector<16xi32>], vector<16xf32>,
          %mul3A_167 = arith.mulf %gather3A_166, %exp3A : vector<16xf32>
          tpu.vector_store_idx %arg25[%add3A_132, %broadcast_in_dim3A_165], %mul3A_167 : memref<640x24xf32, #tpu.memory_space<vmem>>[vector<16xi32>, vector<16xi32>], vector<16xf32>,
          %broadcast_in_dim3A_168 = arith.constant 5 : i32
          %broadcast_in_dim3A_169 = vector.broadcast %broadcast_in_dim3A_168 : i32 to vector<16xi32>
          %gather3A_170 = tpu.vector_load_idx %arg16[%add3A_132, %broadcast_in_dim3A_169] : memref<640x16xf32, #tpu.memory_space<vmem>>[vector<16xi32>, vector<16xi32>], vector<16xf32>,
          %mul3A_171 = arith.mulf %gather3A_170, %exp3A : vector<16xf32>
          tpu.vector_store_idx %arg25[%add3A_132, %broadcast_in_dim3A_169], %mul3A_171 : memref<640x24xf32, #tpu.memory_space<vmem>>[vector<16xi32>, vector<16xi32>], vector<16xf32>,
          %broadcast_in_dim3A_172 = arith.constant 6 : i32
          %broadcast_in_dim3A_173 = vector.broadcast %broadcast_in_dim3A_172 : i32 to vector<16xi32>
          %gather3A_174 = tpu.vector_load_idx %arg16[%add3A_132, %broadcast_in_dim3A_173] : memref<640x16xf32, #tpu.memory_space<vmem>>[vector<16xi32>, vector<16xi32>], vector<16xf32>,
          %mul3A_175 = arith.mulf %gather3A_174, %exp3A : vector<16xf32>
          tpu.vector_store_idx %arg25[%add3A_132, %broadcast_in_dim3A_173], %mul3A_175 : memref<640x24xf32, #tpu.memory_space<vmem>>[vector<16xi32>, vector<16xi32>], vector<16xf32>,
          %broadcast_in_dim3A_176 = arith.constant 7 : i32
          %broadcast_in_dim3A_177 = vector.broadcast %broadcast_in_dim3A_176 : i32 to vector<16xi32>
          %gather3A_178 = tpu.vector_load_idx %arg16[%add3A_132, %broadcast_in_dim3A_177] : memref<640x16xf32, #tpu.memory_space<vmem>>[vector<16xi32>, vector<16xi32>], vector<16xf32>,
          %mul3A_179 = arith.mulf %gather3A_178, %exp3A : vector<16xf32>
          tpu.vector_store_idx %arg25[%add3A_132, %broadcast_in_dim3A_177], %mul3A_179 : memref<640x24xf32, #tpu.memory_space<vmem>>[vector<16xi32>, vector<16xi32>], vector<16xf32>,
          %broadcast_in_dim3A_180 = arith.constant 8 : i32
          %broadcast_in_dim3A_181 = vector.broadcast %broadcast_in_dim3A_180 : i32 to vector<16xi32>
          %gather3A_182 = tpu.vector_load_idx %arg16[%add3A_132, %broadcast_in_dim3A_181] : memref<640x16xf32, #tpu.memory_space<vmem>>[vector<16xi32>, vector<16xi32>], vector<16xf32>,
          %mul3A_183 = arith.mulf %gather3A_182, %exp3A : vector<16xf32>
          tpu.vector_store_idx %arg25[%add3A_132, %broadcast_in_dim3A_181], %mul3A_183 : memref<640x24xf32, #tpu.memory_space<vmem>>[vector<16xi32>, vector<16xi32>], vector<16xf32>,
          %broadcast_in_dim3A_184 = arith.constant 9 : i32
          %broadcast_in_dim3A_185 = vector.broadcast %broadcast_in_dim3A_184 : i32 to vector<16xi32>
          %gather3A_186 = tpu.vector_load_idx %arg16[%add3A_132, %broadcast_in_dim3A_185] : memref<640x16xf32, #tpu.memory_space<vmem>>[vector<16xi32>, vector<16xi32>], vector<16xf32>,
          %mul3A_187 = arith.mulf %gather3A_186, %exp3A : vector<16xf32>
          tpu.vector_store_idx %arg25[%add3A_132, %broadcast_in_dim3A_185], %mul3A_187 : memref<640x24xf32, #tpu.memory_space<vmem>>[vector<16xi32>, vector<16xi32>], vector<16xf32>,
          %broadcast_in_dim3A_188 = arith.constant 10 : i32
          %broadcast_in_dim3A_189 = vector.broadcast %broadcast_in_dim3A_188 : i32 to vector<16xi32>
          %gather3A_190 = tpu.vector_load_idx %arg16[%add3A_132, %broadcast_in_dim3A_189] : memref<640x16xf32, #tpu.memory_space<vmem>>[vector<16xi32>, vector<16xi32>], vector<16xf32>,
          %mul3A_191 = arith.mulf %gather3A_190, %exp3A : vector<16xf32>
          tpu.vector_store_idx %arg25[%add3A_132, %broadcast_in_dim3A_189], %mul3A_191 : memref<640x24xf32, #tpu.memory_space<vmem>>[vector<16xi32>, vector<16xi32>], vector<16xf32>,
          %broadcast_in_dim3A_192 = arith.constant 11 : i32
          %broadcast_in_dim3A_193 = vector.broadcast %broadcast_in_dim3A_192 : i32 to vector<16xi32>
          %gather3A_194 = tpu.vector_load_idx %arg16[%add3A_132, %broadcast_in_dim3A_193] : memref<640x16xf32, #tpu.memory_space<vmem>>[vector<16xi32>, vector<16xi32>], vector<16xf32>,
          %mul3A_195 = arith.mulf %gather3A_194, %exp3A : vector<16xf32>
          tpu.vector_store_idx %arg25[%add3A_132, %broadcast_in_dim3A_193], %mul3A_195 : memref<640x24xf32, #tpu.memory_space<vmem>>[vector<16xi32>, vector<16xi32>], vector<16xf32>,
          %broadcast_in_dim3A_196 = arith.constant 12 : i32
          %broadcast_in_dim3A_197 = vector.broadcast %broadcast_in_dim3A_196 : i32 to vector<16xi32>
          %gather3A_198 = tpu.vector_load_idx %arg16[%add3A_132, %broadcast_in_dim3A_197] : memref<640x16xf32, #tpu.memory_space<vmem>>[vector<16xi32>, vector<16xi32>], vector<16xf32>,
          %mul3A_199 = arith.mulf %gather3A_198, %exp3A : vector<16xf32>
          tpu.vector_store_idx %arg25[%add3A_132, %broadcast_in_dim3A_197], %mul3A_199 : memref<640x24xf32, #tpu.memory_space<vmem>>[vector<16xi32>, vector<16xi32>], vector<16xf32>,
          %broadcast_in_dim3A_200 = arith.constant 13 : i32
          %broadcast_in_dim3A_201 = vector.broadcast %broadcast_in_dim3A_200 : i32 to vector<16xi32>
          %gather3A_202 = tpu.vector_load_idx %arg16[%add3A_132, %broadcast_in_dim3A_201] : memref<640x16xf32, #tpu.memory_space<vmem>>[vector<16xi32>, vector<16xi32>], vector<16xf32>,
          %mul3A_203 = arith.mulf %gather3A_202, %exp3A : vector<16xf32>
          tpu.vector_store_idx %arg25[%add3A_132, %broadcast_in_dim3A_201], %mul3A_203 : memref<640x24xf32, #tpu.memory_space<vmem>>[vector<16xi32>, vector<16xi32>], vector<16xf32>,
          %broadcast_in_dim3A_204 = arith.constant 14 : i32
          %broadcast_in_dim3A_205 = vector.broadcast %broadcast_in_dim3A_204 : i32 to vector<16xi32>
          %gather3A_206 = tpu.vector_load_idx %arg16[%add3A_132, %broadcast_in_dim3A_205] : memref<640x16xf32, #tpu.memory_space<vmem>>[vector<16xi32>, vector<16xi32>], vector<16xf32>,
          %mul3A_207 = arith.mulf %gather3A_206, %exp3A : vector<16xf32>
          tpu.vector_store_idx %arg25[%add3A_132, %broadcast_in_dim3A_205], %mul3A_207 : memref<640x24xf32, #tpu.memory_space<vmem>>[vector<16xi32>, vector<16xi32>], vector<16xf32>,
          %broadcast_in_dim3A_208 = arith.constant 15 : i32
          %broadcast_in_dim3A_209 = vector.broadcast %broadcast_in_dim3A_208 : i32 to vector<16xi32>
          %gather3A_210 = tpu.vector_load_idx %arg16[%add3A_132, %broadcast_in_dim3A_209] : memref<640x16xf32, #tpu.memory_space<vmem>>[vector<16xi32>, vector<16xi32>], vector<16xf32>,
          %mul3A_211 = arith.mulf %gather3A_210, %exp3A : vector<16xf32>
          tpu.vector_store_idx %arg25[%add3A_132, %broadcast_in_dim3A_209], %mul3A_211 : memref<640x24xf32, #tpu.memory_space<vmem>>[vector<16xi32>, vector<16xi32>], vector<16xf32>,
          %broadcast_in_dim3A_212 = arith.constant 16 : i32
          %broadcast_in_dim3A_213 = vector.broadcast %broadcast_in_dim3A_212 : i32 to vector<16xi32>
          tpu.vector_store_idx %arg25[%add3A_132, %broadcast_in_dim3A_213], %exp3A : memref<640x24xf32, #tpu.memory_space<vmem>>[vector<16xi32>, vector<16xi32>], vector<16xf32>,
        }
        %scan3A_94 = arith.constant 40 : i32
        %run_scoped3A = arith.constant 1 : i32
        "tpu.region"() ({
          %run_scoped3A_128 = tpu.sem_alloc : memref<!tpu.dma_semaphore, #tpu.memory_space<semaphore_mem>>
          %dma_start3A_129 = arith.constant 0 : i32
          %dma_start3A_130 = tpu.memref_slice %arg10[%run_scoped3A, %dma_start3A_129] : memref<2x640xi32, #tpu.memory_space<vmem>> -> memref<1x640xi32, #tpu.memory_space<vmem>>
          %dma_start3A_131 = tpu.memref_squeeze %dma_start3A_130 : memref<1x640xi32, #tpu.memory_space<vmem>> -> memref<640xi32, #tpu.memory_space<vmem>>
          %dma_start3A_132 = arith.constant 0 : i32
          %dma_start3A_133 = arith.constant 0 : i32
          %dma_start3A_134 = tpu.memref_slice %arg27[%dma_start3A_132, %dma_start3A_133] : memref<50176x24xf32, #tpu.memory_space<vmem_shared>> -> memref<50176x24xf32, #tpu.memory_space<vmem_shared>>
          tpu.enqueue_indirect_dma source(%arg25 : memref<640x24xf32, #tpu.memory_space<vmem>>) target(%dma_start3A_134 : memref<50176x24xf32, #tpu.memory_space<vmem_shared>>) offsets(%dma_start3A_131 : memref<640xi32, #tpu.memory_space<vmem>>) semaphore(%run_scoped3A_128 : memref<!tpu.dma_semaphore, #tpu.memory_space<semaphore_mem>>) {add = true}
          %dma_wait3A_135 = arith.constant 0 : i32
          %dma_wait3A_136 = tpu.memref_slice %arg10[%run_scoped3A, %dma_wait3A_135] : memref<2x640xi32, #tpu.memory_space<vmem>> -> memref<1x640xi32, #tpu.memory_space<vmem>>
          %dma_wait3A_137 = tpu.memref_squeeze %dma_wait3A_136 : memref<1x640xi32, #tpu.memory_space<vmem>> -> memref<640xi32, #tpu.memory_space<vmem>>
          %dma_wait3A_138 = arith.constant 0 : i32
          %dma_wait3A_139 = arith.constant 0 : i32
          %dma_wait3A_140 = tpu.memref_slice %arg27[%dma_wait3A_138, %dma_wait3A_139] : memref<50176x24xf32, #tpu.memory_space<vmem_shared>> -> memref<50176x24xf32, #tpu.memory_space<vmem_shared>>
          tpu.wait_indirect_dma semaphore(%run_scoped3A_128 : memref<!tpu.dma_semaphore, #tpu.memory_space<semaphore_mem>>) src(%arg25 : memref<640x24xf32, #tpu.memory_space<vmem>>) dst(%dma_wait3A_140 : memref<50176x24xf32, #tpu.memory_space<vmem_shared>>)
          tpu.yield
        }) : () -> ()
        "tpu.region"() ({
          %run_scoped3A_128 = tpu.sem_alloc : memref<!tpu.dma_semaphore, #tpu.memory_space<semaphore_mem>>
          %dma_start3A_129 = arith.constant 0 : i32
          %dma_start3A_130 = tpu.memref_slice %arg2[%dma_start3A_129, %min3A_63] : memref<2x819200xi32, #tpu.memory_space<hbm>> -> memref<2x640xi32, #tpu.memory_space<hbm>>
          %dma_start3A_131 = arith.constant 0 : i32
          %dma_start3A_132 = tpu.memref_slice %arg2[%dma_start3A_131, %min3A_63] : memref<2x819200xi32, #tpu.memory_space<hbm>> -> memref<2x640xi32, #tpu.memory_space<hbm>>
          tpu.enqueue_dma source(%dma_start3A_132 : memref<2x640xi32, #tpu.memory_space<hbm>>) target(%arg10 : memref<2x640xi32, #tpu.memory_space<vmem>>) target_semaphore(%run_scoped3A_128 : memref<!tpu.dma_semaphore, #tpu.memory_space<semaphore_mem>>)
          %dma_wait3A_133 = arith.constant 0 : i32
          %dma_wait3A_134 = tpu.memref_slice %arg2[%dma_wait3A_133, %min3A_63] : memref<2x819200xi32, #tpu.memory_space<hbm>> -> memref<2x640xi32, #tpu.memory_space<hbm>>
          %dma_wait3A_135 = arith.constant 0 : i32
          %dma_wait3A_136 = tpu.memref_slice %arg2[%dma_wait3A_135, %min3A_63] : memref<2x819200xi32, #tpu.memory_space<hbm>> -> memref<2x640xi32, #tpu.memory_space<hbm>>
          tpu.wait_dma2 semaphore(%run_scoped3A_128 : memref<!tpu.dma_semaphore, #tpu.memory_space<semaphore_mem>>) src(%dma_wait3A_136 : memref<2x640xi32, #tpu.memory_space<hbm>>) dst(%arg10 : memref<2x640xi32, #tpu.memory_space<vmem>>)
          tpu.yield
        }) : () -> ()
        %add3A_95 = arith.constant 0 : i32
        %add3A_96 = arith.addi %add3A_95, %scan3A_8 : i32
        "tpu.region"() ({
          %run_scoped3A_128 = tpu.sem_alloc : memref<!tpu.dma_semaphore, #tpu.memory_space<semaphore_mem>>
          %dma_start3A_129 = tpu.memref_slice %arg3[%add3A_96, %min3A_63] : memref<8x819200xf32, #tpu.memory_space<hbm>> -> memref<1x640xf32, #tpu.memory_space<hbm>>
          %dma_start3A_130 = tpu.memref_squeeze %dma_start3A_129 : memref<1x640xf32, #tpu.memory_space<hbm>> -> memref<640xf32, #tpu.memory_space<hbm>>
          %dma_start3A_131 = tpu.memref_slice %arg3[%add3A_96, %min3A_63] : memref<8x819200xf32, #tpu.memory_space<hbm>> -> memref<1x640xf32, #tpu.memory_space<hbm>>
          %dma_start3A_132 = tpu.memref_squeeze %dma_start3A_131 : memref<1x640xf32, #tpu.memory_space<hbm>> -> memref<640xf32, #tpu.memory_space<hbm>>
          tpu.enqueue_dma source(%dma_start3A_132 : memref<640xf32, #tpu.memory_space<hbm>>) target(%arg11 : memref<640xf32, #tpu.memory_space<vmem>>) target_semaphore(%run_scoped3A_128 : memref<!tpu.dma_semaphore, #tpu.memory_space<semaphore_mem>>)
          %dma_wait3A_133 = tpu.memref_slice %arg3[%add3A_96, %min3A_63] : memref<8x819200xf32, #tpu.memory_space<hbm>> -> memref<1x640xf32, #tpu.memory_space<hbm>>
          %dma_wait3A_134 = tpu.memref_squeeze %dma_wait3A_133 : memref<1x640xf32, #tpu.memory_space<hbm>> -> memref<640xf32, #tpu.memory_space<hbm>>
          %dma_wait3A_135 = tpu.memref_slice %arg3[%add3A_96, %min3A_63] : memref<8x819200xf32, #tpu.memory_space<hbm>> -> memref<1x640xf32, #tpu.memory_space<hbm>>
          %dma_wait3A_136 = tpu.memref_squeeze %dma_wait3A_135 : memref<1x640xf32, #tpu.memory_space<hbm>> -> memref<640xf32, #tpu.memory_space<hbm>>
          tpu.wait_dma2 semaphore(%run_scoped3A_128 : memref<!tpu.dma_semaphore, #tpu.memory_space<semaphore_mem>>) src(%dma_wait3A_136 : memref<640xf32, #tpu.memory_space<hbm>>) dst(%arg11 : memref<640xf32, #tpu.memory_space<vmem>>)
          tpu.yield
        }) : () -> ()
        %mul3A_97 = arith.constant 50176 : i32
        %mul3A_98 = arith.muli %scan3A_8, %mul3A_97 : i32
        %scan3A_99 = arith.constant 0 : i32
        %scan3A_100 = arith.constant 0 : i32
        %scan3A_101 = arith.constant 40 : i32
        %scan3A_102 = arith.addi %scan3A_100, %scan3A_101 : i32
        %scan3A_103 = arith.constant 1 : i32
        scf.for %scan3A_128 = %scan3A_100 to %scan3A_102 step %scan3A_103  : i32 {
          %mul3A_129 = arith.constant 16 : i32
          %mul3A_130 = arith.muli %scan3A_128, %mul3A_129 : i32
          %get3A_131 = arith.constant 0 : i32
          %get3A_132 = arith.index_cast %get3A_131 : i32 to index
          %get3A_133 = arith.index_cast %mul3A_130 : i32 to index
          %get3A_134 = tpu.vector_load %arg10[%get3A_132, %get3A_133] {strides = array<i32>} : memref<2x640xi32, #tpu.memory_space<vmem>>, vector<16xi32>,
          %add3A_135 = vector.broadcast %mul3A_98 : i32 to vector<16xi32>
          %add3A_136 = arith.addi %get3A_134, %add3A_135 : vector<16xi32>
          %mul3A_137 = arith.constant 16 : i32
          %mul3A_138 = arith.muli %scan3A_128, %mul3A_137 : i32
          %swap3A = arith.index_cast %mul3A_138 : i32 to index
          %swap3A_139 = tpu.vector_load %arg12[%swap3A] {strides = array<i32>} : memref<640xi32, #tpu.memory_space<vmem>>, vector<16xi32>,
          tpu.vector_store %arg12[%swap3A], %add3A_136 {strides = array<i32>} : memref<640xi32, #tpu.memory_space<vmem>>, vector<16xi32>,
          %mul3A_140 = arith.constant 16 : i32
          %mul3A_141 = arith.muli %scan3A_128, %mul3A_140 : i32
          %get3A_142 = arith.constant 1 : i32
          %get3A_143 = arith.index_cast %get3A_142 : i32 to index
          %get3A_144 = arith.index_cast %mul3A_141 : i32 to index
          %get3A_145 = tpu.vector_load %arg10[%get3A_143, %get3A_144] {strides = array<i32>} : memref<2x640xi32, #tpu.memory_space<vmem>>, vector<16xi32>,
          %add3A_146 = vector.broadcast %mul3A_98 : i32 to vector<16xi32>
          %add3A_147 = arith.addi %get3A_145, %add3A_146 : vector<16xi32>
          %mul3A_148 = arith.constant 16 : i32
          %mul3A_149 = arith.muli %scan3A_128, %mul3A_148 : i32
          %swap3A_150 = arith.index_cast %mul3A_149 : i32 to index
          %swap3A_151 = tpu.vector_load %arg13[%swap3A_150] {strides = array<i32>} : memref<640xi32, #tpu.memory_space<vmem>>, vector<16xi32>,
          tpu.vector_store %arg13[%swap3A_150], %add3A_147 {strides = array<i32>} : memref<640xi32, #tpu.memory_space<vmem>>, vector<16xi32>,
        }
        %scan3A_104 = arith.constant 40 : i32
        %dma_wait3A_105 = arith.constant 0 : i32
        %dma_wait3A_106 = tpu.memref_slice %arg4[%dma_wait3A_105] : memref<200704xf32, #tpu.memory_space<hbm>> -> memref<200704xf32, #tpu.memory_space<hbm>>
        tpu.wait_indirect_dma semaphore(%arg26 : memref<!tpu.dma_semaphore, #tpu.memory_space<semaphore_mem>>) src(%dma_wait3A_106 : memref<200704xf32, #tpu.memory_space<hbm>>) dst(%arg21 : memref<640xf32, #tpu.memory_space<vmem>>)
        %dma_wait3A_107 = arith.constant 0 : i32
        %dma_wait3A_108 = tpu.memref_slice %arg5[%dma_wait3A_107] : memref<200704xf32, #tpu.memory_space<hbm>> -> memref<200704xf32, #tpu.memory_space<hbm>>
        tpu.wait_indirect_dma semaphore(%arg26 : memref<!tpu.dma_semaphore, #tpu.memory_space<semaphore_mem>>) src(%dma_wait3A_108 : memref<200704xf32, #tpu.memory_space<hbm>>) dst(%arg22 : memref<640xf32, #tpu.memory_space<vmem>>)
        %dma_wait3A_109 = arith.constant 0 : i32
        %dma_wait3A_110 = arith.constant 0 : i32
        %dma_wait3A_111 = tpu.memref_slice %arg6[%dma_wait3A_109, %dma_wait3A_110] : memref<200704x16xf32, #tpu.memory_space<hbm>> -> memref<200704x16xf32, #tpu.memory_space<hbm>>
        tpu.wait_indirect_dma semaphore(%arg26 : memref<!tpu.dma_semaphore, #tpu.memory_space<semaphore_mem>>) src(%dma_wait3A_111 : memref<200704x16xf32, #tpu.memory_space<hbm>>) dst(%arg23 : memref<640x16xf32, #tpu.memory_space<vmem>>)
        %dma_start3A_112 = arith.constant 0 : i32
        %dma_start3A_113 = tpu.memref_slice %arg4[%dma_start3A_112] : memref<200704xf32, #tpu.memory_space<hbm>> -> memref<200704xf32, #tpu.memory_space<hbm>>
        tpu.enqueue_indirect_dma source(%dma_start3A_113 : memref<200704xf32, #tpu.memory_space<hbm>>) target(%arg14 : memref<640xf32, #tpu.memory_space<vmem>>) offsets(%arg12 : memref<640xi32, #tpu.memory_space<vmem>>) semaphore(%arg26 : memref<!tpu.dma_semaphore, #tpu.memory_space<semaphore_mem>>)
        %dma_start3A_114 = arith.constant 0 : i32
        %dma_start3A_115 = tpu.memref_slice %arg5[%dma_start3A_114] : memref<200704xf32, #tpu.memory_space<hbm>> -> memref<200704xf32, #tpu.memory_space<hbm>>
        tpu.enqueue_indirect_dma source(%dma_start3A_115 : memref<200704xf32, #tpu.memory_space<hbm>>) target(%arg15 : memref<640xf32, #tpu.memory_space<vmem>>) offsets(%arg13 : memref<640xi32, #tpu.memory_space<vmem>>) semaphore(%arg26 : memref<!tpu.dma_semaphore, #tpu.memory_space<semaphore_mem>>)
        %dma_start3A_116 = arith.constant 0 : i32
        %dma_start3A_117 = arith.constant 0 : i32
        %dma_start3A_118 = tpu.memref_slice %arg6[%dma_start3A_116, %dma_start3A_117] : memref<200704x16xf32, #tpu.memory_space<hbm>> -> memref<200704x16xf32, #tpu.memory_space<hbm>>
        tpu.enqueue_indirect_dma source(%dma_start3A_118 : memref<200704x16xf32, #tpu.memory_space<hbm>>) target(%arg16 : memref<640x16xf32, #tpu.memory_space<vmem>>) offsets(%arg12 : memref<640xi32, #tpu.memory_space<vmem>>) semaphore(%arg26 : memref<!tpu.dma_semaphore, #tpu.memory_space<semaphore_mem>>)
        %get3A_119 = arith.constant 0 : index
        %get3A_120 = tpu.vector_load %arg24[%get3A_119] {strides = array<i32>} : memref<16xf32, #tpu.memory_space<vmem>>, vector<16xf32>,
        %scan3A_121 = arith.constant 0 : i32
        %scan3A_122 = arith.constant 0 : i32
        %scan3A_123 = arith.constant 40 : i32
        %scan3A_124 = arith.addi %scan3A_122, %scan3A_123 : i32
        %scan3A_125 = arith.constant 1 : i32
        scf.for %scan3A_128 = %scan3A_122 to %scan3A_124 step %scan3A_125  : i32 {
          %iota3A = tpu.iota {dimensions = array<i32: 0>} : vector<16xi32>
          %mul3A_129 = arith.constant 16 : i32
          %mul3A_130 = arith.muli %scan3A_128, %mul3A_129 : i32
          %add3A_131 = vector.broadcast %mul3A_130 : i32 to vector<16xi32>
          %add3A_132 = arith.addi %iota3A, %add3A_131 : vector<16xi32>
          %mul3A_133 = arith.constant 16 : i32
          %mul3A_134 = arith.muli %scan3A_128, %mul3A_133 : i32
          %get3A_135 = arith.index_cast %mul3A_134 : i32 to index
          %get3A_136 = tpu.vector_load %arg21[%get3A_135] {strides = array<i32>} : memref<640xf32, #tpu.memory_space<vmem>>, vector<16xf32>,
          %mul3A_137 = arith.constant 16 : i32
          %mul3A_138 = arith.muli %scan3A_128, %mul3A_137 : i32
          %get3A_139 = arith.index_cast %mul3A_138 : i32 to index
          %get3A_140 = tpu.vector_load %arg22[%get3A_139] {strides = array<i32>} : memref<640xf32, #tpu.memory_space<vmem>>, vector<16xf32>,
          %add3A_141 = arith.addf %get3A_136, %get3A_140 : vector<16xf32>
          %mul3A_142 = arith.constant 16 : i32
          %mul3A_143 = arith.muli %scan3A_128, %mul3A_142 : i32
          %get3A_144 = arith.index_cast %mul3A_143 : i32 to index
          %get3A_145 = tpu.vector_load %arg18[%get3A_144] {strides = array<i32>} : memref<640xf32, #tpu.memory_space<vmem>>, vector<16xf32>,
          %add3A_146 = arith.addf %add3A_141, %get3A_145 : vector<16xf32>
          %mul3A_147 = arith.constant 2.000000e-01 : f32
          %mul3A_148 = vector.broadcast %mul3A_147 : f32 to vector<16xf32>
          %mul3A_149 = arith.mulf %mul3A_148, %add3A_146 : vector<16xf32>
          %max3A = arith.maximumf %add3A_146, %mul3A_149 : vector<16xf32>
          %sub3A = arith.subf %max3A, %get3A_120 : vector<16xf32>
          %exp3A = math.exp %sub3A : vector<16xf32>
          %broadcast_in_dim3A = arith.constant 0 : i32
          %broadcast_in_dim3A_150 = vector.broadcast %broadcast_in_dim3A : i32 to vector<16xi32>
          %gather3A = tpu.vector_load_idx %arg23[%add3A_132, %broadcast_in_dim3A_150] : memref<640x16xf32, #tpu.memory_space<vmem>>[vector<16xi32>, vector<16xi32>], vector<16xf32>,
          %mul3A_151 = arith.mulf %gather3A, %exp3A : vector<16xf32>
          tpu.vector_store_idx %arg25[%add3A_132, %broadcast_in_dim3A_150], %mul3A_151 : memref<640x24xf32, #tpu.memory_space<vmem>>[vector<16xi32>, vector<16xi32>], vector<16xf32>,
          %broadcast_in_dim3A_152 = arith.constant 1 : i32
          %broadcast_in_dim3A_153 = vector.broadcast %broadcast_in_dim3A_152 : i32 to vector<16xi32>
          %gather3A_154 = tpu.vector_load_idx %arg23[%add3A_132, %broadcast_in_dim3A_153] : memref<640x16xf32, #tpu.memory_space<vmem>>[vector<16xi32>, vector<16xi32>], vector<16xf32>,
          %mul3A_155 = arith.mulf %gather3A_154, %exp3A : vector<16xf32>
          tpu.vector_store_idx %arg25[%add3A_132, %broadcast_in_dim3A_153], %mul3A_155 : memref<640x24xf32, #tpu.memory_space<vmem>>[vector<16xi32>, vector<16xi32>], vector<16xf32>,
          %broadcast_in_dim3A_156 = arith.constant 2 : i32
          %broadcast_in_dim3A_157 = vector.broadcast %broadcast_in_dim3A_156 : i32 to vector<16xi32>
          %gather3A_158 = tpu.vector_load_idx %arg23[%add3A_132, %broadcast_in_dim3A_157] : memref<640x16xf32, #tpu.memory_space<vmem>>[vector<16xi32>, vector<16xi32>], vector<16xf32>,
          %mul3A_159 = arith.mulf %gather3A_158, %exp3A : vector<16xf32>
          tpu.vector_store_idx %arg25[%add3A_132, %broadcast_in_dim3A_157], %mul3A_159 : memref<640x24xf32, #tpu.memory_space<vmem>>[vector<16xi32>, vector<16xi32>], vector<16xf32>,
          %broadcast_in_dim3A_160 = arith.constant 3 : i32
          %broadcast_in_dim3A_161 = vector.broadcast %broadcast_in_dim3A_160 : i32 to vector<16xi32>
          %gather3A_162 = tpu.vector_load_idx %arg23[%add3A_132, %broadcast_in_dim3A_161] : memref<640x16xf32, #tpu.memory_space<vmem>>[vector<16xi32>, vector<16xi32>], vector<16xf32>,
          %mul3A_163 = arith.mulf %gather3A_162, %exp3A : vector<16xf32>
          tpu.vector_store_idx %arg25[%add3A_132, %broadcast_in_dim3A_161], %mul3A_163 : memref<640x24xf32, #tpu.memory_space<vmem>>[vector<16xi32>, vector<16xi32>], vector<16xf32>,
          %broadcast_in_dim3A_164 = arith.constant 4 : i32
          %broadcast_in_dim3A_165 = vector.broadcast %broadcast_in_dim3A_164 : i32 to vector<16xi32>
          %gather3A_166 = tpu.vector_load_idx %arg23[%add3A_132, %broadcast_in_dim3A_165] : memref<640x16xf32, #tpu.memory_space<vmem>>[vector<16xi32>, vector<16xi32>], vector<16xf32>,
          %mul3A_167 = arith.mulf %gather3A_166, %exp3A : vector<16xf32>
          tpu.vector_store_idx %arg25[%add3A_132, %broadcast_in_dim3A_165], %mul3A_167 : memref<640x24xf32, #tpu.memory_space<vmem>>[vector<16xi32>, vector<16xi32>], vector<16xf32>,
          %broadcast_in_dim3A_168 = arith.constant 5 : i32
          %broadcast_in_dim3A_169 = vector.broadcast %broadcast_in_dim3A_168 : i32 to vector<16xi32>
          %gather3A_170 = tpu.vector_load_idx %arg23[%add3A_132, %broadcast_in_dim3A_169] : memref<640x16xf32, #tpu.memory_space<vmem>>[vector<16xi32>, vector<16xi32>], vector<16xf32>,
          %mul3A_171 = arith.mulf %gather3A_170, %exp3A : vector<16xf32>
          tpu.vector_store_idx %arg25[%add3A_132, %broadcast_in_dim3A_169], %mul3A_171 : memref<640x24xf32, #tpu.memory_space<vmem>>[vector<16xi32>, vector<16xi32>], vector<16xf32>,
          %broadcast_in_dim3A_172 = arith.constant 6 : i32
          %broadcast_in_dim3A_173 = vector.broadcast %broadcast_in_dim3A_172 : i32 to vector<16xi32>
          %gather3A_174 = tpu.vector_load_idx %arg23[%add3A_132, %broadcast_in_dim3A_173] : memref<640x16xf32, #tpu.memory_space<vmem>>[vector<16xi32>, vector<16xi32>], vector<16xf32>,
          %mul3A_175 = arith.mulf %gather3A_174, %exp3A : vector<16xf32>
          tpu.vector_store_idx %arg25[%add3A_132, %broadcast_in_dim3A_173], %mul3A_175 : memref<640x24xf32, #tpu.memory_space<vmem>>[vector<16xi32>, vector<16xi32>], vector<16xf32>,
          %broadcast_in_dim3A_176 = arith.constant 7 : i32
          %broadcast_in_dim3A_177 = vector.broadcast %broadcast_in_dim3A_176 : i32 to vector<16xi32>
          %gather3A_178 = tpu.vector_load_idx %arg23[%add3A_132, %broadcast_in_dim3A_177] : memref<640x16xf32, #tpu.memory_space<vmem>>[vector<16xi32>, vector<16xi32>], vector<16xf32>,
          %mul3A_179 = arith.mulf %gather3A_178, %exp3A : vector<16xf32>
          tpu.vector_store_idx %arg25[%add3A_132, %broadcast_in_dim3A_177], %mul3A_179 : memref<640x24xf32, #tpu.memory_space<vmem>>[vector<16xi32>, vector<16xi32>], vector<16xf32>,
          %broadcast_in_dim3A_180 = arith.constant 8 : i32
          %broadcast_in_dim3A_181 = vector.broadcast %broadcast_in_dim3A_180 : i32 to vector<16xi32>
          %gather3A_182 = tpu.vector_load_idx %arg23[%add3A_132, %broadcast_in_dim3A_181] : memref<640x16xf32, #tpu.memory_space<vmem>>[vector<16xi32>, vector<16xi32>], vector<16xf32>,
          %mul3A_183 = arith.mulf %gather3A_182, %exp3A : vector<16xf32>
          tpu.vector_store_idx %arg25[%add3A_132, %broadcast_in_dim3A_181], %mul3A_183 : memref<640x24xf32, #tpu.memory_space<vmem>>[vector<16xi32>, vector<16xi32>], vector<16xf32>,
          %broadcast_in_dim3A_184 = arith.constant 9 : i32
          %broadcast_in_dim3A_185 = vector.broadcast %broadcast_in_dim3A_184 : i32 to vector<16xi32>
          %gather3A_186 = tpu.vector_load_idx %arg23[%add3A_132, %broadcast_in_dim3A_185] : memref<640x16xf32, #tpu.memory_space<vmem>>[vector<16xi32>, vector<16xi32>], vector<16xf32>,
          %mul3A_187 = arith.mulf %gather3A_186, %exp3A : vector<16xf32>
          tpu.vector_store_idx %arg25[%add3A_132, %broadcast_in_dim3A_185], %mul3A_187 : memref<640x24xf32, #tpu.memory_space<vmem>>[vector<16xi32>, vector<16xi32>], vector<16xf32>,
          %broadcast_in_dim3A_188 = arith.constant 10 : i32
          %broadcast_in_dim3A_189 = vector.broadcast %broadcast_in_dim3A_188 : i32 to vector<16xi32>
          %gather3A_190 = tpu.vector_load_idx %arg23[%add3A_132, %broadcast_in_dim3A_189] : memref<640x16xf32, #tpu.memory_space<vmem>>[vector<16xi32>, vector<16xi32>], vector<16xf32>,
          %mul3A_191 = arith.mulf %gather3A_190, %exp3A : vector<16xf32>
          tpu.vector_store_idx %arg25[%add3A_132, %broadcast_in_dim3A_189], %mul3A_191 : memref<640x24xf32, #tpu.memory_space<vmem>>[vector<16xi32>, vector<16xi32>], vector<16xf32>,
          %broadcast_in_dim3A_192 = arith.constant 11 : i32
          %broadcast_in_dim3A_193 = vector.broadcast %broadcast_in_dim3A_192 : i32 to vector<16xi32>
          %gather3A_194 = tpu.vector_load_idx %arg23[%add3A_132, %broadcast_in_dim3A_193] : memref<640x16xf32, #tpu.memory_space<vmem>>[vector<16xi32>, vector<16xi32>], vector<16xf32>,
          %mul3A_195 = arith.mulf %gather3A_194, %exp3A : vector<16xf32>
          tpu.vector_store_idx %arg25[%add3A_132, %broadcast_in_dim3A_193], %mul3A_195 : memref<640x24xf32, #tpu.memory_space<vmem>>[vector<16xi32>, vector<16xi32>], vector<16xf32>,
          %broadcast_in_dim3A_196 = arith.constant 12 : i32
          %broadcast_in_dim3A_197 = vector.broadcast %broadcast_in_dim3A_196 : i32 to vector<16xi32>
          %gather3A_198 = tpu.vector_load_idx %arg23[%add3A_132, %broadcast_in_dim3A_197] : memref<640x16xf32, #tpu.memory_space<vmem>>[vector<16xi32>, vector<16xi32>], vector<16xf32>,
          %mul3A_199 = arith.mulf %gather3A_198, %exp3A : vector<16xf32>
          tpu.vector_store_idx %arg25[%add3A_132, %broadcast_in_dim3A_197], %mul3A_199 : memref<640x24xf32, #tpu.memory_space<vmem>>[vector<16xi32>, vector<16xi32>], vector<16xf32>,
          %broadcast_in_dim3A_200 = arith.constant 13 : i32
          %broadcast_in_dim3A_201 = vector.broadcast %broadcast_in_dim3A_200 : i32 to vector<16xi32>
          %gather3A_202 = tpu.vector_load_idx %arg23[%add3A_132, %broadcast_in_dim3A_201] : memref<640x16xf32, #tpu.memory_space<vmem>>[vector<16xi32>, vector<16xi32>], vector<16xf32>,
          %mul3A_203 = arith.mulf %gather3A_202, %exp3A : vector<16xf32>
          tpu.vector_store_idx %arg25[%add3A_132, %broadcast_in_dim3A_201], %mul3A_203 : memref<640x24xf32, #tpu.memory_space<vmem>>[vector<16xi32>, vector<16xi32>], vector<16xf32>,
          %broadcast_in_dim3A_204 = arith.constant 14 : i32
          %broadcast_in_dim3A_205 = vector.broadcast %broadcast_in_dim3A_204 : i32 to vector<16xi32>
          %gather3A_206 = tpu.vector_load_idx %arg23[%add3A_132, %broadcast_in_dim3A_205] : memref<640x16xf32, #tpu.memory_space<vmem>>[vector<16xi32>, vector<16xi32>], vector<16xf32>,
          %mul3A_207 = arith.mulf %gather3A_206, %exp3A : vector<16xf32>
          tpu.vector_store_idx %arg25[%add3A_132, %broadcast_in_dim3A_205], %mul3A_207 : memref<640x24xf32, #tpu.memory_space<vmem>>[vector<16xi32>, vector<16xi32>], vector<16xf32>,
          %broadcast_in_dim3A_208 = arith.constant 15 : i32
          %broadcast_in_dim3A_209 = vector.broadcast %broadcast_in_dim3A_208 : i32 to vector<16xi32>
          %gather3A_210 = tpu.vector_load_idx %arg23[%add3A_132, %broadcast_in_dim3A_209] : memref<640x16xf32, #tpu.memory_space<vmem>>[vector<16xi32>, vector<16xi32>], vector<16xf32>,
          %mul3A_211 = arith.mulf %gather3A_210, %exp3A : vector<16xf32>
          tpu.vector_store_idx %arg25[%add3A_132, %broadcast_in_dim3A_209], %mul3A_211 : memref<640x24xf32, #tpu.memory_space<vmem>>[vector<16xi32>, vector<16xi32>], vector<16xf32>,
          %broadcast_in_dim3A_212 = arith.constant 16 : i32
          %broadcast_in_dim3A_213 = vector.broadcast %broadcast_in_dim3A_212 : i32 to vector<16xi32>
          tpu.vector_store_idx %arg25[%add3A_132, %broadcast_in_dim3A_213], %exp3A : memref<640x24xf32, #tpu.memory_space<vmem>>[vector<16xi32>, vector<16xi32>], vector<16xf32>,
        }
        %scan3A_126 = arith.constant 40 : i32
        %run_scoped3A_127 = arith.constant 1 : i32
        "tpu.region"() ({
          %run_scoped3A_128 = tpu.sem_alloc : memref<!tpu.dma_semaphore, #tpu.memory_space<semaphore_mem>>
          %dma_start3A_129 = arith.constant 0 : i32
          %dma_start3A_130 = tpu.memref_slice %arg17[%run_scoped3A_127, %dma_start3A_129] : memref<2x640xi32, #tpu.memory_space<vmem>> -> memref<1x640xi32, #tpu.memory_space<vmem>>
          %dma_start3A_131 = tpu.memref_squeeze %dma_start3A_130 : memref<1x640xi32, #tpu.memory_space<vmem>> -> memref<640xi32, #tpu.memory_space<vmem>>
          %dma_start3A_132 = arith.constant 0 : i32
          %dma_start3A_133 = arith.constant 0 : i32
          %dma_start3A_134 = tpu.memref_slice %arg27[%dma_start3A_132, %dma_start3A_133] : memref<50176x24xf32, #tpu.memory_space<vmem_shared>> -> memref<50176x24xf32, #tpu.memory_space<vmem_shared>>
          tpu.enqueue_indirect_dma source(%arg25 : memref<640x24xf32, #tpu.memory_space<vmem>>) target(%dma_start3A_134 : memref<50176x24xf32, #tpu.memory_space<vmem_shared>>) offsets(%dma_start3A_131 : memref<640xi32, #tpu.memory_space<vmem>>) semaphore(%run_scoped3A_128 : memref<!tpu.dma_semaphore, #tpu.memory_space<semaphore_mem>>) {add = true}
          %dma_wait3A_135 = arith.constant 0 : i32
          %dma_wait3A_136 = tpu.memref_slice %arg17[%run_scoped3A_127, %dma_wait3A_135] : memref<2x640xi32, #tpu.memory_space<vmem>> -> memref<1x640xi32, #tpu.memory_space<vmem>>
          %dma_wait3A_137 = tpu.memref_squeeze %dma_wait3A_136 : memref<1x640xi32, #tpu.memory_space<vmem>> -> memref<640xi32, #tpu.memory_space<vmem>>
          %dma_wait3A_138 = arith.constant 0 : i32
          %dma_wait3A_139 = arith.constant 0 : i32
          %dma_wait3A_140 = tpu.memref_slice %arg27[%dma_wait3A_138, %dma_wait3A_139] : memref<50176x24xf32, #tpu.memory_space<vmem_shared>> -> memref<50176x24xf32, #tpu.memory_space<vmem_shared>>
          tpu.wait_indirect_dma semaphore(%run_scoped3A_128 : memref<!tpu.dma_semaphore, #tpu.memory_space<semaphore_mem>>) src(%arg25 : memref<640x24xf32, #tpu.memory_space<vmem>>) dst(%dma_wait3A_140 : memref<50176x24xf32, #tpu.memory_space<vmem_shared>>)
          tpu.yield
        }) : () -> ()
      }
      %scan3A_34 = arith.constant 20 : i32
      %dma_wait3A = arith.constant 0 : i32
      %dma_wait3A_35 = tpu.memref_slice %arg4[%dma_wait3A] : memref<200704xf32, #tpu.memory_space<hbm>> -> memref<200704xf32, #tpu.memory_space<hbm>>
      tpu.wait_indirect_dma semaphore(%arg26 : memref<!tpu.dma_semaphore, #tpu.memory_space<semaphore_mem>>) src(%dma_wait3A_35 : memref<200704xf32, #tpu.memory_space<hbm>>) dst(%arg14 : memref<640xf32, #tpu.memory_space<vmem>>)
      %dma_wait3A_36 = arith.constant 0 : i32
      %dma_wait3A_37 = tpu.memref_slice %arg5[%dma_wait3A_36] : memref<200704xf32, #tpu.memory_space<hbm>> -> memref<200704xf32, #tpu.memory_space<hbm>>
      tpu.wait_indirect_dma semaphore(%arg26 : memref<!tpu.dma_semaphore, #tpu.memory_space<semaphore_mem>>) src(%dma_wait3A_37 : memref<200704xf32, #tpu.memory_space<hbm>>) dst(%arg15 : memref<640xf32, #tpu.memory_space<vmem>>)
      %dma_wait3A_38 = arith.constant 0 : i32
      %dma_wait3A_39 = arith.constant 0 : i32
      %dma_wait3A_40 = tpu.memref_slice %arg6[%dma_wait3A_38, %dma_wait3A_39] : memref<200704x16xf32, #tpu.memory_space<hbm>> -> memref<200704x16xf32, #tpu.memory_space<hbm>>
      tpu.wait_indirect_dma semaphore(%arg26 : memref<!tpu.dma_semaphore, #tpu.memory_space<semaphore_mem>>) src(%dma_wait3A_40 : memref<200704x16xf32, #tpu.memory_space<hbm>>) dst(%arg16 : memref<640x16xf32, #tpu.memory_space<vmem>>)
      %barrier3A_41 = arith.constant 0 : index
      tpu.barrier barrier_id(%barrier3A_41)
      %mul3A_42 = arith.constant 3136 : i32
      %mul3A_43 = arith.muli %arg1, %mul3A_42 : i32
      %mul3A_44 = arith.constant 2 : i32
      %mul3A_45 = arith.muli %scan3A_8, %mul3A_44 : i32
      %add3A_46 = arith.addi %mul3A_45, %arg0 : i32
      %mul3A_47 = arith.constant 50176 : i32
      %mul3A_48 = arith.muli %add3A_46, %mul3A_47 : i32
      %mul3A_49 = arith.constant 3136 : i32
      %mul3A_50 = arith.muli %arg1, %mul3A_49 : i32
      %add3A_51 = arith.addi %mul3A_48, %mul3A_50 : i32
      "tpu.region"() ({
        %run_scoped3A = tpu.sem_alloc : memref<!tpu.dma_semaphore, #tpu.memory_space<semaphore_mem>>
        %dma_start3A_53 = arith.constant 0 : i32
        %dma_start3A_54 = tpu.memref_slice %arg9[%add3A_51, %dma_start3A_53] : memref<401408x24xf32, #tpu.memory_space<hbm>> -> memref<3136x24xf32, #tpu.memory_space<hbm>>
        %dma_start3A_55 = arith.constant 0 : i32
        %dma_start3A_56 = tpu.memref_slice %arg27[%mul3A_43, %dma_start3A_55] : memref<50176x24xf32, #tpu.memory_space<vmem_shared>> -> memref<3136x24xf32, #tpu.memory_space<vmem_shared>>
        tpu.enqueue_dma source(%dma_start3A_56 : memref<3136x24xf32, #tpu.memory_space<vmem_shared>>) target(%dma_start3A_54 : memref<3136x24xf32, #tpu.memory_space<hbm>>) target_semaphore(%run_scoped3A : memref<!tpu.dma_semaphore, #tpu.memory_space<semaphore_mem>>)
        %dma_wait3A_57 = arith.constant 0 : i32
        %dma_wait3A_58 = tpu.memref_slice %arg9[%add3A_51, %dma_wait3A_57] : memref<401408x24xf32, #tpu.memory_space<hbm>> -> memref<3136x24xf32, #tpu.memory_space<hbm>>
        %dma_wait3A_59 = arith.constant 0 : i32
        %dma_wait3A_60 = tpu.memref_slice %arg27[%mul3A_43, %dma_wait3A_59] : memref<50176x24xf32, #tpu.memory_space<vmem_shared>> -> memref<3136x24xf32, #tpu.memory_space<vmem_shared>>
        tpu.wait_dma2 semaphore(%run_scoped3A : memref<!tpu.dma_semaphore, #tpu.memory_space<semaphore_mem>>) src(%dma_wait3A_60 : memref<3136x24xf32, #tpu.memory_space<vmem_shared>>) dst(%dma_wait3A_58 : memref<3136x24xf32, #tpu.memory_space<hbm>>)
        tpu.yield
      }) : () -> ()
      %barrier3A_52 = arith.constant 0 : index
      tpu.barrier barrier_id(%barrier3A_52)
    }
    %scan3A_7 = arith.constant 4 : i32
    return
  }
}

#map = affine_map<(d0, d1) -> (0)>
#map1 = affine_map<(d0, d1) -> (0, 0)>
module attributes {stable_mosaic.version = 14 : i64} {
  func.func @_sc_loop_body(%arg0: i32, %arg1: i32, %arg2: memref<819200xi32, #tpu.memory_space<hbm>>, %arg3: memref<8x819200xf32, #tpu.memory_space<hbm>>, %arg4: memref<50176x16xf32, #tpu.memory_space<hbm>>, %arg5: memref<100352x16xf32, #tpu.memory_space<hbm>>, %arg6: memref<640xi32, #tpu.memory_space<vmem>>, %arg7: memref<8x640xf32, #tpu.memory_space<vmem>>, %arg8: memref<640x16xf32, #tpu.memory_space<vmem>>, %arg9: memref<50176x16xf32, #tpu.memory_space<vmem_shared>>) attributes {dimension_semantics = [#tpu.dimension_semantics<core_parallel>, #tpu.dimension_semantics<subcore_parallel>], iteration_bounds = array<i64: 2, 16>, scalar_prefetch = 0 : i64, scratch_operands = 4 : i64, tpu.core_type = #tpu.core_type<sc_vector_subcore>, window_params = [{transform_indices = #map}, {transform_indices = #map1}, {transform_indices = #map1}, {transform_indices = #map1}]} {
    %mul3A = arith.constant 2 : i32
    %mul3A_0 = arith.muli %arg1, %mul3A : i32
    %add3A = arith.addi %mul3A_0, %arg0 : i32
    %mul3A_1 = arith.constant 25600 : i32
    %mul3A_2 = arith.muli %add3A, %mul3A_1 : i32
    %mul3A_3 = arith.constant 3136 : i32
    %mul3A_4 = arith.muli %arg1, %mul3A_3 : i32
    %mul3A_5 = arith.constant 3136 : i32
    %mul3A_6 = arith.muli %arg1, %mul3A_5 : i32
    "tpu.region"() ({
      %run_scoped3A = tpu.sem_alloc : memref<!tpu.dma_semaphore, #tpu.memory_space<semaphore_mem>>
      %dma_start3A = arith.constant 0 : i32
      %dma_start3A_20 = tpu.memref_slice %arg9[%mul3A_6, %dma_start3A] : memref<50176x16xf32, #tpu.memory_space<vmem_shared>> -> memref<3136x16xf32, #tpu.memory_space<vmem_shared>>
      %dma_start3A_21 = arith.constant 0 : i32
      %dma_start3A_22 = tpu.memref_slice %arg4[%mul3A_4, %dma_start3A_21] : memref<50176x16xf32, #tpu.memory_space<hbm>> -> memref<3136x16xf32, #tpu.memory_space<hbm>>
      tpu.enqueue_dma source(%dma_start3A_22 : memref<3136x16xf32, #tpu.memory_space<hbm>>) target(%dma_start3A_20 : memref<3136x16xf32, #tpu.memory_space<vmem_shared>>) target_semaphore(%run_scoped3A : memref<!tpu.dma_semaphore, #tpu.memory_space<semaphore_mem>>)
      %dma_wait3A = arith.constant 0 : i32
      %dma_wait3A_23 = tpu.memref_slice %arg9[%mul3A_6, %dma_wait3A] : memref<50176x16xf32, #tpu.memory_space<vmem_shared>> -> memref<3136x16xf32, #tpu.memory_space<vmem_shared>>
      %dma_wait3A_24 = arith.constant 0 : i32
      %dma_wait3A_25 = tpu.memref_slice %arg4[%mul3A_4, %dma_wait3A_24] : memref<50176x16xf32, #tpu.memory_space<hbm>> -> memref<3136x16xf32, #tpu.memory_space<hbm>>
      tpu.wait_dma2 semaphore(%run_scoped3A : memref<!tpu.dma_semaphore, #tpu.memory_space<semaphore_mem>>) src(%dma_wait3A_25 : memref<3136x16xf32, #tpu.memory_space<hbm>>) dst(%dma_wait3A_23 : memref<3136x16xf32, #tpu.memory_space<vmem_shared>>)
      tpu.yield
    }) : () -> ()
    "tpu.region"() ({
      %run_scoped3A = tpu.sem_alloc : memref<!tpu.dma_semaphore, #tpu.memory_space<semaphore_mem>>
      %dma_start3A = arith.constant 0 : i32
      %dma_start3A_20 = arith.constant 0 : i32
      %dma_start3A_21 = tpu.memref_slice %arg4[%dma_start3A, %dma_start3A_20] : memref<50176x16xf32, #tpu.memory_space<hbm>> -> memref<640x16xf32, #tpu.memory_space<hbm>>
      %dma_start3A_22 = arith.constant 0 : i32
      %dma_start3A_23 = arith.constant 0 : i32
      %dma_start3A_24 = tpu.memref_slice %arg4[%dma_start3A_22, %dma_start3A_23] : memref<50176x16xf32, #tpu.memory_space<hbm>> -> memref<640x16xf32, #tpu.memory_space<hbm>>
      tpu.enqueue_dma source(%dma_start3A_24 : memref<640x16xf32, #tpu.memory_space<hbm>>) target(%arg8 : memref<640x16xf32, #tpu.memory_space<vmem>>) target_semaphore(%run_scoped3A : memref<!tpu.dma_semaphore, #tpu.memory_space<semaphore_mem>>)
      %dma_wait3A = arith.constant 0 : i32
      %dma_wait3A_25 = arith.constant 0 : i32
      %dma_wait3A_26 = tpu.memref_slice %arg4[%dma_wait3A, %dma_wait3A_25] : memref<50176x16xf32, #tpu.memory_space<hbm>> -> memref<640x16xf32, #tpu.memory_space<hbm>>
      %dma_wait3A_27 = arith.constant 0 : i32
      %dma_wait3A_28 = arith.constant 0 : i32
      %dma_wait3A_29 = tpu.memref_slice %arg4[%dma_wait3A_27, %dma_wait3A_28] : memref<50176x16xf32, #tpu.memory_space<hbm>> -> memref<640x16xf32, #tpu.memory_space<hbm>>
      tpu.wait_dma2 semaphore(%run_scoped3A : memref<!tpu.dma_semaphore, #tpu.memory_space<semaphore_mem>>) src(%dma_wait3A_29 : memref<640x16xf32, #tpu.memory_space<hbm>>) dst(%arg8 : memref<640x16xf32, #tpu.memory_space<vmem>>)
      tpu.yield
    }) : () -> ()
    %barrier3A = arith.constant 0 : index
    tpu.barrier barrier_id(%barrier3A)
    %scan3A = arith.constant 0 : i32
    %scan3A_7 = arith.constant 0 : i32
    %scan3A_8 = arith.constant 40 : i32
    %scan3A_9 = arith.addi %scan3A_7, %scan3A_8 : i32
    %scan3A_10 = arith.constant 1 : i32
    scf.for %scan3A_20 = %scan3A_7 to %scan3A_9 step %scan3A_10  : i32 {
      %mul3A_21 = arith.constant 640 : i32
      %mul3A_22 = arith.muli %scan3A_20, %mul3A_21 : i32
      %add3A_23 = arith.addi %mul3A_2, %mul3A_22 : i32
      "tpu.region"() ({
        %run_scoped3A = tpu.sem_alloc : memref<!tpu.dma_semaphore, #tpu.memory_space<semaphore_mem>>
        %dma_start3A = tpu.memref_slice %arg2[%add3A_23] : memref<819200xi32, #tpu.memory_space<hbm>> -> memref<640xi32, #tpu.memory_space<hbm>>
        %dma_start3A_30 = tpu.memref_slice %arg2[%add3A_23] : memref<819200xi32, #tpu.memory_space<hbm>> -> memref<640xi32, #tpu.memory_space<hbm>>
        tpu.enqueue_dma source(%dma_start3A_30 : memref<640xi32, #tpu.memory_space<hbm>>) target(%arg6 : memref<640xi32, #tpu.memory_space<vmem>>) target_semaphore(%run_scoped3A : memref<!tpu.dma_semaphore, #tpu.memory_space<semaphore_mem>>)
        %dma_wait3A = tpu.memref_slice %arg2[%add3A_23] : memref<819200xi32, #tpu.memory_space<hbm>> -> memref<640xi32, #tpu.memory_space<hbm>>
        %dma_wait3A_31 = tpu.memref_slice %arg2[%add3A_23] : memref<819200xi32, #tpu.memory_space<hbm>> -> memref<640xi32, #tpu.memory_space<hbm>>
        tpu.wait_dma2 semaphore(%run_scoped3A : memref<!tpu.dma_semaphore, #tpu.memory_space<semaphore_mem>>) src(%dma_wait3A_31 : memref<640xi32, #tpu.memory_space<hbm>>) dst(%arg6 : memref<640xi32, #tpu.memory_space<vmem>>)
        tpu.yield
      }) : () -> ()
      "tpu.region"() ({
        %run_scoped3A = tpu.sem_alloc : memref<!tpu.dma_semaphore, #tpu.memory_space<semaphore_mem>>
        %dma_start3A = arith.constant 0 : i32
        %dma_start3A_30 = tpu.memref_slice %arg3[%dma_start3A, %add3A_23] : memref<8x819200xf32, #tpu.memory_space<hbm>> -> memref<8x640xf32, #tpu.memory_space<hbm>>
        %dma_start3A_31 = arith.constant 0 : i32
        %dma_start3A_32 = tpu.memref_slice %arg3[%dma_start3A_31, %add3A_23] : memref<8x819200xf32, #tpu.memory_space<hbm>> -> memref<8x640xf32, #tpu.memory_space<hbm>>
        tpu.enqueue_dma source(%dma_start3A_32 : memref<8x640xf32, #tpu.memory_space<hbm>>) target(%arg7 : memref<8x640xf32, #tpu.memory_space<vmem>>) target_semaphore(%run_scoped3A : memref<!tpu.dma_semaphore, #tpu.memory_space<semaphore_mem>>)
        %dma_wait3A = arith.constant 0 : i32
        %dma_wait3A_33 = tpu.memref_slice %arg3[%dma_wait3A, %add3A_23] : memref<8x819200xf32, #tpu.memory_space<hbm>> -> memref<8x640xf32, #tpu.memory_space<hbm>>
        %dma_wait3A_34 = arith.constant 0 : i32
        %dma_wait3A_35 = tpu.memref_slice %arg3[%dma_wait3A_34, %add3A_23] : memref<8x819200xf32, #tpu.memory_space<hbm>> -> memref<8x640xf32, #tpu.memory_space<hbm>>
        tpu.wait_dma2 semaphore(%run_scoped3A : memref<!tpu.dma_semaphore, #tpu.memory_space<semaphore_mem>>) src(%dma_wait3A_35 : memref<8x640xf32, #tpu.memory_space<hbm>>) dst(%arg7 : memref<8x640xf32, #tpu.memory_space<vmem>>)
        tpu.yield
      }) : () -> ()
      %scan3A_24 = arith.constant 0 : i32
      %scan3A_25 = arith.constant 0 : i32
      %scan3A_26 = arith.constant 40 : i32
      %scan3A_27 = arith.addi %scan3A_25, %scan3A_26 : i32
      %scan3A_28 = arith.constant 1 : i32
      scf.for %scan3A_30 = %scan3A_25 to %scan3A_27 step %scan3A_28  : i32 {
        %iota3A = tpu.iota {dimensions = array<i32: 0>} : vector<16xi32>
        %mul3A_31 = arith.constant 16 : i32
        %mul3A_32 = arith.muli %scan3A_30, %mul3A_31 : i32
        %add3A_33 = vector.broadcast %mul3A_32 : i32 to vector<16xi32>
        %add3A_34 = arith.addi %iota3A, %add3A_33 : vector<16xi32>
        %mul3A_35 = arith.constant 16 : i32
        %mul3A_36 = arith.muli %scan3A_30, %mul3A_35 : i32
        %get3A = arith.constant 0 : i32
        %get3A_37 = arith.index_cast %get3A : i32 to index
        %get3A_38 = arith.index_cast %mul3A_36 : i32 to index
        %get3A_39 = tpu.vector_load %arg7[%get3A_37, %get3A_38] {strides = array<i32>} : memref<8x640xf32, #tpu.memory_space<vmem>>, vector<16xf32>,
        %broadcast_in_dim3A = arith.constant 0 : i32
        %broadcast_in_dim3A_40 = vector.broadcast %broadcast_in_dim3A : i32 to vector<16xi32>
        tpu.vector_store_idx %arg8[%add3A_34, %broadcast_in_dim3A_40], %get3A_39 : memref<640x16xf32, #tpu.memory_space<vmem>>[vector<16xi32>, vector<16xi32>], vector<16xf32>,
        %mul3A_41 = arith.constant 16 : i32
        %mul3A_42 = arith.muli %scan3A_30, %mul3A_41 : i32
        %get3A_43 = arith.constant 1 : i32
        %get3A_44 = arith.index_cast %get3A_43 : i32 to index
        %get3A_45 = arith.index_cast %mul3A_42 : i32 to index
        %get3A_46 = tpu.vector_load %arg7[%get3A_44, %get3A_45] {strides = array<i32>} : memref<8x640xf32, #tpu.memory_space<vmem>>, vector<16xf32>,
        %broadcast_in_dim3A_47 = arith.constant 1 : i32
        %broadcast_in_dim3A_48 = vector.broadcast %broadcast_in_dim3A_47 : i32 to vector<16xi32>
        tpu.vector_store_idx %arg8[%add3A_34, %broadcast_in_dim3A_48], %get3A_46 : memref<640x16xf32, #tpu.memory_space<vmem>>[vector<16xi32>, vector<16xi32>], vector<16xf32>,
        %mul3A_49 = arith.constant 16 : i32
        %mul3A_50 = arith.muli %scan3A_30, %mul3A_49 : i32
        %get3A_51 = arith.constant 2 : i32
        %get3A_52 = arith.index_cast %get3A_51 : i32 to index
        %get3A_53 = arith.index_cast %mul3A_50 : i32 to index
        %get3A_54 = tpu.vector_load %arg7[%get3A_52, %get3A_53] {strides = array<i32>} : memref<8x640xf32, #tpu.memory_space<vmem>>, vector<16xf32>,
        %broadcast_in_dim3A_55 = arith.constant 2 : i32
        %broadcast_in_dim3A_56 = vector.broadcast %broadcast_in_dim3A_55 : i32 to vector<16xi32>
        tpu.vector_store_idx %arg8[%add3A_34, %broadcast_in_dim3A_56], %get3A_54 : memref<640x16xf32, #tpu.memory_space<vmem>>[vector<16xi32>, vector<16xi32>], vector<16xf32>,
        %mul3A_57 = arith.constant 16 : i32
        %mul3A_58 = arith.muli %scan3A_30, %mul3A_57 : i32
        %get3A_59 = arith.constant 3 : i32
        %get3A_60 = arith.index_cast %get3A_59 : i32 to index
        %get3A_61 = arith.index_cast %mul3A_58 : i32 to index
        %get3A_62 = tpu.vector_load %arg7[%get3A_60, %get3A_61] {strides = array<i32>} : memref<8x640xf32, #tpu.memory_space<vmem>>, vector<16xf32>,
        %broadcast_in_dim3A_63 = arith.constant 3 : i32
        %broadcast_in_dim3A_64 = vector.broadcast %broadcast_in_dim3A_63 : i32 to vector<16xi32>
        tpu.vector_store_idx %arg8[%add3A_34, %broadcast_in_dim3A_64], %get3A_62 : memref<640x16xf32, #tpu.memory_space<vmem>>[vector<16xi32>, vector<16xi32>], vector<16xf32>,
        %mul3A_65 = arith.constant 16 : i32
        %mul3A_66 = arith.muli %scan3A_30, %mul3A_65 : i32
        %get3A_67 = arith.constant 4 : i32
        %get3A_68 = arith.index_cast %get3A_67 : i32 to index
        %get3A_69 = arith.index_cast %mul3A_66 : i32 to index
        %get3A_70 = tpu.vector_load %arg7[%get3A_68, %get3A_69] {strides = array<i32>} : memref<8x640xf32, #tpu.memory_space<vmem>>, vector<16xf32>,
        %broadcast_in_dim3A_71 = arith.constant 4 : i32
        %broadcast_in_dim3A_72 = vector.broadcast %broadcast_in_dim3A_71 : i32 to vector<16xi32>
        tpu.vector_store_idx %arg8[%add3A_34, %broadcast_in_dim3A_72], %get3A_70 : memref<640x16xf32, #tpu.memory_space<vmem>>[vector<16xi32>, vector<16xi32>], vector<16xf32>,
        %mul3A_73 = arith.constant 16 : i32
        %mul3A_74 = arith.muli %scan3A_30, %mul3A_73 : i32
        %get3A_75 = arith.constant 5 : i32
        %get3A_76 = arith.index_cast %get3A_75 : i32 to index
        %get3A_77 = arith.index_cast %mul3A_74 : i32 to index
        %get3A_78 = tpu.vector_load %arg7[%get3A_76, %get3A_77] {strides = array<i32>} : memref<8x640xf32, #tpu.memory_space<vmem>>, vector<16xf32>,
        %broadcast_in_dim3A_79 = arith.constant 5 : i32
        %broadcast_in_dim3A_80 = vector.broadcast %broadcast_in_dim3A_79 : i32 to vector<16xi32>
        tpu.vector_store_idx %arg8[%add3A_34, %broadcast_in_dim3A_80], %get3A_78 : memref<640x16xf32, #tpu.memory_space<vmem>>[vector<16xi32>, vector<16xi32>], vector<16xf32>,
        %mul3A_81 = arith.constant 16 : i32
        %mul3A_82 = arith.muli %scan3A_30, %mul3A_81 : i32
        %get3A_83 = arith.constant 6 : i32
        %get3A_84 = arith.index_cast %get3A_83 : i32 to index
        %get3A_85 = arith.index_cast %mul3A_82 : i32 to index
        %get3A_86 = tpu.vector_load %arg7[%get3A_84, %get3A_85] {strides = array<i32>} : memref<8x640xf32, #tpu.memory_space<vmem>>, vector<16xf32>,
        %broadcast_in_dim3A_87 = arith.constant 6 : i32
        %broadcast_in_dim3A_88 = vector.broadcast %broadcast_in_dim3A_87 : i32 to vector<16xi32>
        tpu.vector_store_idx %arg8[%add3A_34, %broadcast_in_dim3A_88], %get3A_86 : memref<640x16xf32, #tpu.memory_space<vmem>>[vector<16xi32>, vector<16xi32>], vector<16xf32>,
        %mul3A_89 = arith.constant 16 : i32
        %mul3A_90 = arith.muli %scan3A_30, %mul3A_89 : i32
        %get3A_91 = arith.constant 7 : i32
        %get3A_92 = arith.index_cast %get3A_91 : i32 to index
        %get3A_93 = arith.index_cast %mul3A_90 : i32 to index
        %get3A_94 = tpu.vector_load %arg7[%get3A_92, %get3A_93] {strides = array<i32>} : memref<8x640xf32, #tpu.memory_space<vmem>>, vector<16xf32>,
        %broadcast_in_dim3A_95 = arith.constant 7 : i32
        %broadcast_in_dim3A_96 = vector.broadcast %broadcast_in_dim3A_95 : i32 to vector<16xi32>
        tpu.vector_store_idx %arg8[%add3A_34, %broadcast_in_dim3A_96], %get3A_94 : memref<640x16xf32, #tpu.memory_space<vmem>>[vector<16xi32>, vector<16xi32>], vector<16xf32>,
        %broadcast_in_dim3A_97 = arith.constant 8 : i32
        %broadcast_in_dim3A_98 = vector.broadcast %broadcast_in_dim3A_97 : i32 to vector<16xi32>
        %broadcast_in_dim3A_99 = arith.constant 1.000000e+00 : f32
        %broadcast_in_dim3A_100 = vector.broadcast %broadcast_in_dim3A_99 : f32 to vector<16xf32>
        tpu.vector_store_idx %arg8[%add3A_34, %broadcast_in_dim3A_98], %broadcast_in_dim3A_100 : memref<640x16xf32, #tpu.memory_space<vmem>>[vector<16xi32>, vector<16xi32>], vector<16xf32>,
      }
      %scan3A_29 = arith.constant 40 : i32
      "tpu.region"() ({
        %run_scoped3A = tpu.sem_alloc : memref<!tpu.dma_semaphore, #tpu.memory_space<semaphore_mem>>
        %dma_start3A = arith.constant 0 : i32
        %dma_start3A_30 = arith.constant 0 : i32
        %dma_start3A_31 = tpu.memref_slice %arg9[%dma_start3A, %dma_start3A_30] : memref<50176x16xf32, #tpu.memory_space<vmem_shared>> -> memref<50176x16xf32, #tpu.memory_space<vmem_shared>>
        tpu.enqueue_indirect_dma source(%arg8 : memref<640x16xf32, #tpu.memory_space<vmem>>) target(%dma_start3A_31 : memref<50176x16xf32, #tpu.memory_space<vmem_shared>>) offsets(%arg6 : memref<640xi32, #tpu.memory_space<vmem>>) semaphore(%run_scoped3A : memref<!tpu.dma_semaphore, #tpu.memory_space<semaphore_mem>>) {add = true}
        %dma_wait3A = arith.constant 0 : i32
        %dma_wait3A_32 = arith.constant 0 : i32
        %dma_wait3A_33 = tpu.memref_slice %arg9[%dma_wait3A, %dma_wait3A_32] : memref<50176x16xf32, #tpu.memory_space<vmem_shared>> -> memref<50176x16xf32, #tpu.memory_space<vmem_shared>>
        tpu.wait_indirect_dma semaphore(%run_scoped3A : memref<!tpu.dma_semaphore, #tpu.memory_space<semaphore_mem>>) src(%arg8 : memref<640x16xf32, #tpu.memory_space<vmem>>) dst(%dma_wait3A_33 : memref<50176x16xf32, #tpu.memory_space<vmem_shared>>)
        tpu.yield
      }) : () -> ()
    }
    %scan3A_11 = arith.constant 40 : i32
    %barrier3A_12 = arith.constant 0 : index
    tpu.barrier barrier_id(%barrier3A_12)
    %mul3A_13 = arith.constant 3136 : i32
    %mul3A_14 = arith.muli %arg1, %mul3A_13 : i32
    %mul3A_15 = arith.constant 50176 : i32
    %mul3A_16 = arith.muli %arg0, %mul3A_15 : i32
    %mul3A_17 = arith.constant 3136 : i32
    %mul3A_18 = arith.muli %arg1, %mul3A_17 : i32
    %add3A_19 = arith.addi %mul3A_16, %mul3A_18 : i32
    "tpu.region"() ({
      %run_scoped3A = tpu.sem_alloc : memref<!tpu.dma_semaphore, #tpu.memory_space<semaphore_mem>>
      %dma_start3A = arith.constant 0 : i32
      %dma_start3A_20 = tpu.memref_slice %arg5[%add3A_19, %dma_start3A] : memref<100352x16xf32, #tpu.memory_space<hbm>> -> memref<3136x16xf32, #tpu.memory_space<hbm>>
      %dma_start3A_21 = arith.constant 0 : i32
      %dma_start3A_22 = tpu.memref_slice %arg9[%mul3A_14, %dma_start3A_21] : memref<50176x16xf32, #tpu.memory_space<vmem_shared>> -> memref<3136x16xf32, #tpu.memory_space<vmem_shared>>
      tpu.enqueue_dma source(%dma_start3A_22 : memref<3136x16xf32, #tpu.memory_space<vmem_shared>>) target(%dma_start3A_20 : memref<3136x16xf32, #tpu.memory_space<hbm>>) target_semaphore(%run_scoped3A : memref<!tpu.dma_semaphore, #tpu.memory_space<semaphore_mem>>)
      %dma_wait3A = arith.constant 0 : i32
      %dma_wait3A_23 = tpu.memref_slice %arg5[%add3A_19, %dma_wait3A] : memref<100352x16xf32, #tpu.memory_space<hbm>> -> memref<3136x16xf32, #tpu.memory_space<hbm>>
      %dma_wait3A_24 = arith.constant 0 : i32
      %dma_wait3A_25 = tpu.memref_slice %arg9[%mul3A_14, %dma_wait3A_24] : memref<50176x16xf32, #tpu.memory_space<vmem_shared>> -> memref<3136x16xf32, #tpu.memory_space<vmem_shared>>
      tpu.wait_dma2 semaphore(%run_scoped3A : memref<!tpu.dma_semaphore, #tpu.memory_space<semaphore_mem>>) src(%dma_wait3A_25 : memref<3136x16xf32, #tpu.memory_space<vmem_shared>>) dst(%dma_wait3A_23 : memref<3136x16xf32, #tpu.memory_space<hbm>>)
      tpu.yield
    }) : () -> ()
    return
  }
}

#map = affine_map<(d0, d1) -> (0, 0)>
#map1 = affine_map<(d0, d1) -> (0)>
module attributes {stable_mosaic.version = 14 : i64} {
  func.func @_sc_msg_body(%arg0: i32, %arg1: i32, %arg2: memref<2x819200xi32, #tpu.memory_space<hbm>>, %arg3: memref<8x819200xf32, #tpu.memory_space<hbm>>, %arg4: memref<200704xf32, #tpu.memory_space<hbm>>, %arg5: memref<200704xf32, #tpu.memory_space<hbm>>, %arg6: memref<200704x16xf32, #tpu.memory_space<hbm>>, %arg7: memref<4x16xf32, #tpu.memory_space<hbm>>, %arg8: memref<50176x24xf32, #tpu.memory_space<hbm>>, %arg9: memref<401408x24xf32, #tpu.memory_space<hbm>>, %arg10: memref<2x640xi32, #tpu.memory_space<vmem>>, %arg11: memref<640xf32, #tpu.memory_space<vmem>>, %arg12: memref<640xi32, #tpu.memory_space<vmem>>, %arg13: memref<640xi32, #tpu.memory_space<vmem>>, %arg14: memref<640xf32, #tpu.memory_space<vmem>>, %arg15: memref<640xf32, #tpu.memory_space<vmem>>, %arg16: memref<640x16xf32, #tpu.memory_space<vmem>>, %arg17: memref<2x640xi32, #tpu.memory_space<vmem>>, %arg18: memref<640xf32, #tpu.memory_space<vmem>>, %arg19: memref<640xi32, #tpu.memory_space<vmem>>, %arg20: memref<640xi32, #tpu.memory_space<vmem>>, %arg21: memref<640xf32, #tpu.memory_space<vmem>>, %arg22: memref<640xf32, #tpu.memory_space<vmem>>, %arg23: memref<640x16xf32, #tpu.memory_space<vmem>>, %arg24: memref<16xf32, #tpu.memory_space<vmem>>, %arg25: memref<640x24xf32, #tpu.memory_space<vmem>>, %arg26: memref<!tpu.dma_semaphore, #tpu.memory_space<semaphore_mem>>, %arg27: memref<50176x24xf32, #tpu.memory_space<vmem_shared>>) attributes {dimension_semantics = [#tpu.dimension_semantics<core_parallel>, #tpu.dimension_semantics<subcore_parallel>], iteration_bounds = array<i64: 2, 16>, scalar_prefetch = 0 : i64, scratch_operands = 18 : i64, tpu.core_type = #tpu.core_type<sc_vector_subcore>, window_params = [{transform_indices = #map}, {transform_indices = #map}, {transform_indices = #map1}, {transform_indices = #map1}, {transform_indices = #map}, {transform_indices = #map}, {transform_indices = #map}, {transform_indices = #map}]} {
    %mul3A = arith.constant 2 : i32
    %mul3A_0 = arith.muli %arg1, %mul3A : i32
    %add3A = arith.addi %mul3A_0, %arg0 : i32
    %mul3A_1 = arith.constant 25600 : i32
    %mul3A_2 = arith.muli %add3A, %mul3A_1 : i32
    "tpu.region"() ({
      %run_scoped3A = tpu.sem_alloc : memref<!tpu.dma_semaphore, #tpu.memory_space<semaphore_mem>>
      %dma_start3A = arith.constant 0 : i32
      %dma_start3A_8 = arith.constant 0 : i32
      %dma_start3A_9 = tpu.memref_slice %arg8[%dma_start3A, %dma_start3A_8] : memref<50176x24xf32, #tpu.memory_space<hbm>> -> memref<640x24xf32, #tpu.memory_space<hbm>>
      %dma_start3A_10 = arith.constant 0 : i32
      %dma_start3A_11 = arith.constant 0 : i32
      %dma_start3A_12 = tpu.memref_slice %arg8[%dma_start3A_10, %dma_start3A_11] : memref<50176x24xf32, #tpu.memory_space<hbm>> -> memref<640x24xf32, #tpu.memory_space<hbm>>
      tpu.enqueue_dma source(%dma_start3A_12 : memref<640x24xf32, #tpu.memory_space<hbm>>) target(%arg25 : memref<640x24xf32, #tpu.memory_space<vmem>>) target_semaphore(%run_scoped3A : memref<!tpu.dma_semaphore, #tpu.memory_space<semaphore_mem>>)
      %dma_wait3A = arith.constant 0 : i32
      %dma_wait3A_13 = arith.constant 0 : i32
      %dma_wait3A_14 = tpu.memref_slice %arg8[%dma_wait3A, %dma_wait3A_13] : memref<50176x24xf32, #tpu.memory_space<hbm>> -> memref<640x24xf32, #tpu.memory_space<hbm>>
      %dma_wait3A_15 = arith.constant 0 : i32
      %dma_wait3A_16 = arith.constant 0 : i32
      %dma_wait3A_17 = tpu.memref_slice %arg8[%dma_wait3A_15, %dma_wait3A_16] : memref<50176x24xf32, #tpu.memory_space<hbm>> -> memref<640x24xf32, #tpu.memory_space<hbm>>
      tpu.wait_dma2 semaphore(%run_scoped3A : memref<!tpu.dma_semaphore, #tpu.memory_space<semaphore_mem>>) src(%dma_wait3A_17 : memref<640x24xf32, #tpu.memory_space<hbm>>) dst(%arg25 : memref<640x24xf32, #tpu.memory_space<vmem>>)
      tpu.yield
    }) : () -> ()
    %scan3A = arith.constant 0 : i32
    %scan3A_3 = arith.constant 0 : i32
    %scan3A_4 = arith.constant 4 : i32
    %scan3A_5 = arith.addi %scan3A_3, %scan3A_4 : i32
    %scan3A_6 = arith.constant 1 : i32
    scf.for %scan3A_8 = %scan3A_3 to %scan3A_5 step %scan3A_6  : i32 {
      %mul3A_9 = arith.constant 3136 : i32
      %mul3A_10 = arith.muli %arg1, %mul3A_9 : i32
      %mul3A_11 = arith.constant 3136 : i32
      %mul3A_12 = arith.muli %arg1, %mul3A_11 : i32
      "tpu.region"() ({
        %run_scoped3A = tpu.sem_alloc : memref<!tpu.dma_semaphore, #tpu.memory_space<semaphore_mem>>
        %dma_start3A_53 = arith.constant 0 : i32
        %dma_start3A_54 = tpu.memref_slice %arg27[%mul3A_12, %dma_start3A_53] : memref<50176x24xf32, #tpu.memory_space<vmem_shared>> -> memref<3136x24xf32, #tpu.memory_space<vmem_shared>>
        %dma_start3A_55 = arith.constant 0 : i32
        %dma_start3A_56 = tpu.memref_slice %arg8[%mul3A_10, %dma_start3A_55] : memref<50176x24xf32, #tpu.memory_space<hbm>> -> memref<3136x24xf32, #tpu.memory_space<hbm>>
        tpu.enqueue_dma source(%dma_start3A_56 : memref<3136x24xf32, #tpu.memory_space<hbm>>) target(%dma_start3A_54 : memref<3136x24xf32, #tpu.memory_space<vmem_shared>>) target_semaphore(%run_scoped3A : memref<!tpu.dma_semaphore, #tpu.memory_space<semaphore_mem>>)
        %dma_wait3A_57 = arith.constant 0 : i32
        %dma_wait3A_58 = tpu.memref_slice %arg27[%mul3A_12, %dma_wait3A_57] : memref<50176x24xf32, #tpu.memory_space<vmem_shared>> -> memref<3136x24xf32, #tpu.memory_space<vmem_shared>>
        %dma_wait3A_59 = arith.constant 0 : i32
        %dma_wait3A_60 = tpu.memref_slice %arg8[%mul3A_10, %dma_wait3A_59] : memref<50176x24xf32, #tpu.memory_space<hbm>> -> memref<3136x24xf32, #tpu.memory_space<hbm>>
        tpu.wait_dma2 semaphore(%run_scoped3A : memref<!tpu.dma_semaphore, #tpu.memory_space<semaphore_mem>>) src(%dma_wait3A_60 : memref<3136x24xf32, #tpu.memory_space<hbm>>) dst(%dma_wait3A_58 : memref<3136x24xf32, #tpu.memory_space<vmem_shared>>)
        tpu.yield
      }) : () -> ()
      "tpu.region"() ({
        %run_scoped3A = tpu.sem_alloc : memref<!tpu.dma_semaphore, #tpu.memory_space<semaphore_mem>>
        %dma_start3A_53 = arith.constant 0 : i32
        %dma_start3A_54 = tpu.memref_slice %arg7[%scan3A_8, %dma_start3A_53] : memref<4x16xf32, #tpu.memory_space<hbm>> -> memref<1x16xf32, #tpu.memory_space<hbm>>
        %dma_start3A_55 = tpu.memref_squeeze %dma_start3A_54 : memref<1x16xf32, #tpu.memory_space<hbm>> -> memref<16xf32, #tpu.memory_space<hbm>>
        %dma_start3A_56 = arith.constant 0 : i32
        %dma_start3A_57 = tpu.memref_slice %arg7[%scan3A_8, %dma_start3A_56] : memref<4x16xf32, #tpu.memory_space<hbm>> -> memref<1x16xf32, #tpu.memory_space<hbm>>
        %dma_start3A_58 = tpu.memref_squeeze %dma_start3A_57 : memref<1x16xf32, #tpu.memory_space<hbm>> -> memref<16xf32, #tpu.memory_space<hbm>>
        tpu.enqueue_dma source(%dma_start3A_58 : memref<16xf32, #tpu.memory_space<hbm>>) target(%arg24 : memref<16xf32, #tpu.memory_space<vmem>>) target_semaphore(%run_scoped3A : memref<!tpu.dma_semaphore, #tpu.memory_space<semaphore_mem>>)
        %dma_wait3A_59 = arith.constant 0 : i32
        %dma_wait3A_60 = tpu.memref_slice %arg7[%scan3A_8, %dma_wait3A_59] : memref<4x16xf32, #tpu.memory_space<hbm>> -> memref<1x16xf32, #tpu.memory_space<hbm>>
        %dma_wait3A_61 = tpu.memref_squeeze %dma_wait3A_60 : memref<1x16xf32, #tpu.memory_space<hbm>> -> memref<16xf32, #tpu.memory_space<hbm>>
        %dma_wait3A_62 = arith.constant 0 : i32
        %dma_wait3A_63 = tpu.memref_slice %arg7[%scan3A_8, %dma_wait3A_62] : memref<4x16xf32, #tpu.memory_space<hbm>> -> memref<1x16xf32, #tpu.memory_space<hbm>>
        %dma_wait3A_64 = tpu.memref_squeeze %dma_wait3A_63 : memref<1x16xf32, #tpu.memory_space<hbm>> -> memref<16xf32, #tpu.memory_space<hbm>>
        tpu.wait_dma2 semaphore(%run_scoped3A : memref<!tpu.dma_semaphore, #tpu.memory_space<semaphore_mem>>) src(%dma_wait3A_64 : memref<16xf32, #tpu.memory_space<hbm>>) dst(%arg24 : memref<16xf32, #tpu.memory_space<vmem>>)
        tpu.yield
      }) : () -> ()
      %barrier3A = arith.constant 0 : index
      tpu.barrier barrier_id(%barrier3A)
      "tpu.region"() ({
        %run_scoped3A = tpu.sem_alloc : memref<!tpu.dma_semaphore, #tpu.memory_space<semaphore_mem>>
        %dma_start3A_53 = arith.constant 0 : i32
        %dma_start3A_54 = tpu.memref_slice %arg2[%dma_start3A_53, %mul3A_2] : memref<2x819200xi32, #tpu.memory_space<hbm>> -> memref<2x640xi32, #tpu.memory_space<hbm>>
        %dma_start3A_55 = arith.constant 0 : i32
        %dma_start3A_56 = tpu.memref_slice %arg2[%dma_start3A_55, %mul3A_2] : memref<2x819200xi32, #tpu.memory_space<hbm>> -> memref<2x640xi32, #tpu.memory_space<hbm>>
        tpu.enqueue_dma source(%dma_start3A_56 : memref<2x640xi32, #tpu.memory_space<hbm>>) target(%arg10 : memref<2x640xi32, #tpu.memory_space<vmem>>) target_semaphore(%run_scoped3A : memref<!tpu.dma_semaphore, #tpu.memory_space<semaphore_mem>>)
        %dma_wait3A_57 = arith.constant 0 : i32
        %dma_wait3A_58 = tpu.memref_slice %arg2[%dma_wait3A_57, %mul3A_2] : memref<2x819200xi32, #tpu.memory_space<hbm>> -> memref<2x640xi32, #tpu.memory_space<hbm>>
        %dma_wait3A_59 = arith.constant 0 : i32
        %dma_wait3A_60 = tpu.memref_slice %arg2[%dma_wait3A_59, %mul3A_2] : memref<2x819200xi32, #tpu.memory_space<hbm>> -> memref<2x640xi32, #tpu.memory_space<hbm>>
        tpu.wait_dma2 semaphore(%run_scoped3A : memref<!tpu.dma_semaphore, #tpu.memory_space<semaphore_mem>>) src(%dma_wait3A_60 : memref<2x640xi32, #tpu.memory_space<hbm>>) dst(%arg10 : memref<2x640xi32, #tpu.memory_space<vmem>>)
        tpu.yield
      }) : () -> ()
      %add3A_13 = arith.constant 4 : i32
      %add3A_14 = arith.addi %add3A_13, %scan3A_8 : i32
      "tpu.region"() ({
        %run_scoped3A = tpu.sem_alloc : memref<!tpu.dma_semaphore, #tpu.memory_space<semaphore_mem>>
        %dma_start3A_53 = tpu.memref_slice %arg3[%add3A_14, %mul3A_2] : memref<8x819200xf32, #tpu.memory_space<hbm>> -> memref<1x640xf32, #tpu.memory_space<hbm>>
        %dma_start3A_54 = tpu.memref_squeeze %dma_start3A_53 : memref<1x640xf32, #tpu.memory_space<hbm>> -> memref<640xf32, #tpu.memory_space<hbm>>
        %dma_start3A_55 = tpu.memref_slice %arg3[%add3A_14, %mul3A_2] : memref<8x819200xf32, #tpu.memory_space<hbm>> -> memref<1x640xf32, #tpu.memory_space<hbm>>
        %dma_start3A_56 = tpu.memref_squeeze %dma_start3A_55 : memref<1x640xf32, #tpu.memory_space<hbm>> -> memref<640xf32, #tpu.memory_space<hbm>>
        tpu.enqueue_dma source(%dma_start3A_56 : memref<640xf32, #tpu.memory_space<hbm>>) target(%arg11 : memref<640xf32, #tpu.memory_space<vmem>>) target_semaphore(%run_scoped3A : memref<!tpu.dma_semaphore, #tpu.memory_space<semaphore_mem>>)
        %dma_wait3A_57 = tpu.memref_slice %arg3[%add3A_14, %mul3A_2] : memref<8x819200xf32, #tpu.memory_space<hbm>> -> memref<1x640xf32, #tpu.memory_space<hbm>>
        %dma_wait3A_58 = tpu.memref_squeeze %dma_wait3A_57 : memref<1x640xf32, #tpu.memory_space<hbm>> -> memref<640xf32, #tpu.memory_space<hbm>>
        %dma_wait3A_59 = tpu.memref_slice %arg3[%add3A_14, %mul3A_2] : memref<8x819200xf32, #tpu.memory_space<hbm>> -> memref<1x640xf32, #tpu.memory_space<hbm>>
        %dma_wait3A_60 = tpu.memref_squeeze %dma_wait3A_59 : memref<1x640xf32, #tpu.memory_space<hbm>> -> memref<640xf32, #tpu.memory_space<hbm>>
        tpu.wait_dma2 semaphore(%run_scoped3A : memref<!tpu.dma_semaphore, #tpu.memory_space<semaphore_mem>>) src(%dma_wait3A_60 : memref<640xf32, #tpu.memory_space<hbm>>) dst(%arg11 : memref<640xf32, #tpu.memory_space<vmem>>)
        tpu.yield
      }) : () -> ()
      %mul3A_15 = arith.constant 50176 : i32
      %mul3A_16 = arith.muli %scan3A_8, %mul3A_15 : i32
      %scan3A_17 = arith.constant 0 : i32
      %scan3A_18 = arith.constant 0 : i32
      %scan3A_19 = arith.constant 40 : i32
      %scan3A_20 = arith.addi %scan3A_18, %scan3A_19 : i32
      %scan3A_21 = arith.constant 1 : i32
      scf.for %scan3A_53 = %scan3A_18 to %scan3A_20 step %scan3A_21  : i32 {
        %mul3A_54 = arith.constant 16 : i32
        %mul3A_55 = arith.muli %scan3A_53, %mul3A_54 : i32
        %get3A = arith.constant 0 : i32
        %get3A_56 = arith.index_cast %get3A : i32 to index
        %get3A_57 = arith.index_cast %mul3A_55 : i32 to index
        %get3A_58 = tpu.vector_load %arg10[%get3A_56, %get3A_57] {strides = array<i32>} : memref<2x640xi32, #tpu.memory_space<vmem>>, vector<16xi32>,
        %add3A_59 = vector.broadcast %mul3A_16 : i32 to vector<16xi32>
        %add3A_60 = arith.addi %get3A_58, %add3A_59 : vector<16xi32>
        %mul3A_61 = arith.constant 16 : i32
        %mul3A_62 = arith.muli %scan3A_53, %mul3A_61 : i32
        %swap3A = arith.index_cast %mul3A_62 : i32 to index
        %swap3A_63 = tpu.vector_load %arg12[%swap3A] {strides = array<i32>} : memref<640xi32, #tpu.memory_space<vmem>>, vector<16xi32>,
        tpu.vector_store %arg12[%swap3A], %add3A_60 {strides = array<i32>} : memref<640xi32, #tpu.memory_space<vmem>>, vector<16xi32>,
        %mul3A_64 = arith.constant 16 : i32
        %mul3A_65 = arith.muli %scan3A_53, %mul3A_64 : i32
        %get3A_66 = arith.constant 1 : i32
        %get3A_67 = arith.index_cast %get3A_66 : i32 to index
        %get3A_68 = arith.index_cast %mul3A_65 : i32 to index
        %get3A_69 = tpu.vector_load %arg10[%get3A_67, %get3A_68] {strides = array<i32>} : memref<2x640xi32, #tpu.memory_space<vmem>>, vector<16xi32>,
        %add3A_70 = vector.broadcast %mul3A_16 : i32 to vector<16xi32>
        %add3A_71 = arith.addi %get3A_69, %add3A_70 : vector<16xi32>
        %mul3A_72 = arith.constant 16 : i32
        %mul3A_73 = arith.muli %scan3A_53, %mul3A_72 : i32
        %swap3A_74 = arith.index_cast %mul3A_73 : i32 to index
        %swap3A_75 = tpu.vector_load %arg13[%swap3A_74] {strides = array<i32>} : memref<640xi32, #tpu.memory_space<vmem>>, vector<16xi32>,
        tpu.vector_store %arg13[%swap3A_74], %add3A_71 {strides = array<i32>} : memref<640xi32, #tpu.memory_space<vmem>>, vector<16xi32>,
      }
      %scan3A_22 = arith.constant 40 : i32
      %dma_start3A = arith.constant 0 : i32
      %dma_start3A_23 = tpu.memref_slice %arg4[%dma_start3A] : memref<200704xf32, #tpu.memory_space<hbm>> -> memref<200704xf32, #tpu.memory_space<hbm>>
      tpu.enqueue_indirect_dma source(%dma_start3A_23 : memref<200704xf32, #tpu.memory_space<hbm>>) target(%arg14 : memref<640xf32, #tpu.memory_space<vmem>>) offsets(%arg12 : memref<640xi32, #tpu.memory_space<vmem>>) semaphore(%arg26 : memref<!tpu.dma_semaphore, #tpu.memory_space<semaphore_mem>>)
      %dma_start3A_24 = arith.constant 0 : i32
      %dma_start3A_25 = tpu.memref_slice %arg5[%dma_start3A_24] : memref<200704xf32, #tpu.memory_space<hbm>> -> memref<200704xf32, #tpu.memory_space<hbm>>
      tpu.enqueue_indirect_dma source(%dma_start3A_25 : memref<200704xf32, #tpu.memory_space<hbm>>) target(%arg15 : memref<640xf32, #tpu.memory_space<vmem>>) offsets(%arg13 : memref<640xi32, #tpu.memory_space<vmem>>) semaphore(%arg26 : memref<!tpu.dma_semaphore, #tpu.memory_space<semaphore_mem>>)
      %dma_start3A_26 = arith.constant 0 : i32
      %dma_start3A_27 = arith.constant 0 : i32
      %dma_start3A_28 = tpu.memref_slice %arg6[%dma_start3A_26, %dma_start3A_27] : memref<200704x16xf32, #tpu.memory_space<hbm>> -> memref<200704x16xf32, #tpu.memory_space<hbm>>
      tpu.enqueue_indirect_dma source(%dma_start3A_28 : memref<200704x16xf32, #tpu.memory_space<hbm>>) target(%arg16 : memref<640x16xf32, #tpu.memory_space<vmem>>) offsets(%arg12 : memref<640xi32, #tpu.memory_space<vmem>>) semaphore(%arg26 : memref<!tpu.dma_semaphore, #tpu.memory_space<semaphore_mem>>)
      %scan3A_29 = arith.constant 0 : i32
      %scan3A_30 = arith.constant 0 : i32
      %scan3A_31 = arith.constant 20 : i32
      %scan3A_32 = arith.addi %scan3A_30, %scan3A_31 : i32
      %scan3A_33 = arith.constant 1 : i32
      scf.for %scan3A_53 = %scan3A_30 to %scan3A_32 step %scan3A_33  : i32 {
        %mul3A_54 = arith.constant 2 : i32
        %mul3A_55 = arith.muli %mul3A_54, %scan3A_53 : i32
        %mul3A_56 = arith.constant 640 : i32
        %mul3A_57 = arith.muli %mul3A_55, %mul3A_56 : i32
        %add3A_58 = arith.addi %mul3A_2, %mul3A_57 : i32
        %add3A_59 = arith.constant 640 : i32
        %add3A_60 = arith.addi %add3A_58, %add3A_59 : i32
        %add3A_61 = arith.constant 1280 : i32
        %add3A_62 = arith.addi %add3A_58, %add3A_61 : i32
        %min3A = arith.constant 818560 : i32
        %min3A_63 = arith.minsi %add3A_62, %min3A : i32
        "tpu.region"() ({
          %run_scoped3A_128 = tpu.sem_alloc : memref<!tpu.dma_semaphore, #tpu.memory_space<semaphore_mem>>
          %dma_start3A_129 = arith.constant 0 : i32
          %dma_start3A_130 = tpu.memref_slice %arg2[%dma_start3A_129, %add3A_60] : memref<2x819200xi32, #tpu.memory_space<hbm>> -> memref<2x640xi32, #tpu.memory_space<hbm>>
          %dma_start3A_131 = arith.constant 0 : i32
          %dma_start3A_132 = tpu.memref_slice %arg2[%dma_start3A_131, %add3A_60] : memref<2x819200xi32, #tpu.memory_space<hbm>> -> memref<2x640xi32, #tpu.memory_space<hbm>>
          tpu.enqueue_dma source(%dma_start3A_132 : memref<2x640xi32, #tpu.memory_space<hbm>>) target(%arg17 : memref<2x640xi32, #tpu.memory_space<vmem>>) target_semaphore(%run_scoped3A_128 : memref<!tpu.dma_semaphore, #tpu.memory_space<semaphore_mem>>)
          %dma_wait3A_133 = arith.constant 0 : i32
          %dma_wait3A_134 = tpu.memref_slice %arg2[%dma_wait3A_133, %add3A_60] : memref<2x819200xi32, #tpu.memory_space<hbm>> -> memref<2x640xi32, #tpu.memory_space<hbm>>
          %dma_wait3A_135 = arith.constant 0 : i32
          %dma_wait3A_136 = tpu.memref_slice %arg2[%dma_wait3A_135, %add3A_60] : memref<2x819200xi32, #tpu.memory_space<hbm>> -> memref<2x640xi32, #tpu.memory_space<hbm>>
          tpu.wait_dma2 semaphore(%run_scoped3A_128 : memref<!tpu.dma_semaphore, #tpu.memory_space<semaphore_mem>>) src(%dma_wait3A_136 : memref<2x640xi32, #tpu.memory_space<hbm>>) dst(%arg17 : memref<2x640xi32, #tpu.memory_space<vmem>>)
          tpu.yield
        }) : () -> ()
        %add3A_64 = arith.constant 4 : i32
        %add3A_65 = arith.addi %add3A_64, %scan3A_8 : i32
        "tpu.region"() ({
          %run_scoped3A_128 = tpu.sem_alloc : memref<!tpu.dma_semaphore, #tpu.memory_space<semaphore_mem>>
          %dma_start3A_129 = tpu.memref_slice %arg3[%add3A_65, %add3A_60] : memref<8x819200xf32, #tpu.memory_space<hbm>> -> memref<1x640xf32, #tpu.memory_space<hbm>>
          %dma_start3A_130 = tpu.memref_squeeze %dma_start3A_129 : memref<1x640xf32, #tpu.memory_space<hbm>> -> memref<640xf32, #tpu.memory_space<hbm>>
          %dma_start3A_131 = tpu.memref_slice %arg3[%add3A_65, %add3A_60] : memref<8x819200xf32, #tpu.memory_space<hbm>> -> memref<1x640xf32, #tpu.memory_space<hbm>>
          %dma_start3A_132 = tpu.memref_squeeze %dma_start3A_131 : memref<1x640xf32, #tpu.memory_space<hbm>> -> memref<640xf32, #tpu.memory_space<hbm>>
          tpu.enqueue_dma source(%dma_start3A_132 : memref<640xf32, #tpu.memory_space<hbm>>) target(%arg18 : memref<640xf32, #tpu.memory_space<vmem>>) target_semaphore(%run_scoped3A_128 : memref<!tpu.dma_semaphore, #tpu.memory_space<semaphore_mem>>)
          %dma_wait3A_133 = tpu.memref_slice %arg3[%add3A_65, %add3A_60] : memref<8x819200xf32, #tpu.memory_space<hbm>> -> memref<1x640xf32, #tpu.memory_space<hbm>>
          %dma_wait3A_134 = tpu.memref_squeeze %dma_wait3A_133 : memref<1x640xf32, #tpu.memory_space<hbm>> -> memref<640xf32, #tpu.memory_space<hbm>>
          %dma_wait3A_135 = tpu.memref_slice %arg3[%add3A_65, %add3A_60] : memref<8x819200xf32, #tpu.memory_space<hbm>> -> memref<1x640xf32, #tpu.memory_space<hbm>>
          %dma_wait3A_136 = tpu.memref_squeeze %dma_wait3A_135 : memref<1x640xf32, #tpu.memory_space<hbm>> -> memref<640xf32, #tpu.memory_space<hbm>>
          tpu.wait_dma2 semaphore(%run_scoped3A_128 : memref<!tpu.dma_semaphore, #tpu.memory_space<semaphore_mem>>) src(%dma_wait3A_136 : memref<640xf32, #tpu.memory_space<hbm>>) dst(%arg18 : memref<640xf32, #tpu.memory_space<vmem>>)
          tpu.yield
        }) : () -> ()
        %mul3A_66 = arith.constant 50176 : i32
        %mul3A_67 = arith.muli %scan3A_8, %mul3A_66 : i32
        %scan3A_68 = arith.constant 0 : i32
        %scan3A_69 = arith.constant 0 : i32
        %scan3A_70 = arith.constant 40 : i32
        %scan3A_71 = arith.addi %scan3A_69, %scan3A_70 : i32
        %scan3A_72 = arith.constant 1 : i32
        scf.for %scan3A_128 = %scan3A_69 to %scan3A_71 step %scan3A_72  : i32 {
          %mul3A_129 = arith.constant 16 : i32
          %mul3A_130 = arith.muli %scan3A_128, %mul3A_129 : i32
          %get3A_131 = arith.constant 0 : i32
          %get3A_132 = arith.index_cast %get3A_131 : i32 to index
          %get3A_133 = arith.index_cast %mul3A_130 : i32 to index
          %get3A_134 = tpu.vector_load %arg17[%get3A_132, %get3A_133] {strides = array<i32>} : memref<2x640xi32, #tpu.memory_space<vmem>>, vector<16xi32>,
          %add3A_135 = vector.broadcast %mul3A_67 : i32 to vector<16xi32>
          %add3A_136 = arith.addi %get3A_134, %add3A_135 : vector<16xi32>
          %mul3A_137 = arith.constant 16 : i32
          %mul3A_138 = arith.muli %scan3A_128, %mul3A_137 : i32
          %swap3A = arith.index_cast %mul3A_138 : i32 to index
          %swap3A_139 = tpu.vector_load %arg19[%swap3A] {strides = array<i32>} : memref<640xi32, #tpu.memory_space<vmem>>, vector<16xi32>,
          tpu.vector_store %arg19[%swap3A], %add3A_136 {strides = array<i32>} : memref<640xi32, #tpu.memory_space<vmem>>, vector<16xi32>,
          %mul3A_140 = arith.constant 16 : i32
          %mul3A_141 = arith.muli %scan3A_128, %mul3A_140 : i32
          %get3A_142 = arith.constant 1 : i32
          %get3A_143 = arith.index_cast %get3A_142 : i32 to index
          %get3A_144 = arith.index_cast %mul3A_141 : i32 to index
          %get3A_145 = tpu.vector_load %arg17[%get3A_143, %get3A_144] {strides = array<i32>} : memref<2x640xi32, #tpu.memory_space<vmem>>, vector<16xi32>,
          %add3A_146 = vector.broadcast %mul3A_67 : i32 to vector<16xi32>
          %add3A_147 = arith.addi %get3A_145, %add3A_146 : vector<16xi32>
          %mul3A_148 = arith.constant 16 : i32
          %mul3A_149 = arith.muli %scan3A_128, %mul3A_148 : i32
          %swap3A_150 = arith.index_cast %mul3A_149 : i32 to index
          %swap3A_151 = tpu.vector_load %arg20[%swap3A_150] {strides = array<i32>} : memref<640xi32, #tpu.memory_space<vmem>>, vector<16xi32>,
          tpu.vector_store %arg20[%swap3A_150], %add3A_147 {strides = array<i32>} : memref<640xi32, #tpu.memory_space<vmem>>, vector<16xi32>,
        }
        %scan3A_73 = arith.constant 40 : i32
        %dma_wait3A_74 = arith.constant 0 : i32
        %dma_wait3A_75 = tpu.memref_slice %arg4[%dma_wait3A_74] : memref<200704xf32, #tpu.memory_space<hbm>> -> memref<200704xf32, #tpu.memory_space<hbm>>
        tpu.wait_indirect_dma semaphore(%arg26 : memref<!tpu.dma_semaphore, #tpu.memory_space<semaphore_mem>>) src(%dma_wait3A_75 : memref<200704xf32, #tpu.memory_space<hbm>>) dst(%arg14 : memref<640xf32, #tpu.memory_space<vmem>>)
        %dma_wait3A_76 = arith.constant 0 : i32
        %dma_wait3A_77 = tpu.memref_slice %arg5[%dma_wait3A_76] : memref<200704xf32, #tpu.memory_space<hbm>> -> memref<200704xf32, #tpu.memory_space<hbm>>
        tpu.wait_indirect_dma semaphore(%arg26 : memref<!tpu.dma_semaphore, #tpu.memory_space<semaphore_mem>>) src(%dma_wait3A_77 : memref<200704xf32, #tpu.memory_space<hbm>>) dst(%arg15 : memref<640xf32, #tpu.memory_space<vmem>>)
        %dma_wait3A_78 = arith.constant 0 : i32
        %dma_wait3A_79 = arith.constant 0 : i32
        %dma_wait3A_80 = tpu.memref_slice %arg6[%dma_wait3A_78, %dma_wait3A_79] : memref<200704x16xf32, #tpu.memory_space<hbm>> -> memref<200704x16xf32, #tpu.memory_space<hbm>>
        tpu.wait_indirect_dma semaphore(%arg26 : memref<!tpu.dma_semaphore, #tpu.memory_space<semaphore_mem>>) src(%dma_wait3A_80 : memref<200704x16xf32, #tpu.memory_space<hbm>>) dst(%arg16 : memref<640x16xf32, #tpu.memory_space<vmem>>)
        %dma_start3A_81 = arith.constant 0 : i32
        %dma_start3A_82 = tpu.memref_slice %arg4[%dma_start3A_81] : memref<200704xf32, #tpu.memory_space<hbm>> -> memref<200704xf32, #tpu.memory_space<hbm>>
        tpu.enqueue_indirect_dma source(%dma_start3A_82 : memref<200704xf32, #tpu.memory_space<hbm>>) target(%arg21 : memref<640xf32, #tpu.memory_space<vmem>>) offsets(%arg19 : memref<640xi32, #tpu.memory_space<vmem>>) semaphore(%arg26 : memref<!tpu.dma_semaphore, #tpu.memory_space<semaphore_mem>>)
        %dma_start3A_83 = arith.constant 0 : i32
        %dma_start3A_84 = tpu.memref_slice %arg5[%dma_start3A_83] : memref<200704xf32, #tpu.memory_space<hbm>> -> memref<200704xf32, #tpu.memory_space<hbm>>
        tpu.enqueue_indirect_dma source(%dma_start3A_84 : memref<200704xf32, #tpu.memory_space<hbm>>) target(%arg22 : memref<640xf32, #tpu.memory_space<vmem>>) offsets(%arg20 : memref<640xi32, #tpu.memory_space<vmem>>) semaphore(%arg26 : memref<!tpu.dma_semaphore, #tpu.memory_space<semaphore_mem>>)
        %dma_start3A_85 = arith.constant 0 : i32
        %dma_start3A_86 = arith.constant 0 : i32
        %dma_start3A_87 = tpu.memref_slice %arg6[%dma_start3A_85, %dma_start3A_86] : memref<200704x16xf32, #tpu.memory_space<hbm>> -> memref<200704x16xf32, #tpu.memory_space<hbm>>
        tpu.enqueue_indirect_dma source(%dma_start3A_87 : memref<200704x16xf32, #tpu.memory_space<hbm>>) target(%arg23 : memref<640x16xf32, #tpu.memory_space<vmem>>) offsets(%arg19 : memref<640xi32, #tpu.memory_space<vmem>>) semaphore(%arg26 : memref<!tpu.dma_semaphore, #tpu.memory_space<semaphore_mem>>)
        %get3A = arith.constant 0 : index
        %get3A_88 = tpu.vector_load %arg24[%get3A] {strides = array<i32>} : memref<16xf32, #tpu.memory_space<vmem>>, vector<16xf32>,
        %scan3A_89 = arith.constant 0 : i32
        %scan3A_90 = arith.constant 0 : i32
        %scan3A_91 = arith.constant 40 : i32
        %scan3A_92 = arith.addi %scan3A_90, %scan3A_91 : i32
        %scan3A_93 = arith.constant 1 : i32
        scf.for %scan3A_128 = %scan3A_90 to %scan3A_92 step %scan3A_93  : i32 {
          %iota3A = tpu.iota {dimensions = array<i32: 0>} : vector<16xi32>
          %mul3A_129 = arith.constant 16 : i32
          %mul3A_130 = arith.muli %scan3A_128, %mul3A_129 : i32
          %add3A_131 = vector.broadcast %mul3A_130 : i32 to vector<16xi32>
          %add3A_132 = arith.addi %iota3A, %add3A_131 : vector<16xi32>
          %mul3A_133 = arith.constant 16 : i32
          %mul3A_134 = arith.muli %scan3A_128, %mul3A_133 : i32
          %get3A_135 = arith.index_cast %mul3A_134 : i32 to index
          %get3A_136 = tpu.vector_load %arg14[%get3A_135] {strides = array<i32>} : memref<640xf32, #tpu.memory_space<vmem>>, vector<16xf32>,
          %mul3A_137 = arith.constant 16 : i32
          %mul3A_138 = arith.muli %scan3A_128, %mul3A_137 : i32
          %get3A_139 = arith.index_cast %mul3A_138 : i32 to index
          %get3A_140 = tpu.vector_load %arg15[%get3A_139] {strides = array<i32>} : memref<640xf32, #tpu.memory_space<vmem>>, vector<16xf32>,
          %add3A_141 = arith.addf %get3A_136, %get3A_140 : vector<16xf32>
          %mul3A_142 = arith.constant 16 : i32
          %mul3A_143 = arith.muli %scan3A_128, %mul3A_142 : i32
          %get3A_144 = arith.index_cast %mul3A_143 : i32 to index
          %get3A_145 = tpu.vector_load %arg11[%get3A_144] {strides = array<i32>} : memref<640xf32, #tpu.memory_space<vmem>>, vector<16xf32>,
          %add3A_146 = arith.addf %add3A_141, %get3A_145 : vector<16xf32>
          %mul3A_147 = arith.constant 2.000000e-01 : f32
          %mul3A_148 = vector.broadcast %mul3A_147 : f32 to vector<16xf32>
          %mul3A_149 = arith.mulf %mul3A_148, %add3A_146 : vector<16xf32>
          %max3A = arith.maximumf %add3A_146, %mul3A_149 : vector<16xf32>
          %sub3A = arith.subf %max3A, %get3A_88 : vector<16xf32>
          %exp3A = math.exp %sub3A : vector<16xf32>
          %broadcast_in_dim3A = arith.constant 0 : i32
          %broadcast_in_dim3A_150 = vector.broadcast %broadcast_in_dim3A : i32 to vector<16xi32>
          %gather3A = tpu.vector_load_idx %arg16[%add3A_132, %broadcast_in_dim3A_150] : memref<640x16xf32, #tpu.memory_space<vmem>>[vector<16xi32>, vector<16xi32>], vector<16xf32>,
          %mul3A_151 = arith.mulf %gather3A, %exp3A : vector<16xf32>
          tpu.vector_store_idx %arg25[%add3A_132, %broadcast_in_dim3A_150], %mul3A_151 : memref<640x24xf32, #tpu.memory_space<vmem>>[vector<16xi32>, vector<16xi32>], vector<16xf32>,
          %broadcast_in_dim3A_152 = arith.constant 1 : i32
          %broadcast_in_dim3A_153 = vector.broadcast %broadcast_in_dim3A_152 : i32 to vector<16xi32>
          %gather3A_154 = tpu.vector_load_idx %arg16[%add3A_132, %broadcast_in_dim3A_153] : memref<640x16xf32, #tpu.memory_space<vmem>>[vector<16xi32>, vector<16xi32>], vector<16xf32>,
          %mul3A_155 = arith.mulf %gather3A_154, %exp3A : vector<16xf32>
          tpu.vector_store_idx %arg25[%add3A_132, %broadcast_in_dim3A_153], %mul3A_155 : memref<640x24xf32, #tpu.memory_space<vmem>>[vector<16xi32>, vector<16xi32>], vector<16xf32>,
          %broadcast_in_dim3A_156 = arith.constant 2 : i32
          %broadcast_in_dim3A_157 = vector.broadcast %broadcast_in_dim3A_156 : i32 to vector<16xi32>
          %gather3A_158 = tpu.vector_load_idx %arg16[%add3A_132, %broadcast_in_dim3A_157] : memref<640x16xf32, #tpu.memory_space<vmem>>[vector<16xi32>, vector<16xi32>], vector<16xf32>,
          %mul3A_159 = arith.mulf %gather3A_158, %exp3A : vector<16xf32>
          tpu.vector_store_idx %arg25[%add3A_132, %broadcast_in_dim3A_157], %mul3A_159 : memref<640x24xf32, #tpu.memory_space<vmem>>[vector<16xi32>, vector<16xi32>], vector<16xf32>,
          %broadcast_in_dim3A_160 = arith.constant 3 : i32
          %broadcast_in_dim3A_161 = vector.broadcast %broadcast_in_dim3A_160 : i32 to vector<16xi32>
          %gather3A_162 = tpu.vector_load_idx %arg16[%add3A_132, %broadcast_in_dim3A_161] : memref<640x16xf32, #tpu.memory_space<vmem>>[vector<16xi32>, vector<16xi32>], vector<16xf32>,
          %mul3A_163 = arith.mulf %gather3A_162, %exp3A : vector<16xf32>
          tpu.vector_store_idx %arg25[%add3A_132, %broadcast_in_dim3A_161], %mul3A_163 : memref<640x24xf32, #tpu.memory_space<vmem>>[vector<16xi32>, vector<16xi32>], vector<16xf32>,
          %broadcast_in_dim3A_164 = arith.constant 4 : i32
          %broadcast_in_dim3A_165 = vector.broadcast %broadcast_in_dim3A_164 : i32 to vector<16xi32>
          %gather3A_166 = tpu.vector_load_idx %arg16[%add3A_132, %broadcast_in_dim3A_165] : memref<640x16xf32, #tpu.memory_space<vmem>>[vector<16xi32>, vector<16xi32>], vector<16xf32>,
          %mul3A_167 = arith.mulf %gather3A_166, %exp3A : vector<16xf32>
          tpu.vector_store_idx %arg25[%add3A_132, %broadcast_in_dim3A_165], %mul3A_167 : memref<640x24xf32, #tpu.memory_space<vmem>>[vector<16xi32>, vector<16xi32>], vector<16xf32>,
          %broadcast_in_dim3A_168 = arith.constant 5 : i32
          %broadcast_in_dim3A_169 = vector.broadcast %broadcast_in_dim3A_168 : i32 to vector<16xi32>
          %gather3A_170 = tpu.vector_load_idx %arg16[%add3A_132, %broadcast_in_dim3A_169] : memref<640x16xf32, #tpu.memory_space<vmem>>[vector<16xi32>, vector<16xi32>], vector<16xf32>,
          %mul3A_171 = arith.mulf %gather3A_170, %exp3A : vector<16xf32>
          tpu.vector_store_idx %arg25[%add3A_132, %broadcast_in_dim3A_169], %mul3A_171 : memref<640x24xf32, #tpu.memory_space<vmem>>[vector<16xi32>, vector<16xi32>], vector<16xf32>,
          %broadcast_in_dim3A_172 = arith.constant 6 : i32
          %broadcast_in_dim3A_173 = vector.broadcast %broadcast_in_dim3A_172 : i32 to vector<16xi32>
          %gather3A_174 = tpu.vector_load_idx %arg16[%add3A_132, %broadcast_in_dim3A_173] : memref<640x16xf32, #tpu.memory_space<vmem>>[vector<16xi32>, vector<16xi32>], vector<16xf32>,
          %mul3A_175 = arith.mulf %gather3A_174, %exp3A : vector<16xf32>
          tpu.vector_store_idx %arg25[%add3A_132, %broadcast_in_dim3A_173], %mul3A_175 : memref<640x24xf32, #tpu.memory_space<vmem>>[vector<16xi32>, vector<16xi32>], vector<16xf32>,
          %broadcast_in_dim3A_176 = arith.constant 7 : i32
          %broadcast_in_dim3A_177 = vector.broadcast %broadcast_in_dim3A_176 : i32 to vector<16xi32>
          %gather3A_178 = tpu.vector_load_idx %arg16[%add3A_132, %broadcast_in_dim3A_177] : memref<640x16xf32, #tpu.memory_space<vmem>>[vector<16xi32>, vector<16xi32>], vector<16xf32>,
          %mul3A_179 = arith.mulf %gather3A_178, %exp3A : vector<16xf32>
          tpu.vector_store_idx %arg25[%add3A_132, %broadcast_in_dim3A_177], %mul3A_179 : memref<640x24xf32, #tpu.memory_space<vmem>>[vector<16xi32>, vector<16xi32>], vector<16xf32>,
          %broadcast_in_dim3A_180 = arith.constant 8 : i32
          %broadcast_in_dim3A_181 = vector.broadcast %broadcast_in_dim3A_180 : i32 to vector<16xi32>
          %gather3A_182 = tpu.vector_load_idx %arg16[%add3A_132, %broadcast_in_dim3A_181] : memref<640x16xf32, #tpu.memory_space<vmem>>[vector<16xi32>, vector<16xi32>], vector<16xf32>,
          %mul3A_183 = arith.mulf %gather3A_182, %exp3A : vector<16xf32>
          tpu.vector_store_idx %arg25[%add3A_132, %broadcast_in_dim3A_181], %mul3A_183 : memref<640x24xf32, #tpu.memory_space<vmem>>[vector<16xi32>, vector<16xi32>], vector<16xf32>,
          %broadcast_in_dim3A_184 = arith.constant 9 : i32
          %broadcast_in_dim3A_185 = vector.broadcast %broadcast_in_dim3A_184 : i32 to vector<16xi32>
          %gather3A_186 = tpu.vector_load_idx %arg16[%add3A_132, %broadcast_in_dim3A_185] : memref<640x16xf32, #tpu.memory_space<vmem>>[vector<16xi32>, vector<16xi32>], vector<16xf32>,
          %mul3A_187 = arith.mulf %gather3A_186, %exp3A : vector<16xf32>
          tpu.vector_store_idx %arg25[%add3A_132, %broadcast_in_dim3A_185], %mul3A_187 : memref<640x24xf32, #tpu.memory_space<vmem>>[vector<16xi32>, vector<16xi32>], vector<16xf32>,
          %broadcast_in_dim3A_188 = arith.constant 10 : i32
          %broadcast_in_dim3A_189 = vector.broadcast %broadcast_in_dim3A_188 : i32 to vector<16xi32>
          %gather3A_190 = tpu.vector_load_idx %arg16[%add3A_132, %broadcast_in_dim3A_189] : memref<640x16xf32, #tpu.memory_space<vmem>>[vector<16xi32>, vector<16xi32>], vector<16xf32>,
          %mul3A_191 = arith.mulf %gather3A_190, %exp3A : vector<16xf32>
          tpu.vector_store_idx %arg25[%add3A_132, %broadcast_in_dim3A_189], %mul3A_191 : memref<640x24xf32, #tpu.memory_space<vmem>>[vector<16xi32>, vector<16xi32>], vector<16xf32>,
          %broadcast_in_dim3A_192 = arith.constant 11 : i32
          %broadcast_in_dim3A_193 = vector.broadcast %broadcast_in_dim3A_192 : i32 to vector<16xi32>
          %gather3A_194 = tpu.vector_load_idx %arg16[%add3A_132, %broadcast_in_dim3A_193] : memref<640x16xf32, #tpu.memory_space<vmem>>[vector<16xi32>, vector<16xi32>], vector<16xf32>,
          %mul3A_195 = arith.mulf %gather3A_194, %exp3A : vector<16xf32>
          tpu.vector_store_idx %arg25[%add3A_132, %broadcast_in_dim3A_193], %mul3A_195 : memref<640x24xf32, #tpu.memory_space<vmem>>[vector<16xi32>, vector<16xi32>], vector<16xf32>,
          %broadcast_in_dim3A_196 = arith.constant 12 : i32
          %broadcast_in_dim3A_197 = vector.broadcast %broadcast_in_dim3A_196 : i32 to vector<16xi32>
          %gather3A_198 = tpu.vector_load_idx %arg16[%add3A_132, %broadcast_in_dim3A_197] : memref<640x16xf32, #tpu.memory_space<vmem>>[vector<16xi32>, vector<16xi32>], vector<16xf32>,
          %mul3A_199 = arith.mulf %gather3A_198, %exp3A : vector<16xf32>
          tpu.vector_store_idx %arg25[%add3A_132, %broadcast_in_dim3A_197], %mul3A_199 : memref<640x24xf32, #tpu.memory_space<vmem>>[vector<16xi32>, vector<16xi32>], vector<16xf32>,
          %broadcast_in_dim3A_200 = arith.constant 13 : i32
          %broadcast_in_dim3A_201 = vector.broadcast %broadcast_in_dim3A_200 : i32 to vector<16xi32>
          %gather3A_202 = tpu.vector_load_idx %arg16[%add3A_132, %broadcast_in_dim3A_201] : memref<640x16xf32, #tpu.memory_space<vmem>>[vector<16xi32>, vector<16xi32>], vector<16xf32>,
          %mul3A_203 = arith.mulf %gather3A_202, %exp3A : vector<16xf32>
          tpu.vector_store_idx %arg25[%add3A_132, %broadcast_in_dim3A_201], %mul3A_203 : memref<640x24xf32, #tpu.memory_space<vmem>>[vector<16xi32>, vector<16xi32>], vector<16xf32>,
          %broadcast_in_dim3A_204 = arith.constant 14 : i32
          %broadcast_in_dim3A_205 = vector.broadcast %broadcast_in_dim3A_204 : i32 to vector<16xi32>
          %gather3A_206 = tpu.vector_load_idx %arg16[%add3A_132, %broadcast_in_dim3A_205] : memref<640x16xf32, #tpu.memory_space<vmem>>[vector<16xi32>, vector<16xi32>], vector<16xf32>,
          %mul3A_207 = arith.mulf %gather3A_206, %exp3A : vector<16xf32>
          tpu.vector_store_idx %arg25[%add3A_132, %broadcast_in_dim3A_205], %mul3A_207 : memref<640x24xf32, #tpu.memory_space<vmem>>[vector<16xi32>, vector<16xi32>], vector<16xf32>,
          %broadcast_in_dim3A_208 = arith.constant 15 : i32
          %broadcast_in_dim3A_209 = vector.broadcast %broadcast_in_dim3A_208 : i32 to vector<16xi32>
          %gather3A_210 = tpu.vector_load_idx %arg16[%add3A_132, %broadcast_in_dim3A_209] : memref<640x16xf32, #tpu.memory_space<vmem>>[vector<16xi32>, vector<16xi32>], vector<16xf32>,
          %mul3A_211 = arith.mulf %gather3A_210, %exp3A : vector<16xf32>
          tpu.vector_store_idx %arg25[%add3A_132, %broadcast_in_dim3A_209], %mul3A_211 : memref<640x24xf32, #tpu.memory_space<vmem>>[vector<16xi32>, vector<16xi32>], vector<16xf32>,
          %broadcast_in_dim3A_212 = arith.constant 16 : i32
          %broadcast_in_dim3A_213 = vector.broadcast %broadcast_in_dim3A_212 : i32 to vector<16xi32>
          tpu.vector_store_idx %arg25[%add3A_132, %broadcast_in_dim3A_213], %exp3A : memref<640x24xf32, #tpu.memory_space<vmem>>[vector<16xi32>, vector<16xi32>], vector<16xf32>,
        }
        %scan3A_94 = arith.constant 40 : i32
        %run_scoped3A = arith.constant 1 : i32
        "tpu.region"() ({
          %run_scoped3A_128 = tpu.sem_alloc : memref<!tpu.dma_semaphore, #tpu.memory_space<semaphore_mem>>
          %dma_start3A_129 = arith.constant 0 : i32
          %dma_start3A_130 = tpu.memref_slice %arg10[%run_scoped3A, %dma_start3A_129] : memref<2x640xi32, #tpu.memory_space<vmem>> -> memref<1x640xi32, #tpu.memory_space<vmem>>
          %dma_start3A_131 = tpu.memref_squeeze %dma_start3A_130 : memref<1x640xi32, #tpu.memory_space<vmem>> -> memref<640xi32, #tpu.memory_space<vmem>>
          %dma_start3A_132 = arith.constant 0 : i32
          %dma_start3A_133 = arith.constant 0 : i32
          %dma_start3A_134 = tpu.memref_slice %arg27[%dma_start3A_132, %dma_start3A_133] : memref<50176x24xf32, #tpu.memory_space<vmem_shared>> -> memref<50176x24xf32, #tpu.memory_space<vmem_shared>>
          tpu.enqueue_indirect_dma source(%arg25 : memref<640x24xf32, #tpu.memory_space<vmem>>) target(%dma_start3A_134 : memref<50176x24xf32, #tpu.memory_space<vmem_shared>>) offsets(%dma_start3A_131 : memref<640xi32, #tpu.memory_space<vmem>>) semaphore(%run_scoped3A_128 : memref<!tpu.dma_semaphore, #tpu.memory_space<semaphore_mem>>) {add = true}
          %dma_wait3A_135 = arith.constant 0 : i32
          %dma_wait3A_136 = tpu.memref_slice %arg10[%run_scoped3A, %dma_wait3A_135] : memref<2x640xi32, #tpu.memory_space<vmem>> -> memref<1x640xi32, #tpu.memory_space<vmem>>
          %dma_wait3A_137 = tpu.memref_squeeze %dma_wait3A_136 : memref<1x640xi32, #tpu.memory_space<vmem>> -> memref<640xi32, #tpu.memory_space<vmem>>
          %dma_wait3A_138 = arith.constant 0 : i32
          %dma_wait3A_139 = arith.constant 0 : i32
          %dma_wait3A_140 = tpu.memref_slice %arg27[%dma_wait3A_138, %dma_wait3A_139] : memref<50176x24xf32, #tpu.memory_space<vmem_shared>> -> memref<50176x24xf32, #tpu.memory_space<vmem_shared>>
          tpu.wait_indirect_dma semaphore(%run_scoped3A_128 : memref<!tpu.dma_semaphore, #tpu.memory_space<semaphore_mem>>) src(%arg25 : memref<640x24xf32, #tpu.memory_space<vmem>>) dst(%dma_wait3A_140 : memref<50176x24xf32, #tpu.memory_space<vmem_shared>>)
          tpu.yield
        }) : () -> ()
        "tpu.region"() ({
          %run_scoped3A_128 = tpu.sem_alloc : memref<!tpu.dma_semaphore, #tpu.memory_space<semaphore_mem>>
          %dma_start3A_129 = arith.constant 0 : i32
          %dma_start3A_130 = tpu.memref_slice %arg2[%dma_start3A_129, %min3A_63] : memref<2x819200xi32, #tpu.memory_space<hbm>> -> memref<2x640xi32, #tpu.memory_space<hbm>>
          %dma_start3A_131 = arith.constant 0 : i32
          %dma_start3A_132 = tpu.memref_slice %arg2[%dma_start3A_131, %min3A_63] : memref<2x819200xi32, #tpu.memory_space<hbm>> -> memref<2x640xi32, #tpu.memory_space<hbm>>
          tpu.enqueue_dma source(%dma_start3A_132 : memref<2x640xi32, #tpu.memory_space<hbm>>) target(%arg10 : memref<2x640xi32, #tpu.memory_space<vmem>>) target_semaphore(%run_scoped3A_128 : memref<!tpu.dma_semaphore, #tpu.memory_space<semaphore_mem>>)
          %dma_wait3A_133 = arith.constant 0 : i32
          %dma_wait3A_134 = tpu.memref_slice %arg2[%dma_wait3A_133, %min3A_63] : memref<2x819200xi32, #tpu.memory_space<hbm>> -> memref<2x640xi32, #tpu.memory_space<hbm>>
          %dma_wait3A_135 = arith.constant 0 : i32
          %dma_wait3A_136 = tpu.memref_slice %arg2[%dma_wait3A_135, %min3A_63] : memref<2x819200xi32, #tpu.memory_space<hbm>> -> memref<2x640xi32, #tpu.memory_space<hbm>>
          tpu.wait_dma2 semaphore(%run_scoped3A_128 : memref<!tpu.dma_semaphore, #tpu.memory_space<semaphore_mem>>) src(%dma_wait3A_136 : memref<2x640xi32, #tpu.memory_space<hbm>>) dst(%arg10 : memref<2x640xi32, #tpu.memory_space<vmem>>)
          tpu.yield
        }) : () -> ()
        %add3A_95 = arith.constant 4 : i32
        %add3A_96 = arith.addi %add3A_95, %scan3A_8 : i32
        "tpu.region"() ({
          %run_scoped3A_128 = tpu.sem_alloc : memref<!tpu.dma_semaphore, #tpu.memory_space<semaphore_mem>>
          %dma_start3A_129 = tpu.memref_slice %arg3[%add3A_96, %min3A_63] : memref<8x819200xf32, #tpu.memory_space<hbm>> -> memref<1x640xf32, #tpu.memory_space<hbm>>
          %dma_start3A_130 = tpu.memref_squeeze %dma_start3A_129 : memref<1x640xf32, #tpu.memory_space<hbm>> -> memref<640xf32, #tpu.memory_space<hbm>>
          %dma_start3A_131 = tpu.memref_slice %arg3[%add3A_96, %min3A_63] : memref<8x819200xf32, #tpu.memory_space<hbm>> -> memref<1x640xf32, #tpu.memory_space<hbm>>
          %dma_start3A_132 = tpu.memref_squeeze %dma_start3A_131 : memref<1x640xf32, #tpu.memory_space<hbm>> -> memref<640xf32, #tpu.memory_space<hbm>>
          tpu.enqueue_dma source(%dma_start3A_132 : memref<640xf32, #tpu.memory_space<hbm>>) target(%arg11 : memref<640xf32, #tpu.memory_space<vmem>>) target_semaphore(%run_scoped3A_128 : memref<!tpu.dma_semaphore, #tpu.memory_space<semaphore_mem>>)
          %dma_wait3A_133 = tpu.memref_slice %arg3[%add3A_96, %min3A_63] : memref<8x819200xf32, #tpu.memory_space<hbm>> -> memref<1x640xf32, #tpu.memory_space<hbm>>
          %dma_wait3A_134 = tpu.memref_squeeze %dma_wait3A_133 : memref<1x640xf32, #tpu.memory_space<hbm>> -> memref<640xf32, #tpu.memory_space<hbm>>
          %dma_wait3A_135 = tpu.memref_slice %arg3[%add3A_96, %min3A_63] : memref<8x819200xf32, #tpu.memory_space<hbm>> -> memref<1x640xf32, #tpu.memory_space<hbm>>
          %dma_wait3A_136 = tpu.memref_squeeze %dma_wait3A_135 : memref<1x640xf32, #tpu.memory_space<hbm>> -> memref<640xf32, #tpu.memory_space<hbm>>
          tpu.wait_dma2 semaphore(%run_scoped3A_128 : memref<!tpu.dma_semaphore, #tpu.memory_space<semaphore_mem>>) src(%dma_wait3A_136 : memref<640xf32, #tpu.memory_space<hbm>>) dst(%arg11 : memref<640xf32, #tpu.memory_space<vmem>>)
          tpu.yield
        }) : () -> ()
        %mul3A_97 = arith.constant 50176 : i32
        %mul3A_98 = arith.muli %scan3A_8, %mul3A_97 : i32
        %scan3A_99 = arith.constant 0 : i32
        %scan3A_100 = arith.constant 0 : i32
        %scan3A_101 = arith.constant 40 : i32
        %scan3A_102 = arith.addi %scan3A_100, %scan3A_101 : i32
        %scan3A_103 = arith.constant 1 : i32
        scf.for %scan3A_128 = %scan3A_100 to %scan3A_102 step %scan3A_103  : i32 {
          %mul3A_129 = arith.constant 16 : i32
          %mul3A_130 = arith.muli %scan3A_128, %mul3A_129 : i32
          %get3A_131 = arith.constant 0 : i32
          %get3A_132 = arith.index_cast %get3A_131 : i32 to index
          %get3A_133 = arith.index_cast %mul3A_130 : i32 to index
          %get3A_134 = tpu.vector_load %arg10[%get3A_132, %get3A_133] {strides = array<i32>} : memref<2x640xi32, #tpu.memory_space<vmem>>, vector<16xi32>,
          %add3A_135 = vector.broadcast %mul3A_98 : i32 to vector<16xi32>
          %add3A_136 = arith.addi %get3A_134, %add3A_135 : vector<16xi32>
          %mul3A_137 = arith.constant 16 : i32
          %mul3A_138 = arith.muli %scan3A_128, %mul3A_137 : i32
          %swap3A = arith.index_cast %mul3A_138 : i32 to index
          %swap3A_139 = tpu.vector_load %arg12[%swap3A] {strides = array<i32>} : memref<640xi32, #tpu.memory_space<vmem>>, vector<16xi32>,
          tpu.vector_store %arg12[%swap3A], %add3A_136 {strides = array<i32>} : memref<640xi32, #tpu.memory_space<vmem>>, vector<16xi32>,
          %mul3A_140 = arith.constant 16 : i32
          %mul3A_141 = arith.muli %scan3A_128, %mul3A_140 : i32
          %get3A_142 = arith.constant 1 : i32
          %get3A_143 = arith.index_cast %get3A_142 : i32 to index
          %get3A_144 = arith.index_cast %mul3A_141 : i32 to index
          %get3A_145 = tpu.vector_load %arg10[%get3A_143, %get3A_144] {strides = array<i32>} : memref<2x640xi32, #tpu.memory_space<vmem>>, vector<16xi32>,
          %add3A_146 = vector.broadcast %mul3A_98 : i32 to vector<16xi32>
          %add3A_147 = arith.addi %get3A_145, %add3A_146 : vector<16xi32>
          %mul3A_148 = arith.constant 16 : i32
          %mul3A_149 = arith.muli %scan3A_128, %mul3A_148 : i32
          %swap3A_150 = arith.index_cast %mul3A_149 : i32 to index
          %swap3A_151 = tpu.vector_load %arg13[%swap3A_150] {strides = array<i32>} : memref<640xi32, #tpu.memory_space<vmem>>, vector<16xi32>,
          tpu.vector_store %arg13[%swap3A_150], %add3A_147 {strides = array<i32>} : memref<640xi32, #tpu.memory_space<vmem>>, vector<16xi32>,
        }
        %scan3A_104 = arith.constant 40 : i32
        %dma_wait3A_105 = arith.constant 0 : i32
        %dma_wait3A_106 = tpu.memref_slice %arg4[%dma_wait3A_105] : memref<200704xf32, #tpu.memory_space<hbm>> -> memref<200704xf32, #tpu.memory_space<hbm>>
        tpu.wait_indirect_dma semaphore(%arg26 : memref<!tpu.dma_semaphore, #tpu.memory_space<semaphore_mem>>) src(%dma_wait3A_106 : memref<200704xf32, #tpu.memory_space<hbm>>) dst(%arg21 : memref<640xf32, #tpu.memory_space<vmem>>)
        %dma_wait3A_107 = arith.constant 0 : i32
        %dma_wait3A_108 = tpu.memref_slice %arg5[%dma_wait3A_107] : memref<200704xf32, #tpu.memory_space<hbm>> -> memref<200704xf32, #tpu.memory_space<hbm>>
        tpu.wait_indirect_dma semaphore(%arg26 : memref<!tpu.dma_semaphore, #tpu.memory_space<semaphore_mem>>) src(%dma_wait3A_108 : memref<200704xf32, #tpu.memory_space<hbm>>) dst(%arg22 : memref<640xf32, #tpu.memory_space<vmem>>)
        %dma_wait3A_109 = arith.constant 0 : i32
        %dma_wait3A_110 = arith.constant 0 : i32
        %dma_wait3A_111 = tpu.memref_slice %arg6[%dma_wait3A_109, %dma_wait3A_110] : memref<200704x16xf32, #tpu.memory_space<hbm>> -> memref<200704x16xf32, #tpu.memory_space<hbm>>
        tpu.wait_indirect_dma semaphore(%arg26 : memref<!tpu.dma_semaphore, #tpu.memory_space<semaphore_mem>>) src(%dma_wait3A_111 : memref<200704x16xf32, #tpu.memory_space<hbm>>) dst(%arg23 : memref<640x16xf32, #tpu.memory_space<vmem>>)
        %dma_start3A_112 = arith.constant 0 : i32
        %dma_start3A_113 = tpu.memref_slice %arg4[%dma_start3A_112] : memref<200704xf32, #tpu.memory_space<hbm>> -> memref<200704xf32, #tpu.memory_space<hbm>>
        tpu.enqueue_indirect_dma source(%dma_start3A_113 : memref<200704xf32, #tpu.memory_space<hbm>>) target(%arg14 : memref<640xf32, #tpu.memory_space<vmem>>) offsets(%arg12 : memref<640xi32, #tpu.memory_space<vmem>>) semaphore(%arg26 : memref<!tpu.dma_semaphore, #tpu.memory_space<semaphore_mem>>)
        %dma_start3A_114 = arith.constant 0 : i32
        %dma_start3A_115 = tpu.memref_slice %arg5[%dma_start3A_114] : memref<200704xf32, #tpu.memory_space<hbm>> -> memref<200704xf32, #tpu.memory_space<hbm>>
        tpu.enqueue_indirect_dma source(%dma_start3A_115 : memref<200704xf32, #tpu.memory_space<hbm>>) target(%arg15 : memref<640xf32, #tpu.memory_space<vmem>>) offsets(%arg13 : memref<640xi32, #tpu.memory_space<vmem>>) semaphore(%arg26 : memref<!tpu.dma_semaphore, #tpu.memory_space<semaphore_mem>>)
        %dma_start3A_116 = arith.constant 0 : i32
        %dma_start3A_117 = arith.constant 0 : i32
        %dma_start3A_118 = tpu.memref_slice %arg6[%dma_start3A_116, %dma_start3A_117] : memref<200704x16xf32, #tpu.memory_space<hbm>> -> memref<200704x16xf32, #tpu.memory_space<hbm>>
        tpu.enqueue_indirect_dma source(%dma_start3A_118 : memref<200704x16xf32, #tpu.memory_space<hbm>>) target(%arg16 : memref<640x16xf32, #tpu.memory_space<vmem>>) offsets(%arg12 : memref<640xi32, #tpu.memory_space<vmem>>) semaphore(%arg26 : memref<!tpu.dma_semaphore, #tpu.memory_space<semaphore_mem>>)
        %get3A_119 = arith.constant 0 : index
        %get3A_120 = tpu.vector_load %arg24[%get3A_119] {strides = array<i32>} : memref<16xf32, #tpu.memory_space<vmem>>, vector<16xf32>,
        %scan3A_121 = arith.constant 0 : i32
        %scan3A_122 = arith.constant 0 : i32
        %scan3A_123 = arith.constant 40 : i32
        %scan3A_124 = arith.addi %scan3A_122, %scan3A_123 : i32
        %scan3A_125 = arith.constant 1 : i32
        scf.for %scan3A_128 = %scan3A_122 to %scan3A_124 step %scan3A_125  : i32 {
          %iota3A = tpu.iota {dimensions = array<i32: 0>} : vector<16xi32>
          %mul3A_129 = arith.constant 16 : i32
          %mul3A_130 = arith.muli %scan3A_128, %mul3A_129 : i32
          %add3A_131 = vector.broadcast %mul3A_130 : i32 to vector<16xi32>
          %add3A_132 = arith.addi %iota3A, %add3A_131 : vector<16xi32>
          %mul3A_133 = arith.constant 16 : i32
          %mul3A_134 = arith.muli %scan3A_128, %mul3A_133 : i32
          %get3A_135 = arith.index_cast %mul3A_134 : i32 to index
          %get3A_136 = tpu.vector_load %arg21[%get3A_135] {strides = array<i32>} : memref<640xf32, #tpu.memory_space<vmem>>, vector<16xf32>,
          %mul3A_137 = arith.constant 16 : i32
          %mul3A_138 = arith.muli %scan3A_128, %mul3A_137 : i32
          %get3A_139 = arith.index_cast %mul3A_138 : i32 to index
          %get3A_140 = tpu.vector_load %arg22[%get3A_139] {strides = array<i32>} : memref<640xf32, #tpu.memory_space<vmem>>, vector<16xf32>,
          %add3A_141 = arith.addf %get3A_136, %get3A_140 : vector<16xf32>
          %mul3A_142 = arith.constant 16 : i32
          %mul3A_143 = arith.muli %scan3A_128, %mul3A_142 : i32
          %get3A_144 = arith.index_cast %mul3A_143 : i32 to index
          %get3A_145 = tpu.vector_load %arg18[%get3A_144] {strides = array<i32>} : memref<640xf32, #tpu.memory_space<vmem>>, vector<16xf32>,
          %add3A_146 = arith.addf %add3A_141, %get3A_145 : vector<16xf32>
          %mul3A_147 = arith.constant 2.000000e-01 : f32
          %mul3A_148 = vector.broadcast %mul3A_147 : f32 to vector<16xf32>
          %mul3A_149 = arith.mulf %mul3A_148, %add3A_146 : vector<16xf32>
          %max3A = arith.maximumf %add3A_146, %mul3A_149 : vector<16xf32>
          %sub3A = arith.subf %max3A, %get3A_120 : vector<16xf32>
          %exp3A = math.exp %sub3A : vector<16xf32>
          %broadcast_in_dim3A = arith.constant 0 : i32
          %broadcast_in_dim3A_150 = vector.broadcast %broadcast_in_dim3A : i32 to vector<16xi32>
          %gather3A = tpu.vector_load_idx %arg23[%add3A_132, %broadcast_in_dim3A_150] : memref<640x16xf32, #tpu.memory_space<vmem>>[vector<16xi32>, vector<16xi32>], vector<16xf32>,
          %mul3A_151 = arith.mulf %gather3A, %exp3A : vector<16xf32>
          tpu.vector_store_idx %arg25[%add3A_132, %broadcast_in_dim3A_150], %mul3A_151 : memref<640x24xf32, #tpu.memory_space<vmem>>[vector<16xi32>, vector<16xi32>], vector<16xf32>,
          %broadcast_in_dim3A_152 = arith.constant 1 : i32
          %broadcast_in_dim3A_153 = vector.broadcast %broadcast_in_dim3A_152 : i32 to vector<16xi32>
          %gather3A_154 = tpu.vector_load_idx %arg23[%add3A_132, %broadcast_in_dim3A_153] : memref<640x16xf32, #tpu.memory_space<vmem>>[vector<16xi32>, vector<16xi32>], vector<16xf32>,
          %mul3A_155 = arith.mulf %gather3A_154, %exp3A : vector<16xf32>
          tpu.vector_store_idx %arg25[%add3A_132, %broadcast_in_dim3A_153], %mul3A_155 : memref<640x24xf32, #tpu.memory_space<vmem>>[vector<16xi32>, vector<16xi32>], vector<16xf32>,
          %broadcast_in_dim3A_156 = arith.constant 2 : i32
          %broadcast_in_dim3A_157 = vector.broadcast %broadcast_in_dim3A_156 : i32 to vector<16xi32>
          %gather3A_158 = tpu.vector_load_idx %arg23[%add3A_132, %broadcast_in_dim3A_157] : memref<640x16xf32, #tpu.memory_space<vmem>>[vector<16xi32>, vector<16xi32>], vector<16xf32>,
          %mul3A_159 = arith.mulf %gather3A_158, %exp3A : vector<16xf32>
          tpu.vector_store_idx %arg25[%add3A_132, %broadcast_in_dim3A_157], %mul3A_159 : memref<640x24xf32, #tpu.memory_space<vmem>>[vector<16xi32>, vector<16xi32>], vector<16xf32>,
          %broadcast_in_dim3A_160 = arith.constant 3 : i32
          %broadcast_in_dim3A_161 = vector.broadcast %broadcast_in_dim3A_160 : i32 to vector<16xi32>
          %gather3A_162 = tpu.vector_load_idx %arg23[%add3A_132, %broadcast_in_dim3A_161] : memref<640x16xf32, #tpu.memory_space<vmem>>[vector<16xi32>, vector<16xi32>], vector<16xf32>,
          %mul3A_163 = arith.mulf %gather3A_162, %exp3A : vector<16xf32>
          tpu.vector_store_idx %arg25[%add3A_132, %broadcast_in_dim3A_161], %mul3A_163 : memref<640x24xf32, #tpu.memory_space<vmem>>[vector<16xi32>, vector<16xi32>], vector<16xf32>,
          %broadcast_in_dim3A_164 = arith.constant 4 : i32
          %broadcast_in_dim3A_165 = vector.broadcast %broadcast_in_dim3A_164 : i32 to vector<16xi32>
          %gather3A_166 = tpu.vector_load_idx %arg23[%add3A_132, %broadcast_in_dim3A_165] : memref<640x16xf32, #tpu.memory_space<vmem>>[vector<16xi32>, vector<16xi32>], vector<16xf32>,
          %mul3A_167 = arith.mulf %gather3A_166, %exp3A : vector<16xf32>
          tpu.vector_store_idx %arg25[%add3A_132, %broadcast_in_dim3A_165], %mul3A_167 : memref<640x24xf32, #tpu.memory_space<vmem>>[vector<16xi32>, vector<16xi32>], vector<16xf32>,
          %broadcast_in_dim3A_168 = arith.constant 5 : i32
          %broadcast_in_dim3A_169 = vector.broadcast %broadcast_in_dim3A_168 : i32 to vector<16xi32>
          %gather3A_170 = tpu.vector_load_idx %arg23[%add3A_132, %broadcast_in_dim3A_169] : memref<640x16xf32, #tpu.memory_space<vmem>>[vector<16xi32>, vector<16xi32>], vector<16xf32>,
          %mul3A_171 = arith.mulf %gather3A_170, %exp3A : vector<16xf32>
          tpu.vector_store_idx %arg25[%add3A_132, %broadcast_in_dim3A_169], %mul3A_171 : memref<640x24xf32, #tpu.memory_space<vmem>>[vector<16xi32>, vector<16xi32>], vector<16xf32>,
          %broadcast_in_dim3A_172 = arith.constant 6 : i32
          %broadcast_in_dim3A_173 = vector.broadcast %broadcast_in_dim3A_172 : i32 to vector<16xi32>
          %gather3A_174 = tpu.vector_load_idx %arg23[%add3A_132, %broadcast_in_dim3A_173] : memref<640x16xf32, #tpu.memory_space<vmem>>[vector<16xi32>, vector<16xi32>], vector<16xf32>,
          %mul3A_175 = arith.mulf %gather3A_174, %exp3A : vector<16xf32>
          tpu.vector_store_idx %arg25[%add3A_132, %broadcast_in_dim3A_173], %mul3A_175 : memref<640x24xf32, #tpu.memory_space<vmem>>[vector<16xi32>, vector<16xi32>], vector<16xf32>,
          %broadcast_in_dim3A_176 = arith.constant 7 : i32
          %broadcast_in_dim3A_177 = vector.broadcast %broadcast_in_dim3A_176 : i32 to vector<16xi32>
          %gather3A_178 = tpu.vector_load_idx %arg23[%add3A_132, %broadcast_in_dim3A_177] : memref<640x16xf32, #tpu.memory_space<vmem>>[vector<16xi32>, vector<16xi32>], vector<16xf32>,
          %mul3A_179 = arith.mulf %gather3A_178, %exp3A : vector<16xf32>
          tpu.vector_store_idx %arg25[%add3A_132, %broadcast_in_dim3A_177], %mul3A_179 : memref<640x24xf32, #tpu.memory_space<vmem>>[vector<16xi32>, vector<16xi32>], vector<16xf32>,
          %broadcast_in_dim3A_180 = arith.constant 8 : i32
          %broadcast_in_dim3A_181 = vector.broadcast %broadcast_in_dim3A_180 : i32 to vector<16xi32>
          %gather3A_182 = tpu.vector_load_idx %arg23[%add3A_132, %broadcast_in_dim3A_181] : memref<640x16xf32, #tpu.memory_space<vmem>>[vector<16xi32>, vector<16xi32>], vector<16xf32>,
          %mul3A_183 = arith.mulf %gather3A_182, %exp3A : vector<16xf32>
          tpu.vector_store_idx %arg25[%add3A_132, %broadcast_in_dim3A_181], %mul3A_183 : memref<640x24xf32, #tpu.memory_space<vmem>>[vector<16xi32>, vector<16xi32>], vector<16xf32>,
          %broadcast_in_dim3A_184 = arith.constant 9 : i32
          %broadcast_in_dim3A_185 = vector.broadcast %broadcast_in_dim3A_184 : i32 to vector<16xi32>
          %gather3A_186 = tpu.vector_load_idx %arg23[%add3A_132, %broadcast_in_dim3A_185] : memref<640x16xf32, #tpu.memory_space<vmem>>[vector<16xi32>, vector<16xi32>], vector<16xf32>,
          %mul3A_187 = arith.mulf %gather3A_186, %exp3A : vector<16xf32>
          tpu.vector_store_idx %arg25[%add3A_132, %broadcast_in_dim3A_185], %mul3A_187 : memref<640x24xf32, #tpu.memory_space<vmem>>[vector<16xi32>, vector<16xi32>], vector<16xf32>,
          %broadcast_in_dim3A_188 = arith.constant 10 : i32
          %broadcast_in_dim3A_189 = vector.broadcast %broadcast_in_dim3A_188 : i32 to vector<16xi32>
          %gather3A_190 = tpu.vector_load_idx %arg23[%add3A_132, %broadcast_in_dim3A_189] : memref<640x16xf32, #tpu.memory_space<vmem>>[vector<16xi32>, vector<16xi32>], vector<16xf32>,
          %mul3A_191 = arith.mulf %gather3A_190, %exp3A : vector<16xf32>
          tpu.vector_store_idx %arg25[%add3A_132, %broadcast_in_dim3A_189], %mul3A_191 : memref<640x24xf32, #tpu.memory_space<vmem>>[vector<16xi32>, vector<16xi32>], vector<16xf32>,
          %broadcast_in_dim3A_192 = arith.constant 11 : i32
          %broadcast_in_dim3A_193 = vector.broadcast %broadcast_in_dim3A_192 : i32 to vector<16xi32>
          %gather3A_194 = tpu.vector_load_idx %arg23[%add3A_132, %broadcast_in_dim3A_193] : memref<640x16xf32, #tpu.memory_space<vmem>>[vector<16xi32>, vector<16xi32>], vector<16xf32>,
          %mul3A_195 = arith.mulf %gather3A_194, %exp3A : vector<16xf32>
          tpu.vector_store_idx %arg25[%add3A_132, %broadcast_in_dim3A_193], %mul3A_195 : memref<640x24xf32, #tpu.memory_space<vmem>>[vector<16xi32>, vector<16xi32>], vector<16xf32>,
          %broadcast_in_dim3A_196 = arith.constant 12 : i32
          %broadcast_in_dim3A_197 = vector.broadcast %broadcast_in_dim3A_196 : i32 to vector<16xi32>
          %gather3A_198 = tpu.vector_load_idx %arg23[%add3A_132, %broadcast_in_dim3A_197] : memref<640x16xf32, #tpu.memory_space<vmem>>[vector<16xi32>, vector<16xi32>], vector<16xf32>,
          %mul3A_199 = arith.mulf %gather3A_198, %exp3A : vector<16xf32>
          tpu.vector_store_idx %arg25[%add3A_132, %broadcast_in_dim3A_197], %mul3A_199 : memref<640x24xf32, #tpu.memory_space<vmem>>[vector<16xi32>, vector<16xi32>], vector<16xf32>,
          %broadcast_in_dim3A_200 = arith.constant 13 : i32
          %broadcast_in_dim3A_201 = vector.broadcast %broadcast_in_dim3A_200 : i32 to vector<16xi32>
          %gather3A_202 = tpu.vector_load_idx %arg23[%add3A_132, %broadcast_in_dim3A_201] : memref<640x16xf32, #tpu.memory_space<vmem>>[vector<16xi32>, vector<16xi32>], vector<16xf32>,
          %mul3A_203 = arith.mulf %gather3A_202, %exp3A : vector<16xf32>
          tpu.vector_store_idx %arg25[%add3A_132, %broadcast_in_dim3A_201], %mul3A_203 : memref<640x24xf32, #tpu.memory_space<vmem>>[vector<16xi32>, vector<16xi32>], vector<16xf32>,
          %broadcast_in_dim3A_204 = arith.constant 14 : i32
          %broadcast_in_dim3A_205 = vector.broadcast %broadcast_in_dim3A_204 : i32 to vector<16xi32>
          %gather3A_206 = tpu.vector_load_idx %arg23[%add3A_132, %broadcast_in_dim3A_205] : memref<640x16xf32, #tpu.memory_space<vmem>>[vector<16xi32>, vector<16xi32>], vector<16xf32>,
          %mul3A_207 = arith.mulf %gather3A_206, %exp3A : vector<16xf32>
          tpu.vector_store_idx %arg25[%add3A_132, %broadcast_in_dim3A_205], %mul3A_207 : memref<640x24xf32, #tpu.memory_space<vmem>>[vector<16xi32>, vector<16xi32>], vector<16xf32>,
          %broadcast_in_dim3A_208 = arith.constant 15 : i32
          %broadcast_in_dim3A_209 = vector.broadcast %broadcast_in_dim3A_208 : i32 to vector<16xi32>
          %gather3A_210 = tpu.vector_load_idx %arg23[%add3A_132, %broadcast_in_dim3A_209] : memref<640x16xf32, #tpu.memory_space<vmem>>[vector<16xi32>, vector<16xi32>], vector<16xf32>,
          %mul3A_211 = arith.mulf %gather3A_210, %exp3A : vector<16xf32>
          tpu.vector_store_idx %arg25[%add3A_132, %broadcast_in_dim3A_209], %mul3A_211 : memref<640x24xf32, #tpu.memory_space<vmem>>[vector<16xi32>, vector<16xi32>], vector<16xf32>,
          %broadcast_in_dim3A_212 = arith.constant 16 : i32
          %broadcast_in_dim3A_213 = vector.broadcast %broadcast_in_dim3A_212 : i32 to vector<16xi32>
          tpu.vector_store_idx %arg25[%add3A_132, %broadcast_in_dim3A_213], %exp3A : memref<640x24xf32, #tpu.memory_space<vmem>>[vector<16xi32>, vector<16xi32>], vector<16xf32>,
        }
        %scan3A_126 = arith.constant 40 : i32
        %run_scoped3A_127 = arith.constant 1 : i32
        "tpu.region"() ({
          %run_scoped3A_128 = tpu.sem_alloc : memref<!tpu.dma_semaphore, #tpu.memory_space<semaphore_mem>>
          %dma_start3A_129 = arith.constant 0 : i32
          %dma_start3A_130 = tpu.memref_slice %arg17[%run_scoped3A_127, %dma_start3A_129] : memref<2x640xi32, #tpu.memory_space<vmem>> -> memref<1x640xi32, #tpu.memory_space<vmem>>
          %dma_start3A_131 = tpu.memref_squeeze %dma_start3A_130 : memref<1x640xi32, #tpu.memory_space<vmem>> -> memref<640xi32, #tpu.memory_space<vmem>>
          %dma_start3A_132 = arith.constant 0 : i32
          %dma_start3A_133 = arith.constant 0 : i32
          %dma_start3A_134 = tpu.memref_slice %arg27[%dma_start3A_132, %dma_start3A_133] : memref<50176x24xf32, #tpu.memory_space<vmem_shared>> -> memref<50176x24xf32, #tpu.memory_space<vmem_shared>>
          tpu.enqueue_indirect_dma source(%arg25 : memref<640x24xf32, #tpu.memory_space<vmem>>) target(%dma_start3A_134 : memref<50176x24xf32, #tpu.memory_space<vmem_shared>>) offsets(%dma_start3A_131 : memref<640xi32, #tpu.memory_space<vmem>>) semaphore(%run_scoped3A_128 : memref<!tpu.dma_semaphore, #tpu.memory_space<semaphore_mem>>) {add = true}
          %dma_wait3A_135 = arith.constant 0 : i32
          %dma_wait3A_136 = tpu.memref_slice %arg17[%run_scoped3A_127, %dma_wait3A_135] : memref<2x640xi32, #tpu.memory_space<vmem>> -> memref<1x640xi32, #tpu.memory_space<vmem>>
          %dma_wait3A_137 = tpu.memref_squeeze %dma_wait3A_136 : memref<1x640xi32, #tpu.memory_space<vmem>> -> memref<640xi32, #tpu.memory_space<vmem>>
          %dma_wait3A_138 = arith.constant 0 : i32
          %dma_wait3A_139 = arith.constant 0 : i32
          %dma_wait3A_140 = tpu.memref_slice %arg27[%dma_wait3A_138, %dma_wait3A_139] : memref<50176x24xf32, #tpu.memory_space<vmem_shared>> -> memref<50176x24xf32, #tpu.memory_space<vmem_shared>>
          tpu.wait_indirect_dma semaphore(%run_scoped3A_128 : memref<!tpu.dma_semaphore, #tpu.memory_space<semaphore_mem>>) src(%arg25 : memref<640x24xf32, #tpu.memory_space<vmem>>) dst(%dma_wait3A_140 : memref<50176x24xf32, #tpu.memory_space<vmem_shared>>)
          tpu.yield
        }) : () -> ()
      }
      %scan3A_34 = arith.constant 20 : i32
      %dma_wait3A = arith.constant 0 : i32
      %dma_wait3A_35 = tpu.memref_slice %arg4[%dma_wait3A] : memref<200704xf32, #tpu.memory_space<hbm>> -> memref<200704xf32, #tpu.memory_space<hbm>>
      tpu.wait_indirect_dma semaphore(%arg26 : memref<!tpu.dma_semaphore, #tpu.memory_space<semaphore_mem>>) src(%dma_wait3A_35 : memref<200704xf32, #tpu.memory_space<hbm>>) dst(%arg14 : memref<640xf32, #tpu.memory_space<vmem>>)
      %dma_wait3A_36 = arith.constant 0 : i32
      %dma_wait3A_37 = tpu.memref_slice %arg5[%dma_wait3A_36] : memref<200704xf32, #tpu.memory_space<hbm>> -> memref<200704xf32, #tpu.memory_space<hbm>>
      tpu.wait_indirect_dma semaphore(%arg26 : memref<!tpu.dma_semaphore, #tpu.memory_space<semaphore_mem>>) src(%dma_wait3A_37 : memref<200704xf32, #tpu.memory_space<hbm>>) dst(%arg15 : memref<640xf32, #tpu.memory_space<vmem>>)
      %dma_wait3A_38 = arith.constant 0 : i32
      %dma_wait3A_39 = arith.constant 0 : i32
      %dma_wait3A_40 = tpu.memref_slice %arg6[%dma_wait3A_38, %dma_wait3A_39] : memref<200704x16xf32, #tpu.memory_space<hbm>> -> memref<200704x16xf32, #tpu.memory_space<hbm>>
      tpu.wait_indirect_dma semaphore(%arg26 : memref<!tpu.dma_semaphore, #tpu.memory_space<semaphore_mem>>) src(%dma_wait3A_40 : memref<200704x16xf32, #tpu.memory_space<hbm>>) dst(%arg16 : memref<640x16xf32, #tpu.memory_space<vmem>>)
      %barrier3A_41 = arith.constant 0 : index
      tpu.barrier barrier_id(%barrier3A_41)
      %mul3A_42 = arith.constant 3136 : i32
      %mul3A_43 = arith.muli %arg1, %mul3A_42 : i32
      %mul3A_44 = arith.constant 2 : i32
      %mul3A_45 = arith.muli %scan3A_8, %mul3A_44 : i32
      %add3A_46 = arith.addi %mul3A_45, %arg0 : i32
      %mul3A_47 = arith.constant 50176 : i32
      %mul3A_48 = arith.muli %add3A_46, %mul3A_47 : i32
      %mul3A_49 = arith.constant 3136 : i32
      %mul3A_50 = arith.muli %arg1, %mul3A_49 : i32
      %add3A_51 = arith.addi %mul3A_48, %mul3A_50 : i32
      "tpu.region"() ({
        %run_scoped3A = tpu.sem_alloc : memref<!tpu.dma_semaphore, #tpu.memory_space<semaphore_mem>>
        %dma_start3A_53 = arith.constant 0 : i32
        %dma_start3A_54 = tpu.memref_slice %arg9[%add3A_51, %dma_start3A_53] : memref<401408x24xf32, #tpu.memory_space<hbm>> -> memref<3136x24xf32, #tpu.memory_space<hbm>>
        %dma_start3A_55 = arith.constant 0 : i32
        %dma_start3A_56 = tpu.memref_slice %arg27[%mul3A_43, %dma_start3A_55] : memref<50176x24xf32, #tpu.memory_space<vmem_shared>> -> memref<3136x24xf32, #tpu.memory_space<vmem_shared>>
        tpu.enqueue_dma source(%dma_start3A_56 : memref<3136x24xf32, #tpu.memory_space<vmem_shared>>) target(%dma_start3A_54 : memref<3136x24xf32, #tpu.memory_space<hbm>>) target_semaphore(%run_scoped3A : memref<!tpu.dma_semaphore, #tpu.memory_space<semaphore_mem>>)
        %dma_wait3A_57 = arith.constant 0 : i32
        %dma_wait3A_58 = tpu.memref_slice %arg9[%add3A_51, %dma_wait3A_57] : memref<401408x24xf32, #tpu.memory_space<hbm>> -> memref<3136x24xf32, #tpu.memory_space<hbm>>
        %dma_wait3A_59 = arith.constant 0 : i32
        %dma_wait3A_60 = tpu.memref_slice %arg27[%mul3A_43, %dma_wait3A_59] : memref<50176x24xf32, #tpu.memory_space<vmem_shared>> -> memref<3136x24xf32, #tpu.memory_space<vmem_shared>>
        tpu.wait_dma2 semaphore(%run_scoped3A : memref<!tpu.dma_semaphore, #tpu.memory_space<semaphore_mem>>) src(%dma_wait3A_60 : memref<3136x24xf32, #tpu.memory_space<vmem_shared>>) dst(%dma_wait3A_58 : memref<3136x24xf32, #tpu.memory_space<hbm>>)
        tpu.yield
      }) : () -> ()
      %barrier3A_52 = arith.constant 0 : index
      tpu.barrier barrier_id(%barrier3A_52)
    }
    %scan3A_7 = arith.constant 4 : i32
    return
  }
}

module attributes {stable_mosaic.version = 14 : i64} {
  func.func @_prep_edges_body(%arg0: i32, %arg1: memref<1280x16xf32, #tpu.memory_space<vmem>>, %arg2: memref<16x16xf32, #tpu.memory_space<vmem>>, %arg3: memref<16xf32, #tpu.memory_space<vmem>>, %arg4: memref<16x4xf32, #tpu.memory_space<vmem>>, %arg5: memref<4xf32, #tpu.memory_space<vmem>>, %arg6: memref<4x4xf32, #tpu.memory_space<vmem>>, %arg7: memref<4x4xf32, #tpu.memory_space<vmem>>, %arg8: memref<8x1280xf32, #tpu.memory_space<vmem>>, %arg9: memref<1x1x8xf32, #tpu.memory_space<vmem>>) attributes {dimension_semantics = [#tpu.dimension_semantics<arbitrary>], iteration_bounds = array<i64: 640>, scalar_prefetch = 0 : i64, scratch_operands = 0 : i64, tpu.core_type = #tpu.core_type<tc>, window_params = [{transform_indices = @transform_0, window_bounds = array<i64: 1280, 16>}, {pipeline_mode = #tpu.pipeline_mode<synchronous>, transform_indices = @transform_1, window_bounds = array<i64: 16, 16>}, {pipeline_mode = #tpu.pipeline_mode<synchronous>, transform_indices = @transform_2, window_bounds = array<i64: 16>}, {pipeline_mode = #tpu.pipeline_mode<synchronous>, transform_indices = @transform_3, window_bounds = array<i64: 16, 4>}, {pipeline_mode = #tpu.pipeline_mode<synchronous>, transform_indices = @transform_4, window_bounds = array<i64: 4>}, {pipeline_mode = #tpu.pipeline_mode<synchronous>, transform_indices = @transform_5, window_bounds = array<i64: 4, 4>}, {pipeline_mode = #tpu.pipeline_mode<synchronous>, transform_indices = @transform_6, window_bounds = array<i64: 4, 4>}, {transform_indices = @transform_7, window_bounds = array<i64: 8, 1280>}, {transform_indices = @transform_8, window_bounds = array<i64: 1, 1, 8>}]} {
    %get3A = arith.constant 0 : index
    %get3A_0 = arith.constant 0 : index
    %get3A_1 = vector.load %arg1[%get3A, %get3A_0] : memref<1280x16xf32, #tpu.memory_space<vmem>>, vector<1280x16xf32>
    %get3A_2 = arith.constant 0 : index
    %get3A_3 = arith.constant 0 : index
    %get3A_4 = vector.load %arg2[%get3A_2, %get3A_3] : memref<16x16xf32, #tpu.memory_space<vmem>>, vector<16x16xf32>
    %dot_general3A = arith.constant dense<0.000000e+00> : vector<1280x16xf32>
    %dot_general3A_5 = tpu.matmul %get3A_1, %get3A_4, %dot_general3A {dimension_numbers = #tpu.dot_dimension_numbers<[1], [0], [0], [1], [0, 0, 1, 1], [], []>, transpose_lhs_hint = false} : vector<1280x16xf32>, vector<16x16xf32>, vector<1280x16xf32> -> vector<1280x16xf32>
    %get3A_6 = arith.constant 0 : index
    %get3A_7 = vector.load %arg3[%get3A_6] : memref<16xf32, #tpu.memory_space<vmem>>, vector<16xf32>
    %broadcast_in_dim3A = vector.shape_cast %get3A_7 : vector<16xf32> to vector<1x16xf32>
    %add3A = vector.broadcast %broadcast_in_dim3A : vector<1x16xf32> to vector<1280x16xf32>
    %add3A_8 = arith.addf %dot_general3A_5, %add3A : vector<1280x16xf32>
    %max3A = arith.constant 0.000000e+00 : f32
    %max3A_9 = vector.broadcast %max3A : f32 to vector<1280x16xf32>
    %max3A_10 = arith.maximumf %add3A_8, %max3A_9 : vector<1280x16xf32>
    %get3A_11 = arith.constant 0 : index
    %get3A_12 = arith.constant 0 : index
    %get3A_13 = vector.load %arg4[%get3A_11, %get3A_12] : memref<16x4xf32, #tpu.memory_space<vmem>>, vector<16x4xf32>
    %dot_general3A_14 = arith.constant dense<0.000000e+00> : vector<1280x4xf32>
    %dot_general3A_15 = tpu.matmul %max3A_10, %get3A_13, %dot_general3A_14 {dimension_numbers = #tpu.dot_dimension_numbers<[1], [0], [0], [1], [0, 0, 1, 1], [], []>, transpose_lhs_hint = false} : vector<1280x16xf32>, vector<16x4xf32>, vector<1280x4xf32> -> vector<1280x4xf32>
    %get3A_16 = arith.constant 0 : index
    %get3A_17 = vector.load %arg5[%get3A_16] : memref<4xf32, #tpu.memory_space<vmem>>, vector<4xf32>
    %broadcast_in_dim3A_18 = vector.shape_cast %get3A_17 : vector<4xf32> to vector<1x4xf32>
    %add3A_19 = vector.broadcast %broadcast_in_dim3A_18 : vector<1x4xf32> to vector<1280x4xf32>
    %add3A_20 = arith.addf %dot_general3A_15, %add3A_19 : vector<1280x4xf32>
    %get3A_21 = arith.constant 0 : index
    %get3A_22 = arith.constant 0 : index
    %get3A_23 = vector.load %arg6[%get3A_21, %get3A_22] : memref<4x4xf32, #tpu.memory_space<vmem>>, vector<4x4xf32>
    %dot_general3A_24 = arith.constant dense<0.000000e+00> : vector<1280x4xf32>
    %dot_general3A_25 = tpu.matmul %add3A_20, %get3A_23, %dot_general3A_24 {dimension_numbers = #tpu.dot_dimension_numbers<[1], [0], [0], [1], [0, 0, 1, 1], [], []>, transpose_lhs_hint = false} : vector<1280x4xf32>, vector<4x4xf32>, vector<1280x4xf32> -> vector<1280x4xf32>
    %get3A_26 = arith.constant 0 : index
    %get3A_27 = arith.constant 0 : index
    %get3A_28 = vector.load %arg7[%get3A_26, %get3A_27] : memref<4x4xf32, #tpu.memory_space<vmem>>, vector<4x4xf32>
    %dot_general3A_29 = arith.constant dense<0.000000e+00> : vector<1280x4xf32>
    %dot_general3A_30 = tpu.matmul %add3A_20, %get3A_28, %dot_general3A_29 {dimension_numbers = #tpu.dot_dimension_numbers<[1], [0], [0], [1], [0, 0, 1, 1], [], []>, transpose_lhs_hint = false} : vector<1280x4xf32>, vector<4x4xf32>, vector<1280x4xf32> -> vector<1280x4xf32>
    %concatenate3A = tpu.concatenate %dot_general3A_25, %dot_general3A_30 in 1 : vector<1280x4xf32>, vector<1280x4xf32> -> vector<1280x8xf32>
    %transpose3A = tpu.transpose %concatenate3A, [1, 0] : vector<1280x8xf32> -> vector<8x1280xf32>
    %swap3A = arith.constant 0 : index
    %swap3A_31 = arith.constant 0 : index
    %swap3A_32 = vector.load %arg8[%swap3A, %swap3A_31] : memref<8x1280xf32, #tpu.memory_space<vmem>>, vector<8x1280xf32>
    tpu.vector_store %arg8[%swap3A, %swap3A_31], %transpose3A {strides = array<i32>} : memref<8x1280xf32, #tpu.memory_space<vmem>>, vector<8x1280xf32>,
    %reduce_max3A = arith.constant dense<0xFF800000> : vector<8xf32>
    %reduce_max3A_33 = vector.multi_reduction <maximumf>, %concatenate3A, %reduce_max3A [0] : vector<1280x8xf32> to vector<8xf32>
    %broadcast_in_dim3A_34 = vector.shape_cast %reduce_max3A_33 : vector<8xf32> to vector<1x1x8xf32>
    %swap3A_35 = arith.constant 0 : index
    %swap3A_36 = arith.constant 0 : index
    %swap3A_37 = arith.constant 0 : index
    %swap3A_38 = vector.load %arg9[%swap3A_35, %swap3A_36, %swap3A_37] : memref<1x1x8xf32, #tpu.memory_space<vmem>>, vector<1x1x8xf32>
    tpu.vector_store %arg9[%swap3A_35, %swap3A_36, %swap3A_37], %broadcast_in_dim3A_34 {strides = array<i32>} : memref<1x1x8xf32, #tpu.memory_space<vmem>>, vector<1x1x8xf32>,
    return
  }
  func.func @transform_0(%arg0: i32) -> (i32, i32) {
    %min3A = arith.constant 624 : i32
    %min3A_0 = arith.minsi %arg0, %min3A : i32
    %c0_i32 = arith.constant 0 : i32
    %c0_i32_1 = arith.constant 0 : i32
    return %min3A_0, %c0_i32 : i32, i32
  }
  func.func @transform_1(%arg0: i32) -> (i32, i32) {
    %c0_i32 = arith.constant 0 : i32
    %c0_i32_0 = arith.constant 0 : i32
    %c0_i32_1 = arith.constant 0 : i32
    return %c0_i32, %c0_i32_0 : i32, i32
  }
  func.func @transform_2(%arg0: i32) -> i32 {
    %c0_i32 = arith.constant 0 : i32
    %c0_i32_0 = arith.constant 0 : i32
    return %c0_i32 : i32
  }
  func.func @transform_3(%arg0: i32) -> (i32, i32) {
    %c0_i32 = arith.constant 0 : i32
    %c0_i32_0 = arith.constant 0 : i32
    %c0_i32_1 = arith.constant 0 : i32
    return %c0_i32, %c0_i32_0 : i32, i32
  }
  func.func @transform_4(%arg0: i32) -> i32 {
    %c0_i32 = arith.constant 0 : i32
    %c0_i32_0 = arith.constant 0 : i32
    return %c0_i32 : i32
  }
  func.func @transform_5(%arg0: i32) -> (i32, i32) {
    %c0_i32 = arith.constant 0 : i32
    %c0_i32_0 = arith.constant 0 : i32
    %c0_i32_1 = arith.constant 0 : i32
    return %c0_i32, %c0_i32_0 : i32, i32
  }
  func.func @transform_6(%arg0: i32) -> (i32, i32) {
    %c0_i32 = arith.constant 0 : i32
    %c0_i32_0 = arith.constant 0 : i32
    %c0_i32_1 = arith.constant 0 : i32
    return %c0_i32, %c0_i32_0 : i32, i32
  }
  func.func @transform_7(%arg0: i32) -> (i32, i32) {
    %c0_i32 = arith.constant 0 : i32
    %c0_i32_0 = arith.constant 0 : i32
    return %c0_i32, %arg0 : i32, i32
  }
  func.func @transform_8(%arg0: i32) -> (i32, i32, i32) {
    %c0_i32 = arith.constant 0 : i32
    %c0_i32_0 = arith.constant 0 : i32
    %c0_i32_1 = arith.constant 0 : i32
    return %arg0, %c0_i32, %c0_i32_0 : i32, i32, i32
  }
}

module attributes {stable_mosaic.version = 14 : i64} {
  func.func @_prep_nodes_body(%arg0: i32, %arg1: i32, %arg2: memref<1024x16xf32, #tpu.memory_space<vmem>>, %arg3: memref<1x16x16xf32, #tpu.memory_space<vmem>>, %arg4: memref<1x1x16xf32, #tpu.memory_space<vmem>>, %arg5: memref<1x1x16xf32, #tpu.memory_space<vmem>>, %arg6: memref<1024x16xf32, #tpu.memory_space<vmem>>, %arg7: memref<1024xf32, #tpu.memory_space<vmem>>, %arg8: memref<1024xf32, #tpu.memory_space<vmem>>, %arg9: memref<1x1x2xf32, #tpu.memory_space<vmem>>) attributes {dimension_semantics = [#tpu.dimension_semantics<arbitrary>, #tpu.dimension_semantics<arbitrary>], iteration_bounds = array<i64: 4, 49>, scalar_prefetch = 0 : i64, scratch_operands = 0 : i64, tpu.core_type = #tpu.core_type<tc>, window_params = [{transform_indices = @transform_0, window_bounds = array<i64: 1024, 16>}, {transform_indices = @transform_1, window_bounds = array<i64: 1, 16, 16>}, {transform_indices = @transform_2, window_bounds = array<i64: 1, 1, 16>}, {transform_indices = @transform_3, window_bounds = array<i64: 1, 1, 16>}, {transform_indices = @transform_4, window_bounds = array<i64: 1024, 16>}, {transform_indices = @transform_5, window_bounds = array<i64: 1024>}, {transform_indices = @transform_6, window_bounds = array<i64: 1024>}, {transform_indices = @transform_7, window_bounds = array<i64: 1, 1, 2>}]} {
    %get3A = arith.constant 0 : index
    %get3A_0 = arith.constant 0 : index
    %get3A_1 = vector.load %arg2[%get3A, %get3A_0] : memref<1024x16xf32, #tpu.memory_space<vmem>>, vector<1024x16xf32>
    %get3A_2 = arith.constant 0 : index
    %get3A_3 = arith.constant 0 : index
    %get3A_4 = arith.constant 0 : index
    %get3A_5 = vector.load %arg3[%get3A_2, %get3A_3, %get3A_4] : memref<1x16x16xf32, #tpu.memory_space<vmem>>, vector<1x16x16xf32>
    %get3A_6 = vector.shape_cast %get3A_5 : vector<1x16x16xf32> to vector<16x16xf32>
    %dot_general3A = arith.constant dense<0.000000e+00> : vector<1024x16xf32>
    %dot_general3A_7 = tpu.matmul %get3A_1, %get3A_6, %dot_general3A {dimension_numbers = #tpu.dot_dimension_numbers<[1], [0], [0], [1], [0, 0, 1, 1], [], []>, transpose_lhs_hint = false} : vector<1024x16xf32>, vector<16x16xf32>, vector<1024x16xf32> -> vector<1024x16xf32>
    %swap3A = arith.constant 0 : index
    %swap3A_8 = arith.constant 0 : index
    %swap3A_9 = vector.load %arg6[%swap3A, %swap3A_8] : memref<1024x16xf32, #tpu.memory_space<vmem>>, vector<1024x16xf32>
    tpu.vector_store %arg6[%swap3A, %swap3A_8], %dot_general3A_7 {strides = array<i32>} : memref<1024x16xf32, #tpu.memory_space<vmem>>, vector<1024x16xf32>,
    %get3A_10 = arith.constant 0 : index
    %get3A_11 = arith.constant 0 : index
    %get3A_12 = arith.constant 0 : index
    %get3A_13 = vector.load %arg4[%get3A_10, %get3A_11, %get3A_12] : memref<1x1x16xf32, #tpu.memory_space<vmem>>, vector<1x1x16xf32>
    %get3A_14 = vector.shape_cast %get3A_13 : vector<1x1x16xf32> to vector<1x16xf32>
    %mul3A = vector.broadcast %get3A_14 : vector<1x16xf32> to vector<1024x16xf32>
    %mul3A_15 = arith.mulf %dot_general3A_7, %mul3A : vector<1024x16xf32>
    %reduce_sum3A = arith.constant dense<0.000000e+00> : vector<1024xf32>
    %reduce_sum3A_16 = vector.multi_reduction <add>, %mul3A_15, %reduce_sum3A [1] : vector<1024x16xf32> to vector<1024xf32>
    %get3A_17 = arith.constant 0 : index
    %get3A_18 = arith.constant 0 : index
    %get3A_19 = arith.constant 0 : index
    %get3A_20 = vector.load %arg5[%get3A_17, %get3A_18, %get3A_19] : memref<1x1x16xf32, #tpu.memory_space<vmem>>, vector<1x1x16xf32>
    %get3A_21 = vector.shape_cast %get3A_20 : vector<1x1x16xf32> to vector<1x16xf32>
    %mul3A_22 = vector.broadcast %get3A_21 : vector<1x16xf32> to vector<1024x16xf32>
    %mul3A_23 = arith.mulf %dot_general3A_7, %mul3A_22 : vector<1024x16xf32>
    %reduce_sum3A_24 = arith.constant dense<0.000000e+00> : vector<1024xf32>
    %reduce_sum3A_25 = vector.multi_reduction <add>, %mul3A_23, %reduce_sum3A_24 [1] : vector<1024x16xf32> to vector<1024xf32>
    %swap3A_26 = arith.constant 0 : index
    %swap3A_27 = vector.load %arg7[%swap3A_26] : memref<1024xf32, #tpu.memory_space<vmem>>, vector<1024xf32>
    tpu.vector_store %arg7[%swap3A_26], %reduce_sum3A_16 {strides = array<i32>} : memref<1024xf32, #tpu.memory_space<vmem>>, vector<1024xf32>,
    %swap3A_28 = arith.constant 0 : index
    %swap3A_29 = vector.load %arg8[%swap3A_28] : memref<1024xf32, #tpu.memory_space<vmem>>, vector<1024xf32>
    tpu.vector_store %arg8[%swap3A_28], %reduce_sum3A_25 {strides = array<i32>} : memref<1024xf32, #tpu.memory_space<vmem>>, vector<1024xf32>,
    %reduce_max3A = vector.shape_cast %reduce_sum3A_16 : vector<1024xf32> to vector<1x1024xf32>
    %reduce_max3A_30 = arith.constant dense<0xFF800000> : vector<1xf32>
    %reduce_max3A_31 = vector.multi_reduction <maximumf>, %reduce_max3A, %reduce_max3A_30 [1] : vector<1x1024xf32> to vector<1xf32>
    %reduce_max3A_32 = vector.shape_cast %reduce_max3A_31 : vector<1xf32> to vector<1x1xf32>
    %reduce_max3A_33 = vector.extract %reduce_max3A_32[0, 0] : f32 from vector<1x1xf32>
    %reduce_max3A_34 = vector.shape_cast %reduce_sum3A_25 : vector<1024xf32> to vector<1x1024xf32>
    %reduce_max3A_35 = arith.constant dense<0xFF800000> : vector<1xf32>
    %reduce_max3A_36 = vector.multi_reduction <maximumf>, %reduce_max3A_34, %reduce_max3A_35 [1] : vector<1x1024xf32> to vector<1xf32>
    %reduce_max3A_37 = vector.shape_cast %reduce_max3A_36 : vector<1xf32> to vector<1x1xf32>
    %reduce_max3A_38 = vector.extract %reduce_max3A_37[0, 0] : f32 from vector<1x1xf32>
    %stack3A = vector.broadcast %reduce_max3A_33 : f32 to vector<1xf32>
    %stack3A_39 = vector.broadcast %reduce_max3A_38 : f32 to vector<1xf32>
    %stack3A_40 = tpu.concatenate %stack3A, %stack3A_39 in 0 : vector<1xf32>, vector<1xf32> -> vector<2xf32>
    %broadcast_in_dim3A = vector.shape_cast %stack3A_40 : vector<2xf32> to vector<1x1x2xf32>
    %swap3A_41 = arith.constant 0 : index
    %swap3A_42 = arith.constant 0 : index
    %swap3A_43 = arith.constant 0 : index
    %swap3A_44 = vector.load %arg9[%swap3A_41, %swap3A_42, %swap3A_43] : memref<1x1x2xf32, #tpu.memory_space<vmem>>, vector<1x1x2xf32>
    tpu.vector_store %arg9[%swap3A_41, %swap3A_42, %swap3A_43], %broadcast_in_dim3A {strides = array<i32>} : memref<1x1x2xf32, #tpu.memory_space<vmem>>, vector<1x1x2xf32>,
    return
  }
  func.func @transform_0(%arg0: i32, %arg1: i32) -> (i32, i32) {
    %c0_i32 = arith.constant 0 : i32
    %c0_i32_0 = arith.constant 0 : i32
    return %arg1, %c0_i32 : i32, i32
  }
  func.func @transform_1(%arg0: i32, %arg1: i32) -> (i32, i32, i32) {
    %c0_i32 = arith.constant 0 : i32
    %c0_i32_0 = arith.constant 0 : i32
    %c0_i32_1 = arith.constant 0 : i32
    return %arg0, %c0_i32, %c0_i32_0 : i32, i32, i32
  }
  func.func @transform_2(%arg0: i32, %arg1: i32) -> (i32, i32, i32) {
    %c0_i32 = arith.constant 0 : i32
    %c0_i32_0 = arith.constant 0 : i32
    %c0_i32_1 = arith.constant 0 : i32
    return %arg0, %c0_i32, %c0_i32_0 : i32, i32, i32
  }
  func.func @transform_3(%arg0: i32, %arg1: i32) -> (i32, i32, i32) {
    %c0_i32 = arith.constant 0 : i32
    %c0_i32_0 = arith.constant 0 : i32
    %c0_i32_1 = arith.constant 0 : i32
    return %arg0, %c0_i32, %c0_i32_0 : i32, i32, i32
  }
  func.func @transform_4(%arg0: i32, %arg1: i32) -> (i32, i32) {
    %mul3A = arith.constant 49 : i32
    %mul3A_0 = arith.muli %arg0, %mul3A : i32
    %add3A = arith.addi %mul3A_0, %arg1 : i32
    %c0_i32 = arith.constant 0 : i32
    %c0_i32_1 = arith.constant 0 : i32
    return %add3A, %c0_i32 : i32, i32
  }
  func.func @transform_5(%arg0: i32, %arg1: i32) -> i32 {
    %mul3A = arith.constant 49 : i32
    %mul3A_0 = arith.muli %arg0, %mul3A : i32
    %add3A = arith.addi %mul3A_0, %arg1 : i32
    %c0_i32 = arith.constant 0 : i32
    return %add3A : i32
  }
  func.func @transform_6(%arg0: i32, %arg1: i32) -> i32 {
    %mul3A = arith.constant 49 : i32
    %mul3A_0 = arith.muli %arg0, %mul3A : i32
    %add3A = arith.addi %mul3A_0, %arg1 : i32
    %c0_i32 = arith.constant 0 : i32
    return %add3A : i32
  }
  func.func @transform_7(%arg0: i32, %arg1: i32) -> (i32, i32, i32) {
    %mul3A = arith.constant 49 : i32
    %mul3A_0 = arith.muli %arg0, %mul3A : i32
    %add3A = arith.addi %mul3A_0, %arg1 : i32
    %c0_i32 = arith.constant 0 : i32
    %c0_i32_1 = arith.constant 0 : i32
    %c0_i32_2 = arith.constant 0 : i32
    return %add3A, %c0_i32, %c0_i32_1 : i32, i32, i32
  }
}

module attributes {stable_mosaic.version = 14 : i64} {
  func.func @_boundary_body(%arg0: i32, %arg1: i32, %arg2: memref<4x2x1024x24xf32, #tpu.memory_space<vmem>>, %arg3: memref<2x1024x16xf32, #tpu.memory_space<vmem>>, %arg4: memref<4x16xf32, #tpu.memory_space<vmem>>, %arg5: memref<4x16xf32, #tpu.memory_space<vmem>>, %arg6: memref<1x1x16xf32, #tpu.memory_space<vmem>>, %arg7: memref<1x1x16xf32, #tpu.memory_space<vmem>>, %arg8: memref<1x4x16x16xf32, #tpu.memory_space<vmem>>, %arg9: memref<4x1024xf32, #tpu.memory_space<vmem>>, %arg10: memref<4x1024xf32, #tpu.memory_space<vmem>>, %arg11: memref<4x1024x16xf32, #tpu.memory_space<vmem>>, %arg12: memref<1024x16xf32, #tpu.memory_space<vmem>>, %arg13: memref<1024xf32, #tpu.memory_space<vmem>>, %arg14: memref<1024xf32, #tpu.memory_space<vmem>>, %arg15: memref<1x1x2xf32, #tpu.memory_space<vmem>>) attributes {dimension_semantics = [#tpu.dimension_semantics<arbitrary>, #tpu.dimension_semantics<arbitrary>], iteration_bounds = array<i64: 4, 49>, scalar_prefetch = 0 : i64, scratch_operands = 0 : i64, tpu.core_type = #tpu.core_type<tc>, window_params = [{transform_indices = @transform_0, window_bounds = array<i64: 4, 2, 1024, 24>}, {transform_indices = @transform_1, window_bounds = array<i64: 2, 1024, 16>}, {pipeline_mode = #tpu.pipeline_mode<synchronous>, transform_indices = @transform_2, window_bounds = array<i64: 4, 16>}, {pipeline_mode = #tpu.pipeline_mode<synchronous>, transform_indices = @transform_3, window_bounds = array<i64: 4, 16>}, {transform_indices = @transform_4, window_bounds = array<i64: 1, 1, 16>}, {transform_indices = @transform_5, window_bounds = array<i64: 1, 1, 16>}, {transform_indices = @transform_6, window_bounds = array<i64: 1, 4, 16, 16>}, {transform_indices = @transform_7, window_bounds = array<i64: 4, 1024>}, {transform_indices = @transform_8, window_bounds = array<i64: 4, 1024>}, {transform_indices = @transform_9, window_bounds = array<i64: 4, 1024, 16>}, {transform_indices = @transform_10, window_bounds = array<i64: 1024, 16>}, {transform_indices = @transform_11, window_bounds = array<i64: 1024>}, {transform_indices = @transform_12, window_bounds = array<i64: 1024>}, {transform_indices = @transform_13, window_bounds = array<i64: 1, 1, 2>}]} {
    %get3A = arith.constant 0 : index
    %get3A_0 = arith.constant 0 : index
    %get3A_1 = arith.constant 0 : index
    %get3A_2 = arith.constant 0 : index
    %get3A_3 = vector.load %arg2[%get3A, %get3A_0, %get3A_1, %get3A_2] : memref<4x2x1024x24xf32, #tpu.memory_space<vmem>>, vector<4x2x1024x24xf32>
    %get3A_4 = arith.constant 0 : index
    %get3A_5 = arith.constant 0 : index
    %get3A_6 = arith.constant 0 : index
    %get3A_7 = vector.load %arg3[%get3A_4, %get3A_5, %get3A_6] : memref<2x1024x16xf32, #tpu.memory_space<vmem>>, vector<2x1024x16xf32>
    %get3A_8 = arith.constant 0 : index
    %get3A_9 = arith.constant 0 : index
    %get3A_10 = vector.load %arg4[%get3A_8, %get3A_9] : memref<4x16xf32, #tpu.memory_space<vmem>>, vector<4x16xf32>
    %get3A_11 = arith.constant 0 : index
    %get3A_12 = arith.constant 0 : index
    %get3A_13 = vector.load %arg5[%get3A_11, %get3A_12] : memref<4x16xf32, #tpu.memory_space<vmem>>, vector<4x16xf32>
    %get3A_14 = arith.constant 0 : index
    %get3A_15 = arith.constant 0 : index
    %get3A_16 = vector.load %arg9[%get3A_14, %get3A_15] : memref<4x1024xf32, #tpu.memory_space<vmem>>, vector<4x1024xf32>
    %get3A_17 = arith.constant 0 : index
    %get3A_18 = arith.constant 0 : index
    %get3A_19 = vector.load %arg10[%get3A_17, %get3A_18] : memref<4x1024xf32, #tpu.memory_space<vmem>>, vector<4x1024xf32>
    %get3A_20 = arith.constant 0 : index
    %get3A_21 = arith.constant 0 : index
    %get3A_22 = arith.constant 0 : index
    %get3A_23 = vector.load %arg11[%get3A_20, %get3A_21, %get3A_22] : memref<4x1024x16xf32, #tpu.memory_space<vmem>>, vector<4x1024x16xf32>
    %slice3A = vector.extract_strided_slice %get3A_7 {offsets = [0, 0, 0], sizes = [1, 1024, 16], strides = [1, 1, 1]} : vector<2x1024x16xf32> to vector<1x1024x16xf32>
    %squeeze3A = vector.shape_cast %slice3A : vector<1x1024x16xf32> to vector<1024x16xf32>
    %slice3A_24 = vector.extract_strided_slice %get3A_7 {offsets = [1, 0, 0], sizes = [1, 1024, 16], strides = [1, 1, 1]} : vector<2x1024x16xf32> to vector<1x1024x16xf32>
    %squeeze3A_25 = vector.shape_cast %slice3A_24 : vector<1x1024x16xf32> to vector<1024x16xf32>
    %add3A = arith.addf %squeeze3A, %squeeze3A_25 : vector<1024x16xf32>
    %slice3A_26 = vector.extract_strided_slice %add3A {offsets = [0, 8], sizes = [1024, 1], strides = [1, 1]} : vector<1024x16xf32> to vector<1024x1xf32>
    %squeeze3A_27 = vector.shape_cast %slice3A_26 : vector<1024x1xf32> to vector<1024xf32>
    %max3A = arith.constant 1.000000e+00 : f32
    %max3A_28 = vector.broadcast %max3A : f32 to vector<1024xf32>
    %max3A_29 = arith.maximumf %squeeze3A_27, %max3A_28 : vector<1024xf32>
    %slice3A_30 = vector.extract_strided_slice %get3A_16 {offsets = [0, 0], sizes = [1, 1024], strides = [1, 1]} : vector<4x1024xf32> to vector<1x1024xf32>
    %squeeze3A_31 = vector.shape_cast %slice3A_30 : vector<1x1024xf32> to vector<1024xf32>
    %slice3A_32 = vector.extract_strided_slice %get3A_19 {offsets = [0, 0], sizes = [1, 1024], strides = [1, 1]} : vector<4x1024xf32> to vector<1x1024xf32>
    %squeeze3A_33 = vector.shape_cast %slice3A_32 : vector<1x1024xf32> to vector<1024xf32>
    %slice3A_34 = vector.extract_strided_slice %get3A_23 {offsets = [0, 0, 0], sizes = [1, 1024, 16], strides = [1, 1, 1]} : vector<4x1024x16xf32> to vector<1x1024x16xf32>
    %squeeze3A_35 = vector.shape_cast %slice3A_34 : vector<1x1024x16xf32> to vector<1024x16xf32>
    %slice3A_36 = vector.extract_strided_slice %add3A {offsets = [0, 0], sizes = [1024, 1], strides = [1, 1]} : vector<1024x16xf32> to vector<1024x1xf32>
    %squeeze3A_37 = vector.shape_cast %slice3A_36 : vector<1024x1xf32> to vector<1024xf32>
    %div3A = arith.divf %squeeze3A_37, %max3A_29 : vector<1024xf32>
    %add3A_38 = arith.addf %squeeze3A_31, %squeeze3A_33 : vector<1024xf32>
    %add3A_39 = arith.addf %add3A_38, %div3A : vector<1024xf32>
    %mul3A = arith.constant 2.000000e-01 : f32
    %mul3A_40 = vector.broadcast %mul3A : f32 to vector<1024xf32>
    %mul3A_41 = arith.mulf %mul3A_40, %add3A_39 : vector<1024xf32>
    %max3A_42 = arith.maximumf %add3A_39, %mul3A_41 : vector<1024xf32>
    %slice3A_43 = vector.extract_strided_slice %get3A_10 {offsets = [0, 0], sizes = [1, 1], strides = [1, 1]} : vector<4x16xf32> to vector<1x1xf32>
    %squeeze3A_44 = vector.extract %slice3A_43[0, 0] : f32 from vector<1x1xf32>
    %sub3A = vector.broadcast %squeeze3A_44 : f32 to vector<1024xf32>
    %sub3A_45 = arith.subf %max3A_42, %sub3A : vector<1024xf32>
    %min3A = arith.constant 6.000000e+01 : f32
    %min3A_46 = vector.broadcast %min3A : f32 to vector<1024xf32>
    %min3A_47 = arith.minimumf %sub3A_45, %min3A_46 : vector<1024xf32>
    %exp3A = math.exp %min3A_47 : vector<1024xf32>
    %slice3A_48 = vector.extract_strided_slice %get3A_3 {offsets = [0, 0, 0, 16], sizes = [1, 1, 1024, 1], strides = [1, 1, 1, 1]} : vector<4x2x1024x24xf32> to vector<1x1x1024x1xf32>
    %squeeze3A_49 = vector.shape_cast %slice3A_48 : vector<1x1x1024x1xf32> to vector<1024xf32>
    %slice3A_50 = vector.extract_strided_slice %get3A_3 {offsets = [0, 1, 0, 16], sizes = [1, 1, 1024, 1], strides = [1, 1, 1, 1]} : vector<4x2x1024x24xf32> to vector<1x1x1024x1xf32>
    %squeeze3A_51 = vector.shape_cast %slice3A_50 : vector<1x1x1024x1xf32> to vector<1024xf32>
    %add3A_52 = arith.addf %squeeze3A_49, %squeeze3A_51 : vector<1024xf32>
    %add3A_53 = arith.addf %add3A_52, %exp3A : vector<1024xf32>
    %slice3A_54 = vector.extract_strided_slice %get3A_3 {offsets = [0, 0, 0, 0], sizes = [1, 1, 1024, 16], strides = [1, 1, 1, 1]} : vector<4x2x1024x24xf32> to vector<1x1x1024x16xf32>
    %squeeze3A_55 = vector.shape_cast %slice3A_54 : vector<1x1x1024x16xf32> to vector<1024x16xf32>
    %slice3A_56 = vector.extract_strided_slice %get3A_3 {offsets = [0, 1, 0, 0], sizes = [1, 1, 1024, 16], strides = [1, 1, 1, 1]} : vector<4x2x1024x24xf32> to vector<1x1x1024x16xf32>
    %squeeze3A_57 = vector.shape_cast %slice3A_56 : vector<1x1x1024x16xf32> to vector<1024x16xf32>
    %add3A_58 = arith.addf %squeeze3A_55, %squeeze3A_57 : vector<1024x16xf32>
    %broadcast_in_dim3A = vector.shape_cast %exp3A : vector<1024xf32> to vector<1024x1xf32>
    %mul3A_59 = vector.broadcast %broadcast_in_dim3A : vector<1024x1xf32> to vector<1024x16xf32>
    %mul3A_60 = arith.mulf %mul3A_59, %squeeze3A_35 : vector<1024x16xf32>
    %add3A_61 = arith.addf %add3A_58, %mul3A_60 : vector<1024x16xf32>
    %broadcast_in_dim3A_62 = vector.shape_cast %add3A_53 : vector<1024xf32> to vector<1024x1xf32>
    %div3A_63 = vector.broadcast %broadcast_in_dim3A_62 : vector<1024x1xf32> to vector<1024x16xf32>
    %div3A_64 = arith.divf %add3A_61, %div3A_63 : vector<1024x16xf32>
    %slice3A_65 = vector.extract_strided_slice %get3A_13 {offsets = [0, 0], sizes = [1, 16], strides = [1, 1]} : vector<4x16xf32> to vector<1x16xf32>
    %squeeze3A_66 = vector.shape_cast %slice3A_65 : vector<1x16xf32> to vector<16xf32>
    %broadcast_in_dim3A_67 = vector.shape_cast %squeeze3A_66 : vector<16xf32> to vector<1x16xf32>
    %add3A_68 = vector.broadcast %broadcast_in_dim3A_67 : vector<1x16xf32> to vector<1024x16xf32>
    %add3A_69 = arith.addf %div3A_64, %add3A_68 : vector<1024x16xf32>
    %gt3A = arith.constant 0.000000e+00 : f32
    %gt3A_70 = vector.broadcast %gt3A : f32 to vector<1024x16xf32>
    %gt3A_71 = arith.cmpf ogt, %add3A_69, %gt3A_70 : vector<1024x16xf32>
    %min3A_72 = arith.constant 0.000000e+00 : f32
    %min3A_73 = vector.broadcast %min3A_72 : f32 to vector<1024x16xf32>
    %min3A_74 = arith.minimumf %add3A_69, %min3A_73 : vector<1024x16xf32>
    %exp3A_75 = math.exp %min3A_74 : vector<1024x16xf32>
    %sub3A_76 = arith.constant 1.000000e+00 : f32
    %sub3A_77 = vector.broadcast %sub3A_76 : f32 to vector<1024x16xf32>
    %sub3A_78 = arith.subf %exp3A_75, %sub3A_77 : vector<1024x16xf32>
    %select_n3A = arith.select %gt3A_71, %add3A_69, %sub3A_78 : vector<1024x16xi1>, vector<1024x16xf32>
    %slice3A_79 = vector.extract_strided_slice %get3A_16 {offsets = [1, 0], sizes = [1, 1024], strides = [1, 1]} : vector<4x1024xf32> to vector<1x1024xf32>
    %squeeze3A_80 = vector.shape_cast %slice3A_79 : vector<1x1024xf32> to vector<1024xf32>
    %slice3A_81 = vector.extract_strided_slice %get3A_19 {offsets = [1, 0], sizes = [1, 1024], strides = [1, 1]} : vector<4x1024xf32> to vector<1x1024xf32>
    %squeeze3A_82 = vector.shape_cast %slice3A_81 : vector<1x1024xf32> to vector<1024xf32>
    %slice3A_83 = vector.extract_strided_slice %get3A_23 {offsets = [1, 0, 0], sizes = [1, 1024, 16], strides = [1, 1, 1]} : vector<4x1024x16xf32> to vector<1x1024x16xf32>
    %squeeze3A_84 = vector.shape_cast %slice3A_83 : vector<1x1024x16xf32> to vector<1024x16xf32>
    %slice3A_85 = vector.extract_strided_slice %add3A {offsets = [0, 1], sizes = [1024, 1], strides = [1, 1]} : vector<1024x16xf32> to vector<1024x1xf32>
    %squeeze3A_86 = vector.shape_cast %slice3A_85 : vector<1024x1xf32> to vector<1024xf32>
    %div3A_87 = arith.divf %squeeze3A_86, %max3A_29 : vector<1024xf32>
    %add3A_88 = arith.addf %squeeze3A_80, %squeeze3A_82 : vector<1024xf32>
    %add3A_89 = arith.addf %add3A_88, %div3A_87 : vector<1024xf32>
    %mul3A_90 = arith.constant 2.000000e-01 : f32
    %mul3A_91 = vector.broadcast %mul3A_90 : f32 to vector<1024xf32>
    %mul3A_92 = arith.mulf %mul3A_91, %add3A_89 : vector<1024xf32>
    %max3A_93 = arith.maximumf %add3A_89, %mul3A_92 : vector<1024xf32>
    %slice3A_94 = vector.extract_strided_slice %get3A_10 {offsets = [1, 0], sizes = [1, 1], strides = [1, 1]} : vector<4x16xf32> to vector<1x1xf32>
    %squeeze3A_95 = vector.extract %slice3A_94[0, 0] : f32 from vector<1x1xf32>
    %sub3A_96 = vector.broadcast %squeeze3A_95 : f32 to vector<1024xf32>
    %sub3A_97 = arith.subf %max3A_93, %sub3A_96 : vector<1024xf32>
    %min3A_98 = arith.constant 6.000000e+01 : f32
    %min3A_99 = vector.broadcast %min3A_98 : f32 to vector<1024xf32>
    %min3A_100 = arith.minimumf %sub3A_97, %min3A_99 : vector<1024xf32>
    %exp3A_101 = math.exp %min3A_100 : vector<1024xf32>
    %slice3A_102 = vector.extract_strided_slice %get3A_3 {offsets = [1, 0, 0, 16], sizes = [1, 1, 1024, 1], strides = [1, 1, 1, 1]} : vector<4x2x1024x24xf32> to vector<1x1x1024x1xf32>
    %squeeze3A_103 = vector.shape_cast %slice3A_102 : vector<1x1x1024x1xf32> to vector<1024xf32>
    %slice3A_104 = vector.extract_strided_slice %get3A_3 {offsets = [1, 1, 0, 16], sizes = [1, 1, 1024, 1], strides = [1, 1, 1, 1]} : vector<4x2x1024x24xf32> to vector<1x1x1024x1xf32>
    %squeeze3A_105 = vector.shape_cast %slice3A_104 : vector<1x1x1024x1xf32> to vector<1024xf32>
    %add3A_106 = arith.addf %squeeze3A_103, %squeeze3A_105 : vector<1024xf32>
    %add3A_107 = arith.addf %add3A_106, %exp3A_101 : vector<1024xf32>
    %slice3A_108 = vector.extract_strided_slice %get3A_3 {offsets = [1, 0, 0, 0], sizes = [1, 1, 1024, 16], strides = [1, 1, 1, 1]} : vector<4x2x1024x24xf32> to vector<1x1x1024x16xf32>
    %squeeze3A_109 = vector.shape_cast %slice3A_108 : vector<1x1x1024x16xf32> to vector<1024x16xf32>
    %slice3A_110 = vector.extract_strided_slice %get3A_3 {offsets = [1, 1, 0, 0], sizes = [1, 1, 1024, 16], strides = [1, 1, 1, 1]} : vector<4x2x1024x24xf32> to vector<1x1x1024x16xf32>
    %squeeze3A_111 = vector.shape_cast %slice3A_110 : vector<1x1x1024x16xf32> to vector<1024x16xf32>
    %add3A_112 = arith.addf %squeeze3A_109, %squeeze3A_111 : vector<1024x16xf32>
    %broadcast_in_dim3A_113 = vector.shape_cast %exp3A_101 : vector<1024xf32> to vector<1024x1xf32>
    %mul3A_114 = vector.broadcast %broadcast_in_dim3A_113 : vector<1024x1xf32> to vector<1024x16xf32>
    %mul3A_115 = arith.mulf %mul3A_114, %squeeze3A_84 : vector<1024x16xf32>
    %add3A_116 = arith.addf %add3A_112, %mul3A_115 : vector<1024x16xf32>
    %broadcast_in_dim3A_117 = vector.shape_cast %add3A_107 : vector<1024xf32> to vector<1024x1xf32>
    %div3A_118 = vector.broadcast %broadcast_in_dim3A_117 : vector<1024x1xf32> to vector<1024x16xf32>
    %div3A_119 = arith.divf %add3A_116, %div3A_118 : vector<1024x16xf32>
    %slice3A_120 = vector.extract_strided_slice %get3A_13 {offsets = [1, 0], sizes = [1, 16], strides = [1, 1]} : vector<4x16xf32> to vector<1x16xf32>
    %squeeze3A_121 = vector.shape_cast %slice3A_120 : vector<1x16xf32> to vector<16xf32>
    %broadcast_in_dim3A_122 = vector.shape_cast %squeeze3A_121 : vector<16xf32> to vector<1x16xf32>
    %add3A_123 = vector.broadcast %broadcast_in_dim3A_122 : vector<1x16xf32> to vector<1024x16xf32>
    %add3A_124 = arith.addf %div3A_119, %add3A_123 : vector<1024x16xf32>
    %gt3A_125 = arith.constant 0.000000e+00 : f32
    %gt3A_126 = vector.broadcast %gt3A_125 : f32 to vector<1024x16xf32>
    %gt3A_127 = arith.cmpf ogt, %add3A_124, %gt3A_126 : vector<1024x16xf32>
    %min3A_128 = arith.constant 0.000000e+00 : f32
    %min3A_129 = vector.broadcast %min3A_128 : f32 to vector<1024x16xf32>
    %min3A_130 = arith.minimumf %add3A_124, %min3A_129 : vector<1024x16xf32>
    %exp3A_131 = math.exp %min3A_130 : vector<1024x16xf32>
    %sub3A_132 = arith.constant 1.000000e+00 : f32
    %sub3A_133 = vector.broadcast %sub3A_132 : f32 to vector<1024x16xf32>
    %sub3A_134 = arith.subf %exp3A_131, %sub3A_133 : vector<1024x16xf32>
    %select_n3A_135 = arith.select %gt3A_127, %add3A_124, %sub3A_134 : vector<1024x16xi1>, vector<1024x16xf32>
    %slice3A_136 = vector.extract_strided_slice %get3A_16 {offsets = [2, 0], sizes = [1, 1024], strides = [1, 1]} : vector<4x1024xf32> to vector<1x1024xf32>
    %squeeze3A_137 = vector.shape_cast %slice3A_136 : vector<1x1024xf32> to vector<1024xf32>
    %slice3A_138 = vector.extract_strided_slice %get3A_19 {offsets = [2, 0], sizes = [1, 1024], strides = [1, 1]} : vector<4x1024xf32> to vector<1x1024xf32>
    %squeeze3A_139 = vector.shape_cast %slice3A_138 : vector<1x1024xf32> to vector<1024xf32>
    %slice3A_140 = vector.extract_strided_slice %get3A_23 {offsets = [2, 0, 0], sizes = [1, 1024, 16], strides = [1, 1, 1]} : vector<4x1024x16xf32> to vector<1x1024x16xf32>
    %squeeze3A_141 = vector.shape_cast %slice3A_140 : vector<1x1024x16xf32> to vector<1024x16xf32>
    %slice3A_142 = vector.extract_strided_slice %add3A {offsets = [0, 2], sizes = [1024, 1], strides = [1, 1]} : vector<1024x16xf32> to vector<1024x1xf32>
    %squeeze3A_143 = vector.shape_cast %slice3A_142 : vector<1024x1xf32> to vector<1024xf32>
    %div3A_144 = arith.divf %squeeze3A_143, %max3A_29 : vector<1024xf32>
    %add3A_145 = arith.addf %squeeze3A_137, %squeeze3A_139 : vector<1024xf32>
    %add3A_146 = arith.addf %add3A_145, %div3A_144 : vector<1024xf32>
    %mul3A_147 = arith.constant 2.000000e-01 : f32
    %mul3A_148 = vector.broadcast %mul3A_147 : f32 to vector<1024xf32>
    %mul3A_149 = arith.mulf %mul3A_148, %add3A_146 : vector<1024xf32>
    %max3A_150 = arith.maximumf %add3A_146, %mul3A_149 : vector<1024xf32>
    %slice3A_151 = vector.extract_strided_slice %get3A_10 {offsets = [2, 0], sizes = [1, 1], strides = [1, 1]} : vector<4x16xf32> to vector<1x1xf32>
    %squeeze3A_152 = vector.extract %slice3A_151[0, 0] : f32 from vector<1x1xf32>
    %sub3A_153 = vector.broadcast %squeeze3A_152 : f32 to vector<1024xf32>
    %sub3A_154 = arith.subf %max3A_150, %sub3A_153 : vector<1024xf32>
    %min3A_155 = arith.constant 6.000000e+01 : f32
    %min3A_156 = vector.broadcast %min3A_155 : f32 to vector<1024xf32>
    %min3A_157 = arith.minimumf %sub3A_154, %min3A_156 : vector<1024xf32>
    %exp3A_158 = math.exp %min3A_157 : vector<1024xf32>
    %slice3A_159 = vector.extract_strided_slice %get3A_3 {offsets = [2, 0, 0, 16], sizes = [1, 1, 1024, 1], strides = [1, 1, 1, 1]} : vector<4x2x1024x24xf32> to vector<1x1x1024x1xf32>
    %squeeze3A_160 = vector.shape_cast %slice3A_159 : vector<1x1x1024x1xf32> to vector<1024xf32>
    %slice3A_161 = vector.extract_strided_slice %get3A_3 {offsets = [2, 1, 0, 16], sizes = [1, 1, 1024, 1], strides = [1, 1, 1, 1]} : vector<4x2x1024x24xf32> to vector<1x1x1024x1xf32>
    %squeeze3A_162 = vector.shape_cast %slice3A_161 : vector<1x1x1024x1xf32> to vector<1024xf32>
    %add3A_163 = arith.addf %squeeze3A_160, %squeeze3A_162 : vector<1024xf32>
    %add3A_164 = arith.addf %add3A_163, %exp3A_158 : vector<1024xf32>
    %slice3A_165 = vector.extract_strided_slice %get3A_3 {offsets = [2, 0, 0, 0], sizes = [1, 1, 1024, 16], strides = [1, 1, 1, 1]} : vector<4x2x1024x24xf32> to vector<1x1x1024x16xf32>
    %squeeze3A_166 = vector.shape_cast %slice3A_165 : vector<1x1x1024x16xf32> to vector<1024x16xf32>
    %slice3A_167 = vector.extract_strided_slice %get3A_3 {offsets = [2, 1, 0, 0], sizes = [1, 1, 1024, 16], strides = [1, 1, 1, 1]} : vector<4x2x1024x24xf32> to vector<1x1x1024x16xf32>
    %squeeze3A_168 = vector.shape_cast %slice3A_167 : vector<1x1x1024x16xf32> to vector<1024x16xf32>
    %add3A_169 = arith.addf %squeeze3A_166, %squeeze3A_168 : vector<1024x16xf32>
    %broadcast_in_dim3A_170 = vector.shape_cast %exp3A_158 : vector<1024xf32> to vector<1024x1xf32>
    %mul3A_171 = vector.broadcast %broadcast_in_dim3A_170 : vector<1024x1xf32> to vector<1024x16xf32>
    %mul3A_172 = arith.mulf %mul3A_171, %squeeze3A_141 : vector<1024x16xf32>
    %add3A_173 = arith.addf %add3A_169, %mul3A_172 : vector<1024x16xf32>
    %broadcast_in_dim3A_174 = vector.shape_cast %add3A_164 : vector<1024xf32> to vector<1024x1xf32>
    %div3A_175 = vector.broadcast %broadcast_in_dim3A_174 : vector<1024x1xf32> to vector<1024x16xf32>
    %div3A_176 = arith.divf %add3A_173, %div3A_175 : vector<1024x16xf32>
    %slice3A_177 = vector.extract_strided_slice %get3A_13 {offsets = [2, 0], sizes = [1, 16], strides = [1, 1]} : vector<4x16xf32> to vector<1x16xf32>
    %squeeze3A_178 = vector.shape_cast %slice3A_177 : vector<1x16xf32> to vector<16xf32>
    %broadcast_in_dim3A_179 = vector.shape_cast %squeeze3A_178 : vector<16xf32> to vector<1x16xf32>
    %add3A_180 = vector.broadcast %broadcast_in_dim3A_179 : vector<1x16xf32> to vector<1024x16xf32>
    %add3A_181 = arith.addf %div3A_176, %add3A_180 : vector<1024x16xf32>
    %gt3A_182 = arith.constant 0.000000e+00 : f32
    %gt3A_183 = vector.broadcast %gt3A_182 : f32 to vector<1024x16xf32>
    %gt3A_184 = arith.cmpf ogt, %add3A_181, %gt3A_183 : vector<1024x16xf32>
    %min3A_185 = arith.constant 0.000000e+00 : f32
    %min3A_186 = vector.broadcast %min3A_185 : f32 to vector<1024x16xf32>
    %min3A_187 = arith.minimumf %add3A_181, %min3A_186 : vector<1024x16xf32>
    %exp3A_188 = math.exp %min3A_187 : vector<1024x16xf32>
    %sub3A_189 = arith.constant 1.000000e+00 : f32
    %sub3A_190 = vector.broadcast %sub3A_189 : f32 to vector<1024x16xf32>
    %sub3A_191 = arith.subf %exp3A_188, %sub3A_190 : vector<1024x16xf32>
    %select_n3A_192 = arith.select %gt3A_184, %add3A_181, %sub3A_191 : vector<1024x16xi1>, vector<1024x16xf32>
    %slice3A_193 = vector.extract_strided_slice %get3A_16 {offsets = [3, 0], sizes = [1, 1024], strides = [1, 1]} : vector<4x1024xf32> to vector<1x1024xf32>
    %squeeze3A_194 = vector.shape_cast %slice3A_193 : vector<1x1024xf32> to vector<1024xf32>
    %slice3A_195 = vector.extract_strided_slice %get3A_19 {offsets = [3, 0], sizes = [1, 1024], strides = [1, 1]} : vector<4x1024xf32> to vector<1x1024xf32>
    %squeeze3A_196 = vector.shape_cast %slice3A_195 : vector<1x1024xf32> to vector<1024xf32>
    %slice3A_197 = vector.extract_strided_slice %get3A_23 {offsets = [3, 0, 0], sizes = [1, 1024, 16], strides = [1, 1, 1]} : vector<4x1024x16xf32> to vector<1x1024x16xf32>
    %squeeze3A_198 = vector.shape_cast %slice3A_197 : vector<1x1024x16xf32> to vector<1024x16xf32>
    %slice3A_199 = vector.extract_strided_slice %add3A {offsets = [0, 3], sizes = [1024, 1], strides = [1, 1]} : vector<1024x16xf32> to vector<1024x1xf32>
    %squeeze3A_200 = vector.shape_cast %slice3A_199 : vector<1024x1xf32> to vector<1024xf32>
    %div3A_201 = arith.divf %squeeze3A_200, %max3A_29 : vector<1024xf32>
    %add3A_202 = arith.addf %squeeze3A_194, %squeeze3A_196 : vector<1024xf32>
    %add3A_203 = arith.addf %add3A_202, %div3A_201 : vector<1024xf32>
    %mul3A_204 = arith.constant 2.000000e-01 : f32
    %mul3A_205 = vector.broadcast %mul3A_204 : f32 to vector<1024xf32>
    %mul3A_206 = arith.mulf %mul3A_205, %add3A_203 : vector<1024xf32>
    %max3A_207 = arith.maximumf %add3A_203, %mul3A_206 : vector<1024xf32>
    %slice3A_208 = vector.extract_strided_slice %get3A_10 {offsets = [3, 0], sizes = [1, 1], strides = [1, 1]} : vector<4x16xf32> to vector<1x1xf32>
    %squeeze3A_209 = vector.extract %slice3A_208[0, 0] : f32 from vector<1x1xf32>
    %sub3A_210 = vector.broadcast %squeeze3A_209 : f32 to vector<1024xf32>
    %sub3A_211 = arith.subf %max3A_207, %sub3A_210 : vector<1024xf32>
    %min3A_212 = arith.constant 6.000000e+01 : f32
    %min3A_213 = vector.broadcast %min3A_212 : f32 to vector<1024xf32>
    %min3A_214 = arith.minimumf %sub3A_211, %min3A_213 : vector<1024xf32>
    %exp3A_215 = math.exp %min3A_214 : vector<1024xf32>
    %slice3A_216 = vector.extract_strided_slice %get3A_3 {offsets = [3, 0, 0, 16], sizes = [1, 1, 1024, 1], strides = [1, 1, 1, 1]} : vector<4x2x1024x24xf32> to vector<1x1x1024x1xf32>
    %squeeze3A_217 = vector.shape_cast %slice3A_216 : vector<1x1x1024x1xf32> to vector<1024xf32>
    %slice3A_218 = vector.extract_strided_slice %get3A_3 {offsets = [3, 1, 0, 16], sizes = [1, 1, 1024, 1], strides = [1, 1, 1, 1]} : vector<4x2x1024x24xf32> to vector<1x1x1024x1xf32>
    %squeeze3A_219 = vector.shape_cast %slice3A_218 : vector<1x1x1024x1xf32> to vector<1024xf32>
    %add3A_220 = arith.addf %squeeze3A_217, %squeeze3A_219 : vector<1024xf32>
    %add3A_221 = arith.addf %add3A_220, %exp3A_215 : vector<1024xf32>
    %slice3A_222 = vector.extract_strided_slice %get3A_3 {offsets = [3, 0, 0, 0], sizes = [1, 1, 1024, 16], strides = [1, 1, 1, 1]} : vector<4x2x1024x24xf32> to vector<1x1x1024x16xf32>
    %squeeze3A_223 = vector.shape_cast %slice3A_222 : vector<1x1x1024x16xf32> to vector<1024x16xf32>
    %slice3A_224 = vector.extract_strided_slice %get3A_3 {offsets = [3, 1, 0, 0], sizes = [1, 1, 1024, 16], strides = [1, 1, 1, 1]} : vector<4x2x1024x24xf32> to vector<1x1x1024x16xf32>
    %squeeze3A_225 = vector.shape_cast %slice3A_224 : vector<1x1x1024x16xf32> to vector<1024x16xf32>
    %add3A_226 = arith.addf %squeeze3A_223, %squeeze3A_225 : vector<1024x16xf32>
    %broadcast_in_dim3A_227 = vector.shape_cast %exp3A_215 : vector<1024xf32> to vector<1024x1xf32>
    %mul3A_228 = vector.broadcast %broadcast_in_dim3A_227 : vector<1024x1xf32> to vector<1024x16xf32>
    %mul3A_229 = arith.mulf %mul3A_228, %squeeze3A_198 : vector<1024x16xf32>
    %add3A_230 = arith.addf %add3A_226, %mul3A_229 : vector<1024x16xf32>
    %broadcast_in_dim3A_231 = vector.shape_cast %add3A_221 : vector<1024xf32> to vector<1024x1xf32>
    %div3A_232 = vector.broadcast %broadcast_in_dim3A_231 : vector<1024x1xf32> to vector<1024x16xf32>
    %div3A_233 = arith.divf %add3A_230, %div3A_232 : vector<1024x16xf32>
    %slice3A_234 = vector.extract_strided_slice %get3A_13 {offsets = [3, 0], sizes = [1, 16], strides = [1, 1]} : vector<4x16xf32> to vector<1x16xf32>
    %squeeze3A_235 = vector.shape_cast %slice3A_234 : vector<1x16xf32> to vector<16xf32>
    %broadcast_in_dim3A_236 = vector.shape_cast %squeeze3A_235 : vector<16xf32> to vector<1x16xf32>
    %add3A_237 = vector.broadcast %broadcast_in_dim3A_236 : vector<1x16xf32> to vector<1024x16xf32>
    %add3A_238 = arith.addf %div3A_233, %add3A_237 : vector<1024x16xf32>
    %gt3A_239 = arith.constant 0.000000e+00 : f32
    %gt3A_240 = vector.broadcast %gt3A_239 : f32 to vector<1024x16xf32>
    %gt3A_241 = arith.cmpf ogt, %add3A_238, %gt3A_240 : vector<1024x16xf32>
    %min3A_242 = arith.constant 0.000000e+00 : f32
    %min3A_243 = vector.broadcast %min3A_242 : f32 to vector<1024x16xf32>
    %min3A_244 = arith.minimumf %add3A_238, %min3A_243 : vector<1024x16xf32>
    %exp3A_245 = math.exp %min3A_244 : vector<1024x16xf32>
    %sub3A_246 = arith.constant 1.000000e+00 : f32
    %sub3A_247 = vector.broadcast %sub3A_246 : f32 to vector<1024x16xf32>
    %sub3A_248 = arith.subf %exp3A_245, %sub3A_247 : vector<1024x16xf32>
    %select_n3A_249 = arith.select %gt3A_241, %add3A_238, %sub3A_248 : vector<1024x16xi1>, vector<1024x16xf32>
    %get3A_250 = arith.constant 0 : index
    %get3A_251 = arith.constant 0 : index
    %get3A_252 = arith.constant 0 : index
    %get3A_253 = arith.constant 0 : index
    %get3A_254 = vector.load %arg8[%get3A_250, %get3A_251, %get3A_252, %get3A_253] : memref<1x4x16x16xf32, #tpu.memory_space<vmem>>, vector<1x4x16x16xf32>
    %broadcast_in_dim3A_255 = arith.constant 0.000000e+00 : f32
    %broadcast_in_dim3A_256 = vector.broadcast %broadcast_in_dim3A_255 : f32 to vector<1024x16xf32>
    %slice3A_257 = vector.extract_strided_slice %get3A_254 {offsets = [0, 0, 0, 0], sizes = [1, 1, 16, 16], strides = [1, 1, 1, 1]} : vector<1x4x16x16xf32> to vector<1x1x16x16xf32>
    %squeeze3A_258 = vector.shape_cast %slice3A_257 : vector<1x1x16x16xf32> to vector<16x16xf32>
    %dot_general3A = arith.constant dense<0.000000e+00> : vector<1024x16xf32>
    %dot_general3A_259 = tpu.matmul %select_n3A, %squeeze3A_258, %dot_general3A {dimension_numbers = #tpu.dot_dimension_numbers<[1], [0], [0], [1], [0, 0, 1, 1], [], []>, transpose_lhs_hint = false} : vector<1024x16xf32>, vector<16x16xf32>, vector<1024x16xf32> -> vector<1024x16xf32>
    %add3A_260 = arith.addf %broadcast_in_dim3A_256, %dot_general3A_259 : vector<1024x16xf32>
    %slice3A_261 = vector.extract_strided_slice %get3A_254 {offsets = [0, 1, 0, 0], sizes = [1, 1, 16, 16], strides = [1, 1, 1, 1]} : vector<1x4x16x16xf32> to vector<1x1x16x16xf32>
    %squeeze3A_262 = vector.shape_cast %slice3A_261 : vector<1x1x16x16xf32> to vector<16x16xf32>
    %dot_general3A_263 = arith.constant dense<0.000000e+00> : vector<1024x16xf32>
    %dot_general3A_264 = tpu.matmul %select_n3A_135, %squeeze3A_262, %dot_general3A_263 {dimension_numbers = #tpu.dot_dimension_numbers<[1], [0], [0], [1], [0, 0, 1, 1], [], []>, transpose_lhs_hint = false} : vector<1024x16xf32>, vector<16x16xf32>, vector<1024x16xf32> -> vector<1024x16xf32>
    %add3A_265 = arith.addf %add3A_260, %dot_general3A_264 : vector<1024x16xf32>
    %slice3A_266 = vector.extract_strided_slice %get3A_254 {offsets = [0, 2, 0, 0], sizes = [1, 1, 16, 16], strides = [1, 1, 1, 1]} : vector<1x4x16x16xf32> to vector<1x1x16x16xf32>
    %squeeze3A_267 = vector.shape_cast %slice3A_266 : vector<1x1x16x16xf32> to vector<16x16xf32>
    %dot_general3A_268 = arith.constant dense<0.000000e+00> : vector<1024x16xf32>
    %dot_general3A_269 = tpu.matmul %select_n3A_192, %squeeze3A_267, %dot_general3A_268 {dimension_numbers = #tpu.dot_dimension_numbers<[1], [0], [0], [1], [0, 0, 1, 1], [], []>, transpose_lhs_hint = false} : vector<1024x16xf32>, vector<16x16xf32>, vector<1024x16xf32> -> vector<1024x16xf32>
    %add3A_270 = arith.addf %add3A_265, %dot_general3A_269 : vector<1024x16xf32>
    %slice3A_271 = vector.extract_strided_slice %get3A_254 {offsets = [0, 3, 0, 0], sizes = [1, 1, 16, 16], strides = [1, 1, 1, 1]} : vector<1x4x16x16xf32> to vector<1x1x16x16xf32>
    %squeeze3A_272 = vector.shape_cast %slice3A_271 : vector<1x1x16x16xf32> to vector<16x16xf32>
    %dot_general3A_273 = arith.constant dense<0.000000e+00> : vector<1024x16xf32>
    %dot_general3A_274 = tpu.matmul %select_n3A_249, %squeeze3A_272, %dot_general3A_273 {dimension_numbers = #tpu.dot_dimension_numbers<[1], [0], [0], [1], [0, 0, 1, 1], [], []>, transpose_lhs_hint = false} : vector<1024x16xf32>, vector<16x16xf32>, vector<1024x16xf32> -> vector<1024x16xf32>
    %add3A_275 = arith.addf %add3A_270, %dot_general3A_274 : vector<1024x16xf32>
    %swap3A = arith.constant 0 : index
    %swap3A_276 = arith.constant 0 : index
    %swap3A_277 = vector.load %arg12[%swap3A, %swap3A_276] : memref<1024x16xf32, #tpu.memory_space<vmem>>, vector<1024x16xf32>
    tpu.vector_store %arg12[%swap3A, %swap3A_276], %add3A_275 {strides = array<i32>} : memref<1024x16xf32, #tpu.memory_space<vmem>>, vector<1024x16xf32>,
    %get3A_278 = arith.constant 0 : index
    %get3A_279 = arith.constant 0 : index
    %get3A_280 = arith.constant 0 : index
    %get3A_281 = vector.load %arg6[%get3A_278, %get3A_279, %get3A_280] : memref<1x1x16xf32, #tpu.memory_space<vmem>>, vector<1x1x16xf32>
    %get3A_282 = vector.shape_cast %get3A_281 : vector<1x1x16xf32> to vector<1x16xf32>
    %mul3A_283 = vector.broadcast %get3A_282 : vector<1x16xf32> to vector<1024x16xf32>
    %mul3A_284 = arith.mulf %add3A_275, %mul3A_283 : vector<1024x16xf32>
    %reduce_sum3A = arith.constant dense<0.000000e+00> : vector<1024xf32>
    %reduce_sum3A_285 = vector.multi_reduction <add>, %mul3A_284, %reduce_sum3A [1] : vector<1024x16xf32> to vector<1024xf32>
    %get3A_286 = arith.constant 0 : index
    %get3A_287 = arith.constant 0 : index
    %get3A_288 = arith.constant 0 : index
    %get3A_289 = vector.load %arg7[%get3A_286, %get3A_287, %get3A_288] : memref<1x1x16xf32, #tpu.memory_space<vmem>>, vector<1x1x16xf32>
    %get3A_290 = vector.shape_cast %get3A_289 : vector<1x1x16xf32> to vector<1x16xf32>
    %mul3A_291 = vector.broadcast %get3A_290 : vector<1x16xf32> to vector<1024x16xf32>
    %mul3A_292 = arith.mulf %add3A_275, %mul3A_291 : vector<1024x16xf32>
    %reduce_sum3A_293 = arith.constant dense<0.000000e+00> : vector<1024xf32>
    %reduce_sum3A_294 = vector.multi_reduction <add>, %mul3A_292, %reduce_sum3A_293 [1] : vector<1024x16xf32> to vector<1024xf32>
    %swap3A_295 = arith.constant 0 : index
    %swap3A_296 = vector.load %arg13[%swap3A_295] : memref<1024xf32, #tpu.memory_space<vmem>>, vector<1024xf32>
    tpu.vector_store %arg13[%swap3A_295], %reduce_sum3A_285 {strides = array<i32>} : memref<1024xf32, #tpu.memory_space<vmem>>, vector<1024xf32>,
    %swap3A_297 = arith.constant 0 : index
    %swap3A_298 = vector.load %arg14[%swap3A_297] : memref<1024xf32, #tpu.memory_space<vmem>>, vector<1024xf32>
    tpu.vector_store %arg14[%swap3A_297], %reduce_sum3A_294 {strides = array<i32>} : memref<1024xf32, #tpu.memory_space<vmem>>, vector<1024xf32>,
    %reduce_max3A = vector.shape_cast %reduce_sum3A_285 : vector<1024xf32> to vector<1x1024xf32>
    %reduce_max3A_299 = arith.constant dense<0xFF800000> : vector<1xf32>
    %reduce_max3A_300 = vector.multi_reduction <maximumf>, %reduce_max3A, %reduce_max3A_299 [1] : vector<1x1024xf32> to vector<1xf32>
    %reduce_max3A_301 = vector.shape_cast %reduce_max3A_300 : vector<1xf32> to vector<1x1xf32>
    %reduce_max3A_302 = vector.extract %reduce_max3A_301[0, 0] : f32 from vector<1x1xf32>
    %reduce_max3A_303 = vector.shape_cast %reduce_sum3A_294 : vector<1024xf32> to vector<1x1024xf32>
    %reduce_max3A_304 = arith.constant dense<0xFF800000> : vector<1xf32>
    %reduce_max3A_305 = vector.multi_reduction <maximumf>, %reduce_max3A_303, %reduce_max3A_304 [1] : vector<1x1024xf32> to vector<1xf32>
    %reduce_max3A_306 = vector.shape_cast %reduce_max3A_305 : vector<1xf32> to vector<1x1xf32>
    %reduce_max3A_307 = vector.extract %reduce_max3A_306[0, 0] : f32 from vector<1x1xf32>
    %stack3A = vector.broadcast %reduce_max3A_302 : f32 to vector<1xf32>
    %stack3A_308 = vector.broadcast %reduce_max3A_307 : f32 to vector<1xf32>
    %stack3A_309 = tpu.concatenate %stack3A, %stack3A_308 in 0 : vector<1xf32>, vector<1xf32> -> vector<2xf32>
    %broadcast_in_dim3A_310 = vector.shape_cast %stack3A_309 : vector<2xf32> to vector<1x1x2xf32>
    %swap3A_311 = arith.constant 0 : index
    %swap3A_312 = arith.constant 0 : index
    %swap3A_313 = arith.constant 0 : index
    %swap3A_314 = vector.load %arg15[%swap3A_311, %swap3A_312, %swap3A_313] : memref<1x1x2xf32, #tpu.memory_space<vmem>>, vector<1x1x2xf32>
    tpu.vector_store %arg15[%swap3A_311, %swap3A_312, %swap3A_313], %broadcast_in_dim3A_310 {strides = array<i32>} : memref<1x1x2xf32, #tpu.memory_space<vmem>>, vector<1x1x2xf32>,
    return
  }
  func.func @transform_0(%arg0: i32, %arg1: i32) -> (i32, i32, i32, i32) {
    %c0_i32 = arith.constant 0 : i32
    %c0_i32_0 = arith.constant 0 : i32
    %c0_i32_1 = arith.constant 0 : i32
    %c0_i32_2 = arith.constant 0 : i32
    return %c0_i32, %c0_i32_0, %arg1, %c0_i32_1 : i32, i32, i32, i32
  }
  func.func @transform_1(%arg0: i32, %arg1: i32) -> (i32, i32, i32) {
    %c0_i32 = arith.constant 0 : i32
    %c0_i32_0 = arith.constant 0 : i32
    %c0_i32_1 = arith.constant 0 : i32
    return %c0_i32, %arg1, %c0_i32_0 : i32, i32, i32
  }
  func.func @transform_2(%arg0: i32, %arg1: i32) -> (i32, i32) {
    %c0_i32 = arith.constant 0 : i32
    %c0_i32_0 = arith.constant 0 : i32
    %c0_i32_1 = arith.constant 0 : i32
    return %c0_i32, %c0_i32_0 : i32, i32
  }
  func.func @transform_3(%arg0: i32, %arg1: i32) -> (i32, i32) {
    %c0_i32 = arith.constant 0 : i32
    %c0_i32_0 = arith.constant 0 : i32
    %c0_i32_1 = arith.constant 0 : i32
    return %c0_i32, %c0_i32_0 : i32, i32
  }
  func.func @transform_4(%arg0: i32, %arg1: i32) -> (i32, i32, i32) {
    %c0_i32 = arith.constant 0 : i32
    %c0_i32_0 = arith.constant 0 : i32
    %c0_i32_1 = arith.constant 0 : i32
    return %arg0, %c0_i32, %c0_i32_0 : i32, i32, i32
  }
  func.func @transform_5(%arg0: i32, %arg1: i32) -> (i32, i32, i32) {
    %c0_i32 = arith.constant 0 : i32
    %c0_i32_0 = arith.constant 0 : i32
    %c0_i32_1 = arith.constant 0 : i32
    return %arg0, %c0_i32, %c0_i32_0 : i32, i32, i32
  }
  func.func @transform_6(%arg0: i32, %arg1: i32) -> (i32, i32, i32, i32) {
    %c0_i32 = arith.constant 0 : i32
    %c0_i32_0 = arith.constant 0 : i32
    %c0_i32_1 = arith.constant 0 : i32
    %c0_i32_2 = arith.constant 0 : i32
    return %arg0, %c0_i32, %c0_i32_0, %c0_i32_1 : i32, i32, i32, i32
  }
  func.func @transform_7(%arg0: i32, %arg1: i32) -> (i32, i32) {
    %c0_i32 = arith.constant 0 : i32
    %c0_i32_0 = arith.constant 0 : i32
    return %c0_i32, %arg1 : i32, i32
  }
  func.func @transform_8(%arg0: i32, %arg1: i32) -> (i32, i32) {
    %c0_i32 = arith.constant 0 : i32
    %c0_i32_0 = arith.constant 0 : i32
    return %c0_i32, %arg1 : i32, i32
  }
  func.func @transform_9(%arg0: i32, %arg1: i32) -> (i32, i32, i32) {
    %c0_i32 = arith.constant 0 : i32
    %c0_i32_0 = arith.constant 0 : i32
    %c0_i32_1 = arith.constant 0 : i32
    return %c0_i32, %arg1, %c0_i32_0 : i32, i32, i32
  }
  func.func @transform_10(%arg0: i32, %arg1: i32) -> (i32, i32) {
    %mul3A = arith.constant 49 : i32
    %mul3A_0 = arith.muli %arg0, %mul3A : i32
    %add3A = arith.addi %mul3A_0, %arg1 : i32
    %c0_i32 = arith.constant 0 : i32
    %c0_i32_1 = arith.constant 0 : i32
    return %add3A, %c0_i32 : i32, i32
  }
  func.func @transform_11(%arg0: i32, %arg1: i32) -> i32 {
    %mul3A = arith.constant 49 : i32
    %mul3A_0 = arith.muli %arg0, %mul3A : i32
    %add3A = arith.addi %mul3A_0, %arg1 : i32
    %c0_i32 = arith.constant 0 : i32
    return %add3A : i32
  }
  func.func @transform_12(%arg0: i32, %arg1: i32) -> i32 {
    %mul3A = arith.constant 49 : i32
    %mul3A_0 = arith.muli %arg0, %mul3A : i32
    %add3A = arith.addi %mul3A_0, %arg1 : i32
    %c0_i32 = arith.constant 0 : i32
    return %add3A : i32
  }
  func.func @transform_13(%arg0: i32, %arg1: i32) -> (i32, i32, i32) {
    %mul3A = arith.constant 49 : i32
    %mul3A_0 = arith.muli %arg0, %mul3A : i32
    %add3A = arith.addi %mul3A_0, %arg1 : i32
    %c0_i32 = arith.constant 0 : i32
    %c0_i32_1 = arith.constant 0 : i32
    %c0_i32_2 = arith.constant 0 : i32
    return %add3A, %c0_i32, %c0_i32_1 : i32, i32, i32
  }
}

module attributes {stable_mosaic.version = 14 : i64} {
  func.func @_final_body(%arg0: i32, %arg1: memref<4x2x1024x24xf32, #tpu.memory_space<vmem>>, %arg2: memref<2x1024x16xf32, #tpu.memory_space<vmem>>, %arg3: memref<4x16xf32, #tpu.memory_space<vmem>>, %arg4: memref<4x16xf32, #tpu.memory_space<vmem>>, %arg5: memref<1024x16xf32, #tpu.memory_space<vmem>>, %arg6: memref<16x64xf32, #tpu.memory_space<vmem>>, %arg7: memref<64xf32, #tpu.memory_space<vmem>>, %arg8: memref<4x16x5xf32, #tpu.memory_space<vmem>>, %arg9: memref<5xf32, #tpu.memory_space<vmem>>, %arg10: memref<4x1024xf32, #tpu.memory_space<vmem>>, %arg11: memref<4x1024xf32, #tpu.memory_space<vmem>>, %arg12: memref<4x1024x16xf32, #tpu.memory_space<vmem>>, %arg13: memref<1024x5xf32, #tpu.memory_space<vmem>>) attributes {dimension_semantics = [#tpu.dimension_semantics<arbitrary>], iteration_bounds = array<i64: 49>, scalar_prefetch = 0 : i64, scratch_operands = 0 : i64, tpu.core_type = #tpu.core_type<tc>, window_params = [{transform_indices = @transform_0, window_bounds = array<i64: 4, 2, 1024, 24>}, {transform_indices = @transform_1, window_bounds = array<i64: 2, 1024, 16>}, {pipeline_mode = #tpu.pipeline_mode<synchronous>, transform_indices = @transform_2, window_bounds = array<i64: 4, 16>}, {pipeline_mode = #tpu.pipeline_mode<synchronous>, transform_indices = @transform_3, window_bounds = array<i64: 4, 16>}, {transform_indices = @transform_4, window_bounds = array<i64: 1024, 16>}, {pipeline_mode = #tpu.pipeline_mode<synchronous>, transform_indices = @transform_5, window_bounds = array<i64: 16, 64>}, {pipeline_mode = #tpu.pipeline_mode<synchronous>, transform_indices = @transform_6, window_bounds = array<i64: 64>}, {pipeline_mode = #tpu.pipeline_mode<synchronous>, transform_indices = @transform_7, window_bounds = array<i64: 4, 16, 5>}, {pipeline_mode = #tpu.pipeline_mode<synchronous>, transform_indices = @transform_8, window_bounds = array<i64: 5>}, {transform_indices = @transform_9, window_bounds = array<i64: 4, 1024>}, {transform_indices = @transform_10, window_bounds = array<i64: 4, 1024>}, {transform_indices = @transform_11, window_bounds = array<i64: 4, 1024, 16>}, {transform_indices = @transform_12, window_bounds = array<i64: 1024, 5>}]} {
    %get3A = arith.constant 0 : index
    %get3A_0 = arith.constant 0 : index
    %get3A_1 = arith.constant 0 : index
    %get3A_2 = arith.constant 0 : index
    %get3A_3 = vector.load %arg1[%get3A, %get3A_0, %get3A_1, %get3A_2] : memref<4x2x1024x24xf32, #tpu.memory_space<vmem>>, vector<4x2x1024x24xf32>
    %get3A_4 = arith.constant 0 : index
    %get3A_5 = arith.constant 0 : index
    %get3A_6 = arith.constant 0 : index
    %get3A_7 = vector.load %arg2[%get3A_4, %get3A_5, %get3A_6] : memref<2x1024x16xf32, #tpu.memory_space<vmem>>, vector<2x1024x16xf32>
    %get3A_8 = arith.constant 0 : index
    %get3A_9 = arith.constant 0 : index
    %get3A_10 = vector.load %arg3[%get3A_8, %get3A_9] : memref<4x16xf32, #tpu.memory_space<vmem>>, vector<4x16xf32>
    %get3A_11 = arith.constant 0 : index
    %get3A_12 = arith.constant 0 : index
    %get3A_13 = vector.load %arg4[%get3A_11, %get3A_12] : memref<4x16xf32, #tpu.memory_space<vmem>>, vector<4x16xf32>
    %get3A_14 = arith.constant 0 : index
    %get3A_15 = arith.constant 0 : index
    %get3A_16 = vector.load %arg10[%get3A_14, %get3A_15] : memref<4x1024xf32, #tpu.memory_space<vmem>>, vector<4x1024xf32>
    %get3A_17 = arith.constant 0 : index
    %get3A_18 = arith.constant 0 : index
    %get3A_19 = vector.load %arg11[%get3A_17, %get3A_18] : memref<4x1024xf32, #tpu.memory_space<vmem>>, vector<4x1024xf32>
    %get3A_20 = arith.constant 0 : index
    %get3A_21 = arith.constant 0 : index
    %get3A_22 = arith.constant 0 : index
    %get3A_23 = vector.load %arg12[%get3A_20, %get3A_21, %get3A_22] : memref<4x1024x16xf32, #tpu.memory_space<vmem>>, vector<4x1024x16xf32>
    %slice3A = vector.extract_strided_slice %get3A_7 {offsets = [0, 0, 0], sizes = [1, 1024, 16], strides = [1, 1, 1]} : vector<2x1024x16xf32> to vector<1x1024x16xf32>
    %squeeze3A = vector.shape_cast %slice3A : vector<1x1024x16xf32> to vector<1024x16xf32>
    %slice3A_24 = vector.extract_strided_slice %get3A_7 {offsets = [1, 0, 0], sizes = [1, 1024, 16], strides = [1, 1, 1]} : vector<2x1024x16xf32> to vector<1x1024x16xf32>
    %squeeze3A_25 = vector.shape_cast %slice3A_24 : vector<1x1024x16xf32> to vector<1024x16xf32>
    %add3A = arith.addf %squeeze3A, %squeeze3A_25 : vector<1024x16xf32>
    %slice3A_26 = vector.extract_strided_slice %add3A {offsets = [0, 8], sizes = [1024, 1], strides = [1, 1]} : vector<1024x16xf32> to vector<1024x1xf32>
    %squeeze3A_27 = vector.shape_cast %slice3A_26 : vector<1024x1xf32> to vector<1024xf32>
    %max3A = arith.constant 1.000000e+00 : f32
    %max3A_28 = vector.broadcast %max3A : f32 to vector<1024xf32>
    %max3A_29 = arith.maximumf %squeeze3A_27, %max3A_28 : vector<1024xf32>
    %slice3A_30 = vector.extract_strided_slice %get3A_16 {offsets = [0, 0], sizes = [1, 1024], strides = [1, 1]} : vector<4x1024xf32> to vector<1x1024xf32>
    %squeeze3A_31 = vector.shape_cast %slice3A_30 : vector<1x1024xf32> to vector<1024xf32>
    %slice3A_32 = vector.extract_strided_slice %get3A_19 {offsets = [0, 0], sizes = [1, 1024], strides = [1, 1]} : vector<4x1024xf32> to vector<1x1024xf32>
    %squeeze3A_33 = vector.shape_cast %slice3A_32 : vector<1x1024xf32> to vector<1024xf32>
    %slice3A_34 = vector.extract_strided_slice %get3A_23 {offsets = [0, 0, 0], sizes = [1, 1024, 16], strides = [1, 1, 1]} : vector<4x1024x16xf32> to vector<1x1024x16xf32>
    %squeeze3A_35 = vector.shape_cast %slice3A_34 : vector<1x1024x16xf32> to vector<1024x16xf32>
    %slice3A_36 = vector.extract_strided_slice %add3A {offsets = [0, 4], sizes = [1024, 1], strides = [1, 1]} : vector<1024x16xf32> to vector<1024x1xf32>
    %squeeze3A_37 = vector.shape_cast %slice3A_36 : vector<1024x1xf32> to vector<1024xf32>
    %div3A = arith.divf %squeeze3A_37, %max3A_29 : vector<1024xf32>
    %add3A_38 = arith.addf %squeeze3A_31, %squeeze3A_33 : vector<1024xf32>
    %add3A_39 = arith.addf %add3A_38, %div3A : vector<1024xf32>
    %mul3A = arith.constant 2.000000e-01 : f32
    %mul3A_40 = vector.broadcast %mul3A : f32 to vector<1024xf32>
    %mul3A_41 = arith.mulf %mul3A_40, %add3A_39 : vector<1024xf32>
    %max3A_42 = arith.maximumf %add3A_39, %mul3A_41 : vector<1024xf32>
    %slice3A_43 = vector.extract_strided_slice %get3A_10 {offsets = [0, 0], sizes = [1, 1], strides = [1, 1]} : vector<4x16xf32> to vector<1x1xf32>
    %squeeze3A_44 = vector.extract %slice3A_43[0, 0] : f32 from vector<1x1xf32>
    %sub3A = vector.broadcast %squeeze3A_44 : f32 to vector<1024xf32>
    %sub3A_45 = arith.subf %max3A_42, %sub3A : vector<1024xf32>
    %min3A = arith.constant 6.000000e+01 : f32
    %min3A_46 = vector.broadcast %min3A : f32 to vector<1024xf32>
    %min3A_47 = arith.minimumf %sub3A_45, %min3A_46 : vector<1024xf32>
    %exp3A = math.exp %min3A_47 : vector<1024xf32>
    %slice3A_48 = vector.extract_strided_slice %get3A_3 {offsets = [0, 0, 0, 16], sizes = [1, 1, 1024, 1], strides = [1, 1, 1, 1]} : vector<4x2x1024x24xf32> to vector<1x1x1024x1xf32>
    %squeeze3A_49 = vector.shape_cast %slice3A_48 : vector<1x1x1024x1xf32> to vector<1024xf32>
    %slice3A_50 = vector.extract_strided_slice %get3A_3 {offsets = [0, 1, 0, 16], sizes = [1, 1, 1024, 1], strides = [1, 1, 1, 1]} : vector<4x2x1024x24xf32> to vector<1x1x1024x1xf32>
    %squeeze3A_51 = vector.shape_cast %slice3A_50 : vector<1x1x1024x1xf32> to vector<1024xf32>
    %add3A_52 = arith.addf %squeeze3A_49, %squeeze3A_51 : vector<1024xf32>
    %add3A_53 = arith.addf %add3A_52, %exp3A : vector<1024xf32>
    %slice3A_54 = vector.extract_strided_slice %get3A_3 {offsets = [0, 0, 0, 0], sizes = [1, 1, 1024, 16], strides = [1, 1, 1, 1]} : vector<4x2x1024x24xf32> to vector<1x1x1024x16xf32>
    %squeeze3A_55 = vector.shape_cast %slice3A_54 : vector<1x1x1024x16xf32> to vector<1024x16xf32>
    %slice3A_56 = vector.extract_strided_slice %get3A_3 {offsets = [0, 1, 0, 0], sizes = [1, 1, 1024, 16], strides = [1, 1, 1, 1]} : vector<4x2x1024x24xf32> to vector<1x1x1024x16xf32>
    %squeeze3A_57 = vector.shape_cast %slice3A_56 : vector<1x1x1024x16xf32> to vector<1024x16xf32>
    %add3A_58 = arith.addf %squeeze3A_55, %squeeze3A_57 : vector<1024x16xf32>
    %broadcast_in_dim3A = vector.shape_cast %exp3A : vector<1024xf32> to vector<1024x1xf32>
    %mul3A_59 = vector.broadcast %broadcast_in_dim3A : vector<1024x1xf32> to vector<1024x16xf32>
    %mul3A_60 = arith.mulf %mul3A_59, %squeeze3A_35 : vector<1024x16xf32>
    %add3A_61 = arith.addf %add3A_58, %mul3A_60 : vector<1024x16xf32>
    %broadcast_in_dim3A_62 = vector.shape_cast %add3A_53 : vector<1024xf32> to vector<1024x1xf32>
    %div3A_63 = vector.broadcast %broadcast_in_dim3A_62 : vector<1024x1xf32> to vector<1024x16xf32>
    %div3A_64 = arith.divf %add3A_61, %div3A_63 : vector<1024x16xf32>
    %slice3A_65 = vector.extract_strided_slice %get3A_13 {offsets = [0, 0], sizes = [1, 16], strides = [1, 1]} : vector<4x16xf32> to vector<1x16xf32>
    %squeeze3A_66 = vector.shape_cast %slice3A_65 : vector<1x16xf32> to vector<16xf32>
    %broadcast_in_dim3A_67 = vector.shape_cast %squeeze3A_66 : vector<16xf32> to vector<1x16xf32>
    %add3A_68 = vector.broadcast %broadcast_in_dim3A_67 : vector<1x16xf32> to vector<1024x16xf32>
    %add3A_69 = arith.addf %div3A_64, %add3A_68 : vector<1024x16xf32>
    %gt3A = arith.constant 0.000000e+00 : f32
    %gt3A_70 = vector.broadcast %gt3A : f32 to vector<1024x16xf32>
    %gt3A_71 = arith.cmpf ogt, %add3A_69, %gt3A_70 : vector<1024x16xf32>
    %min3A_72 = arith.constant 0.000000e+00 : f32
    %min3A_73 = vector.broadcast %min3A_72 : f32 to vector<1024x16xf32>
    %min3A_74 = arith.minimumf %add3A_69, %min3A_73 : vector<1024x16xf32>
    %exp3A_75 = math.exp %min3A_74 : vector<1024x16xf32>
    %sub3A_76 = arith.constant 1.000000e+00 : f32
    %sub3A_77 = vector.broadcast %sub3A_76 : f32 to vector<1024x16xf32>
    %sub3A_78 = arith.subf %exp3A_75, %sub3A_77 : vector<1024x16xf32>
    %select_n3A = arith.select %gt3A_71, %add3A_69, %sub3A_78 : vector<1024x16xi1>, vector<1024x16xf32>
    %slice3A_79 = vector.extract_strided_slice %get3A_16 {offsets = [1, 0], sizes = [1, 1024], strides = [1, 1]} : vector<4x1024xf32> to vector<1x1024xf32>
    %squeeze3A_80 = vector.shape_cast %slice3A_79 : vector<1x1024xf32> to vector<1024xf32>
    %slice3A_81 = vector.extract_strided_slice %get3A_19 {offsets = [1, 0], sizes = [1, 1024], strides = [1, 1]} : vector<4x1024xf32> to vector<1x1024xf32>
    %squeeze3A_82 = vector.shape_cast %slice3A_81 : vector<1x1024xf32> to vector<1024xf32>
    %slice3A_83 = vector.extract_strided_slice %get3A_23 {offsets = [1, 0, 0], sizes = [1, 1024, 16], strides = [1, 1, 1]} : vector<4x1024x16xf32> to vector<1x1024x16xf32>
    %squeeze3A_84 = vector.shape_cast %slice3A_83 : vector<1x1024x16xf32> to vector<1024x16xf32>
    %slice3A_85 = vector.extract_strided_slice %add3A {offsets = [0, 5], sizes = [1024, 1], strides = [1, 1]} : vector<1024x16xf32> to vector<1024x1xf32>
    %squeeze3A_86 = vector.shape_cast %slice3A_85 : vector<1024x1xf32> to vector<1024xf32>
    %div3A_87 = arith.divf %squeeze3A_86, %max3A_29 : vector<1024xf32>
    %add3A_88 = arith.addf %squeeze3A_80, %squeeze3A_82 : vector<1024xf32>
    %add3A_89 = arith.addf %add3A_88, %div3A_87 : vector<1024xf32>
    %mul3A_90 = arith.constant 2.000000e-01 : f32
    %mul3A_91 = vector.broadcast %mul3A_90 : f32 to vector<1024xf32>
    %mul3A_92 = arith.mulf %mul3A_91, %add3A_89 : vector<1024xf32>
    %max3A_93 = arith.maximumf %add3A_89, %mul3A_92 : vector<1024xf32>
    %slice3A_94 = vector.extract_strided_slice %get3A_10 {offsets = [1, 0], sizes = [1, 1], strides = [1, 1]} : vector<4x16xf32> to vector<1x1xf32>
    %squeeze3A_95 = vector.extract %slice3A_94[0, 0] : f32 from vector<1x1xf32>
    %sub3A_96 = vector.broadcast %squeeze3A_95 : f32 to vector<1024xf32>
    %sub3A_97 = arith.subf %max3A_93, %sub3A_96 : vector<1024xf32>
    %min3A_98 = arith.constant 6.000000e+01 : f32
    %min3A_99 = vector.broadcast %min3A_98 : f32 to vector<1024xf32>
    %min3A_100 = arith.minimumf %sub3A_97, %min3A_99 : vector<1024xf32>
    %exp3A_101 = math.exp %min3A_100 : vector<1024xf32>
    %slice3A_102 = vector.extract_strided_slice %get3A_3 {offsets = [1, 0, 0, 16], sizes = [1, 1, 1024, 1], strides = [1, 1, 1, 1]} : vector<4x2x1024x24xf32> to vector<1x1x1024x1xf32>
    %squeeze3A_103 = vector.shape_cast %slice3A_102 : vector<1x1x1024x1xf32> to vector<1024xf32>
    %slice3A_104 = vector.extract_strided_slice %get3A_3 {offsets = [1, 1, 0, 16], sizes = [1, 1, 1024, 1], strides = [1, 1, 1, 1]} : vector<4x2x1024x24xf32> to vector<1x1x1024x1xf32>
    %squeeze3A_105 = vector.shape_cast %slice3A_104 : vector<1x1x1024x1xf32> to vector<1024xf32>
    %add3A_106 = arith.addf %squeeze3A_103, %squeeze3A_105 : vector<1024xf32>
    %add3A_107 = arith.addf %add3A_106, %exp3A_101 : vector<1024xf32>
    %slice3A_108 = vector.extract_strided_slice %get3A_3 {offsets = [1, 0, 0, 0], sizes = [1, 1, 1024, 16], strides = [1, 1, 1, 1]} : vector<4x2x1024x24xf32> to vector<1x1x1024x16xf32>
    %squeeze3A_109 = vector.shape_cast %slice3A_108 : vector<1x1x1024x16xf32> to vector<1024x16xf32>
    %slice3A_110 = vector.extract_strided_slice %get3A_3 {offsets = [1, 1, 0, 0], sizes = [1, 1, 1024, 16], strides = [1, 1, 1, 1]} : vector<4x2x1024x24xf32> to vector<1x1x1024x16xf32>
    %squeeze3A_111 = vector.shape_cast %slice3A_110 : vector<1x1x1024x16xf32> to vector<1024x16xf32>
    %add3A_112 = arith.addf %squeeze3A_109, %squeeze3A_111 : vector<1024x16xf32>
    %broadcast_in_dim3A_113 = vector.shape_cast %exp3A_101 : vector<1024xf32> to vector<1024x1xf32>
    %mul3A_114 = vector.broadcast %broadcast_in_dim3A_113 : vector<1024x1xf32> to vector<1024x16xf32>
    %mul3A_115 = arith.mulf %mul3A_114, %squeeze3A_84 : vector<1024x16xf32>
    %add3A_116 = arith.addf %add3A_112, %mul3A_115 : vector<1024x16xf32>
    %broadcast_in_dim3A_117 = vector.shape_cast %add3A_107 : vector<1024xf32> to vector<1024x1xf32>
    %div3A_118 = vector.broadcast %broadcast_in_dim3A_117 : vector<1024x1xf32> to vector<1024x16xf32>
    %div3A_119 = arith.divf %add3A_116, %div3A_118 : vector<1024x16xf32>
    %slice3A_120 = vector.extract_strided_slice %get3A_13 {offsets = [1, 0], sizes = [1, 16], strides = [1, 1]} : vector<4x16xf32> to vector<1x16xf32>
    %squeeze3A_121 = vector.shape_cast %slice3A_120 : vector<1x16xf32> to vector<16xf32>
    %broadcast_in_dim3A_122 = vector.shape_cast %squeeze3A_121 : vector<16xf32> to vector<1x16xf32>
    %add3A_123 = vector.broadcast %broadcast_in_dim3A_122 : vector<1x16xf32> to vector<1024x16xf32>
    %add3A_124 = arith.addf %div3A_119, %add3A_123 : vector<1024x16xf32>
    %gt3A_125 = arith.constant 0.000000e+00 : f32
    %gt3A_126 = vector.broadcast %gt3A_125 : f32 to vector<1024x16xf32>
    %gt3A_127 = arith.cmpf ogt, %add3A_124, %gt3A_126 : vector<1024x16xf32>
    %min3A_128 = arith.constant 0.000000e+00 : f32
    %min3A_129 = vector.broadcast %min3A_128 : f32 to vector<1024x16xf32>
    %min3A_130 = arith.minimumf %add3A_124, %min3A_129 : vector<1024x16xf32>
    %exp3A_131 = math.exp %min3A_130 : vector<1024x16xf32>
    %sub3A_132 = arith.constant 1.000000e+00 : f32
    %sub3A_133 = vector.broadcast %sub3A_132 : f32 to vector<1024x16xf32>
    %sub3A_134 = arith.subf %exp3A_131, %sub3A_133 : vector<1024x16xf32>
    %select_n3A_135 = arith.select %gt3A_127, %add3A_124, %sub3A_134 : vector<1024x16xi1>, vector<1024x16xf32>
    %slice3A_136 = vector.extract_strided_slice %get3A_16 {offsets = [2, 0], sizes = [1, 1024], strides = [1, 1]} : vector<4x1024xf32> to vector<1x1024xf32>
    %squeeze3A_137 = vector.shape_cast %slice3A_136 : vector<1x1024xf32> to vector<1024xf32>
    %slice3A_138 = vector.extract_strided_slice %get3A_19 {offsets = [2, 0], sizes = [1, 1024], strides = [1, 1]} : vector<4x1024xf32> to vector<1x1024xf32>
    %squeeze3A_139 = vector.shape_cast %slice3A_138 : vector<1x1024xf32> to vector<1024xf32>
    %slice3A_140 = vector.extract_strided_slice %get3A_23 {offsets = [2, 0, 0], sizes = [1, 1024, 16], strides = [1, 1, 1]} : vector<4x1024x16xf32> to vector<1x1024x16xf32>
    %squeeze3A_141 = vector.shape_cast %slice3A_140 : vector<1x1024x16xf32> to vector<1024x16xf32>
    %slice3A_142 = vector.extract_strided_slice %add3A {offsets = [0, 6], sizes = [1024, 1], strides = [1, 1]} : vector<1024x16xf32> to vector<1024x1xf32>
    %squeeze3A_143 = vector.shape_cast %slice3A_142 : vector<1024x1xf32> to vector<1024xf32>
    %div3A_144 = arith.divf %squeeze3A_143, %max3A_29 : vector<1024xf32>
    %add3A_145 = arith.addf %squeeze3A_137, %squeeze3A_139 : vector<1024xf32>
    %add3A_146 = arith.addf %add3A_145, %div3A_144 : vector<1024xf32>
    %mul3A_147 = arith.constant 2.000000e-01 : f32
    %mul3A_148 = vector.broadcast %mul3A_147 : f32 to vector<1024xf32>
    %mul3A_149 = arith.mulf %mul3A_148, %add3A_146 : vector<1024xf32>
    %max3A_150 = arith.maximumf %add3A_146, %mul3A_149 : vector<1024xf32>
    %slice3A_151 = vector.extract_strided_slice %get3A_10 {offsets = [2, 0], sizes = [1, 1], strides = [1, 1]} : vector<4x16xf32> to vector<1x1xf32>
    %squeeze3A_152 = vector.extract %slice3A_151[0, 0] : f32 from vector<1x1xf32>
    %sub3A_153 = vector.broadcast %squeeze3A_152 : f32 to vector<1024xf32>
    %sub3A_154 = arith.subf %max3A_150, %sub3A_153 : vector<1024xf32>
    %min3A_155 = arith.constant 6.000000e+01 : f32
    %min3A_156 = vector.broadcast %min3A_155 : f32 to vector<1024xf32>
    %min3A_157 = arith.minimumf %sub3A_154, %min3A_156 : vector<1024xf32>
    %exp3A_158 = math.exp %min3A_157 : vector<1024xf32>
    %slice3A_159 = vector.extract_strided_slice %get3A_3 {offsets = [2, 0, 0, 16], sizes = [1, 1, 1024, 1], strides = [1, 1, 1, 1]} : vector<4x2x1024x24xf32> to vector<1x1x1024x1xf32>
    %squeeze3A_160 = vector.shape_cast %slice3A_159 : vector<1x1x1024x1xf32> to vector<1024xf32>
    %slice3A_161 = vector.extract_strided_slice %get3A_3 {offsets = [2, 1, 0, 16], sizes = [1, 1, 1024, 1], strides = [1, 1, 1, 1]} : vector<4x2x1024x24xf32> to vector<1x1x1024x1xf32>
    %squeeze3A_162 = vector.shape_cast %slice3A_161 : vector<1x1x1024x1xf32> to vector<1024xf32>
    %add3A_163 = arith.addf %squeeze3A_160, %squeeze3A_162 : vector<1024xf32>
    %add3A_164 = arith.addf %add3A_163, %exp3A_158 : vector<1024xf32>
    %slice3A_165 = vector.extract_strided_slice %get3A_3 {offsets = [2, 0, 0, 0], sizes = [1, 1, 1024, 16], strides = [1, 1, 1, 1]} : vector<4x2x1024x24xf32> to vector<1x1x1024x16xf32>
    %squeeze3A_166 = vector.shape_cast %slice3A_165 : vector<1x1x1024x16xf32> to vector<1024x16xf32>
    %slice3A_167 = vector.extract_strided_slice %get3A_3 {offsets = [2, 1, 0, 0], sizes = [1, 1, 1024, 16], strides = [1, 1, 1, 1]} : vector<4x2x1024x24xf32> to vector<1x1x1024x16xf32>
    %squeeze3A_168 = vector.shape_cast %slice3A_167 : vector<1x1x1024x16xf32> to vector<1024x16xf32>
    %add3A_169 = arith.addf %squeeze3A_166, %squeeze3A_168 : vector<1024x16xf32>
    %broadcast_in_dim3A_170 = vector.shape_cast %exp3A_158 : vector<1024xf32> to vector<1024x1xf32>
    %mul3A_171 = vector.broadcast %broadcast_in_dim3A_170 : vector<1024x1xf32> to vector<1024x16xf32>
    %mul3A_172 = arith.mulf %mul3A_171, %squeeze3A_141 : vector<1024x16xf32>
    %add3A_173 = arith.addf %add3A_169, %mul3A_172 : vector<1024x16xf32>
    %broadcast_in_dim3A_174 = vector.shape_cast %add3A_164 : vector<1024xf32> to vector<1024x1xf32>
    %div3A_175 = vector.broadcast %broadcast_in_dim3A_174 : vector<1024x1xf32> to vector<1024x16xf32>
    %div3A_176 = arith.divf %add3A_173, %div3A_175 : vector<1024x16xf32>
    %slice3A_177 = vector.extract_strided_slice %get3A_13 {offsets = [2, 0], sizes = [1, 16], strides = [1, 1]} : vector<4x16xf32> to vector<1x16xf32>
    %squeeze3A_178 = vector.shape_cast %slice3A_177 : vector<1x16xf32> to vector<16xf32>
    %broadcast_in_dim3A_179 = vector.shape_cast %squeeze3A_178 : vector<16xf32> to vector<1x16xf32>
    %add3A_180 = vector.broadcast %broadcast_in_dim3A_179 : vector<1x16xf32> to vector<1024x16xf32>
    %add3A_181 = arith.addf %div3A_176, %add3A_180 : vector<1024x16xf32>
    %gt3A_182 = arith.constant 0.000000e+00 : f32
    %gt3A_183 = vector.broadcast %gt3A_182 : f32 to vector<1024x16xf32>
    %gt3A_184 = arith.cmpf ogt, %add3A_181, %gt3A_183 : vector<1024x16xf32>
    %min3A_185 = arith.constant 0.000000e+00 : f32
    %min3A_186 = vector.broadcast %min3A_185 : f32 to vector<1024x16xf32>
    %min3A_187 = arith.minimumf %add3A_181, %min3A_186 : vector<1024x16xf32>
    %exp3A_188 = math.exp %min3A_187 : vector<1024x16xf32>
    %sub3A_189 = arith.constant 1.000000e+00 : f32
    %sub3A_190 = vector.broadcast %sub3A_189 : f32 to vector<1024x16xf32>
    %sub3A_191 = arith.subf %exp3A_188, %sub3A_190 : vector<1024x16xf32>
    %select_n3A_192 = arith.select %gt3A_184, %add3A_181, %sub3A_191 : vector<1024x16xi1>, vector<1024x16xf32>
    %slice3A_193 = vector.extract_strided_slice %get3A_16 {offsets = [3, 0], sizes = [1, 1024], strides = [1, 1]} : vector<4x1024xf32> to vector<1x1024xf32>
    %squeeze3A_194 = vector.shape_cast %slice3A_193 : vector<1x1024xf32> to vector<1024xf32>
    %slice3A_195 = vector.extract_strided_slice %get3A_19 {offsets = [3, 0], sizes = [1, 1024], strides = [1, 1]} : vector<4x1024xf32> to vector<1x1024xf32>
    %squeeze3A_196 = vector.shape_cast %slice3A_195 : vector<1x1024xf32> to vector<1024xf32>
    %slice3A_197 = vector.extract_strided_slice %get3A_23 {offsets = [3, 0, 0], sizes = [1, 1024, 16], strides = [1, 1, 1]} : vector<4x1024x16xf32> to vector<1x1024x16xf32>
    %squeeze3A_198 = vector.shape_cast %slice3A_197 : vector<1x1024x16xf32> to vector<1024x16xf32>
    %slice3A_199 = vector.extract_strided_slice %add3A {offsets = [0, 7], sizes = [1024, 1], strides = [1, 1]} : vector<1024x16xf32> to vector<1024x1xf32>
    %squeeze3A_200 = vector.shape_cast %slice3A_199 : vector<1024x1xf32> to vector<1024xf32>
    %div3A_201 = arith.divf %squeeze3A_200, %max3A_29 : vector<1024xf32>
    %add3A_202 = arith.addf %squeeze3A_194, %squeeze3A_196 : vector<1024xf32>
    %add3A_203 = arith.addf %add3A_202, %div3A_201 : vector<1024xf32>
    %mul3A_204 = arith.constant 2.000000e-01 : f32
    %mul3A_205 = vector.broadcast %mul3A_204 : f32 to vector<1024xf32>
    %mul3A_206 = arith.mulf %mul3A_205, %add3A_203 : vector<1024xf32>
    %max3A_207 = arith.maximumf %add3A_203, %mul3A_206 : vector<1024xf32>
    %slice3A_208 = vector.extract_strided_slice %get3A_10 {offsets = [3, 0], sizes = [1, 1], strides = [1, 1]} : vector<4x16xf32> to vector<1x1xf32>
    %squeeze3A_209 = vector.extract %slice3A_208[0, 0] : f32 from vector<1x1xf32>
    %sub3A_210 = vector.broadcast %squeeze3A_209 : f32 to vector<1024xf32>
    %sub3A_211 = arith.subf %max3A_207, %sub3A_210 : vector<1024xf32>
    %min3A_212 = arith.constant 6.000000e+01 : f32
    %min3A_213 = vector.broadcast %min3A_212 : f32 to vector<1024xf32>
    %min3A_214 = arith.minimumf %sub3A_211, %min3A_213 : vector<1024xf32>
    %exp3A_215 = math.exp %min3A_214 : vector<1024xf32>
    %slice3A_216 = vector.extract_strided_slice %get3A_3 {offsets = [3, 0, 0, 16], sizes = [1, 1, 1024, 1], strides = [1, 1, 1, 1]} : vector<4x2x1024x24xf32> to vector<1x1x1024x1xf32>
    %squeeze3A_217 = vector.shape_cast %slice3A_216 : vector<1x1x1024x1xf32> to vector<1024xf32>
    %slice3A_218 = vector.extract_strided_slice %get3A_3 {offsets = [3, 1, 0, 16], sizes = [1, 1, 1024, 1], strides = [1, 1, 1, 1]} : vector<4x2x1024x24xf32> to vector<1x1x1024x1xf32>
    %squeeze3A_219 = vector.shape_cast %slice3A_218 : vector<1x1x1024x1xf32> to vector<1024xf32>
    %add3A_220 = arith.addf %squeeze3A_217, %squeeze3A_219 : vector<1024xf32>
    %add3A_221 = arith.addf %add3A_220, %exp3A_215 : vector<1024xf32>
    %slice3A_222 = vector.extract_strided_slice %get3A_3 {offsets = [3, 0, 0, 0], sizes = [1, 1, 1024, 16], strides = [1, 1, 1, 1]} : vector<4x2x1024x24xf32> to vector<1x1x1024x16xf32>
    %squeeze3A_223 = vector.shape_cast %slice3A_222 : vector<1x1x1024x16xf32> to vector<1024x16xf32>
    %slice3A_224 = vector.extract_strided_slice %get3A_3 {offsets = [3, 1, 0, 0], sizes = [1, 1, 1024, 16], strides = [1, 1, 1, 1]} : vector<4x2x1024x24xf32> to vector<1x1x1024x16xf32>
    %squeeze3A_225 = vector.shape_cast %slice3A_224 : vector<1x1x1024x16xf32> to vector<1024x16xf32>
    %add3A_226 = arith.addf %squeeze3A_223, %squeeze3A_225 : vector<1024x16xf32>
    %broadcast_in_dim3A_227 = vector.shape_cast %exp3A_215 : vector<1024xf32> to vector<1024x1xf32>
    %mul3A_228 = vector.broadcast %broadcast_in_dim3A_227 : vector<1024x1xf32> to vector<1024x16xf32>
    %mul3A_229 = arith.mulf %mul3A_228, %squeeze3A_198 : vector<1024x16xf32>
    %add3A_230 = arith.addf %add3A_226, %mul3A_229 : vector<1024x16xf32>
    %broadcast_in_dim3A_231 = vector.shape_cast %add3A_221 : vector<1024xf32> to vector<1024x1xf32>
    %div3A_232 = vector.broadcast %broadcast_in_dim3A_231 : vector<1024x1xf32> to vector<1024x16xf32>
    %div3A_233 = arith.divf %add3A_230, %div3A_232 : vector<1024x16xf32>
    %slice3A_234 = vector.extract_strided_slice %get3A_13 {offsets = [3, 0], sizes = [1, 16], strides = [1, 1]} : vector<4x16xf32> to vector<1x16xf32>
    %squeeze3A_235 = vector.shape_cast %slice3A_234 : vector<1x16xf32> to vector<16xf32>
    %broadcast_in_dim3A_236 = vector.shape_cast %squeeze3A_235 : vector<16xf32> to vector<1x16xf32>
    %add3A_237 = vector.broadcast %broadcast_in_dim3A_236 : vector<1x16xf32> to vector<1024x16xf32>
    %add3A_238 = arith.addf %div3A_233, %add3A_237 : vector<1024x16xf32>
    %gt3A_239 = arith.constant 0.000000e+00 : f32
    %gt3A_240 = vector.broadcast %gt3A_239 : f32 to vector<1024x16xf32>
    %gt3A_241 = arith.cmpf ogt, %add3A_238, %gt3A_240 : vector<1024x16xf32>
    %min3A_242 = arith.constant 0.000000e+00 : f32
    %min3A_243 = vector.broadcast %min3A_242 : f32 to vector<1024x16xf32>
    %min3A_244 = arith.minimumf %add3A_238, %min3A_243 : vector<1024x16xf32>
    %exp3A_245 = math.exp %min3A_244 : vector<1024x16xf32>
    %sub3A_246 = arith.constant 1.000000e+00 : f32
    %sub3A_247 = vector.broadcast %sub3A_246 : f32 to vector<1024x16xf32>
    %sub3A_248 = arith.subf %exp3A_245, %sub3A_247 : vector<1024x16xf32>
    %select_n3A_249 = arith.select %gt3A_241, %add3A_238, %sub3A_248 : vector<1024x16xi1>, vector<1024x16xf32>
    %get3A_250 = arith.constant 0 : index
    %get3A_251 = arith.constant 0 : index
    %get3A_252 = arith.constant 0 : index
    %get3A_253 = vector.load %arg8[%get3A_250, %get3A_251, %get3A_252] : memref<4x16x5xf32, #tpu.memory_space<vmem>>, vector<4x16x5xf32>
    %get3A_254 = arith.constant 0 : index
    %get3A_255 = arith.constant 0 : index
    %get3A_256 = vector.load %arg5[%get3A_254, %get3A_255] : memref<1024x16xf32, #tpu.memory_space<vmem>>, vector<1024x16xf32>
    %get3A_257 = arith.constant 0 : index
    %get3A_258 = arith.constant 0 : index
    %get3A_259 = vector.load %arg6[%get3A_257, %get3A_258] : memref<16x64xf32, #tpu.memory_space<vmem>>, vector<16x64xf32>
    %dot_general3A = arith.constant dense<0.000000e+00> : vector<1024x64xf32>
    %dot_general3A_260 = tpu.matmul %get3A_256, %get3A_259, %dot_general3A {dimension_numbers = #tpu.dot_dimension_numbers<[1], [0], [0], [1], [0, 0, 1, 1], [], []>, transpose_lhs_hint = false} : vector<1024x16xf32>, vector<16x64xf32>, vector<1024x64xf32> -> vector<1024x64xf32>
    %get3A_261 = arith.constant 0 : index
    %get3A_262 = vector.load %arg7[%get3A_261] : memref<64xf32, #tpu.memory_space<vmem>>, vector<64xf32>
    %broadcast_in_dim3A_263 = vector.shape_cast %get3A_262 : vector<64xf32> to vector<1x64xf32>
    %add3A_264 = vector.broadcast %broadcast_in_dim3A_263 : vector<1x64xf32> to vector<1024x64xf32>
    %add3A_265 = arith.addf %dot_general3A_260, %add3A_264 : vector<1024x64xf32>
    %broadcast_in_dim3A_266 = arith.constant 0.000000e+00 : f32
    %broadcast_in_dim3A_267 = vector.broadcast %broadcast_in_dim3A_266 : f32 to vector<1024x5xf32>
    %slice3A_268 = vector.extract_strided_slice %add3A_265 {offsets = [0, 0], sizes = [1024, 16], strides = [1, 1]} : vector<1024x64xf32> to vector<1024x16xf32>
    %add3A_269 = arith.addf %select_n3A, %slice3A_268 : vector<1024x16xf32>
    %slice3A_270 = vector.extract_strided_slice %get3A_253 {offsets = [0, 0, 0], sizes = [1, 16, 5], strides = [1, 1, 1]} : vector<4x16x5xf32> to vector<1x16x5xf32>
    %squeeze3A_271 = vector.shape_cast %slice3A_270 : vector<1x16x5xf32> to vector<16x5xf32>
    %dot_general3A_272 = arith.constant dense<0.000000e+00> : vector<1024x5xf32>
    %dot_general3A_273 = tpu.matmul %add3A_269, %squeeze3A_271, %dot_general3A_272 {dimension_numbers = #tpu.dot_dimension_numbers<[1], [0], [0], [1], [0, 0, 1, 1], [], []>, transpose_lhs_hint = false} : vector<1024x16xf32>, vector<16x5xf32>, vector<1024x5xf32> -> vector<1024x5xf32>
    %add3A_274 = arith.addf %broadcast_in_dim3A_267, %dot_general3A_273 : vector<1024x5xf32>
    %slice3A_275 = vector.extract_strided_slice %add3A_265 {offsets = [0, 16], sizes = [1024, 16], strides = [1, 1]} : vector<1024x64xf32> to vector<1024x16xf32>
    %add3A_276 = arith.addf %select_n3A_135, %slice3A_275 : vector<1024x16xf32>
    %slice3A_277 = vector.extract_strided_slice %get3A_253 {offsets = [1, 0, 0], sizes = [1, 16, 5], strides = [1, 1, 1]} : vector<4x16x5xf32> to vector<1x16x5xf32>
    %squeeze3A_278 = vector.shape_cast %slice3A_277 : vector<1x16x5xf32> to vector<16x5xf32>
    %dot_general3A_279 = arith.constant dense<0.000000e+00> : vector<1024x5xf32>
    %dot_general3A_280 = tpu.matmul %add3A_276, %squeeze3A_278, %dot_general3A_279 {dimension_numbers = #tpu.dot_dimension_numbers<[1], [0], [0], [1], [0, 0, 1, 1], [], []>, transpose_lhs_hint = false} : vector<1024x16xf32>, vector<16x5xf32>, vector<1024x5xf32> -> vector<1024x5xf32>
    %add3A_281 = arith.addf %add3A_274, %dot_general3A_280 : vector<1024x5xf32>
    %slice3A_282 = vector.extract_strided_slice %add3A_265 {offsets = [0, 32], sizes = [1024, 16], strides = [1, 1]} : vector<1024x64xf32> to vector<1024x16xf32>
    %add3A_283 = arith.addf %select_n3A_192, %slice3A_282 : vector<1024x16xf32>
    %slice3A_284 = vector.extract_strided_slice %get3A_253 {offsets = [2, 0, 0], sizes = [1, 16, 5], strides = [1, 1, 1]} : vector<4x16x5xf32> to vector<1x16x5xf32>
    %squeeze3A_285 = vector.shape_cast %slice3A_284 : vector<1x16x5xf32> to vector<16x5xf32>
    %dot_general3A_286 = arith.constant dense<0.000000e+00> : vector<1024x5xf32>
    %dot_general3A_287 = tpu.matmul %add3A_283, %squeeze3A_285, %dot_general3A_286 {dimension_numbers = #tpu.dot_dimension_numbers<[1], [0], [0], [1], [0, 0, 1, 1], [], []>, transpose_lhs_hint = false} : vector<1024x16xf32>, vector<16x5xf32>, vector<1024x5xf32> -> vector<1024x5xf32>
    %add3A_288 = arith.addf %add3A_281, %dot_general3A_287 : vector<1024x5xf32>
    %slice3A_289 = vector.extract_strided_slice %add3A_265 {offsets = [0, 48], sizes = [1024, 16], strides = [1, 1]} : vector<1024x64xf32> to vector<1024x16xf32>
    %add3A_290 = arith.addf %select_n3A_249, %slice3A_289 : vector<1024x16xf32>
    %slice3A_291 = vector.extract_strided_slice %get3A_253 {offsets = [3, 0, 0], sizes = [1, 16, 5], strides = [1, 1, 1]} : vector<4x16x5xf32> to vector<1x16x5xf32>
    %squeeze3A_292 = vector.shape_cast %slice3A_291 : vector<1x16x5xf32> to vector<16x5xf32>
    %dot_general3A_293 = arith.constant dense<0.000000e+00> : vector<1024x5xf32>
    %dot_general3A_294 = tpu.matmul %add3A_290, %squeeze3A_292, %dot_general3A_293 {dimension_numbers = #tpu.dot_dimension_numbers<[1], [0], [0], [1], [0, 0, 1, 1], [], []>, transpose_lhs_hint = false} : vector<1024x16xf32>, vector<16x5xf32>, vector<1024x5xf32> -> vector<1024x5xf32>
    %add3A_295 = arith.addf %add3A_288, %dot_general3A_294 : vector<1024x5xf32>
    %get3A_296 = arith.constant 0 : index
    %get3A_297 = vector.load %arg9[%get3A_296] : memref<5xf32, #tpu.memory_space<vmem>>, vector<5xf32>
    %broadcast_in_dim3A_298 = vector.shape_cast %get3A_297 : vector<5xf32> to vector<1x5xf32>
    %add3A_299 = vector.broadcast %broadcast_in_dim3A_298 : vector<1x5xf32> to vector<1024x5xf32>
    %add3A_300 = arith.addf %add3A_295, %add3A_299 : vector<1024x5xf32>
    %swap3A = arith.constant 0 : index
    %swap3A_301 = arith.constant 0 : index
    %swap3A_302 = vector.load %arg13[%swap3A, %swap3A_301] : memref<1024x5xf32, #tpu.memory_space<vmem>>, vector<1024x5xf32>
    tpu.vector_store %arg13[%swap3A, %swap3A_301], %add3A_300 {strides = array<i32>} : memref<1024x5xf32, #tpu.memory_space<vmem>>, vector<1024x5xf32>,
    return
  }
  func.func @transform_0(%arg0: i32) -> (i32, i32, i32, i32) {
    %c0_i32 = arith.constant 0 : i32
    %c0_i32_0 = arith.constant 0 : i32
    %c0_i32_1 = arith.constant 0 : i32
    %c0_i32_2 = arith.constant 0 : i32
    return %c0_i32, %c0_i32_0, %arg0, %c0_i32_1 : i32, i32, i32, i32
  }
  func.func @transform_1(%arg0: i32) -> (i32, i32, i32) {
    %c0_i32 = arith.constant 0 : i32
    %c0_i32_0 = arith.constant 0 : i32
    %c0_i32_1 = arith.constant 0 : i32
    return %c0_i32, %arg0, %c0_i32_0 : i32, i32, i32
  }
  func.func @transform_2(%arg0: i32) -> (i32, i32) {
    %c0_i32 = arith.constant 0 : i32
    %c0_i32_0 = arith.constant 0 : i32
    %c0_i32_1 = arith.constant 0 : i32
    return %c0_i32, %c0_i32_0 : i32, i32
  }
  func.func @transform_3(%arg0: i32) -> (i32, i32) {
    %c0_i32 = arith.constant 0 : i32
    %c0_i32_0 = arith.constant 0 : i32
    %c0_i32_1 = arith.constant 0 : i32
    return %c0_i32, %c0_i32_0 : i32, i32
  }
  func.func @transform_4(%arg0: i32) -> (i32, i32) {
    %c0_i32 = arith.constant 0 : i32
    %c0_i32_0 = arith.constant 0 : i32
    return %arg0, %c0_i32 : i32, i32
  }
  func.func @transform_5(%arg0: i32) -> (i32, i32) {
    %c0_i32 = arith.constant 0 : i32
    %c0_i32_0 = arith.constant 0 : i32
    %c0_i32_1 = arith.constant 0 : i32
    return %c0_i32, %c0_i32_0 : i32, i32
  }
  func.func @transform_6(%arg0: i32) -> i32 {
    %c0_i32 = arith.constant 0 : i32
    %c0_i32_0 = arith.constant 0 : i32
    return %c0_i32 : i32
  }
  func.func @transform_7(%arg0: i32) -> (i32, i32, i32) {
    %c0_i32 = arith.constant 0 : i32
    %c0_i32_0 = arith.constant 0 : i32
    %c0_i32_1 = arith.constant 0 : i32
    %c0_i32_2 = arith.constant 0 : i32
    return %c0_i32, %c0_i32_0, %c0_i32_1 : i32, i32, i32
  }
  func.func @transform_8(%arg0: i32) -> i32 {
    %c0_i32 = arith.constant 0 : i32
    %c0_i32_0 = arith.constant 0 : i32
    return %c0_i32 : i32
  }
  func.func @transform_9(%arg0: i32) -> (i32, i32) {
    %c0_i32 = arith.constant 0 : i32
    %c0_i32_0 = arith.constant 0 : i32
    return %c0_i32, %arg0 : i32, i32
  }
  func.func @transform_10(%arg0: i32) -> (i32, i32) {
    %c0_i32 = arith.constant 0 : i32
    %c0_i32_0 = arith.constant 0 : i32
    return %c0_i32, %arg0 : i32, i32
  }
  func.func @transform_11(%arg0: i32) -> (i32, i32, i32) {
    %c0_i32 = arith.constant 0 : i32
    %c0_i32_0 = arith.constant 0 : i32
    %c0_i32_1 = arith.constant 0 : i32
    return %c0_i32, %arg0, %c0_i32_0 : i32, i32, i32
  }
  func.func @transform_12(%arg0: i32) -> (i32, i32) {
    %c0_i32 = arith.constant 0 : i32
    %c0_i32_0 = arith.constant 0 : i32
    return %arg0, %c0_i32 : i32, i32
  }
}

</mosaic_0001>

<sc_bundles>
// kernel: kernel.12.cloned.1.call-start
scs
__scs_entry_jumppad:
0x0: {  	(pc) =	sbr.rel $0x88, $3  }
0x1: {  	(tag) =	ssettag $0x0;
	lr =	simm.s32 $0x1  }
0x2: {  	[smem:$0x3F8A] =	sst lr;
	_ =	strace $0xD0000000  }
0x3: {  	_ = 	snop  }
0x4: {  	_ = 	snop  }
0x5: {  	_ = 	snop  }
0x6: {  	_ = 	snop  }
0x7: {  	_ = 	snop  }
__scs_overlays_trampoline_lowered:
0x8: {  	[smem:$0x3F99] =	sst s0  }
0x9: {  	[smem:$0x3F9A] =	sst s1  }
0xa: {  	[smem:$0x3F9B] =	sst s2  }
0xb: {  	[smem:$0x3F9C] =	sst s3  }
0xc: {  	[smem:$0x3F9D] =	sst s4  }
0xd: {  	[smem:$0x3F9E] =	sst s5  }
0xe: {  	[smem:$0x3F9F] =	sst s6  }
0xf: {  	[smem:$0x3FA0] =	sst s7  }
0x10: {  	[smem:$0x3FA1] =	sst s8  }
0x11: {  	[smem:$0x3FA2] =	sst s9;
	s0 =	simm.s32 @!p0 $0x0  }
0x12: {  	s1 =	sld [smem:$0x3F88];
	s0 =	simm.s32 @p0 $0x1  }
0x13: {  	[smem:$0x3FA3] =	sst s0;
	s0 =	simm.s32 @!p1 $0x0  }
0x14: {  	s2 =	sld [smem:$0x3F87];
	s0 =	simm.s32 @p1 $0x1  }
0x15: {  	[smem:$0x3FA4] =	sst s0;
	s0 =	simm.s32 @!p2 $0x0  }
0x16: {  	s3 =	sld [smem:$0x3FDB];
	s0 =	simm.s32 @p2 $0x1  }
0x17: {  	s4 =	simm.s32 $0x1BF5;
	[smem:$0x3FA6] =	sst s0  }
0x18: {  	s0 =	sld [smem:$0x3F89];
	_ =	swait.ge [sflag:s4], $0x0  }
0x19: {  	s7 =	sld [smem:$0x3F8A]  }
0x1a: {  	s8 =	sadd.s32 $0xFFFFE003, lr  }
0x1b: {  	s9 =	sadd.s32 $0xFFFFFEF7, lr;
	s5 =	simm.s32 $0xFFFFFFFF;
	p2 =	slt.u32 s8, $0xFFFFF086  }
0x1c: {  	p1 =	slt.u32 s9, $0xF7A;
	s5 =	simm.s32 @!p2 $0x0  }
0x1d: {  	s5 =	simm.s32 @p1 $0x1;
	p0 =	seq.s32 s7, s2  }
0x1e: {  	s7 =	smul.u32 @!p0 $0xF7A, s2;
	p2 =	seq.s32 @!p0 s5, $0x0  }
0x1f: {  	s9 =	smul.u32 $0xF7A, s1;
	s8 =	simm.s32 @!p0 $0x1BF5;
	p2 =	por !p2, p0  }
0x20: {  	[sflag:s8] =	ssyncset.s32 @!p0 $0xFFFFF086;
	s6 =	sadd.s32 @!p0 s3, s7;
	s7 =	simm.s32 @!p0 $0x108  }
0x21: {  	s3 =	sadd.s32 s3, s9;
	s6 =	sadd.s32 @!p0 $0x88, s6;
	s7 =	simm.s32 @p2 $0x1082  }
0x22: {  	[simem:s7], [sflag:s8] =	dma.local @!p0 [hbm:s6], $0xF7A  }
0x23: {  	s9 =	sor.u32 $0xD0000000, s2;
	s6 =	simm.s32 $0x108;
	_ =	swait.ge @!p0 [sflag:s8], $0x0  }
0x24: {  	s3 =	sadd.s32 $0x88, s3;
	s6 =	simm.s32 @!p1 $0x1082;
	[sflag:s4] =	ssyncset.s32 $0xFFFFF086  }
0x25: {  	[simem:s6], [sflag:s4] =	dma.local [hbm:s3], $0xF7A  }
0x26: {  	[smem:$0x3F8A] =	sst s1;
	(tag) =	ssettag s2;
	_ =	strace s9  }
0x27: {  	s1 =	sld [smem:$0x3F9A]  }
0x28: {  	s2 =	sld [smem:$0x3F9B]  }
0x29: {  	s4 =	sld [smem:$0x3F9D]  }
0x2a: {  	p0 =	seq.s32 s5, $0x0;
	s5 =	sld [smem:$0x3F9E]  }
0x2b: {  	s6 =	sld [smem:$0x3F9F]  }
0x2c: {  	s7 =	sld [smem:$0x3FA0]  }
0x2d: {  	s3 =	simm.s32 $0x108;
	s8 =	sld [smem:$0x3FA1]  }
0x2e: {  	s3 =	simm.s32 @!p0 $0x1082;
	s9 =	sld [smem:$0x3FA2]  }
0x2f: {  	lr =	sadd.s32 s0, s3;
	s0 =	sld [smem:$0x3F99]  }
0x30: {  	s3 =	sld [smem:$0x3F9C]  }
0x31: {  	[smem:$0x3FA5] =	sst s10  }
0x32: {  	s10 =	sld [smem:$0x3FA3];
	_ =	sdelay $0x3  }
0x33: {  	p0 =	seq.s32 s10, $0x1;
	s10 =	sld [smem:$0x3FA5];
	_ =	sdelay $0x3  }
0x34: {  	[smem:$0x3FA5] =	sst s10  }
0x35: {  	s10 =	sld [smem:$0x3FA4];
	_ =	sdelay $0x3  }
0x36: {  	p1 =	seq.s32 s10, $0x1;
	s10 =	sld [smem:$0x3FA5];
	_ =	sdelay $0x3  }
0x37: {  	[smem:$0x3FA5] =	sst s10  }
0x38: {  	s10 =	sld [smem:$0x3FA6]  }
0x39: {  	_ = 	snop;
	(pc) =	sbr.ind lr, $3  }
0x3a: {  	_ = 	snop  }
0x3b: {  	_ = 	snop  }
0x3c: {  	p2 =	seq.s32 s10, $0x1;
	s10 =	sld [smem:$0x3FA5]  }
0x3d: {  	_ =	shalt  }
0x3e: {  	_ =	shalt  }
0x3f: {  	_ =	shalt  }
0x40: {  	_ =	shalt  }
0x41: {  	_ =	shalt  }
0x42: {  	_ =	shalt  }
0x43: {  	_ =	shalt  }
0x44: {  	_ =	shalt  }
0x45: {  	_ =	shalt  }
0x46: {  	_ =	shalt  }
0x47: {  	_ =	shalt  }
0x48: {  	_ =	shalt  }
0x49: {  	_ =	shalt  }
0x4a: {  	_ =	shalt  }
0x4b: {  	_ =	shalt  }
0x4c: {  	_ =	shalt  }
0x4d: {  	_ =	shalt  }
0x4e: {  	_ =	shalt  }
0x4f: {  	_ =	shalt  }
0x50: {  	_ =	shalt  }
0x51: {  	_ =	shalt  }
0x52: {  	_ =	shalt  }
0x53: {  	_ =	shalt  }
0x54: {  	_ =	shalt  }
0x55: {  	_ =	shalt  }
0x56: {  	_ =	shalt  }
0x57: {  	_ =	shalt  }
0x58: {  	_ =	shalt  }
0x59: {  	_ =	shalt  }
0x5a: {  	_ =	shalt  }
0x5b: {  	_ =	shalt  }
0x5c: {  	_ =	shalt  }
0x5d: {  	_ =	shalt  }
0x5e: {  	_ =	shalt  }
0x5f: {  	_ =	shalt  }
0x60: {  	_ =	shalt  }
0x61: {  	_ =	shalt  }
0x62: {  	_ =	shalt  }
0x63: {  	_ =	shalt  }
0x64: {  	_ =	shalt  }
0x65: {  	_ =	shalt  }
0x66: {  	_ =	shalt  }
0x67: {  	_ =	shalt  }
0x68: {  	_ =	shalt  }
0x69: {  	_ =	shalt  }
0x6a: {  	_ =	shalt  }
0x6b: {  	_ =	shalt  }
0x6c: {  	_ =	shalt  }
0x6d: {  	_ =	shalt  }
0x6e: {  	_ =	shalt  }
0x6f: {  	_ =	shalt  }
0x70: {  	_ =	shalt  }
0x71: {  	_ =	shalt  }
0x72: {  	_ =	shalt  }
0x73: {  	_ =	shalt  }
0x74: {  	_ =	shalt  }
0x75: {  	_ =	shalt  }
0x76: {  	_ =	shalt  }
0x77: {  	_ =	shalt  }
0x78: {  	_ =	shalt  }
0x79: {  	_ =	shalt  }
0x7a: {  	_ =	shalt  }
0x7b: {  	_ =	shalt  }
0x7c: {  	_ =	shalt  }
0x7d: {  	_ =	shalt  }
0x7e: {  	_ =	shalt  }
0x7f: {  	_ =	shalt  }
0x80: {  	_ =	shalt  }
0x81: {  	_ =	shalt  }
0x82: {  	_ =	shalt  }
0x83: {  	_ =	shalt  }
0x84: {  	_ =	shalt  }
0x85: {  	_ =	shalt  }
0x86: {  	_ =	shalt  }
0x87: {  	_ =	shalt  }
.Lfunc_end0:
.L_simem_size_0:
called_computation.1_lowered:
.L_overlay_start_0:
0x88: {  	s2 =	sld [smem:$0x3FD9]  }
0x89: {  	s3 =	sld [smem:$0x3FFE];
	_ =	sdelay $0x1  }
0x8a: {  	s1 =	srdreg.scid  }
0x8b: {  	s0 =	sand.u32 $0x1, s1  }
0x8c: {  	s17 =	sshll.u32 s0, $0xA;
	s2 =	sadd.s32 s3, s2  }
0x8d: {  	s2 =	sadd.s32 s2, s17  }
0x8e: {  	[smem:$0x3FB1] =	sst s2  }
0x8f: {  	_ = 	snop  }
0x90: {  	s2 =	sld [smem:$0x3FD0];
	(tm) =	ssettm $0x1  }
0x91: {  	s18 =	sld [smem:$0x3FFB];
	_ =	sdelay $0x3  }
0x92: {  	_ =	strace s18  }
0x93: {  	s3 =	sld [smem:$0x3FFC];
	_ =	sdelay $0x3  }
0x94: {  	_ =	strace s3  }
0x95: {  	s3 =	sld [smem:$0x3FFD];
	_ =	sdelay $0x3  }
0x96: {  	_ =	strace s3  }
0x97: {  	_ =	strace $0x8FFFFFFF  }
0x98: {  	s19 =	sld [smem:$0x3FDB];
	_ =	sdelay $0x1  }
0x99: {  	s4 =	simm.s32 $_scs_section_size  }
0x9a: {  	s5 =	simm.s32 $_size__tile_overlayer_lowered;
	s6 =	simm.s32 $_tile_overlayer_lowered  }
0x9b: {  	s22 =	simm.s32 $0x1BFF;
	s21 =	sshll.u32 s6, $0x1;
	s3 =	sadd.s32 s4, s19  }
0x9c: {  	s7 =	simm.s32 $0x0;
	s20 =	sshll.u32 s5, $0x1;
	s5 =	sadd.s32 s21, s3  }
0x9d: {  	[timem:s7], [sflag:s22] =	dma.local [hbm:s5], s20  }
0x9e: {  	_ =	swait.ge [sflag:s22], s20  }
0x9f: {  	s4 =	ssub.s32 $0x0, s20;
	[sflag:s22] =	ssyncset.done $0x0  }
0xa0: {  	[sflag:s22] =	ssyncadd.s32 s4;
	_ =	sdelay $0x1  }
0xa1: {  	s23 =	simm.s32 $0x1B8B  }
0xa2: {  	_ =	swait.ge [sflag:s23], $0x1  }
0xa3: {  	[sflag:s23] =	ssyncset.done $0x0  }
0xa4: {  	s25 =	simm.s32 $0x1B8E;
	s24 =	sld [smem:$0x3FFE];
	[sflag:s23] =	ssyncadd.s32 $0xFFFFFFFF  }
0xa5: {  	s26 =	simm.s32 $execute0_lowered;
	[smem:$0x3FD2] =	sst s25  }
0xa6: {  	s5 =	sshll.u32 s26, $0x1;
	_ =	strace $0x80000046;
	[dreg:$0x1] =	wrdreg $0xFFFFFFFF  }
0xa7: {  	s28 =	simm.s32 $_size_execute0_lowered;
	s3 =	sadd.s32 s3, s5;
	[dreg:$0x0] =	wrdreg $0x0  }
0xa8: {  	s5 =	sshll.u32 s28, $0x1;
	[dreg:$0x2] =	wrdreg s3  }
0xa9: {  	[dreg:$0x3] =	wrdreg s5  }
0xaa: {  	[dreg:$0x4] =	wrdreg $0xC0  }
0xab: {  	_ =	task [dreg:s7], $0x5FFFF  }
0xac: {  	[dreg:$0x1] =	wrdreg $0xFFFFFFFF  }
0xad: {  	[dreg:$0x0] =	wrdreg $0x60  }
0xae: {  	[dreg:$0x2] =	wrdreg s24  }
0xaf: {  	[dreg:$0x3] =	wrdreg s2  }
0xb0: {  	[dreg:$0x4] =	wrdreg $0xAF100  }
0xb1: {  	[dreg:$0x5] =	wrdreg $0xA  }
0xb2: {  	_ =	task.clear_ibuf [dreg:s7], $0x6FFFF;
	_ =	strace $0x90000046  }
0xb3: {  	s29 =	simm.s32 $0xA;
	_ =	strace $0x80000048  }
0xb4: {  	_ =	swait.ge [sflag:s29], $0x1  }
0xb5: {  	[sflag:s29] =	ssyncadd.s32 $0xFFFFFFFF  }
0xb6: {  	_ =	strace $0x90000048  }
0xb7: {  	_ =	sfence  }
0xb8: {  	s30 =	sld [smem:$0x0];
	_ =	sdelay $0x2  }
0xb9: {  	s31 =	sshll.u32 s1, $0xD;
	s1 =	sshrl.u32 s1, $0x2  }
0xba: {  	s3 =	sand.u32 $0x4000, s31;
	s1 =	sadd.s32 s1, s30  }
0xbb: {  	s0 =	sor.u32 s3, s0;
	s1 =	sshll.u32 s1, $0x11  }
0xbc: {  	s0 =	sor.u32 s1, s0  }
0xbd: {  	s0 =	sadd.s32 $0x8F2B, s0  }
0xbe: {  	[sflag:s0] =	ssyncadd.remote.s32 $0x1  }
0xbf: {  	_ =	sfence.sel $0xFFFF  }
0xc0: {  	[dreg:$0x0] =	wrdreg $0xFFFFFFFF;
	(pc) =	sbr.abs _section_cstart, $3  }
0xc1: {  	[dreg:$0x1] =	wrdreg $0xFFFFFFFF  }
0xc2: {  	_ =	task.clear_ibuf [dreg:s7], $0x2FFFF;
	_ =	strace $0x9FFFFFFF  }
0xc3: {  	(tm) =	ssettm $0x7FFFFFFF  }
tec
execute0_lowered:
.L_overlay_start_1:
0x0: {  	(tag) =	ssettag $0x1  }
0x1: {  	s0 =	rddreg [dreg:$0x0]  }
0x2: {  	s1 =	rddreg [dreg:$0x1]  }
0x3: {  	s2 =	rddreg [dreg:$0x2]  }
0x4: {  	s3 =	simm.s32 $0x0;
	s16 =	srdreg.scid;
	s10 =	stileid.u32  }
0x5: {  	s28 =	simm.s32 $0xC80;
	s29 =	simm.s32 $0xA00;
	s30 =	simm.s32 $0xF00  }
0x6: {  	s31 =	simm.s32 $0x1180;
	s13 =	simm.s32 $0x3C00;
	[smem:$0x7FF] =	sst s3  }
0x7: {  	s5 =	sadd.s32 $0x1D600, s0;
	s6 =	sadd.s32 $0x4F600, s0;
	s8 =	sadd.s32 $0x4EB600, s0  }
0x8: {  	s4 =	sand.u32 $0x1, s16;
	s9 =	sadd.s32 $0x4F1800, s0;
	s7 =	sadd.s32 $0x553C00, s0  }
0x9: {  	s17 =	sshll.u32 s10, $0x1;
	s12 =	sadd.s32 $0x553E00, s0;
	s19 =	smul.u32 $0x12600, s10  }
0xa: {  	s0 =	sadd.s32 $0x578A00, s0;
	_ =	strace $0x80000047;
	[dreg:$0x5] =	wrdreg s7  }
0xb: {  	s21 =	smul.u32 $0xC40, s10;
	s26 =	sshll.u32 s10, $0x6;
	[dreg:$0x4] =	wrdreg s4  }
0xc: {  	s10 =	simm.s32 $0x4B00;
	s3 =	sor.u32 s4, s17;
	[dreg:$0x7] =	wrdreg s0  }
0xd: {  	s4 =	ssub.s32 $0x2, s4;
	[dreg:$0x6] =	wrdreg s12;
	s17 =	simm.s32 $0x4100  }
0xe: {  	s7 =	simm.s32 $0x4880;
	s11 =	smul.u32 $0x6400, s3;
	s18 =	sshrl.u32 s4, $0x1  }
0xf: {  	[dreg:$0x8] =	wrdreg s21;
	s22 =	sadd.s32 s19, s2;
	s23 =	sshrl.u32 s19, $0x3  }
0x10: {  	s19 =	simm.s32 $0x2;
	s3 =	simm.s32 $0x1;
	s20 =	ssub.s32 s4, s18  }
0x11: {  	s4 =	sadd.s32 s12, s23;
	s18 =	simm.s32 $0x7310;
	s12 =	sor.u32 $0x1C02, s26  }
0x12: {  	s14 =	sshrl.u32 s22, $0x3;
	s23 =	simm.s32 $0x280;
	[dreg:$0x9] =	wrdreg s4  }
0x13: {  	s26 =	simm.s32 $0x780;
	s24 =	sshrl.u32 s11, $0x3;
	[dreg:$0xc] =	wrdreg s12  }
0x14: {  	s0 =	smax.u32 s20, $0x1;
	s4 =	simm.s32 $0x0;
	[dreg:$0xd] =	wrdreg s14  }
0x15: {  	s20 =	simm.s32 $0x0;
	s25 =	sadd.s32 s5, s24;
	[dreg:$0xb] =	wrdreg s0  }
0x16: {  	v0 =	vlaneseq.u32;
	s24 =	simm.s32 $0xC8000;
	[dreg:$0xa] =	wrdreg s25;
	s25 =	simm.s32 $0x500  }
.LBB2_1:
0x17: {  	[dreg:$0xe] =	wrdreg s4  }
0x18: {  	s0 =	simm.s32 $0x0;
	s22 =	rddreg [dreg:$0x6]  }
0x19: {  	[tilespmem:s18], [sflag:$0x2] =	stream.linear.gather [hbm4b:s22+s0], $0x3C00, $0x38;
	[tilespmem:$0x1D510] =	vst v63  }
0x1a: {  	_ =	swait.ge [sflag:s19], $0x3C00  }
0x1b: {  	[sflag:s19] =	ssyncset.done $0x0  }
0x1c: {  	s15 =	simm.s32 $0x0;
	[sflag:s19] =	ssyncadd.s32 $0xFFFFC400  }
.LBB2_2:
0x1d: {  	s0 =	rddreg [dreg:$0x9];
	s4 =	sshll.u32 s15, $0x1  }
0x1e: {  	[spmem:s14], [sflag:s12] =	dma.local [hbm:s0], $0x24C0  }
0x1f: {  	_ =	swait.ge [sflag:s19], $0x24C0;
	[dreg:$0x10] =	wrdreg s4  }
0x20: {  	s22 =	simm.s32 $0x7300;
	[sflag:s19] =	ssyncset.done $0x0;
	s21 =	rddreg [dreg:$0x5]  }
0x21: {  	[sflag:s19] =	ssyncadd.s32 $0xFFFFDB40;
	s0 =	sadd.s32 s21, s4;
	s4 =	simm.s32 $0x0  }
0x22: {  	[tilespmem:s22], [sflag:$0x2] =	stream.linear.gather [hbm4b:s0+s4], $0x10, $0x38;
	[tilespmem:$0x1D510] =	vst v63  }
0x23: {  	_ =	swait.ge [sflag:s19], $0x10  }
0x24: {  	[sflag:s19] =	ssyncset.done $0x0  }
0x25: {  	[sflag:s19] =	ssyncadd.s32 $0xFFFFFFF0  }
0x26: {  	[bflag:$0x0] =	sbarrier.arrive $0xFFFF  }
0x27: {  	s16 =	smul.u32 $0xC8000, s15;
	s14 =	rddreg [dreg:$0xa]  }
0x28: {  	[tilespmem:s4], [sflag:$0x2] =	stream.strided.gather [hbm4b:s14+s23], $0x500, s24, s23, $0x38;
	[tilespmem:$0x1D510] =	vst v63  }
0x29: {  	s21 =	sadd.s32 s11, s16;
	_ =	swait.ge [sflag:s19], $0x500  }
0x2a: {  	s0 =	sshrl.u32 s21, $0x3;
	[sflag:s19] =	ssyncset.done $0x0  }
0x2b: {  	s0 =	sadd.s32 s6, s0;
	[sflag:s19] =	ssyncadd.s32 $0xFFFFFB00  }
0x2c: {  	[tilespmem:s25], [sflag:$0x2] =	stream.linear.gather [hbm4b:s0+s4], $0x280, $0x38;
	[tilespmem:$0x1D510] =	vst v63  }
0x2d: {  	_ =	swait.ge [sflag:s19], $0x280  }
0x2e: {  	[sflag:s19] =	ssyncset.done $0x0  }
0x2f: {  	s22 =	smul.u32 $0xC400, s15;
	s0 =	simm.s32 $0x0;
	[sflag:s19] =	ssyncadd.s32 $0xFFFFFD80  }
0x30: {  	v2 =	vld [tilespmem:s0+$0x280]  }
0x31: {  	v1 =	vmov s22;
	s4 =	simm.s32 $0x40;
	[dreg:$0xf] =	wrdreg s15;
	v3 =	vld [tilespmem:s0+$0x0]  }
.LBB2_3:
0x32: {  	p0 =	sne.s32 s4, $0x9C0  }
.Ltmp0:
0x33: {  	_ = 	snop;
	(pc) =	sbr.rel @p0 .LBB2_3-.Ltmp0, $4  }
0x34: {  	_ = 	snop  }
0x35: {  	s12 =	sshra.s32 s4, $0x2;
	s4 =	sadd.s32 $0x40, s4;
	v4 =	vadd.s32 v1, v2  }
0x36: {  	v2 =	vld [tilespmem:s12+$0x280];
	v5 =	vadd.s32 v1, v3;
	[tilespmem:s0+$0xA00] =	vst v4  }
0x37: {  	v3 =	vld [tilespmem:s12+$0x0];
	[tilespmem:s0+$0x780] =	vst v5;
	s0 =	smov.u32 s12  }
0x38: {  	_ =	sdelay $0x2  }
0x39: {  	v2 =	vadd.s32 v1, v2  }
0x3a: {  	v3 =	vadd.s32 v1, v3;
	[tilespmem:s0+$0xA00] =	vst v2  }
0x3b: {  	[tilespmem:s0+$0x780] =	vst v3  }
0x3c: {  	[tilespmem:s28], [sflag:$0x1] =	stream.indirect.gather [hbm4b:s1+s23], $0x1, s26, s23, $0xb8;
	[tilespmem:$0x1D510] =	vst v63  }
0x3d: {  	_ = 	snop  }
0x3e: {  	[tilespmem:s30], [sflag:$0x1] =	stream.indirect.gather [hbm4b:s8+s23], $0x1, s29, s23, $0xb8;
	[tilespmem:$0x1D510] =	vst v63  }
0x3f: {  	s21 =	simm.s32 $0x0  }
0x40: {  	[tilespmem:s31], [sflag:$0x1] =	stream.indirect.gather [hbm4b:s9+s23], $0x10, s26, s23, $0xb8;
	[tilespmem:$0x1D510] =	vst v63  }
.LBB2_5:
0x41: {  	s0 =	smul.u32 $0x500, s21;
	_ =	sdelay $0x1  }
0x42: {  	s15 =	sadd.s32 s11, s0  }
0x43: {  	s0 =	sadd.s32 $0x280, s15  }
0x44: {  	s4 =	sshrl.u32 s0, $0x3  }
0x45: {  	s12 =	simm.s32 $0x3980;
	s4 =	sadd.s32 s5, s4  }
0x46: {  	[tilespmem:s12], [sflag:$0x2] =	stream.strided.gather [hbm4b:s4+s23], $0x500, s24, s23, $0x38;
	[tilespmem:$0x1D510] =	vst v63  }
0x47: {  	s0 =	sadd.s32 s16, s0;
	_ =	swait.ge [sflag:s19], $0x500  }
0x48: {  	s0 =	sshrl.u32 s0, $0x3;
	[sflag:s19] =	ssyncset.done $0x0  }
0x49: {  	s22 =	simm.s32 $0x3E80;
	s0 =	sadd.s32 s6, s0;
	[sflag:s19] =	ssyncadd.s32 $0xFFFFFB00  }
0x4a: {  	[tilespmem:s22], [sflag:$0x2] =	stream.linear.gather [hbm4b:s0+s20], $0x280, $0x38;
	[tilespmem:$0x1D510] =	vst v63  }
0x4b: {  	_ =	swait.ge [sflag:s19], $0x280  }
0x4c: {  	[sflag:s19] =	ssyncset.done $0x0  }
0x4d: {  	s0 =	simm.s32 $0x0;
	[sflag:s19] =	ssyncadd.s32 $0xFFFFFD80  }
0x4e: {  	v2 =	vld [tilespmem:s0+$0x3C00]  }
0x4f: {  	s4 =	simm.s32 $0x40;
	v3 =	vld [tilespmem:s0+$0x3980]  }
.LBB2_6:
0x50: {  	p0 =	sne.s32 s4, $0x9C0  }
.Ltmp1:
0x51: {  	_ = 	snop;
	(pc) =	sbr.rel @p0 .LBB2_6-.Ltmp1, $4  }
0x52: {  	_ = 	snop  }
0x53: {  	s12 =	sshra.s32 s4, $0x2;
	s4 =	sadd.s32 $0x40, s4;
	v4 =	vadd.s32 v1, v2  }
0x54: {  	v2 =	vld [tilespmem:s12+$0x3C00];
	v5 =	vadd.s32 v1, v3;
	[tilespmem:s0+$0x4380] =	vst v4  }
0x55: {  	v3 =	vld [tilespmem:s12+$0x3980];
	[tilespmem:s0+$0x4100] =	vst v5;
	s0 =	smov.u32 s12  }
0x56: {  	_ =	sdelay $0x2  }
0x57: {  	v2 =	vadd.s32 v1, v2  }
0x58: {  	v3 =	vadd.s32 v1, v3;
	[tilespmem:s0+$0x4380] =	vst v2  }
0x59: {  	[tilespmem:s0+$0x4100] =	vst v3  }
0x5a: {  	_ =	swait.ge [sflag:s3], $0x280  }
0x5b: {  	[sflag:s3] =	ssyncset.done $0x0  }
0x5c: {  	[sflag:s3] =	ssyncadd.s32 $0xFFFFFD80  }
0x5d: {  	_ =	swait.ge [sflag:s3], $0x280  }
0x5e: {  	[sflag:s3] =	ssyncset.done $0x0  }
0x5f: {  	[sflag:s3] =	ssyncadd.s32 $0xFFFFFD80  }
0x60: {  	_ =	swait.ge [sflag:s3], $0x2800  }
0x61: {  	[sflag:s3] =	ssyncset.done $0x0  }
0x62: {  	s14 =	simm.s32 $0x4600;
	[sflag:s3] =	ssyncadd.s32 $0xFFFFD800  }
0x63: {  	[tilespmem:s14], [sflag:$0x1] =	stream.indirect.gather [hbm4b:s1+s23], $0x1, s17, s23, $0xb8;
	[tilespmem:$0x1D510] =	vst v63  }
0x64: {  	s22 =	simm.s32 $0x4380  }
0x65: {  	[tilespmem:s7], [sflag:$0x1] =	stream.indirect.gather [hbm4b:s8+s23], $0x1, s22, s23, $0xb8;
	[tilespmem:$0x1D510] =	vst v63  }
0x66: {  	s14 =	simm.s32 $0xF00  }
0x67: {  	[tilespmem:s10], [sflag:$0x1] =	stream.indirect.gather [hbm4b:s9+s23], $0x10, s17, s23, $0xb8;
	[tilespmem:$0x1D510] =	vst v63  }
0x68: {  	s0 =	simm.s32 $0xC80;
	v2 =	vld [tilespmem:s14+$0x0]  }
0x69: {  	v3 =	vld [tilespmem:s0+$0x0]  }
0x6a: {  	s4 =	simm.s32 $0x500  }
0x6b: {  	v4 =	vld [tilespmem:s4+$0x0];
	_ =	sdelay $0x2  }
0x6c: {  	v3 =	vadd.f32 v2, v3;
	_ =	sdelay $0x1  }
0x6d: {  	v2 =	vld [tilespmem:$0x7300];
	v3 =	vadd.f32 v4, v3;
	_ =	sdelay $0x1  }
0x6e: {  	v4 =	vmul.f32 $2.000000030e-01, v3;
	_ =	sdelay $0x1  }
0x6f: {  	v3 =	vmax.f32 v3, v4  }
0x70: {  	v3 =	vsub.f32 v3, v2;
	_ =	sdelay $0x1  }
0x71: {  	s12 =	simm.s32 $0x0;
	v3 =	vmul.f32 $1.442695020e+00, v3  }
0x72: {  	v4 =	vor.u32 s12, v0  }
0x73: {  	v5 =	vshll.u32 v4, $0x4;
	(erf) = vpow2.f32 v3;
	_ =	sdelay $0x4  }
0x74: {  	v6 =	vld.idx.msk [tilespmem:v5+s31+$0x0], $0xffff  }
0x75: {  	v4 =	vmul.u32 $0x18, v4;
	_ =	sdelay $0x1  }
0x76: {  	v7 =	vor.u32 $0x1, v5  }
0x77: {  	v3 =	vpop (erf)  }
0x78: {  	v6 =	vmul.f32 v3, v6;
	_ =	sdelay $0x1  }
0x79: {  	[tilespmem:v4+s18+$0x0] =	vst.idx.msk $0xffff, v6  }
0x7a: {  	v6 =	vld.idx.msk [tilespmem:v7+s31+$0x0], $0xffff;
	_ =	sdelay $0x1  }
0x7b: {  	v7 =	vor.u32 $0x1, v4  }
0x7c: {  	v8 =	vor.u32 $0x2, v5;
	_ =	sdelay $0x1  }
0x7d: {  	v6 =	vmul.f32 v3, v6;
	_ =	sdelay $0x1  }
0x7e: {  	[tilespmem:v7+s18+$0x0] =	vst.idx.msk $0xffff, v6  }
0x7f: {  	v6 =	vld.idx.msk [tilespmem:v8+s31+$0x0], $0xffff;
	_ =	sdelay $0x1  }
0x80: {  	v7 =	vor.u32 $0x2, v4  }
0x81: {  	v52 =	vor.u32 $0x3, v5;
	_ =	sdelay $0x1  }
0x82: {  	v6 =	vmul.f32 v3, v6;
	_ =	sdelay $0x1  }
0x83: {  	[tilespmem:v7+s18+$0x0] =	vst.idx.msk $0xffff, v6  }
0x84: {  	v6 =	vld.idx.msk [tilespmem:v52+s31+$0x0], $0xffff;
	_ =	sdelay $0x1  }
0x85: {  	v7 =	vor.u32 $0x3, v4  }
0x86: {  	v53 =	vor.u32 $0x4, v5;
	_ =	sdelay $0x1  }
0x87: {  	v6 =	vmul.f32 v6, v3;
	_ =	sdelay $0x1  }
0x88: {  	[tilespmem:v7+s18+$0x0] =	vst.idx.msk $0xffff, v6  }
0x89: {  	v6 =	vld.idx.msk [tilespmem:v53+s31+$0x0], $0xffff;
	_ =	sdelay $0x1  }
0x8a: {  	v7 =	vor.u32 $0x4, v4  }
0x8b: {  	v54 =	vor.u32 $0x5, v5;
	_ =	sdelay $0x1  }
0x8c: {  	v6 =	vmul.f32 v6, v3;
	_ =	sdelay $0x1  }
0x8d: {  	[tilespmem:v7+s18+$0x0] =	vst.idx.msk $0xffff, v6  }
0x8e: {  	v6 =	vld.idx.msk [tilespmem:v54+s31+$0x0], $0xffff;
	_ =	sdelay $0x1  }
0x8f: {  	v7 =	vor.u32 $0x5, v4  }
0x90: {  	v55 =	vor.u32 $0x6, v5;
	_ =	sdelay $0x1  }
0x91: {  	v6 =	vmul.f32 v6, v3;
	_ =	sdelay $0x1  }
0x92: {  	[tilespmem:v7+s18+$0x0] =	vst.idx.msk $0xffff, v6  }
0x93: {  	v6 =	vld.idx.msk [tilespmem:v55+s31+$0x0], $0xffff;
	_ =	sdelay $0x1  }
0x94: {  	v7 =	vor.u32 $0x6, v4  }
0x95: {  	v56 =	vor.u32 $0x7, v5;
	_ =	sdelay $0x1  }
0x96: {  	v6 =	vmul.f32 v6, v3;
	_ =	sdelay $0x1  }
0x97: {  	[tilespmem:v7+s18+$0x0] =	vst.idx.msk $0xffff, v6  }
0x98: {  	v6 =	vld.idx.msk [tilespmem:v56+s31+$0x0], $0xffff;
	_ =	sdelay $0x1  }
0x99: {  	v7 =	vor.u32 $0x7, v4  }
0x9a: {  	v57 =	vor.u32 $0x8, v5;
	_ =	sdelay $0x1  }
0x9b: {  	v6 =	vmul.f32 v6, v3;
	_ =	sdelay $0x1  }
0x9c: {  	[tilespmem:v7+s18+$0x0] =	vst.idx.msk $0xffff, v6  }
0x9d: {  	v6 =	vld.idx.msk [tilespmem:v57+s31+$0x0], $0xffff;
	_ =	sdelay $0x1  }
0x9e: {  	v7 =	vadd.s32 $0x8, v4  }
0x9f: {  	v58 =	vor.u32 $0x9, v5;
	_ =	sdelay $0x1  }
0xa0: {  	v6 =	vmul.f32 v6, v3;
	_ =	sdelay $0x1  }
0xa1: {  	[tilespmem:v7+s18+$0x0] =	vst.idx.msk $0xffff, v6  }
0xa2: {  	v6 =	vld.idx.msk [tilespmem:v58+s31+$0x0], $0xffff;
	_ =	sdelay $0x1  }
0xa3: {  	v7 =	vadd.s32 $0x9, v4  }
0xa4: {  	v59 =	vor.u32 $0xA, v5;
	_ =	sdelay $0x1  }
0xa5: {  	v6 =	vmul.f32 v6, v3;
	_ =	sdelay $0x1  }
0xa6: {  	[tilespmem:v7+s18+$0x0] =	vst.idx.msk $0xffff, v6  }
0xa7: {  	v6 =	vld.idx.msk [tilespmem:v59+s31+$0x0], $0xffff;
	_ =	sdelay $0x1  }
0xa8: {  	v7 =	vadd.s32 $0xA, v4  }
0xa9: {  	v60 =	vor.u32 $0xB, v5;
	_ =	sdelay $0x1  }
0xaa: {  	v6 =	vmul.f32 v6, v3;
	_ =	sdelay $0x1  }
0xab: {  	[tilespmem:v7+s18+$0x0] =	vst.idx.msk $0xffff, v6  }
0xac: {  	v6 =	vld.idx.msk [tilespmem:v60+s31+$0x0], $0xffff;
	_ =	sdelay $0x1  }
0xad: {  	v7 =	vadd.s32 $0xB, v4  }
0xae: {  	v61 =	vor.u32 $0xC, v5;
	_ =	sdelay $0x1  }
0xaf: {  	v6 =	vmul.f32 v6, v3;
	_ =	sdelay $0x1  }
0xb0: {  	[tilespmem:v7+s18+$0x0] =	vst.idx.msk $0xffff, v6  }
0xb1: {  	v6 =	vld.idx.msk [tilespmem:v61+s31+$0x0], $0xffff;
	_ =	sdelay $0x1  }
0xb2: {  	v7 =	vadd.s32 $0xC, v4  }
0xb3: {  	v62 =	vor.u32 $0xD, v5;
	_ =	sdelay $0x1  }
0xb4: {  	v6 =	vmul.f32 v6, v3;
	_ =	sdelay $0x1  }
0xb5: {  	[tilespmem:v7+s18+$0x0] =	vst.idx.msk $0xffff, v6  }
0xb6: {  	v6 =	vld.idx.msk [tilespmem:v62+s31+$0x0], $0xffff;
	_ =	sdelay $0x1  }
0xb7: {  	v7 =	vadd.s32 $0xD, v4  }
0xb8: {  	v63 =	vor.u32 $0xE, v5;
	_ =	sdelay $0x1  }
0xb9: {  	v6 =	vmul.f32 v6, v3;
	_ =	sdelay $0x1  }
0xba: {  	[tilespmem:v7+s18+$0x0] =	vst.idx.msk $0xffff, v6  }
0xbb: {  	v6 =	vld.idx.msk [tilespmem:v63+s31+$0x0], $0xffff;
	_ =	sdelay $0x1  }
0xbc: {  	v7 =	vadd.s32 $0xE, v4  }
0xbd: {  	v5 =	vor.u32 $0xF, v5;
	_ =	sdelay $0x1  }
0xbe: {  	v6 =	vmul.f32 v6, v3;
	_ =	sdelay $0x1  }
0xbf: {  	[tilespmem:v7+s18+$0x0] =	vst.idx.msk $0xffff, v6  }
0xc0: {  	v5 =	vld.idx.msk [tilespmem:v5+s31+$0x0], $0xffff;
	_ =	sdelay $0x1  }
0xc1: {  	v6 =	vadd.s32 $0xF, v4  }
0xc2: {  	v4 =	vadd.s32 $0x10, v4;
	_ =	sdelay $0x1  }
0xc3: {  	v5 =	vmul.f32 v5, v3;
	_ =	sdelay $0x1  }
0xc4: {  	s12 =	simm.s32 $0x10;
	[tilespmem:v6+s18+$0x0] =	vst.idx.msk $0xffff, v5  }
.LBB2_8:
0xc5: {  	[tilespmem:v4+s18+$0x0] =	vst.idx.msk $0xffff, v3;
	s0 =	sadd.s32 $0x10, s0;
	s14 =	sadd.s32 $0x10, s14;
	s4 =	sadd.s32 $0x10, s4  }
0xc6: {  	p0 =	sne.s32 s12, $0x270;
	s22 =	smov.u32 s12;
	s12 =	sadd.s32 $0x10, s12;
	v3 =	vld [tilespmem:s14+$0x0]  }
0xc7: {  	v4 =	vld [tilespmem:s0+$0x0];
	_ =	sdelay $0x1  }
0xc8: {  	v5 =	vld [tilespmem:s4+$0x0];
	_ =	sdelay $0x2  }
0xc9: {  	v3 =	vadd.f32 v3, v4;
	_ =	sdelay $0x1  }
0xca: {  	v3 =	vadd.f32 v5, v3;
	_ =	sdelay $0x1  }
0xcb: {  	v4 =	vmul.f32 $2.000000030e-01, v3;
	_ =	sdelay $0x1  }
0xcc: {  	v3 =	vmax.f32 v3, v4  }
0xcd: {  	v3 =	vsub.f32 v3, v2;
	_ =	sdelay $0x1  }
0xce: {  	v4 =	vor.u32 s22, v0;
	v3 =	vmul.f32 $1.442695020e+00, v3  }
0xcf: {  	v5 =	vshll.u32 v4, $0x4  }
0xd0: {  	(erf) = vpow2.f32 v3;
	_ =	sdelay $0x3  }
0xd1: {  	v6 =	vld.idx.msk [tilespmem:v5+s31+$0x0], $0xffff;
	_ =	sdelay $0x1  }
0xd2: {  	v4 =	vmul.u32 $0x18, v4;
	_ =	sdelay $0x1  }
0xd3: {  	v7 =	vor.u32 $0x1, v5  }
0xd4: {  	v3 =	vpop (erf)  }
0xd5: {  	v6 =	vmul.f32 v3, v6;
	_ =	sdelay $0x1  }
0xd6: {  	[tilespmem:v4+s18+$0x0] =	vst.idx.msk $0xffff, v6  }
0xd7: {  	v6 =	vld.idx.msk [tilespmem:v7+s31+$0x0], $0xffff;
	_ =	sdelay $0x2  }
0xd8: {  	v7 =	vor.u32 $0x1, v4  }
0xd9: {  	v8 =	vor.u32 $0x2, v5;
	_ =	sdelay $0x1  }
0xda: {  	v6 =	vmul.f32 v3, v6;
	_ =	sdelay $0x1  }
0xdb: {  	[tilespmem:v7+s18+$0x0] =	vst.idx.msk $0xffff, v6  }
0xdc: {  	v6 =	vld.idx.msk [tilespmem:v8+s31+$0x0], $0xffff;
	_ =	sdelay $0x2  }
0xdd: {  	v7 =	vor.u32 $0x2, v4  }
0xde: {  	v8 =	vor.u32 $0x3, v5;
	_ =	sdelay $0x1  }
0xdf: {  	v6 =	vmul.f32 v3, v6;
	_ =	sdelay $0x1  }
0xe0: {  	[tilespmem:v7+s18+$0x0] =	vst.idx.msk $0xffff, v6  }
0xe1: {  	v6 =	vld.idx.msk [tilespmem:v8+s31+$0x0], $0xffff;
	_ =	sdelay $0x2  }
0xe2: {  	v7 =	vor.u32 $0x3, v4  }
0xe3: {  	v8 =	vor.u32 $0x4, v5;
	_ =	sdelay $0x1  }
0xe4: {  	v6 =	vmul.f32 v6, v3;
	_ =	sdelay $0x1  }
0xe5: {  	[tilespmem:v7+s18+$0x0] =	vst.idx.msk $0xffff, v6  }
0xe6: {  	v6 =	vld.idx.msk [tilespmem:v8+s31+$0x0], $0xffff;
	_ =	sdelay $0x2  }
0xe7: {  	v7 =	vor.u32 $0x4, v4  }
0xe8: {  	v8 =	vor.u32 $0x5, v5;
	_ =	sdelay $0x1  }
0xe9: {  	v6 =	vmul.f32 v6, v3;
	_ =	sdelay $0x1  }
0xea: {  	[tilespmem:v7+s18+$0x0] =	vst.idx.msk $0xffff, v6  }
0xeb: {  	v6 =	vld.idx.msk [tilespmem:v8+s31+$0x0], $0xffff;
	_ =	sdelay $0x2  }
0xec: {  	v7 =	vor.u32 $0x5, v4  }
0xed: {  	v8 =	vor.u32 $0x6, v5;
	_ =	sdelay $0x1  }
0xee: {  	v6 =	vmul.f32 v6, v3;
	_ =	sdelay $0x1  }
0xef: {  	[tilespmem:v7+s18+$0x0] =	vst.idx.msk $0xffff, v6  }
0xf0: {  	v6 =	vld.idx.msk [tilespmem:v8+s31+$0x0], $0xffff;
	_ =	sdelay $0x2  }
0xf1: {  	v7 =	vor.u32 $0x6, v4  }
0xf2: {  	v8 =	vor.u32 $0x7, v5;
	_ =	sdelay $0x1  }
0xf3: {  	v6 =	vmul.f32 v6, v3;
	_ =	sdelay $0x1  }
0xf4: {  	[tilespmem:v7+s18+$0x0] =	vst.idx.msk $0xffff, v6  }
0xf5: {  	v6 =	vld.idx.msk [tilespmem:v8+s31+$0x0], $0xffff;
	_ =	sdelay $0x2  }
0xf6: {  	v7 =	vor.u32 $0x7, v4  }
0xf7: {  	v8 =	vor.u32 $0x8, v5;
	_ =	sdelay $0x1  }
0xf8: {  	v6 =	vmul.f32 v6, v3;
	_ =	sdelay $0x1  }
0xf9: {  	[tilespmem:v7+s18+$0x0] =	vst.idx.msk $0xffff, v6  }
0xfa: {  	v6 =	vld.idx.msk [tilespmem:v8+s31+$0x0], $0xffff;
	_ =	sdelay $0x2  }
0xfb: {  	v7 =	vadd.s32 $0x8, v4  }
0xfc: {  	v8 =	vor.u32 $0x9, v5;
	_ =	sdelay $0x1  }
0xfd: {  	v6 =	vmul.f32 v6, v3;
	_ =	sdelay $0x1  }
0xfe: {  	[tilespmem:v7+s18+$0x0] =	vst.idx.msk $0xffff, v6  }
0xff: {  	v6 =	vld.idx.msk [tilespmem:v8+s31+$0x0], $0xffff;
	_ =	sdelay $0x2  }
0x100: {  	v7 =	vadd.s32 $0x9, v4  }
0x101: {  	v8 =	vor.u32 $0xA, v5;
	_ =	sdelay $0x1  }
0x102: {  	v6 =	vmul.f32 v6, v3;
	_ =	sdelay $0x1  }
0x103: {  	[tilespmem:v7+s18+$0x0] =	vst.idx.msk $0xffff, v6  }
0x104: {  	v6 =	vld.idx.msk [tilespmem:v8+s31+$0x0], $0xffff;
	_ =	sdelay $0x2  }
0x105: {  	v7 =	vadd.s32 $0xA, v4  }
0x106: {  	v8 =	vor.u32 $0xB, v5;
	_ =	sdelay $0x1  }
0x107: {  	v6 =	vmul.f32 v6, v3;
	_ =	sdelay $0x1  }
0x108: {  	[tilespmem:v7+s18+$0x0] =	vst.idx.msk $0xffff, v6  }
0x109: {  	v6 =	vld.idx.msk [tilespmem:v8+s31+$0x0], $0xffff;
	_ =	sdelay $0x2  }
0x10a: {  	v7 =	vadd.s32 $0xB, v4  }
0x10b: {  	v8 =	vor.u32 $0xC, v5;
	_ =	sdelay $0x1  }
0x10c: {  	v6 =	vmul.f32 v6, v3;
	_ =	sdelay $0x1  }
0x10d: {  	[tilespmem:v7+s18+$0x0] =	vst.idx.msk $0xffff, v6  }
0x10e: {  	v6 =	vld.idx.msk [tilespmem:v8+s31+$0x0], $0xffff;
	_ =	sdelay $0x2  }
0x10f: {  	v7 =	vadd.s32 $0xC, v4  }
0x110: {  	v8 =	vor.u32 $0xD, v5;
	_ =	sdelay $0x1  }
0x111: {  	v6 =	vmul.f32 v6, v3;
	_ =	sdelay $0x1  }
0x112: {  	[tilespmem:v7+s18+$0x0] =	vst.idx.msk $0xffff, v6  }
0x113: {  	v6 =	vld.idx.msk [tilespmem:v8+s31+$0x0], $0xffff;
	_ =	sdelay $0x2  }
0x114: {  	v7 =	vadd.s32 $0xD, v4  }
0x115: {  	v8 =	vor.u32 $0xE, v5;
	_ =	sdelay $0x1  }
0x116: {  	v6 =	vmul.f32 v6, v3;
	_ =	sdelay $0x1  }
0x117: {  	[tilespmem:v7+s18+$0x0] =	vst.idx.msk $0xffff, v6  }
0x118: {  	v6 =	vld.idx.msk [tilespmem:v8+s31+$0x0], $0xffff;
	_ =	sdelay $0x2  }
0x119: {  	v7 =	vadd.s32 $0xE, v4  }
0x11a: {  	v5 =	vor.u32 $0xF, v5;
	_ =	sdelay $0x1  }
0x11b: {  	v6 =	vmul.f32 v6, v3;
	_ =	sdelay $0x1  }
0x11c: {  	[tilespmem:v7+s18+$0x0] =	vst.idx.msk $0xffff, v6  }
0x11d: {  	v5 =	vld.idx.msk [tilespmem:v5+s31+$0x0], $0xffff;
	_ =	sdelay $0x2  }
0x11e: {  	v6 =	vadd.s32 $0xF, v4  }
.Ltmp2:
0x11f: {  	v4 =	vadd.s32 $0x10, v4;
	(pc) =	sbr.rel @p0 .LBB2_8-.Ltmp2, $3  }
0x120: {  	_ = 	snop  }
0x121: {  	v5 =	vmul.f32 v5, v3;
	_ =	sdelay $0x1  }
0x122: {  	[tilespmem:v6+s18+$0x0] =	vst.idx.msk $0xffff, v5  }
0x123: {  	_ =	sdelay $0x2  }
0x124: {  	p0 =	slt.s32 s15, $0xC7880  }
0x125: {  	[tilespmem:v4+s18+$0x0] =	vst.idx.msk $0xffff, v3;
	s15 =	simm.s32 @!p0 $0xC7880  }
0x126: {  	[spmem:s2] =	stream.indirect.scatter.add.f32 [tilespmem:s18], [sflag:$0x2], $0x18, s23, s23, $0xb8;
	[tilespmem:$0x1D510] =	vst v63  }
0x127: {  	s0 =	sadd.s32 $0x500, s15;
	_ =	swait.ge [sflag:s19], $0x3C00  }
0x128: {  	[sflag:s19] =	ssyncset.done $0x0;
	s4 =	sshrl.u32 s0, $0x3  }
0x129: {  	s12 =	simm.s32 $0x0;
	[sflag:s19] =	ssyncadd.s32 $0xFFFFC400;
	s4 =	sadd.s32 s5, s4  }
0x12a: {  	[tilespmem:s12], [sflag:$0x2] =	stream.strided.gather [hbm4b:s4+s23], $0x500, s24, s23, $0x38;
	[tilespmem:$0x1D510] =	vst v63  }
0x12b: {  	s0 =	sadd.s32 s16, s0;
	_ =	swait.ge [sflag:s19], $0x500  }
0x12c: {  	s0 =	sshrl.u32 s0, $0x3;
	[sflag:s19] =	ssyncset.done $0x0  }
0x12d: {  	s0 =	sadd.s32 s6, s0;
	[sflag:s19] =	ssyncadd.s32 $0xFFFFFB00  }
0x12e: {  	[tilespmem:s25], [sflag:$0x2] =	stream.linear.gather [hbm4b:s0+s12], $0x280, $0x38;
	[tilespmem:$0x1D510] =	vst v63  }
0x12f: {  	_ =	swait.ge [sflag:s19], $0x280  }
0x130: {  	[sflag:s19] =	ssyncset.done $0x0  }
0x131: {  	s0 =	simm.s32 $0x0;
	[sflag:s19] =	ssyncadd.s32 $0xFFFFFD80  }
0x132: {  	v2 =	vld [tilespmem:s0+$0x280]  }
0x133: {  	s4 =	simm.s32 $0x40;
	v3 =	vld [tilespmem:s0+$0x0]  }
.LBB2_10:
0x134: {  	p0 =	sne.s32 s4, $0x9C0  }
.Ltmp3:
0x135: {  	_ = 	snop;
	(pc) =	sbr.rel @p0 .LBB2_10-.Ltmp3, $4  }
0x136: {  	_ = 	snop  }
0x137: {  	s12 =	sshra.s32 s4, $0x2;
	s4 =	sadd.s32 $0x40, s4;
	v4 =	vadd.s32 v1, v2  }
0x138: {  	v2 =	vld [tilespmem:s12+$0x280];
	v5 =	vadd.s32 v1, v3;
	[tilespmem:s0+$0xA00] =	vst v4  }
0x139: {  	v3 =	vld [tilespmem:s12+$0x0];
	[tilespmem:s0+$0x780] =	vst v5;
	s0 =	smov.u32 s12  }
0x13a: {  	_ =	sdelay $0x2  }
0x13b: {  	v2 =	vadd.s32 v1, v2  }
0x13c: {  	v3 =	vadd.s32 v1, v3;
	[tilespmem:s0+$0xA00] =	vst v2  }
0x13d: {  	[tilespmem:s0+$0x780] =	vst v3  }
0x13e: {  	_ =	swait.ge [sflag:s3], $0x280  }
0x13f: {  	[sflag:s3] =	ssyncset.done $0x0  }
0x140: {  	[sflag:s3] =	ssyncadd.s32 $0xFFFFFD80  }
0x141: {  	_ =	swait.ge [sflag:s3], $0x280  }
0x142: {  	[sflag:s3] =	ssyncset.done $0x0  }
0x143: {  	[sflag:s3] =	ssyncadd.s32 $0xFFFFFD80  }
0x144: {  	_ =	swait.ge [sflag:s3], $0x2800  }
0x145: {  	[sflag:s3] =	ssyncset.done $0x0  }
0x146: {  	[sflag:s3] =	ssyncadd.s32 $0xFFFFD800  }
0x147: {  	[tilespmem:s28], [sflag:$0x1] =	stream.indirect.gather [hbm4b:s1+s23], $0x1, s26, s23, $0xb8;
	[tilespmem:$0x1D510] =	vst v63  }
0x148: {  	_ = 	snop  }
0x149: {  	[tilespmem:s30], [sflag:$0x1] =	stream.indirect.gather [hbm4b:s8+s23], $0x1, s29, s23, $0xb8;
	[tilespmem:$0x1D510] =	vst v63  }
0x14a: {  	s14 =	simm.s32 $0x4880  }
0x14b: {  	[tilespmem:s31], [sflag:$0x1] =	stream.indirect.gather [hbm4b:s9+s23], $0x10, s26, s23, $0xb8;
	[tilespmem:$0x1D510] =	vst v63  }
0x14c: {  	s0 =	simm.s32 $0x4600;
	v2 =	vld [tilespmem:s14+$0x0]  }
0x14d: {  	v3 =	vld [tilespmem:s0+$0x0]  }
0x14e: {  	s4 =	simm.s32 $0x3E80  }
0x14f: {  	v4 =	vld [tilespmem:s4+$0x0];
	_ =	sdelay $0x2  }
0x150: {  	v3 =	vadd.f32 v2, v3;
	_ =	sdelay $0x1  }
0x151: {  	v2 =	vld [tilespmem:$0x7300];
	v3 =	vadd.f32 v4, v3;
	_ =	sdelay $0x1  }
0x152: {  	v4 =	vmul.f32 $2.000000030e-01, v3;
	_ =	sdelay $0x1  }
0x153: {  	v3 =	vmax.f32 v3, v4  }
0x154: {  	v3 =	vsub.f32 v3, v2;
	_ =	sdelay $0x1  }
0x155: {  	s12 =	simm.s32 $0x0;
	v3 =	vmul.f32 $1.442695020e+00, v3  }
0x156: {  	v4 =	vor.u32 s12, v0  }
0x157: {  	v5 =	vshll.u32 v4, $0x4;
	(erf) = vpow2.f32 v3;
	_ =	sdelay $0x4  }
0x158: {  	v6 =	vld.idx.msk [tilespmem:v5+s10+$0x0], $0xffff  }
0x159: {  	v4 =	vmul.u32 $0x18, v4;
	_ =	sdelay $0x1  }
0x15a: {  	v7 =	vor.u32 $0x1, v5  }
0x15b: {  	v3 =	vpop (erf)  }
0x15c: {  	v6 =	vmul.f32 v3, v6;
	_ =	sdelay $0x1  }
0x15d: {  	[tilespmem:v4+s18+$0x0] =	vst.idx.msk $0xffff, v6  }
0x15e: {  	v6 =	vld.idx.msk [tilespmem:v7+s10+$0x0], $0xffff;
	_ =	sdelay $0x1  }
0x15f: {  	v7 =	vor.u32 $0x1, v4  }
0x160: {  	v8 =	vor.u32 $0x2, v5;
	_ =	sdelay $0x1  }
0x161: {  	v6 =	vmul.f32 v3, v6;
	_ =	sdelay $0x1  }
0x162: {  	[tilespmem:v7+s18+$0x0] =	vst.idx.msk $0xffff, v6  }
0x163: {  	v6 =	vld.idx.msk [tilespmem:v8+s10+$0x0], $0xffff;
	_ =	sdelay $0x1  }
0x164: {  	v7 =	vor.u32 $0x2, v4  }
0x165: {  	v52 =	vor.u32 $0x3, v5;
	_ =	sdelay $0x1  }
0x166: {  	v6 =	vmul.f32 v3, v6;
	_ =	sdelay $0x1  }
0x167: {  	[tilespmem:v7+s18+$0x0] =	vst.idx.msk $0xffff, v6  }
0x168: {  	v6 =	vld.idx.msk [tilespmem:v52+s10+$0x0], $0xffff;
	_ =	sdelay $0x1  }
0x169: {  	v7 =	vor.u32 $0x3, v4  }
0x16a: {  	v53 =	vor.u32 $0x4, v5;
	_ =	sdelay $0x1  }
0x16b: {  	v6 =	vmul.f32 v6, v3;
	_ =	sdelay $0x1  }
0x16c: {  	[tilespmem:v7+s18+$0x0] =	vst.idx.msk $0xffff, v6  }
0x16d: {  	v6 =	vld.idx.msk [tilespmem:v53+s10+$0x0], $0xffff;
	_ =	sdelay $0x1  }
0x16e: {  	v7 =	vor.u32 $0x4, v4  }
0x16f: {  	v54 =	vor.u32 $0x5, v5;
	_ =	sdelay $0x1  }
0x170: {  	v6 =	vmul.f32 v6, v3;
	_ =	sdelay $0x1  }
0x171: {  	[tilespmem:v7+s18+$0x0] =	vst.idx.msk $0xffff, v6  }
0x172: {  	v6 =	vld.idx.msk [tilespmem:v54+s10+$0x0], $0xffff;
	_ =	sdelay $0x1  }
0x173: {  	v7 =	vor.u32 $0x5, v4  }
0x174: {  	v55 =	vor.u32 $0x6, v5;
	_ =	sdelay $0x1  }
0x175: {  	v6 =	vmul.f32 v6, v3;
	_ =	sdelay $0x1  }
0x176: {  	[tilespmem:v7+s18+$0x0] =	vst.idx.msk $0xffff, v6  }
0x177: {  	v6 =	vld.idx.msk [tilespmem:v55+s10+$0x0], $0xffff;
	_ =	sdelay $0x1  }
0x178: {  	v7 =	vor.u32 $0x6, v4  }
0x179: {  	v56 =	vor.u32 $0x7, v5;
	_ =	sdelay $0x1  }
0x17a: {  	v6 =	vmul.f32 v6, v3;
	_ =	sdelay $0x1  }
0x17b: {  	[tilespmem:v7+s18+$0x0] =	vst.idx.msk $0xffff, v6  }
0x17c: {  	v6 =	vld.idx.msk [tilespmem:v56+s10+$0x0], $0xffff;
	_ =	sdelay $0x1  }
0x17d: {  	v7 =	vor.u32 $0x7, v4  }
0x17e: {  	v57 =	vor.u32 $0x8, v5;
	_ =	sdelay $0x1  }
0x17f: {  	v6 =	vmul.f32 v6, v3;
	_ =	sdelay $0x1  }
0x180: {  	[tilespmem:v7+s18+$0x0] =	vst.idx.msk $0xffff, v6  }
0x181: {  	v6 =	vld.idx.msk [tilespmem:v57+s10+$0x0], $0xffff;
	_ =	sdelay $0x1  }
0x182: {  	v7 =	vadd.s32 $0x8, v4  }
0x183: {  	v58 =	vor.u32 $0x9, v5;
	_ =	sdelay $0x1  }
0x184: {  	v6 =	vmul.f32 v6, v3;
	_ =	sdelay $0x1  }
0x185: {  	[tilespmem:v7+s18+$0x0] =	vst.idx.msk $0xffff, v6  }
0x186: {  	v6 =	vld.idx.msk [tilespmem:v58+s10+$0x0], $0xffff;
	_ =	sdelay $0x1  }
0x187: {  	v7 =	vadd.s32 $0x9, v4  }
0x188: {  	v59 =	vor.u32 $0xA, v5;
	_ =	sdelay $0x1  }
0x189: {  	v6 =	vmul.f32 v6, v3;
	_ =	sdelay $0x1  }
0x18a: {  	[tilespmem:v7+s18+$0x0] =	vst.idx.msk $0xffff, v6  }
0x18b: {  	v6 =	vld.idx.msk [tilespmem:v59+s10+$0x0], $0xffff;
	_ =	sdelay $0x1  }
0x18c: {  	v7 =	vadd.s32 $0xA, v4  }
0x18d: {  	v60 =	vor.u32 $0xB, v5;
	_ =	sdelay $0x1  }
0x18e: {  	v6 =	vmul.f32 v6, v3;
	_ =	sdelay $0x1  }
0x18f: {  	[tilespmem:v7+s18+$0x0] =	vst.idx.msk $0xffff, v6  }
0x190: {  	v6 =	vld.idx.msk [tilespmem:v60+s10+$0x0], $0xffff;
	_ =	sdelay $0x1  }
0x191: {  	v7 =	vadd.s32 $0xB, v4  }
0x192: {  	v61 =	vor.u32 $0xC, v5;
	_ =	sdelay $0x1  }
0x193: {  	v6 =	vmul.f32 v6, v3;
	_ =	sdelay $0x1  }
0x194: {  	[tilespmem:v7+s18+$0x0] =	vst.idx.msk $0xffff, v6  }
0x195: {  	v6 =	vld.idx.msk [tilespmem:v61+s10+$0x0], $0xffff;
	_ =	sdelay $0x1  }
0x196: {  	v7 =	vadd.s32 $0xC, v4  }
0x197: {  	v62 =	vor.u32 $0xD, v5;
	_ =	sdelay $0x1  }
0x198: {  	v6 =	vmul.f32 v6, v3;
	_ =	sdelay $0x1  }
0x199: {  	[tilespmem:v7+s18+$0x0] =	vst.idx.msk $0xffff, v6  }
0x19a: {  	v6 =	vld.idx.msk [tilespmem:v62+s10+$0x0], $0xffff;
	_ =	sdelay $0x1  }
0x19b: {  	v7 =	vadd.s32 $0xD, v4  }
0x19c: {  	v63 =	vor.u32 $0xE, v5;
	_ =	sdelay $0x1  }
0x19d: {  	v6 =	vmul.f32 v6, v3;
	_ =	sdelay $0x1  }
0x19e: {  	[tilespmem:v7+s18+$0x0] =	vst.idx.msk $0xffff, v6  }
0x19f: {  	v6 =	vld.idx.msk [tilespmem:v63+s10+$0x0], $0xffff;
	_ =	sdelay $0x1  }
0x1a0: {  	v7 =	vadd.s32 $0xE, v4  }
0x1a1: {  	v5 =	vor.u32 $0xF, v5;
	_ =	sdelay $0x1  }
0x1a2: {  	v6 =	vmul.f32 v6, v3;
	_ =	sdelay $0x1  }
0x1a3: {  	[tilespmem:v7+s18+$0x0] =	vst.idx.msk $0xffff, v6  }
0x1a4: {  	v5 =	vld.idx.msk [tilespmem:v5+s10+$0x0], $0xffff;
	_ =	sdelay $0x1  }
0x1a5: {  	v6 =	vadd.s32 $0xF, v4  }
0x1a6: {  	v4 =	vadd.s32 $0x10, v4;
	_ =	sdelay $0x1  }
0x1a7: {  	v5 =	vmul.f32 v5, v3;
	_ =	sdelay $0x1  }
0x1a8: {  	s12 =	simm.s32 $0x10;
	[tilespmem:v6+s18+$0x0] =	vst.idx.msk $0xffff, v5  }
.LBB2_12:
0x1a9: {  	[tilespmem:v4+s18+$0x0] =	vst.idx.msk $0xffff, v3;
	s0 =	sadd.s32 $0x10, s0;
	s14 =	sadd.s32 $0x10, s14;
	s4 =	sadd.s32 $0x10, s4  }
0x1aa: {  	p0 =	sne.s32 s12, $0x270;
	s15 =	smov.u32 s12;
	s12 =	sadd.s32 $0x10, s12;
	v3 =	vld [tilespmem:s14+$0x0]  }
0x1ab: {  	v4 =	vld [tilespmem:s0+$0x0];
	_ =	sdelay $0x1  }
0x1ac: {  	v5 =	vld [tilespmem:s4+$0x0];
	_ =	sdelay $0x2  }
0x1ad: {  	v3 =	vadd.f32 v3, v4;
	_ =	sdelay $0x1  }
0x1ae: {  	v3 =	vadd.f32 v5, v3;
	_ =	sdelay $0x1  }
0x1af: {  	v4 =	vmul.f32 $2.000000030e-01, v3;
	_ =	sdelay $0x1  }
0x1b0: {  	v3 =	vmax.f32 v3, v4  }
0x1b1: {  	v3 =	vsub.f32 v3, v2;
	_ =	sdelay $0x1  }
0x1b2: {  	v4 =	vor.u32 s15, v0;
	v3 =	vmul.f32 $1.442695020e+00, v3  }
0x1b3: {  	v5 =	vshll.u32 v4, $0x4  }
0x1b4: {  	(erf) = vpow2.f32 v3;
	_ =	sdelay $0x3  }
0x1b5: {  	v6 =	vld.idx.msk [tilespmem:v5+s10+$0x0], $0xffff;
	_ =	sdelay $0x1  }
0x1b6: {  	v4 =	vmul.u32 $0x18, v4;
	_ =	sdelay $0x1  }
0x1b7: {  	v7 =	vor.u32 $0x1, v5  }
0x1b8: {  	v3 =	vpop (erf)  }
0x1b9: {  	v6 =	vmul.f32 v3, v6;
	_ =	sdelay $0x1  }
0x1ba: {  	[tilespmem:v4+s18+$0x0] =	vst.idx.msk $0xffff, v6  }
0x1bb: {  	v6 =	vld.idx.msk [tilespmem:v7+s10+$0x0], $0xffff;
	_ =	sdelay $0x2  }
0x1bc: {  	v7 =	vor.u32 $0x1, v4  }
0x1bd: {  	v8 =	vor.u32 $0x2, v5;
	_ =	sdelay $0x1  }
0x1be: {  	v6 =	vmul.f32 v3, v6;
	_ =	sdelay $0x1  }
0x1bf: {  	[tilespmem:v7+s18+$0x0] =	vst.idx.msk $0xffff, v6  }
0x1c0: {  	v6 =	vld.idx.msk [tilespmem:v8+s10+$0x0], $0xffff;
	_ =	sdelay $0x2  }
0x1c1: {  	v7 =	vor.u32 $0x2, v4  }
0x1c2: {  	v8 =	vor.u32 $0x3, v5;
	_ =	sdelay $0x1  }
0x1c3: {  	v6 =	vmul.f32 v3, v6;
	_ =	sdelay $0x1  }
0x1c4: {  	[tilespmem:v7+s18+$0x0] =	vst.idx.msk $0xffff, v6  }
0x1c5: {  	v6 =	vld.idx.msk [tilespmem:v8+s10+$0x0], $0xffff;
	_ =	sdelay $0x2  }
0x1c6: {  	v7 =	vor.u32 $0x3, v4  }
0x1c7: {  	v8 =	vor.u32 $0x4, v5;
	_ =	sdelay $0x1  }
0x1c8: {  	v6 =	vmul.f32 v6, v3;
	_ =	sdelay $0x1  }
0x1c9: {  	[tilespmem:v7+s18+$0x0] =	vst.idx.msk $0xffff, v6  }
0x1ca: {  	v6 =	vld.idx.msk [tilespmem:v8+s10+$0x0], $0xffff;
	_ =	sdelay $0x2  }
0x1cb: {  	v7 =	vor.u32 $0x4, v4  }
0x1cc: {  	v8 =	vor.u32 $0x5, v5;
	_ =	sdelay $0x1  }
0x1cd: {  	v6 =	vmul.f32 v6, v3;
	_ =	sdelay $0x1  }
0x1ce: {  	[tilespmem:v7+s18+$0x0] =	vst.idx.msk $0xffff, v6  }
0x1cf: {  	v6 =	vld.idx.msk [tilespmem:v8+s10+$0x0], $0xffff;
	_ =	sdelay $0x2  }
0x1d0: {  	v7 =	vor.u32 $0x5, v4  }
0x1d1: {  	v8 =	vor.u32 $0x6, v5;
	_ =	sdelay $0x1  }
0x1d2: {  	v6 =	vmul.f32 v6, v3;
	_ =	sdelay $0x1  }
0x1d3: {  	[tilespmem:v7+s18+$0x0] =	vst.idx.msk $0xffff, v6  }
0x1d4: {  	v6 =	vld.idx.msk [tilespmem:v8+s10+$0x0], $0xffff;
	_ =	sdelay $0x2  }
0x1d5: {  	v7 =	vor.u32 $0x6, v4  }
0x1d6: {  	v8 =	vor.u32 $0x7, v5;
	_ =	sdelay $0x1  }
0x1d7: {  	v6 =	vmul.f32 v6, v3;
	_ =	sdelay $0x1  }
0x1d8: {  	[tilespmem:v7+s18+$0x0] =	vst.idx.msk $0xffff, v6  }
0x1d9: {  	v6 =	vld.idx.msk [tilespmem:v8+s10+$0x0], $0xffff;
	_ =	sdelay $0x2  }
0x1da: {  	v7 =	vor.u32 $0x7, v4  }
0x1db: {  	v8 =	vor.u32 $0x8, v5;
	_ =	sdelay $0x1  }
0x1dc: {  	v6 =	vmul.f32 v6, v3;
	_ =	sdelay $0x1  }
0x1dd: {  	[tilespmem:v7+s18+$0x0] =	vst.idx.msk $0xffff, v6  }
0x1de: {  	v6 =	vld.idx.msk [tilespmem:v8+s10+$0x0], $0xffff;
	_ =	sdelay $0x2  }
0x1df: {  	v7 =	vadd.s32 $0x8, v4  }
0x1e0: {  	v8 =	vor.u32 $0x9, v5;
	_ =	sdelay $0x1  }
0x1e1: {  	v6 =	vmul.f32 v6, v3;
	_ =	sdelay $0x1  }
0x1e2: {  	[tilespmem:v7+s18+$0x0] =	vst.idx.msk $0xffff, v6  }
0x1e3: {  	v6 =	vld.idx.msk [tilespmem:v8+s10+$0x0], $0xffff;
	_ =	sdelay $0x2  }
0x1e4: {  	v7 =	vadd.s32 $0x9, v4  }
0x1e5: {  	v8 =	vor.u32 $0xA, v5;
	_ =	sdelay $0x1  }
0x1e6: {  	v6 =	vmul.f32 v6, v3;
	_ =	sdelay $0x1  }
0x1e7: {  	[tilespmem:v7+s18+$0x0] =	vst.idx.msk $0xffff, v6  }
0x1e8: {  	v6 =	vld.idx.msk [tilespmem:v8+s10+$0x0], $0xffff;
	_ =	sdelay $0x2  }
0x1e9: {  	v7 =	vadd.s32 $0xA, v4  }
0x1ea: {  	v8 =	vor.u32 $0xB, v5;
	_ =	sdelay $0x1  }
0x1eb: {  	v6 =	vmul.f32 v6, v3;
	_ =	sdelay $0x1  }
0x1ec: {  	[tilespmem:v7+s18+$0x0] =	vst.idx.msk $0xffff, v6  }
0x1ed: {  	v6 =	vld.idx.msk [tilespmem:v8+s10+$0x0], $0xffff;
	_ =	sdelay $0x2  }
0x1ee: {  	v7 =	vadd.s32 $0xB, v4  }
0x1ef: {  	v8 =	vor.u32 $0xC, v5;
	_ =	sdelay $0x1  }
0x1f0: {  	v6 =	vmul.f32 v6, v3;
	_ =	sdelay $0x1  }
0x1f1: {  	[tilespmem:v7+s18+$0x0] =	vst.idx.msk $0xffff, v6  }
0x1f2: {  	v6 =	vld.idx.msk [tilespmem:v8+s10+$0x0], $0xffff;
	_ =	sdelay $0x2  }
0x1f3: {  	v7 =	vadd.s32 $0xC, v4  }
0x1f4: {  	v8 =	vor.u32 $0xD, v5;
	_ =	sdelay $0x1  }
0x1f5: {  	v6 =	vmul.f32 v6, v3;
	_ =	sdelay $0x1  }
0x1f6: {  	[tilespmem:v7+s18+$0x0] =	vst.idx.msk $0xffff, v6  }
0x1f7: {  	v6 =	vld.idx.msk [tilespmem:v8+s10+$0x0], $0xffff;
	_ =	sdelay $0x2  }
0x1f8: {  	v7 =	vadd.s32 $0xD, v4  }
0x1f9: {  	v8 =	vor.u32 $0xE, v5;
	_ =	sdelay $0x1  }
0x1fa: {  	v6 =	vmul.f32 v6, v3;
	_ =	sdelay $0x1  }
0x1fb: {  	[tilespmem:v7+s18+$0x0] =	vst.idx.msk $0xffff, v6  }
0x1fc: {  	v6 =	vld.idx.msk [tilespmem:v8+s10+$0x0], $0xffff;
	_ =	sdelay $0x2  }
0x1fd: {  	v7 =	vadd.s32 $0xE, v4  }
0x1fe: {  	v5 =	vor.u32 $0xF, v5;
	_ =	sdelay $0x1  }
0x1ff: {  	v6 =	vmul.f32 v6, v3;
	_ =	sdelay $0x1  }
0x200: {  	[tilespmem:v7+s18+$0x0] =	vst.idx.msk $0xffff, v6  }
0x201: {  	v5 =	vld.idx.msk [tilespmem:v5+s10+$0x0], $0xffff;
	_ =	sdelay $0x2  }
0x202: {  	v6 =	vadd.s32 $0xF, v4  }
.Ltmp4:
0x203: {  	v4 =	vadd.s32 $0x10, v4;
	(pc) =	sbr.rel @p0 .LBB2_12-.Ltmp4, $3  }
0x204: {  	_ = 	snop  }
0x205: {  	v5 =	vmul.f32 v5, v3;
	_ =	sdelay $0x1  }
0x206: {  	[tilespmem:v6+s18+$0x0] =	vst.idx.msk $0xffff, v5  }
0x207: {  	_ =	sdelay $0x1  }
0x208: {  	s21 =	sadd.s32 $0x1, s21  }
0x209: {  	p0 =	sne.s32 s21, $0x14  }
.Ltmp5:
0x20a: {  	[tilespmem:v4+s18+$0x0] =	vst.idx.msk $0xffff, v3;
	(pc) =	sbr.rel @p0 .LBB2_5-.Ltmp5, $4  }
0x20b: {  	[spmem:s2] =	stream.indirect.scatter.add.f32 [tilespmem:s18], [sflag:$0x2], $0x18, s13, s23, $0xb8;
	[tilespmem:$0x1D510] =	vst v63  }
0x20c: {  	_ =	swait.ge [sflag:s19], $0x3C00  }
0x20d: {  	[sflag:s19] =	ssyncset.done $0x0  }
0x20e: {  	[sflag:s19] =	ssyncadd.s32 $0xFFFFC400  }
0x20f: {  	_ =	swait.ge [sflag:s3], $0x280  }
0x210: {  	[sflag:s3] =	ssyncset.done $0x0  }
0x211: {  	[sflag:s3] =	ssyncadd.s32 $0xFFFFFD80  }
0x212: {  	_ =	swait.ge [sflag:s3], $0x280  }
0x213: {  	s0 =	rddreg [dreg:$0x4];
	[sflag:s3] =	ssyncset.done $0x0  }
0x214: {  	s4 =	rddreg [dreg:$0x10];
	[sflag:s3] =	ssyncadd.s32 $0xFFFFFD80  }
0x215: {  	s0 =	sor.u32 s0, s4;
	_ =	swait.ge [sflag:s3], $0x2800  }
0x216: {  	s0 =	smul.u32 $0xC400, s0;
	[sflag:s3] =	ssyncset.done $0x0  }
0x217: {  	s21 =	rddreg [dreg:$0x8];
	[sflag:s3] =	ssyncadd.s32 $0xFFFFD800  }
0x218: {  	s0 =	sadd.s32 s21, s0;
	[bflag:$0x0] =	sbarrier.arrive $0xFFFF  }
0x219: {  	s0 =	smul.u32 $0x3, s0;
	s22 =	rddreg [dreg:$0x7]  }
0x21a: {  	s12 =	rddreg [dreg:$0xc]  }
0x21b: {  	s14 =	rddreg [dreg:$0xd];
	s0 =	sadd.s32 s22, s0  }
0x21c: {  	[hbm:s0], [sflag:s12] =	dma.local [spmem:s14], $0x24C0  }
0x21d: {  	_ =	swait.ge [sflag:s19], $0x24C0  }
0x21e: {  	s15 =	rddreg [dreg:$0xf]  }
0x21f: {  	s15 =	sadd.s32 $0x1, s15  }
0x220: {  	p0 =	sne.s32 s15, $0x4  }
.Ltmp6:
0x221: {  	_ = 	snop;
	(pc) =	sbr.rel @p0 .LBB2_2-.Ltmp6, $3  }
0x222: {  	[sflag:s19] =	ssyncset.done $0x0  }
0x223: {  	[sflag:s19] =	ssyncadd.s32 $0xFFFFDB40  }
0x224: {  	[bflag:$0x0] =	sbarrier.arrive $0xFFFF;
	_ =	sdelay $0x1  }
0x225: {  	s4 =	rddreg [dreg:$0xe]  }
0x226: {  	s0 =	rddreg [dreg:$0xb];
	s4 =	sadd.s32 $0x1, s4  }
0x227: {  	p0 =	sne.s32 s4, s0  }
.Ltmp7:
0x228: {  	_ = 	snop;
	(pc) =	sbr.rel @p0 .LBB2_1-.Ltmp7, $1  }
0x229: {  	_ =	sdelay $0x3  }
0x22a: {  	_ =	sfence.sel $0x180000  }
0x22b: {  	[bflag:$0x0] =	sbarrier.arrive $0xFFFF  }
0x22c: {  	_ =	strace $0x90000047  }
0x22d: {  	s0 =	stileid.u32;
	[bflag:$0x2] =	sbarrier.arrive $0xFFFF  }
0x22e: {  	p0 =	sne.s32 s0, $0x0;
	s0 =	rddreg [dreg:$0x3]  }
0x22f: {  	s0 =	sadd.s32 @!p0 $0x100000, s0  }
0x230: {  	[sflag:s0] =	ssyncadd.tile.s32 @!p0 $0x1;
	_ =	shalt  }
.Lfunc_end2:
_tile_overlayer_lowered:
.L_overlay_start_2:
0x231: {  	(tag) =	ssettag $0x2  }
0x232: {  	s0 =	rddreg [dreg:$0x0];
	s2 =	stileid.u32  }
0x233: {  	s1 =	rddreg [dreg:$0x1];
	p0 =	sne.s32 s2, $0x0  }
0x234: {  	s3 =	rddreg [dreg:$0x2];
	[bflag:$0x3] =	sbarrier.arrive $0xFFFF;
	s2 =	simm.s32 @!p0 $0x1C02  }
0x235: {  	[timem:s3], [sflag:s2] =	dma.local @!p0 [hbm:s0], s1  }
0x236: {  	s0 =	simm.s32 @!p0 $0x2  }
0x237: {  	_ =	swait.ge @!p0 [sflag:s0], s1  }
0x238: {  	s1 =	ssub.s32 @!p0 $0x0, s1;
	[sflag:s0] =	ssyncset.done @!p0 $0x0  }
0x239: {  	[sflag:s0] =	ssyncadd.s32 @!p0 s1  }
0x23a: {  	[bflag:$0x3] =	sbarrier.arrive $0xFFFF  }
0x23b: {  	_ =	shalt  }

// kernel: kernel.15.cloned.1.call-start
scs
__scs_entry_jumppad:
0x0: {  	(pc) =	sbr.rel $0x88, $3  }
0x1: {  	(tag) =	ssettag $0x0;
	lr =	simm.s32 $0x1  }
0x2: {  	[smem:$0x3F8A] =	sst lr;
	_ =	strace $0xD0000000  }
0x3: {  	_ = 	snop  }
0x4: {  	_ = 	snop  }
0x5: {  	_ = 	snop  }
0x6: {  	_ = 	snop  }
0x7: {  	_ = 	snop  }
__scs_overlays_trampoline_lowered:
0x8: {  	[smem:$0x3F99] =	sst s0  }
0x9: {  	[smem:$0x3F9A] =	sst s1  }
0xa: {  	[smem:$0x3F9B] =	sst s2  }
0xb: {  	[smem:$0x3F9C] =	sst s3  }
0xc: {  	[smem:$0x3F9D] =	sst s4  }
0xd: {  	[smem:$0x3F9E] =	sst s5  }
0xe: {  	[smem:$0x3F9F] =	sst s6  }
0xf: {  	[smem:$0x3FA0] =	sst s7  }
0x10: {  	[smem:$0x3FA1] =	sst s8  }
0x11: {  	[smem:$0x3FA2] =	sst s9;
	s0 =	simm.s32 @!p0 $0x0  }
0x12: {  	s1 =	sld [smem:$0x3F88];
	s0 =	simm.s32 @p0 $0x1  }
0x13: {  	[smem:$0x3FA3] =	sst s0;
	s0 =	simm.s32 @!p1 $0x0  }
0x14: {  	s2 =	sld [smem:$0x3F87];
	s0 =	simm.s32 @p1 $0x1  }
0x15: {  	[smem:$0x3FA4] =	sst s0;
	s0 =	simm.s32 @!p2 $0x0  }
0x16: {  	s3 =	sld [smem:$0x3FDB];
	s0 =	simm.s32 @p2 $0x1  }
0x17: {  	s4 =	simm.s32 $0x1BF5;
	[smem:$0x3FA6] =	sst s0  }
0x18: {  	s0 =	sld [smem:$0x3F89];
	_ =	swait.ge [sflag:s4], $0x0  }
0x19: {  	s7 =	sld [smem:$0x3F8A]  }
0x1a: {  	s8 =	sadd.s32 $0xFFFFE003, lr  }
0x1b: {  	s9 =	sadd.s32 $0xFFFFFEF7, lr;
	s5 =	simm.s32 $0xFFFFFFFF;
	p2 =	slt.u32 s8, $0xFFFFF086  }
0x1c: {  	p1 =	slt.u32 s9, $0xF7A;
	s5 =	simm.s32 @!p2 $0x0  }
0x1d: {  	s5 =	simm.s32 @p1 $0x1;
	p0 =	seq.s32 s7, s2  }
0x1e: {  	s7 =	smul.u32 @!p0 $0xF7A, s2;
	p2 =	seq.s32 @!p0 s5, $0x0  }
0x1f: {  	s9 =	smul.u32 $0xF7A, s1;
	s8 =	simm.s32 @!p0 $0x1BF5;
	p2 =	por !p2, p0  }
0x20: {  	[sflag:s8] =	ssyncset.s32 @!p0 $0xFFFFF086;
	s6 =	sadd.s32 @!p0 s3, s7;
	s7 =	simm.s32 @!p0 $0x108  }
0x21: {  	s3 =	sadd.s32 s3, s9;
	s6 =	sadd.s32 @!p0 $0x88, s6;
	s7 =	simm.s32 @p2 $0x1082  }
0x22: {  	[simem:s7], [sflag:s8] =	dma.local @!p0 [hbm:s6], $0xF7A  }
0x23: {  	s9 =	sor.u32 $0xD0000000, s2;
	s6 =	simm.s32 $0x108;
	_ =	swait.ge @!p0 [sflag:s8], $0x0  }
0x24: {  	s3 =	sadd.s32 $0x88, s3;
	s6 =	simm.s32 @!p1 $0x1082;
	[sflag:s4] =	ssyncset.s32 $0xFFFFF086  }
0x25: {  	[simem:s6], [sflag:s4] =	dma.local [hbm:s3], $0xF7A  }
0x26: {  	[smem:$0x3F8A] =	sst s1;
	(tag) =	ssettag s2;
	_ =	strace s9  }
0x27: {  	s1 =	sld [smem:$0x3F9A]  }
0x28: {  	s2 =	sld [smem:$0x3F9B]  }
0x29: {  	s4 =	sld [smem:$0x3F9D]  }
0x2a: {  	p0 =	seq.s32 s5, $0x0;
	s5 =	sld [smem:$0x3F9E]  }
0x2b: {  	s6 =	sld [smem:$0x3F9F]  }
0x2c: {  	s7 =	sld [smem:$0x3FA0]  }
0x2d: {  	s3 =	simm.s32 $0x108;
	s8 =	sld [smem:$0x3FA1]  }
0x2e: {  	s3 =	simm.s32 @!p0 $0x1082;
	s9 =	sld [smem:$0x3FA2]  }
0x2f: {  	lr =	sadd.s32 s0, s3;
	s0 =	sld [smem:$0x3F99]  }
0x30: {  	s3 =	sld [smem:$0x3F9C]  }
0x31: {  	[smem:$0x3FA5] =	sst s10  }
0x32: {  	s10 =	sld [smem:$0x3FA3];
	_ =	sdelay $0x3  }
0x33: {  	p0 =	seq.s32 s10, $0x1;
	s10 =	sld [smem:$0x3FA5];
	_ =	sdelay $0x3  }
0x34: {  	[smem:$0x3FA5] =	sst s10  }
0x35: {  	s10 =	sld [smem:$0x3FA4];
	_ =	sdelay $0x3  }
0x36: {  	p1 =	seq.s32 s10, $0x1;
	s10 =	sld [smem:$0x3FA5];
	_ =	sdelay $0x3  }
0x37: {  	[smem:$0x3FA5] =	sst s10  }
0x38: {  	s10 =	sld [smem:$0x3FA6]  }
0x39: {  	_ = 	snop;
	(pc) =	sbr.ind lr, $3  }
0x3a: {  	_ = 	snop  }
0x3b: {  	_ = 	snop  }
0x3c: {  	p2 =	seq.s32 s10, $0x1;
	s10 =	sld [smem:$0x3FA5]  }
0x3d: {  	_ =	shalt  }
0x3e: {  	_ =	shalt  }
0x3f: {  	_ =	shalt  }
0x40: {  	_ =	shalt  }
0x41: {  	_ =	shalt  }
0x42: {  	_ =	shalt  }
0x43: {  	_ =	shalt  }
0x44: {  	_ =	shalt  }
0x45: {  	_ =	shalt  }
0x46: {  	_ =	shalt  }
0x47: {  	_ =	shalt  }
0x48: {  	_ =	shalt  }
0x49: {  	_ =	shalt  }
0x4a: {  	_ =	shalt  }
0x4b: {  	_ =	shalt  }
0x4c: {  	_ =	shalt  }
0x4d: {  	_ =	shalt  }
0x4e: {  	_ =	shalt  }
0x4f: {  	_ =	shalt  }
0x50: {  	_ =	shalt  }
0x51: {  	_ =	shalt  }
0x52: {  	_ =	shalt  }
0x53: {  	_ =	shalt  }
0x54: {  	_ =	shalt  }
0x55: {  	_ =	shalt  }
0x56: {  	_ =	shalt  }
0x57: {  	_ =	shalt  }
0x58: {  	_ =	shalt  }
0x59: {  	_ =	shalt  }
0x5a: {  	_ =	shalt  }
0x5b: {  	_ =	shalt  }
0x5c: {  	_ =	shalt  }
0x5d: {  	_ =	shalt  }
0x5e: {  	_ =	shalt  }
0x5f: {  	_ =	shalt  }
0x60: {  	_ =	shalt  }
0x61: {  	_ =	shalt  }
0x62: {  	_ =	shalt  }
0x63: {  	_ =	shalt  }
0x64: {  	_ =	shalt  }
0x65: {  	_ =	shalt  }
0x66: {  	_ =	shalt  }
0x67: {  	_ =	shalt  }
0x68: {  	_ =	shalt  }
0x69: {  	_ =	shalt  }
0x6a: {  	_ =	shalt  }
0x6b: {  	_ =	shalt  }
0x6c: {  	_ =	shalt  }
0x6d: {  	_ =	shalt  }
0x6e: {  	_ =	shalt  }
0x6f: {  	_ =	shalt  }
0x70: {  	_ =	shalt  }
0x71: {  	_ =	shalt  }
0x72: {  	_ =	shalt  }
0x73: {  	_ =	shalt  }
0x74: {  	_ =	shalt  }
0x75: {  	_ =	shalt  }
0x76: {  	_ =	shalt  }
0x77: {  	_ =	shalt  }
0x78: {  	_ =	shalt  }
0x79: {  	_ =	shalt  }
0x7a: {  	_ =	shalt  }
0x7b: {  	_ =	shalt  }
0x7c: {  	_ =	shalt  }
0x7d: {  	_ =	shalt  }
0x7e: {  	_ =	shalt  }
0x7f: {  	_ =	shalt  }
0x80: {  	_ =	shalt  }
0x81: {  	_ =	shalt  }
0x82: {  	_ =	shalt  }
0x83: {  	_ =	shalt  }
0x84: {  	_ =	shalt  }
0x85: {  	_ =	shalt  }
0x86: {  	_ =	shalt  }
0x87: {  	_ =	shalt  }
.Lfunc_end0:
.L_simem_size_0:
called_computation.2_lowered:
.L_overlay_start_0:
0x88: {  	s2 =	sld [smem:$0x3FD9]  }
0x89: {  	s3 =	sld [smem:$0x3FFE];
	_ =	sdelay $0x1  }
0x8a: {  	s1 =	srdreg.scid  }
0x8b: {  	s0 =	sand.u32 $0x1, s1  }
0x8c: {  	s17 =	sshll.u32 s0, $0xA;
	s2 =	sadd.s32 s3, s2  }
0x8d: {  	s2 =	sadd.s32 s2, s17  }
0x8e: {  	[smem:$0x3FB1] =	sst s2  }
0x8f: {  	_ = 	snop  }
0x90: {  	s2 =	sld [smem:$0x3FD0];
	(tm) =	ssettm $0x1  }
0x91: {  	s18 =	sld [smem:$0x3FFB];
	_ =	sdelay $0x3  }
0x92: {  	_ =	strace s18  }
0x93: {  	s3 =	sld [smem:$0x3FFC];
	_ =	sdelay $0x3  }
0x94: {  	_ =	strace s3  }
0x95: {  	s3 =	sld [smem:$0x3FFD];
	_ =	sdelay $0x3  }
0x96: {  	_ =	strace s3  }
0x97: {  	_ =	strace $0x8FFFFFFF  }
0x98: {  	s19 =	sld [smem:$0x3FDB];
	_ =	sdelay $0x1  }
0x99: {  	s4 =	simm.s32 $_scs_section_size  }
0x9a: {  	s5 =	simm.s32 $_size__tile_overlayer_lowered;
	s6 =	simm.s32 $_tile_overlayer_lowered  }
0x9b: {  	s22 =	simm.s32 $0x1BFF;
	s21 =	sshll.u32 s6, $0x1;
	s3 =	sadd.s32 s4, s19  }
0x9c: {  	s7 =	simm.s32 $0x0;
	s20 =	sshll.u32 s5, $0x1;
	s5 =	sadd.s32 s21, s3  }
0x9d: {  	[timem:s7], [sflag:s22] =	dma.local [hbm:s5], s20  }
0x9e: {  	_ =	swait.ge [sflag:s22], s20  }
0x9f: {  	s4 =	ssub.s32 $0x0, s20;
	[sflag:s22] =	ssyncset.done $0x0  }
0xa0: {  	[sflag:s22] =	ssyncadd.s32 s4;
	_ =	sdelay $0x1  }
0xa1: {  	s23 =	simm.s32 $0x1B8B  }
0xa2: {  	_ =	swait.ge [sflag:s23], $0x1  }
0xa3: {  	[sflag:s23] =	ssyncset.done $0x0  }
0xa4: {  	s25 =	simm.s32 $0x1B8E;
	s24 =	sld [smem:$0x3FFE];
	[sflag:s23] =	ssyncadd.s32 $0xFFFFFFFF  }
0xa5: {  	s26 =	simm.s32 $execute0_lowered;
	[smem:$0x3FD2] =	sst s25  }
0xa6: {  	s5 =	sshll.u32 s26, $0x1;
	_ =	strace $0x8000004C;
	[dreg:$0x1] =	wrdreg $0xFFFFFFFF  }
0xa7: {  	s28 =	simm.s32 $_size_execute0_lowered;
	s3 =	sadd.s32 s3, s5;
	[dreg:$0x0] =	wrdreg $0x0  }
0xa8: {  	s5 =	sshll.u32 s28, $0x1;
	[dreg:$0x2] =	wrdreg s3  }
0xa9: {  	[dreg:$0x3] =	wrdreg s5  }
0xaa: {  	[dreg:$0x4] =	wrdreg $0xC0  }
0xab: {  	_ =	task [dreg:s7], $0x5FFFF  }
0xac: {  	[dreg:$0x1] =	wrdreg $0xFFFFFFFF  }
0xad: {  	[dreg:$0x0] =	wrdreg $0x60  }
0xae: {  	[dreg:$0x2] =	wrdreg s24  }
0xaf: {  	[dreg:$0x3] =	wrdreg s2  }
0xb0: {  	[dreg:$0x4] =	wrdreg $0xAF100  }
0xb1: {  	[dreg:$0x5] =	wrdreg $0x9  }
0xb2: {  	_ =	task.clear_ibuf [dreg:s7], $0x6FFFF;
	_ =	strace $0x9000004C  }
0xb3: {  	s29 =	simm.s32 $0x9;
	_ =	strace $0x8000004E  }
0xb4: {  	_ =	swait.ge [sflag:s29], $0x1  }
0xb5: {  	[sflag:s29] =	ssyncadd.s32 $0xFFFFFFFF  }
0xb6: {  	_ =	strace $0x9000004E  }
0xb7: {  	_ =	sfence  }
0xb8: {  	s30 =	sld [smem:$0x0];
	_ =	sdelay $0x2  }
0xb9: {  	s31 =	sshll.u32 s1, $0xD;
	s1 =	sshrl.u32 s1, $0x2  }
0xba: {  	s3 =	sand.u32 $0x4000, s31;
	s1 =	sadd.s32 s1, s30  }
0xbb: {  	s0 =	sor.u32 s3, s0;
	s1 =	sshll.u32 s1, $0x11  }
0xbc: {  	s0 =	sor.u32 s1, s0  }
0xbd: {  	s0 =	sadd.s32 $0x8F2B, s0  }
0xbe: {  	[sflag:s0] =	ssyncadd.remote.s32 $0x1  }
0xbf: {  	_ =	sfence.sel $0xFFFF  }
0xc0: {  	[dreg:$0x0] =	wrdreg $0xFFFFFFFF;
	(pc) =	sbr.abs _section_cstart, $3  }
0xc1: {  	[dreg:$0x1] =	wrdreg $0xFFFFFFFF  }
0xc2: {  	_ =	task.clear_ibuf [dreg:s7], $0x2FFFF;
	_ =	strace $0x9FFFFFFF  }
0xc3: {  	(tm) =	ssettm $0x7FFFFFFF  }
tec
execute0_lowered:
.L_overlay_start_1:
0x0: {  	(tag) =	ssettag $0x1  }
0x1: {  	s0 =	rddreg [dreg:$0x0]  }
0x2: {  	s1 =	rddreg [dreg:$0x1]  }
0x3: {  	s2 =	rddreg [dreg:$0x2]  }
0x4: {  	s3 =	simm.s32 $0x0;
	s16 =	srdreg.scid;
	s10 =	stileid.u32  }
0x5: {  	s28 =	simm.s32 $0xC80;
	s29 =	simm.s32 $0xA00;
	s30 =	simm.s32 $0xF00  }
0x6: {  	s31 =	simm.s32 $0x1180;
	s13 =	simm.s32 $0x3C00;
	[smem:$0x7FF] =	sst s3  }
0x7: {  	s5 =	sadd.s32 $0x1D600, s0;
	s6 =	sadd.s32 $0x4F600, s0;
	s4 =	sand.u32 $0x1, s16  }
0x8: {  	s17 =	sshll.u32 s10, $0x1;
	s8 =	sadd.s32 $0x4600, s0;
	s9 =	sadd.s32 $0x1DB600, s0  }
0x9: {  	s7 =	sadd.s32 $0xAA00, s0;
	s12 =	sadd.s32 $0x553E00, s0;
	s19 =	smul.u32 $0x12600, s10  }
0xa: {  	s0 =	sadd.s32 $0x23D600, s0;
	_ =	strace $0x8000004D;
	[dreg:$0x5] =	wrdreg s7  }
0xb: {  	s21 =	smul.u32 $0xC40, s10;
	s26 =	sshll.u32 s10, $0x6;
	[dreg:$0x4] =	wrdreg s4  }
0xc: {  	s10 =	simm.s32 $0x4B00;
	s3 =	sor.u32 s4, s17;
	[dreg:$0x7] =	wrdreg s0  }
0xd: {  	s4 =	ssub.s32 $0x2, s4;
	[dreg:$0x6] =	wrdreg s12;
	s17 =	simm.s32 $0x4100  }
0xe: {  	s7 =	simm.s32 $0x4880;
	s11 =	smul.u32 $0x6400, s3;
	s18 =	sshrl.u32 s4, $0x1  }
0xf: {  	[dreg:$0x8] =	wrdreg s21;
	s22 =	sadd.s32 s19, s2;
	s23 =	sshrl.u32 s19, $0x3  }
0x10: {  	s19 =	simm.s32 $0x2;
	s3 =	simm.s32 $0x1;
	s20 =	ssub.s32 s4, s18  }
0x11: {  	s4 =	sadd.s32 s12, s23;
	s18 =	simm.s32 $0x7310;
	s12 =	sor.u32 $0x1C02, s26  }
0x12: {  	s14 =	sshrl.u32 s22, $0x3;
	s23 =	simm.s32 $0x280;
	[dreg:$0x9] =	wrdreg s4  }
0x13: {  	s26 =	simm.s32 $0x780;
	s24 =	sshrl.u32 s11, $0x3;
	[dreg:$0xc] =	wrdreg s12  }
0x14: {  	s0 =	smax.u32 s20, $0x1;
	s4 =	simm.s32 $0x0;
	[dreg:$0xd] =	wrdreg s14  }
0x15: {  	s20 =	simm.s32 $0x0;
	s25 =	sadd.s32 s5, s24;
	[dreg:$0xb] =	wrdreg s0  }
0x16: {  	v0 =	vlaneseq.u32;
	s24 =	simm.s32 $0xC8000;
	[dreg:$0xa] =	wrdreg s25;
	s25 =	simm.s32 $0x500  }
.LBB2_1:
0x17: {  	[dreg:$0xe] =	wrdreg s4  }
0x18: {  	s0 =	simm.s32 $0x0;
	s22 =	rddreg [dreg:$0x6]  }
0x19: {  	[tilespmem:s18], [sflag:$0x2] =	stream.linear.gather [hbm4b:s22+s0], $0x3C00, $0x38;
	[tilespmem:$0x1D510] =	vst v63  }
0x1a: {  	_ =	swait.ge [sflag:s19], $0x3C00  }
0x1b: {  	[sflag:s19] =	ssyncset.done $0x0  }
0x1c: {  	s15 =	simm.s32 $0x0;
	[sflag:s19] =	ssyncadd.s32 $0xFFFFC400  }
.LBB2_2:
0x1d: {  	s0 =	rddreg [dreg:$0x9]  }
0x1e: {  	[spmem:s14], [sflag:s12] =	dma.local [hbm:s0], $0x24C0  }
0x1f: {  	s4 =	sshll.u32 s15, $0x1;
	s22 =	simm.s32 $0x0;
	_ =	swait.ge [sflag:s19], $0x24C0  }
0x20: {  	s14 =	simm.s32 $0x7300;
	[sflag:s19] =	ssyncset.done $0x0;
	s21 =	rddreg [dreg:$0x5]  }
0x21: {  	[dreg:$0x10] =	wrdreg s4;
	[sflag:s19] =	ssyncadd.s32 $0xFFFFDB40;
	s0 =	sadd.s32 s21, s4  }
0x22: {  	[tilespmem:s14], [sflag:$0x2] =	stream.linear.gather [hbm4b:s0+s22], $0x10, $0x38;
	[tilespmem:$0x1D510] =	vst v63  }
0x23: {  	_ =	swait.ge [sflag:s19], $0x10  }
0x24: {  	[sflag:s19] =	ssyncset.done $0x0  }
0x25: {  	s16 =	smul.u32 $0xC8000, s15;
	[sflag:s19] =	ssyncadd.s32 $0xFFFFFFF0  }
0x26: {  	[bflag:$0x0] =	sbarrier.arrive $0xFFFF  }
0x27: {  	s16 =	sadd.s32 $0x320000, s16;
	s21 =	rddreg [dreg:$0xa]  }
0x28: {  	[tilespmem:s22], [sflag:$0x2] =	stream.strided.gather [hbm4b:s21+s23], $0x500, s24, s23, $0x38;
	[tilespmem:$0x1D510] =	vst v63  }
0x29: {  	s0 =	sadd.s32 s11, s16;
	_ =	swait.ge [sflag:s19], $0x500  }
0x2a: {  	s0 =	sshrl.u32 s0, $0x3;
	[sflag:s19] =	ssyncset.done $0x0  }
0x2b: {  	s0 =	sadd.s32 s6, s0;
	[sflag:s19] =	ssyncadd.s32 $0xFFFFFB00  }
0x2c: {  	[tilespmem:s25], [sflag:$0x2] =	stream.linear.gather [hbm4b:s0+s22], $0x280, $0x38;
	[tilespmem:$0x1D510] =	vst v63  }
0x2d: {  	_ =	swait.ge [sflag:s19], $0x280  }
0x2e: {  	[sflag:s19] =	ssyncset.done $0x0  }
0x2f: {  	s22 =	smul.u32 $0xC400, s15;
	s0 =	simm.s32 $0x0;
	[sflag:s19] =	ssyncadd.s32 $0xFFFFFD80  }
0x30: {  	v2 =	vld [tilespmem:s0+$0x280]  }
0x31: {  	s4 =	simm.s32 $0x40;
	[dreg:$0xf] =	wrdreg s15;
	v1 =	vmov s22;
	v3 =	vld [tilespmem:s0+$0x0]  }
.LBB2_3:
0x32: {  	p0 =	sne.s32 s4, $0x9C0  }
.Ltmp0:
0x33: {  	_ = 	snop;
	(pc) =	sbr.rel @p0 .LBB2_3-.Ltmp0, $4  }
0x34: {  	_ = 	snop  }
0x35: {  	s12 =	sshra.s32 s4, $0x2;
	s4 =	sadd.s32 $0x40, s4;
	v4 =	vadd.s32 v1, v2  }
0x36: {  	v2 =	vld [tilespmem:s12+$0x280];
	v5 =	vadd.s32 v1, v3;
	[tilespmem:s0+$0xA00] =	vst v4  }
0x37: {  	v3 =	vld [tilespmem:s12+$0x0];
	[tilespmem:s0+$0x780] =	vst v5;
	s0 =	smov.u32 s12  }
0x38: {  	_ =	sdelay $0x2  }
0x39: {  	v2 =	vadd.s32 v1, v2  }
0x3a: {  	v3 =	vadd.s32 v1, v3;
	[tilespmem:s0+$0xA00] =	vst v2  }
0x3b: {  	[tilespmem:s0+$0x780] =	vst v3  }
0x3c: {  	[tilespmem:s28], [sflag:$0x1] =	stream.indirect.gather [hbm4b:s1+s23], $0x1, s26, s23, $0xb8;
	[tilespmem:$0x1D510] =	vst v63  }
0x3d: {  	_ = 	snop  }
0x3e: {  	[tilespmem:s30], [sflag:$0x1] =	stream.indirect.gather [hbm4b:s8+s23], $0x1, s29, s23, $0xb8;
	[tilespmem:$0x1D510] =	vst v63  }
0x3f: {  	s21 =	simm.s32 $0x0  }
0x40: {  	[tilespmem:s31], [sflag:$0x1] =	stream.indirect.gather [hbm4b:s9+s23], $0x10, s26, s23, $0xb8;
	[tilespmem:$0x1D510] =	vst v63  }
.LBB2_5:
0x41: {  	s0 =	smul.u32 $0x500, s21;
	_ =	sdelay $0x1  }
0x42: {  	s15 =	sadd.s32 s11, s0  }
0x43: {  	s0 =	sadd.s32 $0x280, s15  }
0x44: {  	s4 =	sshrl.u32 s0, $0x3  }
0x45: {  	s12 =	simm.s32 $0x3980;
	s4 =	sadd.s32 s5, s4  }
0x46: {  	[tilespmem:s12], [sflag:$0x2] =	stream.strided.gather [hbm4b:s4+s23], $0x500, s24, s23, $0x38;
	[tilespmem:$0x1D510] =	vst v63  }
0x47: {  	s0 =	sadd.s32 s16, s0;
	_ =	swait.ge [sflag:s19], $0x500  }
0x48: {  	s0 =	sshrl.u32 s0, $0x3;
	[sflag:s19] =	ssyncset.done $0x0  }
0x49: {  	s22 =	simm.s32 $0x3E80;
	s0 =	sadd.s32 s6, s0;
	[sflag:s19] =	ssyncadd.s32 $0xFFFFFB00  }
0x4a: {  	[tilespmem:s22], [sflag:$0x2] =	stream.linear.gather [hbm4b:s0+s20], $0x280, $0x38;
	[tilespmem:$0x1D510] =	vst v63  }
0x4b: {  	_ =	swait.ge [sflag:s19], $0x280  }
0x4c: {  	[sflag:s19] =	ssyncset.done $0x0  }
0x4d: {  	s0 =	simm.s32 $0x0;
	[sflag:s19] =	ssyncadd.s32 $0xFFFFFD80  }
0x4e: {  	v2 =	vld [tilespmem:s0+$0x3C00]  }
0x4f: {  	s4 =	simm.s32 $0x40;
	v3 =	vld [tilespmem:s0+$0x3980]  }
.LBB2_6:
0x50: {  	p0 =	sne.s32 s4, $0x9C0  }
.Ltmp1:
0x51: {  	_ = 	snop;
	(pc) =	sbr.rel @p0 .LBB2_6-.Ltmp1, $4  }
0x52: {  	_ = 	snop  }
0x53: {  	s12 =	sshra.s32 s4, $0x2;
	s4 =	sadd.s32 $0x40, s4;
	v4 =	vadd.s32 v1, v2  }
0x54: {  	v2 =	vld [tilespmem:s12+$0x3C00];
	v5 =	vadd.s32 v1, v3;
	[tilespmem:s0+$0x4380] =	vst v4  }
0x55: {  	v3 =	vld [tilespmem:s12+$0x3980];
	[tilespmem:s0+$0x4100] =	vst v5;
	s0 =	smov.u32 s12  }
0x56: {  	_ =	sdelay $0x2  }
0x57: {  	v2 =	vadd.s32 v1, v2  }
0x58: {  	v3 =	vadd.s32 v1, v3;
	[tilespmem:s0+$0x4380] =	vst v2  }
0x59: {  	[tilespmem:s0+$0x4100] =	vst v3  }
0x5a: {  	_ =	swait.ge [sflag:s3], $0x280  }
0x5b: {  	[sflag:s3] =	ssyncset.done $0x0  }
0x5c: {  	[sflag:s3] =	ssyncadd.s32 $0xFFFFFD80  }
0x5d: {  	_ =	swait.ge [sflag:s3], $0x280  }
0x5e: {  	[sflag:s3] =	ssyncset.done $0x0  }
0x5f: {  	[sflag:s3] =	ssyncadd.s32 $0xFFFFFD80  }
0x60: {  	_ =	swait.ge [sflag:s3], $0x2800  }
0x61: {  	[sflag:s3] =	ssyncset.done $0x0  }
0x62: {  	s14 =	simm.s32 $0x4600;
	[sflag:s3] =	ssyncadd.s32 $0xFFFFD800  }
0x63: {  	[tilespmem:s14], [sflag:$0x1] =	stream.indirect.gather [hbm4b:s1+s23], $0x1, s17, s23, $0xb8;
	[tilespmem:$0x1D510] =	vst v63  }
0x64: {  	s22 =	simm.s32 $0x4380  }
0x65: {  	[tilespmem:s7], [sflag:$0x1] =	stream.indirect.gather [hbm4b:s8+s23], $0x1, s22, s23, $0xb8;
	[tilespmem:$0x1D510] =	vst v63  }
0x66: {  	s14 =	simm.s32 $0xF00  }
0x67: {  	[tilespmem:s10], [sflag:$0x1] =	stream.indirect.gather [hbm4b:s9+s23], $0x10, s17, s23, $0xb8;
	[tilespmem:$0x1D510] =	vst v63  }
0x68: {  	s0 =	simm.s32 $0xC80;
	v2 =	vld [tilespmem:s14+$0x0]  }
0x69: {  	v3 =	vld [tilespmem:s0+$0x0]  }
0x6a: {  	s4 =	simm.s32 $0x500  }
0x6b: {  	v4 =	vld [tilespmem:s4+$0x0];
	_ =	sdelay $0x2  }
0x6c: {  	v3 =	vadd.f32 v2, v3;
	_ =	sdelay $0x1  }
0x6d: {  	v2 =	vld [tilespmem:$0x7300];
	v3 =	vadd.f32 v4, v3;
	_ =	sdelay $0x1  }
0x6e: {  	v4 =	vmul.f32 $2.000000030e-01, v3;
	_ =	sdelay $0x1  }
0x6f: {  	v3 =	vmax.f32 v3, v4  }
0x70: {  	v3 =	vsub.f32 v3, v2;
	_ =	sdelay $0x1  }
0x71: {  	s12 =	simm.s32 $0x0;
	v3 =	vmul.f32 $1.442695020e+00, v3  }
0x72: {  	v4 =	vor.u32 s12, v0  }
0x73: {  	v5 =	vshll.u32 v4, $0x4;
	(erf) = vpow2.f32 v3;
	_ =	sdelay $0x4  }
0x74: {  	v6 =	vld.idx.msk [tilespmem:v5+s31+$0x0], $0xffff  }
0x75: {  	v4 =	vmul.u32 $0x18, v4;
	_ =	sdelay $0x1  }
0x76: {  	v7 =	vor.u32 $0x1, v5  }
0x77: {  	v3 =	vpop (erf)  }
0x78: {  	v6 =	vmul.f32 v3, v6;
	_ =	sdelay $0x1  }
0x79: {  	[tilespmem:v4+s18+$0x0] =	vst.idx.msk $0xffff, v6  }
0x7a: {  	v6 =	vld.idx.msk [tilespmem:v7+s31+$0x0], $0xffff;
	_ =	sdelay $0x1  }
0x7b: {  	v7 =	vor.u32 $0x1, v4  }
0x7c: {  	v8 =	vor.u32 $0x2, v5;
	_ =	sdelay $0x1  }
0x7d: {  	v6 =	vmul.f32 v3, v6;
	_ =	sdelay $0x1  }
0x7e: {  	[tilespmem:v7+s18+$0x0] =	vst.idx.msk $0xffff, v6  }
0x7f: {  	v6 =	vld.idx.msk [tilespmem:v8+s31+$0x0], $0xffff;
	_ =	sdelay $0x1  }
0x80: {  	v7 =	vor.u32 $0x2, v4  }
0x81: {  	v52 =	vor.u32 $0x3, v5;
	_ =	sdelay $0x1  }
0x82: {  	v6 =	vmul.f32 v3, v6;
	_ =	sdelay $0x1  }
0x83: {  	[tilespmem:v7+s18+$0x0] =	vst.idx.msk $0xffff, v6  }
0x84: {  	v6 =	vld.idx.msk [tilespmem:v52+s31+$0x0], $0xffff;
	_ =	sdelay $0x1  }
0x85: {  	v7 =	vor.u32 $0x3, v4  }
0x86: {  	v53 =	vor.u32 $0x4, v5;
	_ =	sdelay $0x1  }
0x87: {  	v6 =	vmul.f32 v6, v3;
	_ =	sdelay $0x1  }
0x88: {  	[tilespmem:v7+s18+$0x0] =	vst.idx.msk $0xffff, v6  }
0x89: {  	v6 =	vld.idx.msk [tilespmem:v53+s31+$0x0], $0xffff;
	_ =	sdelay $0x1  }
0x8a: {  	v7 =	vor.u32 $0x4, v4  }
0x8b: {  	v54 =	vor.u32 $0x5, v5;
	_ =	sdelay $0x1  }
0x8c: {  	v6 =	vmul.f32 v6, v3;
	_ =	sdelay $0x1  }
0x8d: {  	[tilespmem:v7+s18+$0x0] =	vst.idx.msk $0xffff, v6  }
0x8e: {  	v6 =	vld.idx.msk [tilespmem:v54+s31+$0x0], $0xffff;
	_ =	sdelay $0x1  }
0x8f: {  	v7 =	vor.u32 $0x5, v4  }
0x90: {  	v55 =	vor.u32 $0x6, v5;
	_ =	sdelay $0x1  }
0x91: {  	v6 =	vmul.f32 v6, v3;
	_ =	sdelay $0x1  }
0x92: {  	[tilespmem:v7+s18+$0x0] =	vst.idx.msk $0xffff, v6  }
0x93: {  	v6 =	vld.idx.msk [tilespmem:v55+s31+$0x0], $0xffff;
	_ =	sdelay $0x1  }
0x94: {  	v7 =	vor.u32 $0x6, v4  }
0x95: {  	v56 =	vor.u32 $0x7, v5;
	_ =	sdelay $0x1  }
0x96: {  	v6 =	vmul.f32 v6, v3;
	_ =	sdelay $0x1  }
0x97: {  	[tilespmem:v7+s18+$0x0] =	vst.idx.msk $0xffff, v6  }
0x98: {  	v6 =	vld.idx.msk [tilespmem:v56+s31+$0x0], $0xffff;
	_ =	sdelay $0x1  }
0x99: {  	v7 =	vor.u32 $0x7, v4  }
0x9a: {  	v57 =	vor.u32 $0x8, v5;
	_ =	sdelay $0x1  }
0x9b: {  	v6 =	vmul.f32 v6, v3;
	_ =	sdelay $0x1  }
0x9c: {  	[tilespmem:v7+s18+$0x0] =	vst.idx.msk $0xffff, v6  }
0x9d: {  	v6 =	vld.idx.msk [tilespmem:v57+s31+$0x0], $0xffff;
	_ =	sdelay $0x1  }
0x9e: {  	v7 =	vadd.s32 $0x8, v4  }
0x9f: {  	v58 =	vor.u32 $0x9, v5;
	_ =	sdelay $0x1  }
0xa0: {  	v6 =	vmul.f32 v6, v3;
	_ =	sdelay $0x1  }
0xa1: {  	[tilespmem:v7+s18+$0x0] =	vst.idx.msk $0xffff, v6  }
0xa2: {  	v6 =	vld.idx.msk [tilespmem:v58+s31+$0x0], $0xffff;
	_ =	sdelay $0x1  }
0xa3: {  	v7 =	vadd.s32 $0x9, v4  }
0xa4: {  	v59 =	vor.u32 $0xA, v5;
	_ =	sdelay $0x1  }
0xa5: {  	v6 =	vmul.f32 v6, v3;
	_ =	sdelay $0x1  }
0xa6: {  	[tilespmem:v7+s18+$0x0] =	vst.idx.msk $0xffff, v6  }
0xa7: {  	v6 =	vld.idx.msk [tilespmem:v59+s31+$0x0], $0xffff;
	_ =	sdelay $0x1  }
0xa8: {  	v7 =	vadd.s32 $0xA, v4  }
0xa9: {  	v60 =	vor.u32 $0xB, v5;
	_ =	sdelay $0x1  }
0xaa: {  	v6 =	vmul.f32 v6, v3;
	_ =	sdelay $0x1  }
0xab: {  	[tilespmem:v7+s18+$0x0] =	vst.idx.msk $0xffff, v6  }
0xac: {  	v6 =	vld.idx.msk [tilespmem:v60+s31+$0x0], $0xffff;
	_ =	sdelay $0x1  }
0xad: {  	v7 =	vadd.s32 $0xB, v4  }
0xae: {  	v61 =	vor.u32 $0xC, v5;
	_ =	sdelay $0x1  }
0xaf: {  	v6 =	vmul.f32 v6, v3;
	_ =	sdelay $0x1  }
0xb0: {  	[tilespmem:v7+s18+$0x0] =	vst.idx.msk $0xffff, v6  }
0xb1: {  	v6 =	vld.idx.msk [tilespmem:v61+s31+$0x0], $0xffff;
	_ =	sdelay $0x1  }
0xb2: {  	v7 =	vadd.s32 $0xC, v4  }
0xb3: {  	v62 =	vor.u32 $0xD, v5;
	_ =	sdelay $0x1  }
0xb4: {  	v6 =	vmul.f32 v6, v3;
	_ =	sdelay $0x1  }
0xb5: {  	[tilespmem:v7+s18+$0x0] =	vst.idx.msk $0xffff, v6  }
0xb6: {  	v6 =	vld.idx.msk [tilespmem:v62+s31+$0x0], $0xffff;
	_ =	sdelay $0x1  }
0xb7: {  	v7 =	vadd.s32 $0xD, v4  }
0xb8: {  	v63 =	vor.u32 $0xE, v5;
	_ =	sdelay $0x1  }
0xb9: {  	v6 =	vmul.f32 v6, v3;
	_ =	sdelay $0x1  }
0xba: {  	[tilespmem:v7+s18+$0x0] =	vst.idx.msk $0xffff, v6  }
0xbb: {  	v6 =	vld.idx.msk [tilespmem:v63+s31+$0x0], $0xffff;
	_ =	sdelay $0x1  }
0xbc: {  	v7 =	vadd.s32 $0xE, v4  }
0xbd: {  	v5 =	vor.u32 $0xF, v5;
	_ =	sdelay $0x1  }
0xbe: {  	v6 =	vmul.f32 v6, v3;
	_ =	sdelay $0x1  }
0xbf: {  	[tilespmem:v7+s18+$0x0] =	vst.idx.msk $0xffff, v6  }
0xc0: {  	v5 =	vld.idx.msk [tilespmem:v5+s31+$0x0], $0xffff;
	_ =	sdelay $0x1  }
0xc1: {  	v6 =	vadd.s32 $0xF, v4  }
0xc2: {  	v4 =	vadd.s32 $0x10, v4;
	_ =	sdelay $0x1  }
0xc3: {  	v5 =	vmul.f32 v5, v3;
	_ =	sdelay $0x1  }
0xc4: {  	s12 =	simm.s32 $0x10;
	[tilespmem:v6+s18+$0x0] =	vst.idx.msk $0xffff, v5  }
.LBB2_8:
0xc5: {  	[tilespmem:v4+s18+$0x0] =	vst.idx.msk $0xffff, v3;
	s0 =	sadd.s32 $0x10, s0;
	s14 =	sadd.s32 $0x10, s14;
	s4 =	sadd.s32 $0x10, s4  }
0xc6: {  	p0 =	sne.s32 s12, $0x270;
	s22 =	smov.u32 s12;
	s12 =	sadd.s32 $0x10, s12;
	v3 =	vld [tilespmem:s14+$0x0]  }
0xc7: {  	v4 =	vld [tilespmem:s0+$0x0];
	_ =	sdelay $0x1  }
0xc8: {  	v5 =	vld [tilespmem:s4+$0x0];
	_ =	sdelay $0x2  }
0xc9: {  	v3 =	vadd.f32 v3, v4;
	_ =	sdelay $0x1  }
0xca: {  	v3 =	vadd.f32 v5, v3;
	_ =	sdelay $0x1  }
0xcb: {  	v4 =	vmul.f32 $2.000000030e-01, v3;
	_ =	sdelay $0x1  }
0xcc: {  	v3 =	vmax.f32 v3, v4  }
0xcd: {  	v3 =	vsub.f32 v3, v2;
	_ =	sdelay $0x1  }
0xce: {  	v4 =	vor.u32 s22, v0;
	v3 =	vmul.f32 $1.442695020e+00, v3  }
0xcf: {  	v5 =	vshll.u32 v4, $0x4  }
0xd0: {  	(erf) = vpow2.f32 v3;
	_ =	sdelay $0x3  }
0xd1: {  	v6 =	vld.idx.msk [tilespmem:v5+s31+$0x0], $0xffff;
	_ =	sdelay $0x1  }
0xd2: {  	v4 =	vmul.u32 $0x18, v4;
	_ =	sdelay $0x1  }
0xd3: {  	v7 =	vor.u32 $0x1, v5  }
0xd4: {  	v3 =	vpop (erf)  }
0xd5: {  	v6 =	vmul.f32 v3, v6;
	_ =	sdelay $0x1  }
0xd6: {  	[tilespmem:v4+s18+$0x0] =	vst.idx.msk $0xffff, v6  }
0xd7: {  	v6 =	vld.idx.msk [tilespmem:v7+s31+$0x0], $0xffff;
	_ =	sdelay $0x2  }
0xd8: {  	v7 =	vor.u32 $0x1, v4  }
0xd9: {  	v8 =	vor.u32 $0x2, v5;
	_ =	sdelay $0x1  }
0xda: {  	v6 =	vmul.f32 v3, v6;
	_ =	sdelay $0x1  }
0xdb: {  	[tilespmem:v7+s18+$0x0] =	vst.idx.msk $0xffff, v6  }
0xdc: {  	v6 =	vld.idx.msk [tilespmem:v8+s31+$0x0], $0xffff;
	_ =	sdelay $0x2  }
0xdd: {  	v7 =	vor.u32 $0x2, v4  }
0xde: {  	v8 =	vor.u32 $0x3, v5;
	_ =	sdelay $0x1  }
0xdf: {  	v6 =	vmul.f32 v3, v6;
	_ =	sdelay $0x1  }
0xe0: {  	[tilespmem:v7+s18+$0x0] =	vst.idx.msk $0xffff, v6  }
0xe1: {  	v6 =	vld.idx.msk [tilespmem:v8+s31+$0x0], $0xffff;
	_ =	sdelay $0x2  }
0xe2: {  	v7 =	vor.u32 $0x3, v4  }
0xe3: {  	v8 =	vor.u32 $0x4, v5;
	_ =	sdelay $0x1  }
0xe4: {  	v6 =	vmul.f32 v6, v3;
	_ =	sdelay $0x1  }
0xe5: {  	[tilespmem:v7+s18+$0x0] =	vst.idx.msk $0xffff, v6  }
0xe6: {  	v6 =	vld.idx.msk [tilespmem:v8+s31+$0x0], $0xffff;
	_ =	sdelay $0x2  }
0xe7: {  	v7 =	vor.u32 $0x4, v4  }
0xe8: {  	v8 =	vor.u32 $0x5, v5;
	_ =	sdelay $0x1  }
0xe9: {  	v6 =	vmul.f32 v6, v3;
	_ =	sdelay $0x1  }
0xea: {  	[tilespmem:v7+s18+$0x0] =	vst.idx.msk $0xffff, v6  }
0xeb: {  	v6 =	vld.idx.msk [tilespmem:v8+s31+$0x0], $0xffff;
	_ =	sdelay $0x2  }
0xec: {  	v7 =	vor.u32 $0x5, v4  }
0xed: {  	v8 =	vor.u32 $0x6, v5;
	_ =	sdelay $0x1  }
0xee: {  	v6 =	vmul.f32 v6, v3;
	_ =	sdelay $0x1  }
0xef: {  	[tilespmem:v7+s18+$0x0] =	vst.idx.msk $0xffff, v6  }
0xf0: {  	v6 =	vld.idx.msk [tilespmem:v8+s31+$0x0], $0xffff;
	_ =	sdelay $0x2  }
0xf1: {  	v7 =	vor.u32 $0x6, v4  }
0xf2: {  	v8 =	vor.u32 $0x7, v5;
	_ =	sdelay $0x1  }
0xf3: {  	v6 =	vmul.f32 v6, v3;
	_ =	sdelay $0x1  }
0xf4: {  	[tilespmem:v7+s18+$0x0] =	vst.idx.msk $0xffff, v6  }
0xf5: {  	v6 =	vld.idx.msk [tilespmem:v8+s31+$0x0], $0xffff;
	_ =	sdelay $0x2  }
0xf6: {  	v7 =	vor.u32 $0x7, v4  }
0xf7: {  	v8 =	vor.u32 $0x8, v5;
	_ =	sdelay $0x1  }
0xf8: {  	v6 =	vmul.f32 v6, v3;
	_ =	sdelay $0x1  }
0xf9: {  	[tilespmem:v7+s18+$0x0] =	vst.idx.msk $0xffff, v6  }
0xfa: {  	v6 =	vld.idx.msk [tilespmem:v8+s31+$0x0], $0xffff;
	_ =	sdelay $0x2  }
0xfb: {  	v7 =	vadd.s32 $0x8, v4  }
0xfc: {  	v8 =	vor.u32 $0x9, v5;
	_ =	sdelay $0x1  }
0xfd: {  	v6 =	vmul.f32 v6, v3;
	_ =	sdelay $0x1  }
0xfe: {  	[tilespmem:v7+s18+$0x0] =	vst.idx.msk $0xffff, v6  }
0xff: {  	v6 =	vld.idx.msk [tilespmem:v8+s31+$0x0], $0xffff;
	_ =	sdelay $0x2  }
0x100: {  	v7 =	vadd.s32 $0x9, v4  }
0x101: {  	v8 =	vor.u32 $0xA, v5;
	_ =	sdelay $0x1  }
0x102: {  	v6 =	vmul.f32 v6, v3;
	_ =	sdelay $0x1  }
0x103: {  	[tilespmem:v7+s18+$0x0] =	vst.idx.msk $0xffff, v6  }
0x104: {  	v6 =	vld.idx.msk [tilespmem:v8+s31+$0x0], $0xffff;
	_ =	sdelay $0x2  }
0x105: {  	v7 =	vadd.s32 $0xA, v4  }
0x106: {  	v8 =	vor.u32 $0xB, v5;
	_ =	sdelay $0x1  }
0x107: {  	v6 =	vmul.f32 v6, v3;
	_ =	sdelay $0x1  }
0x108: {  	[tilespmem:v7+s18+$0x0] =	vst.idx.msk $0xffff, v6  }
0x109: {  	v6 =	vld.idx.msk [tilespmem:v8+s31+$0x0], $0xffff;
	_ =	sdelay $0x2  }
0x10a: {  	v7 =	vadd.s32 $0xB, v4  }
0x10b: {  	v8 =	vor.u32 $0xC, v5;
	_ =	sdelay $0x1  }
0x10c: {  	v6 =	vmul.f32 v6, v3;
	_ =	sdelay $0x1  }
0x10d: {  	[tilespmem:v7+s18+$0x0] =	vst.idx.msk $0xffff, v6  }
0x10e: {  	v6 =	vld.idx.msk [tilespmem:v8+s31+$0x0], $0xffff;
	_ =	sdelay $0x2  }
0x10f: {  	v7 =	vadd.s32 $0xC, v4  }
0x110: {  	v8 =	vor.u32 $0xD, v5;
	_ =	sdelay $0x1  }
0x111: {  	v6 =	vmul.f32 v6, v3;
	_ =	sdelay $0x1  }
0x112: {  	[tilespmem:v7+s18+$0x0] =	vst.idx.msk $0xffff, v6  }
0x113: {  	v6 =	vld.idx.msk [tilespmem:v8+s31+$0x0], $0xffff;
	_ =	sdelay $0x2  }
0x114: {  	v7 =	vadd.s32 $0xD, v4  }
0x115: {  	v8 =	vor.u32 $0xE, v5;
	_ =	sdelay $0x1  }
0x116: {  	v6 =	vmul.f32 v6, v3;
	_ =	sdelay $0x1  }
0x117: {  	[tilespmem:v7+s18+$0x0] =	vst.idx.msk $0xffff, v6  }
0x118: {  	v6 =	vld.idx.msk [tilespmem:v8+s31+$0x0], $0xffff;
	_ =	sdelay $0x2  }
0x119: {  	v7 =	vadd.s32 $0xE, v4  }
0x11a: {  	v5 =	vor.u32 $0xF, v5;
	_ =	sdelay $0x1  }
0x11b: {  	v6 =	vmul.f32 v6, v3;
	_ =	sdelay $0x1  }
0x11c: {  	[tilespmem:v7+s18+$0x0] =	vst.idx.msk $0xffff, v6  }
0x11d: {  	v5 =	vld.idx.msk [tilespmem:v5+s31+$0x0], $0xffff;
	_ =	sdelay $0x2  }
0x11e: {  	v6 =	vadd.s32 $0xF, v4  }
.Ltmp2:
0x11f: {  	v4 =	vadd.s32 $0x10, v4;
	(pc) =	sbr.rel @p0 .LBB2_8-.Ltmp2, $3  }
0x120: {  	_ = 	snop  }
0x121: {  	v5 =	vmul.f32 v5, v3;
	_ =	sdelay $0x1  }
0x122: {  	[tilespmem:v6+s18+$0x0] =	vst.idx.msk $0xffff, v5  }
0x123: {  	_ =	sdelay $0x2  }
0x124: {  	p0 =	slt.s32 s15, $0xC7880  }
0x125: {  	[tilespmem:v4+s18+$0x0] =	vst.idx.msk $0xffff, v3;
	s15 =	simm.s32 @!p0 $0xC7880  }
0x126: {  	[spmem:s2] =	stream.indirect.scatter.add.f32 [tilespmem:s18], [sflag:$0x2], $0x18, s23, s23, $0xb8;
	[tilespmem:$0x1D510] =	vst v63  }
0x127: {  	s0 =	sadd.s32 $0x500, s15;
	_ =	swait.ge [sflag:s19], $0x3C00  }
0x128: {  	[sflag:s19] =	ssyncset.done $0x0;
	s4 =	sshrl.u32 s0, $0x3  }
0x129: {  	s12 =	simm.s32 $0x0;
	[sflag:s19] =	ssyncadd.s32 $0xFFFFC400;
	s4 =	sadd.s32 s5, s4  }
0x12a: {  	[tilespmem:s12], [sflag:$0x2] =	stream.strided.gather [hbm4b:s4+s23], $0x500, s24, s23, $0x38;
	[tilespmem:$0x1D510] =	vst v63  }
0x12b: {  	s0 =	sadd.s32 s16, s0;
	_ =	swait.ge [sflag:s19], $0x500  }
0x12c: {  	s0 =	sshrl.u32 s0, $0x3;
	[sflag:s19] =	ssyncset.done $0x0  }
0x12d: {  	s0 =	sadd.s32 s6, s0;
	[sflag:s19] =	ssyncadd.s32 $0xFFFFFB00  }
0x12e: {  	[tilespmem:s25], [sflag:$0x2] =	stream.linear.gather [hbm4b:s0+s12], $0x280, $0x38;
	[tilespmem:$0x1D510] =	vst v63  }
0x12f: {  	_ =	swait.ge [sflag:s19], $0x280  }
0x130: {  	[sflag:s19] =	ssyncset.done $0x0  }
0x131: {  	s0 =	simm.s32 $0x0;
	[sflag:s19] =	ssyncadd.s32 $0xFFFFFD80  }
0x132: {  	v2 =	vld [tilespmem:s0+$0x280]  }
0x133: {  	s4 =	simm.s32 $0x40;
	v3 =	vld [tilespmem:s0+$0x0]  }
.LBB2_10:
0x134: {  	p0 =	sne.s32 s4, $0x9C0  }
.Ltmp3:
0x135: {  	_ = 	snop;
	(pc) =	sbr.rel @p0 .LBB2_10-.Ltmp3, $4  }
0x136: {  	_ = 	snop  }
0x137: {  	s12 =	sshra.s32 s4, $0x2;
	s4 =	sadd.s32 $0x40, s4;
	v4 =	vadd.s32 v1, v2  }
0x138: {  	v2 =	vld [tilespmem:s12+$0x280];
	v5 =	vadd.s32 v1, v3;
	[tilespmem:s0+$0xA00] =	vst v4  }
0x139: {  	v3 =	vld [tilespmem:s12+$0x0];
	[tilespmem:s0+$0x780] =	vst v5;
	s0 =	smov.u32 s12  }
0x13a: {  	_ =	sdelay $0x2  }
0x13b: {  	v2 =	vadd.s32 v1, v2  }
0x13c: {  	v3 =	vadd.s32 v1, v3;
	[tilespmem:s0+$0xA00] =	vst v2  }
0x13d: {  	[tilespmem:s0+$0x780] =	vst v3  }
0x13e: {  	_ =	swait.ge [sflag:s3], $0x280  }
0x13f: {  	[sflag:s3] =	ssyncset.done $0x0  }
0x140: {  	[sflag:s3] =	ssyncadd.s32 $0xFFFFFD80  }
0x141: {  	_ =	swait.ge [sflag:s3], $0x280  }
0x142: {  	[sflag:s3] =	ssyncset.done $0x0  }
0x143: {  	[sflag:s3] =	ssyncadd.s32 $0xFFFFFD80  }
0x144: {  	_ =	swait.ge [sflag:s3], $0x2800  }
0x145: {  	[sflag:s3] =	ssyncset.done $0x0  }
0x146: {  	[sflag:s3] =	ssyncadd.s32 $0xFFFFD800  }
0x147: {  	[tilespmem:s28], [sflag:$0x1] =	stream.indirect.gather [hbm4b:s1+s23], $0x1, s26, s23, $0xb8;
	[tilespmem:$0x1D510] =	vst v63  }
0x148: {  	_ = 	snop  }
0x149: {  	[tilespmem:s30], [sflag:$0x1] =	stream.indirect.gather [hbm4b:s8+s23], $0x1, s29, s23, $0xb8;
	[tilespmem:$0x1D510] =	vst v63  }
0x14a: {  	s14 =	simm.s32 $0x4880  }
0x14b: {  	[tilespmem:s31], [sflag:$0x1] =	stream.indirect.gather [hbm4b:s9+s23], $0x10, s26, s23, $0xb8;
	[tilespmem:$0x1D510] =	vst v63  }
0x14c: {  	s0 =	simm.s32 $0x4600;
	v2 =	vld [tilespmem:s14+$0x0]  }
0x14d: {  	v3 =	vld [tilespmem:s0+$0x0]  }
0x14e: {  	s4 =	simm.s32 $0x3E80  }
0x14f: {  	v4 =	vld [tilespmem:s4+$0x0];
	_ =	sdelay $0x2  }
0x150: {  	v3 =	vadd.f32 v2, v3;
	_ =	sdelay $0x1  }
0x151: {  	v2 =	vld [tilespmem:$0x7300];
	v3 =	vadd.f32 v4, v3;
	_ =	sdelay $0x1  }
0x152: {  	v4 =	vmul.f32 $2.000000030e-01, v3;
	_ =	sdelay $0x1  }
0x153: {  	v3 =	vmax.f32 v3, v4  }
0x154: {  	v3 =	vsub.f32 v3, v2;
	_ =	sdelay $0x1  }
0x155: {  	s12 =	simm.s32 $0x0;
	v3 =	vmul.f32 $1.442695020e+00, v3  }
0x156: {  	v4 =	vor.u32 s12, v0  }
0x157: {  	v5 =	vshll.u32 v4, $0x4;
	(erf) = vpow2.f32 v3;
	_ =	sdelay $0x4  }
0x158: {  	v6 =	vld.idx.msk [tilespmem:v5+s10+$0x0], $0xffff  }
0x159: {  	v4 =	vmul.u32 $0x18, v4;
	_ =	sdelay $0x1  }
0x15a: {  	v7 =	vor.u32 $0x1, v5  }
0x15b: {  	v3 =	vpop (erf)  }
0x15c: {  	v6 =	vmul.f32 v3, v6;
	_ =	sdelay $0x1  }
0x15d: {  	[tilespmem:v4+s18+$0x0] =	vst.idx.msk $0xffff, v6  }
0x15e: {  	v6 =	vld.idx.msk [tilespmem:v7+s10+$0x0], $0xffff;
	_ =	sdelay $0x1  }
0x15f: {  	v7 =	vor.u32 $0x1, v4  }
0x160: {  	v8 =	vor.u32 $0x2, v5;
	_ =	sdelay $0x1  }
0x161: {  	v6 =	vmul.f32 v3, v6;
	_ =	sdelay $0x1  }
0x162: {  	[tilespmem:v7+s18+$0x0] =	vst.idx.msk $0xffff, v6  }
0x163: {  	v6 =	vld.idx.msk [tilespmem:v8+s10+$0x0], $0xffff;
	_ =	sdelay $0x1  }
0x164: {  	v7 =	vor.u32 $0x2, v4  }
0x165: {  	v52 =	vor.u32 $0x3, v5;
	_ =	sdelay $0x1  }
0x166: {  	v6 =	vmul.f32 v3, v6;
	_ =	sdelay $0x1  }
0x167: {  	[tilespmem:v7+s18+$0x0] =	vst.idx.msk $0xffff, v6  }
0x168: {  	v6 =	vld.idx.msk [tilespmem:v52+s10+$0x0], $0xffff;
	_ =	sdelay $0x1  }
0x169: {  	v7 =	vor.u32 $0x3, v4  }
0x16a: {  	v53 =	vor.u32 $0x4, v5;
	_ =	sdelay $0x1  }
0x16b: {  	v6 =	vmul.f32 v6, v3;
	_ =	sdelay $0x1  }
0x16c: {  	[tilespmem:v7+s18+$0x0] =	vst.idx.msk $0xffff, v6  }
0x16d: {  	v6 =	vld.idx.msk [tilespmem:v53+s10+$0x0], $0xffff;
	_ =	sdelay $0x1  }
0x16e: {  	v7 =	vor.u32 $0x4, v4  }
0x16f: {  	v54 =	vor.u32 $0x5, v5;
	_ =	sdelay $0x1  }
0x170: {  	v6 =	vmul.f32 v6, v3;
	_ =	sdelay $0x1  }
0x171: {  	[tilespmem:v7+s18+$0x0] =	vst.idx.msk $0xffff, v6  }
0x172: {  	v6 =	vld.idx.msk [tilespmem:v54+s10+$0x0], $0xffff;
	_ =	sdelay $0x1  }
0x173: {  	v7 =	vor.u32 $0x5, v4  }
0x174: {  	v55 =	vor.u32 $0x6, v5;
	_ =	sdelay $0x1  }
0x175: {  	v6 =	vmul.f32 v6, v3;
	_ =	sdelay $0x1  }
0x176: {  	[tilespmem:v7+s18+$0x0] =	vst.idx.msk $0xffff, v6  }
0x177: {  	v6 =	vld.idx.msk [tilespmem:v55+s10+$0x0], $0xffff;
	_ =	sdelay $0x1  }
0x178: {  	v7 =	vor.u32 $0x6, v4  }
0x179: {  	v56 =	vor.u32 $0x7, v5;
	_ =	sdelay $0x1  }
0x17a: {  	v6 =	vmul.f32 v6, v3;
	_ =	sdelay $0x1  }
0x17b: {  	[tilespmem:v7+s18+$0x0] =	vst.idx.msk $0xffff, v6  }
0x17c: {  	v6 =	vld.idx.msk [tilespmem:v56+s10+$0x0], $0xffff;
	_ =	sdelay $0x1  }
0x17d: {  	v7 =	vor.u32 $0x7, v4  }
0x17e: {  	v57 =	vor.u32 $0x8, v5;
	_ =	sdelay $0x1  }
0x17f: {  	v6 =	vmul.f32 v6, v3;
	_ =	sdelay $0x1  }
0x180: {  	[tilespmem:v7+s18+$0x0] =	vst.idx.msk $0xffff, v6  }
0x181: {  	v6 =	vld.idx.msk [tilespmem:v57+s10+$0x0], $0xffff;
	_ =	sdelay $0x1  }
0x182: {  	v7 =	vadd.s32 $0x8, v4  }
0x183: {  	v58 =	vor.u32 $0x9, v5;
	_ =	sdelay $0x1  }
0x184: {  	v6 =	vmul.f32 v6, v3;
	_ =	sdelay $0x1  }
0x185: {  	[tilespmem:v7+s18+$0x0] =	vst.idx.msk $0xffff, v6  }
0x186: {  	v6 =	vld.idx.msk [tilespmem:v58+s10+$0x0], $0xffff;
	_ =	sdelay $0x1  }
0x187: {  	v7 =	vadd.s32 $0x9, v4  }
0x188: {  	v59 =	vor.u32 $0xA, v5;
	_ =	sdelay $0x1  }
0x189: {  	v6 =	vmul.f32 v6, v3;
	_ =	sdelay $0x1  }
0x18a: {  	[tilespmem:v7+s18+$0x0] =	vst.idx.msk $0xffff, v6  }
0x18b: {  	v6 =	vld.idx.msk [tilespmem:v59+s10+$0x0], $0xffff;
	_ =	sdelay $0x1  }
0x18c: {  	v7 =	vadd.s32 $0xA, v4  }
0x18d: {  	v60 =	vor.u32 $0xB, v5;
	_ =	sdelay $0x1  }
0x18e: {  	v6 =	vmul.f32 v6, v3;
	_ =	sdelay $0x1  }
0x18f: {  	[tilespmem:v7+s18+$0x0] =	vst.idx.msk $0xffff, v6  }
0x190: {  	v6 =	vld.idx.msk [tilespmem:v60+s10+$0x0], $0xffff;
	_ =	sdelay $0x1  }
0x191: {  	v7 =	vadd.s32 $0xB, v4  }
0x192: {  	v61 =	vor.u32 $0xC, v5;
	_ =	sdelay $0x1  }
0x193: {  	v6 =	vmul.f32 v6, v3;
	_ =	sdelay $0x1  }
0x194: {  	[tilespmem:v7+s18+$0x0] =	vst.idx.msk $0xffff, v6  }
0x195: {  	v6 =	vld.idx.msk [tilespmem:v61+s10+$0x0], $0xffff;
	_ =	sdelay $0x1  }
0x196: {  	v7 =	vadd.s32 $0xC, v4  }
0x197: {  	v62 =	vor.u32 $0xD, v5;
	_ =	sdelay $0x1  }
0x198: {  	v6 =	vmul.f32 v6, v3;
	_ =	sdelay $0x1  }
0x199: {  	[tilespmem:v7+s18+$0x0] =	vst.idx.msk $0xffff, v6  }
0x19a: {  	v6 =	vld.idx.msk [tilespmem:v62+s10+$0x0], $0xffff;
	_ =	sdelay $0x1  }
0x19b: {  	v7 =	vadd.s32 $0xD, v4  }
0x19c: {  	v63 =	vor.u32 $0xE, v5;
	_ =	sdelay $0x1  }
0x19d: {  	v6 =	vmul.f32 v6, v3;
	_ =	sdelay $0x1  }
0x19e: {  	[tilespmem:v7+s18+$0x0] =	vst.idx.msk $0xffff, v6  }
0x19f: {  	v6 =	vld.idx.msk [tilespmem:v63+s10+$0x0], $0xffff;
	_ =	sdelay $0x1  }
0x1a0: {  	v7 =	vadd.s32 $0xE, v4  }
0x1a1: {  	v5 =	vor.u32 $0xF, v5;
	_ =	sdelay $0x1  }
0x1a2: {  	v6 =	vmul.f32 v6, v3;
	_ =	sdelay $0x1  }
0x1a3: {  	[tilespmem:v7+s18+$0x0] =	vst.idx.msk $0xffff, v6  }
0x1a4: {  	v5 =	vld.idx.msk [tilespmem:v5+s10+$0x0], $0xffff;
	_ =	sdelay $0x1  }
0x1a5: {  	v6 =	vadd.s32 $0xF, v4  }
0x1a6: {  	v4 =	vadd.s32 $0x10, v4;
	_ =	sdelay $0x1  }
0x1a7: {  	v5 =	vmul.f32 v5, v3;
	_ =	sdelay $0x1  }
0x1a8: {  	s12 =	simm.s32 $0x10;
	[tilespmem:v6+s18+$0x0] =	vst.idx.msk $0xffff, v5  }
.LBB2_12:
0x1a9: {  	[tilespmem:v4+s18+$0x0] =	vst.idx.msk $0xffff, v3;
	s0 =	sadd.s32 $0x10, s0;
	s14 =	sadd.s32 $0x10, s14;
	s4 =	sadd.s32 $0x10, s4  }
0x1aa: {  	p0 =	sne.s32 s12, $0x270;
	s15 =	smov.u32 s12;
	s12 =	sadd.s32 $0x10, s12;
	v3 =	vld [tilespmem:s14+$0x0]  }
0x1ab: {  	v4 =	vld [tilespmem:s0+$0x0];
	_ =	sdelay $0x1  }
0x1ac: {  	v5 =	vld [tilespmem:s4+$0x0];
	_ =	sdelay $0x2  }
0x1ad: {  	v3 =	vadd.f32 v3, v4;
	_ =	sdelay $0x1  }
0x1ae: {  	v3 =	vadd.f32 v5, v3;
	_ =	sdelay $0x1  }
0x1af: {  	v4 =	vmul.f32 $2.000000030e-01, v3;
	_ =	sdelay $0x1  }
0x1b0: {  	v3 =	vmax.f32 v3, v4  }
0x1b1: {  	v3 =	vsub.f32 v3, v2;
	_ =	sdelay $0x1  }
0x1b2: {  	v4 =	vor.u32 s15, v0;
	v3 =	vmul.f32 $1.442695020e+00, v3  }
0x1b3: {  	v5 =	vshll.u32 v4, $0x4  }
0x1b4: {  	(erf) = vpow2.f32 v3;
	_ =	sdelay $0x3  }
0x1b5: {  	v6 =	vld.idx.msk [tilespmem:v5+s10+$0x0], $0xffff;
	_ =	sdelay $0x1  }
0x1b6: {  	v4 =	vmul.u32 $0x18, v4;
	_ =	sdelay $0x1  }
0x1b7: {  	v7 =	vor.u32 $0x1, v5  }
0x1b8: {  	v3 =	vpop (erf)  }
0x1b9: {  	v6 =	vmul.f32 v3, v6;
	_ =	sdelay $0x1  }
0x1ba: {  	[tilespmem:v4+s18+$0x0] =	vst.idx.msk $0xffff, v6  }
0x1bb: {  	v6 =	vld.idx.msk [tilespmem:v7+s10+$0x0], $0xffff;
	_ =	sdelay $0x2  }
0x1bc: {  	v7 =	vor.u32 $0x1, v4  }
0x1bd: {  	v8 =	vor.u32 $0x2, v5;
	_ =	sdelay $0x1  }
0x1be: {  	v6 =	vmul.f32 v3, v6;
	_ =	sdelay $0x1  }
0x1bf: {  	[tilespmem:v7+s18+$0x0] =	vst.idx.msk $0xffff, v6  }
0x1c0: {  	v6 =	vld.idx.msk [tilespmem:v8+s10+$0x0], $0xffff;
	_ =	sdelay $0x2  }
0x1c1: {  	v7 =	vor.u32 $0x2, v4  }
0x1c2: {  	v8 =	vor.u32 $0x3, v5;
	_ =	sdelay $0x1  }
0x1c3: {  	v6 =	vmul.f32 v3, v6;
	_ =	sdelay $0x1  }
0x1c4: {  	[tilespmem:v7+s18+$0x0] =	vst.idx.msk $0xffff, v6  }
0x1c5: {  	v6 =	vld.idx.msk [tilespmem:v8+s10+$0x0], $0xffff;
	_ =	sdelay $0x2  }
0x1c6: {  	v7 =	vor.u32 $0x3, v4  }
0x1c7: {  	v8 =	vor.u32 $0x4, v5;
	_ =	sdelay $0x1  }
0x1c8: {  	v6 =	vmul.f32 v6, v3;
	_ =	sdelay $0x1  }
0x1c9: {  	[tilespmem:v7+s18+$0x0] =	vst.idx.msk $0xffff, v6  }
0x1ca: {  	v6 =	vld.idx.msk [tilespmem:v8+s10+$0x0], $0xffff;
	_ =	sdelay $0x2  }
0x1cb: {  	v7 =	vor.u32 $0x4, v4  }
0x1cc: {  	v8 =	vor.u32 $0x5, v5;
	_ =	sdelay $0x1  }
0x1cd: {  	v6 =	vmul.f32 v6, v3;
	_ =	sdelay $0x1  }
0x1ce: {  	[tilespmem:v7+s18+$0x0] =	vst.idx.msk $0xffff, v6  }
0x1cf: {  	v6 =	vld.idx.msk [tilespmem:v8+s10+$0x0], $0xffff;
	_ =	sdelay $0x2  }
0x1d0: {  	v7 =	vor.u32 $0x5, v4  }
0x1d1: {  	v8 =	vor.u32 $0x6, v5;
	_ =	sdelay $0x1  }
0x1d2: {  	v6 =	vmul.f32 v6, v3;
	_ =	sdelay $0x1  }
0x1d3: {  	[tilespmem:v7+s18+$0x0] =	vst.idx.msk $0xffff, v6  }
0x1d4: {  	v6 =	vld.idx.msk [tilespmem:v8+s10+$0x0], $0xffff;
	_ =	sdelay $0x2  }
0x1d5: {  	v7 =	vor.u32 $0x6, v4  }
0x1d6: {  	v8 =	vor.u32 $0x7, v5;
	_ =	sdelay $0x1  }
0x1d7: {  	v6 =	vmul.f32 v6, v3;
	_ =	sdelay $0x1  }
0x1d8: {  	[tilespmem:v7+s18+$0x0] =	vst.idx.msk $0xffff, v6  }
0x1d9: {  	v6 =	vld.idx.msk [tilespmem:v8+s10+$0x0], $0xffff;
	_ =	sdelay $0x2  }
0x1da: {  	v7 =	vor.u32 $0x7, v4  }
0x1db: {  	v8 =	vor.u32 $0x8, v5;
	_ =	sdelay $0x1  }
0x1dc: {  	v6 =	vmul.f32 v6, v3;
	_ =	sdelay $0x1  }
0x1dd: {  	[tilespmem:v7+s18+$0x0] =	vst.idx.msk $0xffff, v6  }
0x1de: {  	v6 =	vld.idx.msk [tilespmem:v8+s10+$0x0], $0xffff;
	_ =	sdelay $0x2  }
0x1df: {  	v7 =	vadd.s32 $0x8, v4  }
0x1e0: {  	v8 =	vor.u32 $0x9, v5;
	_ =	sdelay $0x1  }
0x1e1: {  	v6 =	vmul.f32 v6, v3;
	_ =	sdelay $0x1  }
0x1e2: {  	[tilespmem:v7+s18+$0x0] =	vst.idx.msk $0xffff, v6  }
0x1e3: {  	v6 =	vld.idx.msk [tilespmem:v8+s10+$0x0], $0xffff;
	_ =	sdelay $0x2  }
0x1e4: {  	v7 =	vadd.s32 $0x9, v4  }
0x1e5: {  	v8 =	vor.u32 $0xA, v5;
	_ =	sdelay $0x1  }
0x1e6: {  	v6 =	vmul.f32 v6, v3;
	_ =	sdelay $0x1  }
0x1e7: {  	[tilespmem:v7+s18+$0x0] =	vst.idx.msk $0xffff, v6  }
0x1e8: {  	v6 =	vld.idx.msk [tilespmem:v8+s10+$0x0], $0xffff;
	_ =	sdelay $0x2  }
0x1e9: {  	v7 =	vadd.s32 $0xA, v4  }
0x1ea: {  	v8 =	vor.u32 $0xB, v5;
	_ =	sdelay $0x1  }
0x1eb: {  	v6 =	vmul.f32 v6, v3;
	_ =	sdelay $0x1  }
0x1ec: {  	[tilespmem:v7+s18+$0x0] =	vst.idx.msk $0xffff, v6  }
0x1ed: {  	v6 =	vld.idx.msk [tilespmem:v8+s10+$0x0], $0xffff;
	_ =	sdelay $0x2  }
0x1ee: {  	v7 =	vadd.s32 $0xB, v4  }
0x1ef: {  	v8 =	vor.u32 $0xC, v5;
	_ =	sdelay $0x1  }
0x1f0: {  	v6 =	vmul.f32 v6, v3;
	_ =	sdelay $0x1  }
0x1f1: {  	[tilespmem:v7+s18+$0x0] =	vst.idx.msk $0xffff, v6  }
0x1f2: {  	v6 =	vld.idx.msk [tilespmem:v8+s10+$0x0], $0xffff;
	_ =	sdelay $0x2  }
0x1f3: {  	v7 =	vadd.s32 $0xC, v4  }
0x1f4: {  	v8 =	vor.u32 $0xD, v5;
	_ =	sdelay $0x1  }
0x1f5: {  	v6 =	vmul.f32 v6, v3;
	_ =	sdelay $0x1  }
0x1f6: {  	[tilespmem:v7+s18+$0x0] =	vst.idx.msk $0xffff, v6  }
0x1f7: {  	v6 =	vld.idx.msk [tilespmem:v8+s10+$0x0], $0xffff;
	_ =	sdelay $0x2  }
0x1f8: {  	v7 =	vadd.s32 $0xD, v4  }
0x1f9: {  	v8 =	vor.u32 $0xE, v5;
	_ =	sdelay $0x1  }
0x1fa: {  	v6 =	vmul.f32 v6, v3;
	_ =	sdelay $0x1  }
0x1fb: {  	[tilespmem:v7+s18+$0x0] =	vst.idx.msk $0xffff, v6  }
0x1fc: {  	v6 =	vld.idx.msk [tilespmem:v8+s10+$0x0], $0xffff;
	_ =	sdelay $0x2  }
0x1fd: {  	v7 =	vadd.s32 $0xE, v4  }
0x1fe: {  	v5 =	vor.u32 $0xF, v5;
	_ =	sdelay $0x1  }
0x1ff: {  	v6 =	vmul.f32 v6, v3;
	_ =	sdelay $0x1  }
0x200: {  	[tilespmem:v7+s18+$0x0] =	vst.idx.msk $0xffff, v6  }
0x201: {  	v5 =	vld.idx.msk [tilespmem:v5+s10+$0x0], $0xffff;
	_ =	sdelay $0x2  }
0x202: {  	v6 =	vadd.s32 $0xF, v4  }
.Ltmp4:
0x203: {  	v4 =	vadd.s32 $0x10, v4;
	(pc) =	sbr.rel @p0 .LBB2_12-.Ltmp4, $3  }
0x204: {  	_ = 	snop  }
0x205: {  	v5 =	vmul.f32 v5, v3;
	_ =	sdelay $0x1  }
0x206: {  	[tilespmem:v6+s18+$0x0] =	vst.idx.msk $0xffff, v5  }
0x207: {  	_ =	sdelay $0x1  }
0x208: {  	s21 =	sadd.s32 $0x1, s21  }
0x209: {  	p0 =	sne.s32 s21, $0x14  }
.Ltmp5:
0x20a: {  	[tilespmem:v4+s18+$0x0] =	vst.idx.msk $0xffff, v3;
	(pc) =	sbr.rel @p0 .LBB2_5-.Ltmp5, $4  }
0x20b: {  	[spmem:s2] =	stream.indirect.scatter.add.f32 [tilespmem:s18], [sflag:$0x2], $0x18, s13, s23, $0xb8;
	[tilespmem:$0x1D510] =	vst v63  }
0x20c: {  	_ =	swait.ge [sflag:s19], $0x3C00  }
0x20d: {  	[sflag:s19] =	ssyncset.done $0x0  }
0x20e: {  	[sflag:s19] =	ssyncadd.s32 $0xFFFFC400  }
0x20f: {  	_ =	swait.ge [sflag:s3], $0x280  }
0x210: {  	[sflag:s3] =	ssyncset.done $0x0  }
0x211: {  	[sflag:s3] =	ssyncadd.s32 $0xFFFFFD80  }
0x212: {  	_ =	swait.ge [sflag:s3], $0x280  }
0x213: {  	s0 =	rddreg [dreg:$0x4];
	[sflag:s3] =	ssyncset.done $0x0  }
0x214: {  	s4 =	rddreg [dreg:$0x10];
	[sflag:s3] =	ssyncadd.s32 $0xFFFFFD80  }
0x215: {  	s0 =	sor.u32 s0, s4;
	_ =	swait.ge [sflag:s3], $0x2800  }
0x216: {  	s0 =	smul.u32 $0xC400, s0;
	[sflag:s3] =	ssyncset.done $0x0  }
0x217: {  	s21 =	rddreg [dreg:$0x8];
	[sflag:s3] =	ssyncadd.s32 $0xFFFFD800  }
0x218: {  	s0 =	sadd.s32 s21, s0;
	[bflag:$0x0] =	sbarrier.arrive $0xFFFF  }
0x219: {  	s0 =	smul.u32 $0x3, s0;
	s22 =	rddreg [dreg:$0x7]  }
0x21a: {  	s12 =	rddreg [dreg:$0xc]  }
0x21b: {  	s14 =	rddreg [dreg:$0xd];
	s0 =	sadd.s32 s22, s0  }
0x21c: {  	[hbm:s0], [sflag:s12] =	dma.local [spmem:s14], $0x24C0  }
0x21d: {  	_ =	swait.ge [sflag:s19], $0x24C0  }
0x21e: {  	s15 =	rddreg [dreg:$0xf]  }
0x21f: {  	s15 =	sadd.s32 $0x1, s15  }
0x220: {  	p0 =	sne.s32 s15, $0x4  }
.Ltmp6:
0x221: {  	_ = 	snop;
	(pc) =	sbr.rel @p0 .LBB2_2-.Ltmp6, $3  }
0x222: {  	[sflag:s19] =	ssyncset.done $0x0  }
0x223: {  	[sflag:s19] =	ssyncadd.s32 $0xFFFFDB40  }
0x224: {  	[bflag:$0x0] =	sbarrier.arrive $0xFFFF;
	_ =	sdelay $0x1  }
0x225: {  	s4 =	rddreg [dreg:$0xe]  }
0x226: {  	s0 =	rddreg [dreg:$0xb];
	s4 =	sadd.s32 $0x1, s4  }
0x227: {  	p0 =	sne.s32 s4, s0  }
.Ltmp7:
0x228: {  	_ = 	snop;
	(pc) =	sbr.rel @p0 .LBB2_1-.Ltmp7, $1  }
0x229: {  	_ =	sdelay $0x3  }
0x22a: {  	_ =	sfence.sel $0x180000  }
0x22b: {  	[bflag:$0x0] =	sbarrier.arrive $0xFFFF  }
0x22c: {  	_ =	strace $0x9000004D  }
0x22d: {  	s0 =	stileid.u32;
	[bflag:$0x2] =	sbarrier.arrive $0xFFFF  }
0x22e: {  	p0 =	sne.s32 s0, $0x0;
	s0 =	rddreg [dreg:$0x3]  }
0x22f: {  	s0 =	sadd.s32 @!p0 $0x100000, s0  }
0x230: {  	[sflag:s0] =	ssyncadd.tile.s32 @!p0 $0x1;
	_ =	shalt  }
.Lfunc_end2:
_tile_overlayer_lowered:
.L_overlay_start_2:
0x231: {  	(tag) =	ssettag $0x2  }
0x232: {  	s0 =	rddreg [dreg:$0x0];
	s2 =	stileid.u32  }
0x233: {  	s1 =	rddreg [dreg:$0x1];
	p0 =	sne.s32 s2, $0x0  }
0x234: {  	s3 =	rddreg [dreg:$0x2];
	[bflag:$0x3] =	sbarrier.arrive $0xFFFF;
	s2 =	simm.s32 @!p0 $0x1C02  }
0x235: {  	[timem:s3], [sflag:s2] =	dma.local @!p0 [hbm:s0], s1  }
0x236: {  	s0 =	simm.s32 @!p0 $0x2  }
0x237: {  	_ =	swait.ge @!p0 [sflag:s0], s1  }
0x238: {  	s1 =	ssub.s32 @!p0 $0x0, s1;
	[sflag:s0] =	ssyncset.done @!p0 $0x0  }
0x239: {  	[sflag:s0] =	ssyncadd.s32 @!p0 s1  }
0x23a: {  	[bflag:$0x3] =	sbarrier.arrive $0xFFFF  }
0x23b: {  	_ =	shalt  }

// kernel: kernel.9.cloned.1.call-start
scs
__scs_entry_jumppad:
0x0: {  	(pc) =	sbr.rel $0x88, $3  }
0x1: {  	(tag) =	ssettag $0x0;
	lr =	simm.s32 $0x1  }
0x2: {  	[smem:$0x3F8A] =	sst lr;
	_ =	strace $0xD0000000  }
0x3: {  	_ = 	snop  }
0x4: {  	_ = 	snop  }
0x5: {  	_ = 	snop  }
0x6: {  	_ = 	snop  }
0x7: {  	_ = 	snop  }
__scs_overlays_trampoline_lowered:
0x8: {  	[smem:$0x3F99] =	sst s0  }
0x9: {  	[smem:$0x3F9A] =	sst s1  }
0xa: {  	[smem:$0x3F9B] =	sst s2  }
0xb: {  	[smem:$0x3F9C] =	sst s3  }
0xc: {  	[smem:$0x3F9D] =	sst s4  }
0xd: {  	[smem:$0x3F9E] =	sst s5  }
0xe: {  	[smem:$0x3F9F] =	sst s6  }
0xf: {  	[smem:$0x3FA0] =	sst s7  }
0x10: {  	[smem:$0x3FA1] =	sst s8  }
0x11: {  	[smem:$0x3FA2] =	sst s9;
	s0 =	simm.s32 @!p0 $0x0  }
0x12: {  	s1 =	sld [smem:$0x3F88];
	s0 =	simm.s32 @p0 $0x1  }
0x13: {  	[smem:$0x3FA3] =	sst s0;
	s0 =	simm.s32 @!p1 $0x0  }
0x14: {  	s2 =	sld [smem:$0x3F87];
	s0 =	simm.s32 @p1 $0x1  }
0x15: {  	[smem:$0x3FA4] =	sst s0;
	s0 =	simm.s32 @!p2 $0x0  }
0x16: {  	s3 =	sld [smem:$0x3FDB];
	s0 =	simm.s32 @p2 $0x1  }
0x17: {  	s4 =	simm.s32 $0x1BF5;
	[smem:$0x3FA6] =	sst s0  }
0x18: {  	s0 =	sld [smem:$0x3F89];
	_ =	swait.ge [sflag:s4], $0x0  }
0x19: {  	s7 =	sld [smem:$0x3F8A]  }
0x1a: {  	s8 =	sadd.s32 $0xFFFFE003, lr  }
0x1b: {  	s9 =	sadd.s32 $0xFFFFFEF7, lr;
	s5 =	simm.s32 $0xFFFFFFFF;
	p2 =	slt.u32 s8, $0xFFFFF086  }
0x1c: {  	p1 =	slt.u32 s9, $0xF7A;
	s5 =	simm.s32 @!p2 $0x0  }
0x1d: {  	s5 =	simm.s32 @p1 $0x1;
	p0 =	seq.s32 s7, s2  }
0x1e: {  	s7 =	smul.u32 @!p0 $0xF7A, s2;
	p2 =	seq.s32 @!p0 s5, $0x0  }
0x1f: {  	s9 =	smul.u32 $0xF7A, s1;
	s8 =	simm.s32 @!p0 $0x1BF5;
	p2 =	por !p2, p0  }
0x20: {  	[sflag:s8] =	ssyncset.s32 @!p0 $0xFFFFF086;
	s6 =	sadd.s32 @!p0 s3, s7;
	s7 =	simm.s32 @!p0 $0x108  }
0x21: {  	s3 =	sadd.s32 s3, s9;
	s6 =	sadd.s32 @!p0 $0x88, s6;
	s7 =	simm.s32 @p2 $0x1082  }
0x22: {  	[simem:s7], [sflag:s8] =	dma.local @!p0 [hbm:s6], $0xF7A  }
0x23: {  	s9 =	sor.u32 $0xD0000000, s2;
	s6 =	simm.s32 $0x108;
	_ =	swait.ge @!p0 [sflag:s8], $0x0  }
0x24: {  	s3 =	sadd.s32 $0x88, s3;
	s6 =	simm.s32 @!p1 $0x1082;
	[sflag:s4] =	ssyncset.s32 $0xFFFFF086  }
0x25: {  	[simem:s6], [sflag:s4] =	dma.local [hbm:s3], $0xF7A  }
0x26: {  	[smem:$0x3F8A] =	sst s1;
	(tag) =	ssettag s2;
	_ =	strace s9  }
0x27: {  	s1 =	sld [smem:$0x3F9A]  }
0x28: {  	s2 =	sld [smem:$0x3F9B]  }
0x29: {  	s4 =	sld [smem:$0x3F9D]  }
0x2a: {  	p0 =	seq.s32 s5, $0x0;
	s5 =	sld [smem:$0x3F9E]  }
0x2b: {  	s6 =	sld [smem:$0x3F9F]  }
0x2c: {  	s7 =	sld [smem:$0x3FA0]  }
0x2d: {  	s3 =	simm.s32 $0x108;
	s8 =	sld [smem:$0x3FA1]  }
0x2e: {  	s3 =	simm.s32 @!p0 $0x1082;
	s9 =	sld [smem:$0x3FA2]  }
0x2f: {  	lr =	sadd.s32 s0, s3;
	s0 =	sld [smem:$0x3F99]  }
0x30: {  	s3 =	sld [smem:$0x3F9C]  }
0x31: {  	[smem:$0x3FA5] =	sst s10  }
0x32: {  	s10 =	sld [smem:$0x3FA3];
	_ =	sdelay $0x3  }
0x33: {  	p0 =	seq.s32 s10, $0x1;
	s10 =	sld [smem:$0x3FA5];
	_ =	sdelay $0x3  }
0x34: {  	[smem:$0x3FA5] =	sst s10  }
0x35: {  	s10 =	sld [smem:$0x3FA4];
	_ =	sdelay $0x3  }
0x36: {  	p1 =	seq.s32 s10, $0x1;
	s10 =	sld [smem:$0x3FA5];
	_ =	sdelay $0x3  }
0x37: {  	[smem:$0x3FA5] =	sst s10  }
0x38: {  	s10 =	sld [smem:$0x3FA6]  }
0x39: {  	_ = 	snop;
	(pc) =	sbr.ind lr, $3  }
0x3a: {  	_ = 	snop  }
0x3b: {  	_ = 	snop  }
0x3c: {  	p2 =	seq.s32 s10, $0x1;
	s10 =	sld [smem:$0x3FA5]  }
0x3d: {  	_ =	shalt  }
0x3e: {  	_ =	shalt  }
0x3f: {  	_ =	shalt  }
0x40: {  	_ =	shalt  }
0x41: {  	_ =	shalt  }
0x42: {  	_ =	shalt  }
0x43: {  	_ =	shalt  }
0x44: {  	_ =	shalt  }
0x45: {  	_ =	shalt  }
0x46: {  	_ =	shalt  }
0x47: {  	_ =	shalt  }
0x48: {  	_ =	shalt  }
0x49: {  	_ =	shalt  }
0x4a: {  	_ =	shalt  }
0x4b: {  	_ =	shalt  }
0x4c: {  	_ =	shalt  }
0x4d: {  	_ =	shalt  }
0x4e: {  	_ =	shalt  }
0x4f: {  	_ =	shalt  }
0x50: {  	_ =	shalt  }
0x51: {  	_ =	shalt  }
0x52: {  	_ =	shalt  }
0x53: {  	_ =	shalt  }
0x54: {  	_ =	shalt  }
0x55: {  	_ =	shalt  }
0x56: {  	_ =	shalt  }
0x57: {  	_ =	shalt  }
0x58: {  	_ =	shalt  }
0x59: {  	_ =	shalt  }
0x5a: {  	_ =	shalt  }
0x5b: {  	_ =	shalt  }
0x5c: {  	_ =	shalt  }
0x5d: {  	_ =	shalt  }
0x5e: {  	_ =	shalt  }
0x5f: {  	_ =	shalt  }
0x60: {  	_ =	shalt  }
0x61: {  	_ =	shalt  }
0x62: {  	_ =	shalt  }
0x63: {  	_ =	shalt  }
0x64: {  	_ =	shalt  }
0x65: {  	_ =	shalt  }
0x66: {  	_ =	shalt  }
0x67: {  	_ =	shalt  }
0x68: {  	_ =	shalt  }
0x69: {  	_ =	shalt  }
0x6a: {  	_ =	shalt  }
0x6b: {  	_ =	shalt  }
0x6c: {  	_ =	shalt  }
0x6d: {  	_ =	shalt  }
0x6e: {  	_ =	shalt  }
0x6f: {  	_ =	shalt  }
0x70: {  	_ =	shalt  }
0x71: {  	_ =	shalt  }
0x72: {  	_ =	shalt  }
0x73: {  	_ =	shalt  }
0x74: {  	_ =	shalt  }
0x75: {  	_ =	shalt  }
0x76: {  	_ =	shalt  }
0x77: {  	_ =	shalt  }
0x78: {  	_ =	shalt  }
0x79: {  	_ =	shalt  }
0x7a: {  	_ =	shalt  }
0x7b: {  	_ =	shalt  }
0x7c: {  	_ =	shalt  }
0x7d: {  	_ =	shalt  }
0x7e: {  	_ =	shalt  }
0x7f: {  	_ =	shalt  }
0x80: {  	_ =	shalt  }
0x81: {  	_ =	shalt  }
0x82: {  	_ =	shalt  }
0x83: {  	_ =	shalt  }
0x84: {  	_ =	shalt  }
0x85: {  	_ =	shalt  }
0x86: {  	_ =	shalt  }
0x87: {  	_ =	shalt  }
.Lfunc_end0:
.L_simem_size_0:
called_computation_lowered:
.L_overlay_start_0:
0x88: {  	s2 =	sld [smem:$0x3FD9]  }
0x89: {  	s3 =	sld [smem:$0x3FFE];
	_ =	sdelay $0x1  }
0x8a: {  	s1 =	srdreg.scid  }
0x8b: {  	s0 =	sand.u32 $0x1, s1  }
0x8c: {  	s17 =	sshll.u32 s0, $0xA;
	s2 =	sadd.s32 s3, s2  }
0x8d: {  	s2 =	sadd.s32 s2, s17  }
0x8e: {  	[smem:$0x3FB1] =	sst s2  }
0x8f: {  	_ = 	snop  }
0x90: {  	(tm) =	ssettm $0x1  }
0x91: {  	s18 =	sld [smem:$0x3FFB];
	_ =	sdelay $0x3  }
0x92: {  	_ =	strace s18  }
0x93: {  	s2 =	sld [smem:$0x3FFC];
	_ =	sdelay $0x3  }
0x94: {  	_ =	strace s2  }
0x95: {  	s2 =	sld [smem:$0x3FFD];
	_ =	sdelay $0x3  }
0x96: {  	_ =	strace s2  }
0x97: {  	_ =	strace $0x8FFFFFFF  }
0x98: {  	s19 =	sld [smem:$0x3FDB];
	_ =	sdelay $0x1  }
0x99: {  	s20 =	simm.s32 $_scs_section_size  }
0x9a: {  	s4 =	simm.s32 $_size__tile_overlayer_lowered;
	s5 =	simm.s32 $_tile_overlayer_lowered  }
0x9b: {  	s6 =	simm.s32 $0x1BFF;
	s21 =	sshll.u32 s5, $0x1;
	s3 =	sadd.s32 s20, s19  }
0x9c: {  	s22 =	simm.s32 $0x0;
	s4 =	sshll.u32 s4, $0x1;
	s5 =	sadd.s32 s21, s3  }
0x9d: {  	[timem:s22], [sflag:s6] =	dma.local [hbm:s5], s4  }
0x9e: {  	_ =	swait.ge [sflag:s6], s4  }
0x9f: {  	s4 =	ssub.s32 $0x0, s4;
	[sflag:s6] =	ssyncset.done $0x0  }
0xa0: {  	[sflag:s6] =	ssyncadd.s32 s4;
	_ =	sdelay $0x1  }
0xa1: {  	s23 =	simm.s32 $0x1B8B  }
0xa2: {  	_ =	swait.ge [sflag:s23], $0x1  }
0xa3: {  	[sflag:s23] =	ssyncset.done $0x0  }
0xa4: {  	[sflag:s23] =	ssyncadd.s32 $0xFFFFFFFF  }
0xa5: {  	s4 =	sld [smem:$0x0]  }
0xa6: {  	s5 =	sand.u32 $0xFFFFFFFE, s1  }
0xa7: {  	p0 =	sne.s32 s1, s5  }
0xa8: {  	s5 =	sshll.u32 @p0 s5, $0xE  }
0xa9: {  	s5 =	sadd.s32 @p0 $0x11B8D, s5;
	s6 =	sshll.u32 @p0 s4, $0x11  }
0xaa: {  	s5 =	sor.u32 @p0 s6, s5  }
0xab: {  	[sflag:s5] =	ssyncadd.remote.s32 @p0 $0x1;
	_ =	sdelay $0x1  }
0xac: {  	s5 =	simm.s32 @p0 $0x1B8D  }
0xad: {  	_ =	swait.eq @p0 [sflag:s5], $0x1  }
0xae: {  	[sflag:s5] =	ssyncadd.s32 @p0 $0xFFFFFFFF  }
0xaf: {  	s6 =	sshll.u32 @!p0 s1, $0xE  }
0xb0: {  	s6 =	sor.u32 @!p0 $0x4000, s6;
	s5 =	simm.s32 @!p0 $0x1B8D  }
0xb1: {  	s4 =	sshll.u32 @!p0 s4, $0x11;
	s6 =	sadd.s32 @!p0 $0x11B8D, s6;
	_ =	swait.eq @!p0 [sflag:s5], $0x1  }
0xb2: {  	s4 =	sor.u32 @!p0 s4, s6;
	[sflag:s5] =	ssyncadd.s32 @!p0 $0xFFFFFFFF  }
0xb3: {  	s25 =	simm.s32 $0x1B8E;
	s24 =	sld [smem:$0x3FFE];
	[sflag:s4] =	ssyncadd.remote.s32 @!p0 $0x1  }
0xb4: {  	s26 =	simm.s32 $execute0_lowered;
	[smem:$0x3FD2] =	sst s25  }
0xb5: {  	s5 =	sshll.u32 s26, $0x1;
	_ =	strace $0x80000049;
	[dreg:$0x1] =	wrdreg $0xFFFFFFFF  }
0xb6: {  	s28 =	simm.s32 $_size_execute0_lowered;
	s3 =	sadd.s32 s3, s5;
	[dreg:$0x0] =	wrdreg $0x0  }
0xb7: {  	s5 =	sshll.u32 s28, $0x1;
	[dreg:$0x2] =	wrdreg s3  }
0xb8: {  	[dreg:$0x3] =	wrdreg s5  }
0xb9: {  	[dreg:$0x4] =	wrdreg $0xC0  }
0xba: {  	_ =	task [dreg:s22], $0x5FFFF  }
0xbb: {  	[dreg:$0x1] =	wrdreg $0xFFFFFFFF  }
0xbc: {  	[dreg:$0x0] =	wrdreg $0x60  }
0xbd: {  	[dreg:$0x2] =	wrdreg s24  }
0xbe: {  	[dreg:$0x3] =	wrdreg $0x3E800  }
0xbf: {  	[dreg:$0x4] =	wrdreg $0x9  }
0xc0: {  	_ =	task.clear_ibuf [dreg:s22], $0x5FFFF;
	_ =	strace $0x90000049  }
0xc1: {  	s29 =	simm.s32 $0x9;
	_ =	strace $0x8000004B  }
0xc2: {  	_ =	swait.ge [sflag:s29], $0x1  }
0xc3: {  	[sflag:s29] =	ssyncadd.s32 $0xFFFFFFFF  }
0xc4: {  	_ =	strace $0x9000004B  }
0xc5: {  	_ =	sfence  }
0xc6: {  	s30 =	sld [smem:$0x0];
	_ =	sdelay $0x2  }
0xc7: {  	s31 =	sshll.u32 s1, $0xD;
	s1 =	sshrl.u32 s1, $0x2  }
0xc8: {  	s4 =	sand.u32 $0x4000, s31;
	s1 =	sadd.s32 s1, s30  }
0xc9: {  	s0 =	sor.u32 s4, s0;
	s1 =	sshll.u32 s1, $0x11  }
0xca: {  	s0 =	sor.u32 s1, s0  }
0xcb: {  	s0 =	sadd.s32 $0x8F2B, s0  }
0xcc: {  	[sflag:s0] =	ssyncadd.remote.s32 $0x1  }
0xcd: {  	_ =	sfence.sel $0xFFFF  }
0xce: {  	[dreg:$0x0] =	wrdreg $0xFFFFFFFF;
	(pc) =	sbr.abs _section_cstart, $3  }
0xcf: {  	[dreg:$0x1] =	wrdreg $0xFFFFFFFF  }
0xd0: {  	_ =	task.clear_ibuf [dreg:s22], $0x2FFFF;
	_ =	strace $0x9FFFFFFF  }
0xd1: {  	(tm) =	ssettm $0x7FFFFFFF  }
tec
execute0_lowered:
.L_overlay_start_1:
0x0: {  	(tag) =	ssettag $0x1  }
0x1: {  	s7 =	rddreg [dreg:$0x0]  }
0x2: {  	s2 =	rddreg [dreg:$0x1]  }
0x3: {  	s0 =	rddreg [dreg:$0x2];
	s4 =	srdreg.scid  }
0x4: {  	s1 =	stileid.u32;
	s3 =	simm.s32 $0x0;
	s14 =	simm.s32 $0x1680  }
0x5: {  	s15 =	simm.s32 $0xC8000;
	s16 =	simm.s32 $0x280;
	s17 =	simm.s32 $0x0  }
0x6: {  	s21 =	simm.s32 $0x0;
	s8 =	sand.u32 $0x1, s4;
	s9 =	smul.u32 $0x1880, s1  }
0x7: {  	[smem:$0x7FF] =	sst s3;
	s4 =	sadd.s32 $0x4600, s7;
	s5 =	sadd.s32 $0x4F600, s7  }
0x8: {  	s6 =	sadd.s32 $0x69EA00, s7;
	s11 =	sshll.u32 s1, $0x1;
	s12 =	smul.u32 $0xC400, s1  }
0x9: {  	s31 =	sshll.u32 s1, $0x6;
	s10 =	smul.u32 $0x18800, s8;
	s26 =	ssub.s32 $0x2, s8  }
0xa: {  	_ =	strace $0x8000004A;
	s8 =	sor.u32 s8, s11;
	s28 =	sshrl.u32 s26, $0x1  }
0xb: {  	s30 =	sshrl.u32 s12, $0x3;
	s12 =	sadd.s32 s12, s2;
	s9 =	sadd.s32 s9, s10  }
0xc: {  	v0 =	vlaneseq.u32;
	s29 =	ssub.s32 s26, s28;
	s12 =	sshrl.u32 s12, $0x3;
	s13 =	sadd.s32 s9, s7  }
0xd: {  	v0 =	vmul.u32 $0x10, v0;
	s7 =	smul.u32 $0x6400, s8;
	s8 =	sadd.s32 s6, s30;
	s9 =	sor.u32 $0x1C01, s31  }
0xe: {  	v1 =	vimm.f32 $1.000000000e+00;
	s11 =	smax.u32 s29, $0x1;
	s10 =	sadd.s32 $0x6B7200, s13;
	s13 =	simm.s32 $0x1  }
.LBB2_1:
0xf: {  	[spmem:s12], [sflag:s9] =	dma.local [hbm:s8], $0x1880  }
0x10: {  	_ =	swait.ge [sflag:s13], $0x1880  }
0x11: {  	[sflag:s13] =	ssyncset.done $0x0  }
0x12: {  	[sflag:s13] =	ssyncadd.s32 $0xFFFFE780  }
0x13: {  	[tilespmem:s14], [sflag:$0x1] =	stream.linear.gather [hbm4b:s6+s3], $0x2800, $0x38;
	[tilespmem:$0x10280] =	vst v63  }
0x14: {  	_ =	swait.ge [sflag:s13], $0x2800  }
0x15: {  	[sflag:s13] =	ssyncset.done $0x0  }
0x16: {  	[sflag:s13] =	ssyncadd.s32 $0xFFFFD800  }
0x17: {  	s18 =	simm.s32 $0x0;
	[bflag:$0x0] =	sbarrier.arrive $0xFFFF  }
.LBB2_2:
0x18: {  	s19 =	smul.u32 $0x280, s18;
	_ =	sdelay $0x1  }
0x19: {  	s19 =	sadd.s32 s7, s19  }
0x1a: {  	s19 =	sshrl.u32 s19, $0x3  }
0x1b: {  	s20 =	sadd.s32 s4, s19  }
0x1c: {  	[tilespmem:s21], [sflag:$0x1] =	stream.linear.gather [hbm4b:s20+s21], $0x280, $0x38;
	[tilespmem:$0x10280] =	vst v63  }
0x1d: {  	_ =	swait.ge [sflag:s13], $0x280  }
0x1e: {  	[sflag:s13] =	ssyncset.done $0x0  }
0x1f: {  	s19 =	sadd.s32 s5, s19;
	[sflag:s13] =	ssyncadd.s32 $0xFFFFFD80  }
0x20: {  	[tilespmem:s16], [sflag:$0x1] =	stream.strided.gather [hbm4b:s19+s16], $0x1400, s15, s16, $0x38;
	[tilespmem:$0x10280] =	vst v63  }
0x21: {  	_ =	swait.ge [sflag:s13], $0x1400  }
0x22: {  	v2 =	vmov s21;
	[sflag:s13] =	ssyncset.done $0x0  }
0x23: {  	v2 =	vshll.u32 v2, $0x4;
	s20 =	simm.s32 $0x10;
	s19 =	simm.s32 $0xC80;
	[sflag:s13] =	ssyncadd.s32 $0xFFFFEC00  }
.LBB2_3:
0x24: {  	p0 =	sne.s32 s20, $0x270;
	v3 =	vld [tilespmem:s19+$0xFFFFF600];
	v2 =	vor.u32 v0, v2;
	_ =	sdelay $0x4  }
0x25: {  	[tilespmem:v2+s14+$0x0] =	vst.idx.msk $0xffff, v3  }
0x26: {  	v4 =	vor.u32 $0x1, v2;
	v3 =	vld [tilespmem:s19+$0xFFFFF880];
	_ =	sdelay $0x4  }
0x27: {  	[tilespmem:v4+s14+$0x0] =	vst.idx.msk $0xffff, v3  }
0x28: {  	v4 =	vor.u32 $0x2, v2;
	v3 =	vld [tilespmem:s19+$0xFFFFFB00];
	_ =	sdelay $0x4  }
0x29: {  	[tilespmem:v4+s14+$0x0] =	vst.idx.msk $0xffff, v3  }
0x2a: {  	v4 =	vor.u32 $0x3, v2;
	v3 =	vld [tilespmem:s19+$0xFFFFFD80];
	_ =	sdelay $0x4  }
0x2b: {  	[tilespmem:v4+s14+$0x0] =	vst.idx.msk $0xffff, v3  }
0x2c: {  	v4 =	vor.u32 $0x4, v2;
	v3 =	vld [tilespmem:s19+$0x0];
	_ =	sdelay $0x4  }
0x2d: {  	[tilespmem:v4+s14+$0x0] =	vst.idx.msk $0xffff, v3  }
0x2e: {  	v4 =	vor.u32 $0x5, v2;
	v3 =	vld [tilespmem:s19+$0x280];
	_ =	sdelay $0x4  }
0x2f: {  	[tilespmem:v4+s14+$0x0] =	vst.idx.msk $0xffff, v3  }
0x30: {  	v4 =	vor.u32 $0x6, v2;
	v3 =	vld [tilespmem:s19+$0x500];
	_ =	sdelay $0x4  }
0x31: {  	[tilespmem:v4+s14+$0x0] =	vst.idx.msk $0xffff, v3  }
0x32: {  	v4 =	vor.u32 $0x7, v2;
	v3 =	vld [tilespmem:s19+$0x780]  }
0x33: {  	v5 =	vor.u32 $0x8, v2  }
.Ltmp0:
0x34: {  	(pc) =	sbr.rel @p0 .LBB2_3-.Ltmp0, $3  }
0x35: {  	_ =	sdelay $0x1  }
0x36: {  	v2 =	vmov s20;
	[tilespmem:v4+s14+$0x0] =	vst.idx.msk $0xffff, v3  }
0x37: {  	s20 =	sadd.s32 $0x10, s20;
	v2 =	vshll.u32 v2, $0x4;
	s19 =	sadd.s32 $0x10, s19;
	[tilespmem:v5+s14+$0x0] =	vst.idx.msk $0xffff, v1  }
0x38: {  	v3 =	vld [tilespmem:s19+$0xFFFFF600];
	v2 =	vor.u32 v0, v2;
	_ =	sdelay $0x4  }
0x39: {  	[tilespmem:v2+s14+$0x0] =	vst.idx.msk $0xffff, v3  }
0x3a: {  	v4 =	vor.u32 $0x1, v2;
	v3 =	vld [tilespmem:s19+$0xFFFFF880];
	_ =	sdelay $0x4  }
0x3b: {  	[tilespmem:v4+s14+$0x0] =	vst.idx.msk $0xffff, v3  }
0x3c: {  	v58 =	vor.u32 $0x2, v2;
	v3 =	vld [tilespmem:s19+$0xFFFFFB00];
	_ =	sdelay $0x4  }
0x3d: {  	[tilespmem:v58+s14+$0x0] =	vst.idx.msk $0xffff, v3  }
0x3e: {  	v59 =	vor.u32 $0x3, v2;
	v3 =	vld [tilespmem:s19+$0xFFFFFD80];
	_ =	sdelay $0x4  }
0x3f: {  	[tilespmem:v59+s14+$0x0] =	vst.idx.msk $0xffff, v3  }
0x40: {  	v60 =	vor.u32 $0x4, v2;
	v3 =	vld [tilespmem:s19+$0x0];
	_ =	sdelay $0x4  }
0x41: {  	[tilespmem:v60+s14+$0x0] =	vst.idx.msk $0xffff, v3  }
0x42: {  	v61 =	vor.u32 $0x5, v2;
	v3 =	vld [tilespmem:s19+$0x280];
	_ =	sdelay $0x4  }
0x43: {  	[tilespmem:v61+s14+$0x0] =	vst.idx.msk $0xffff, v3  }
0x44: {  	v62 =	vor.u32 $0x6, v2;
	v3 =	vld [tilespmem:s19+$0x500];
	_ =	sdelay $0x4  }
0x45: {  	[tilespmem:v62+s14+$0x0] =	vst.idx.msk $0xffff, v3  }
0x46: {  	v63 =	vor.u32 $0x7, v2;
	v3 =	vld [tilespmem:s19+$0x780]  }
0x47: {  	v2 =	vor.u32 $0x8, v2;
	_ =	sdelay $0x2  }
0x48: {  	s18 =	sadd.s32 $0x1, s18  }
0x49: {  	p0 =	sne.s32 s18, $0x28;
	[tilespmem:v63+s14+$0x0] =	vst.idx.msk $0xffff, v3  }
.Ltmp1:
0x4a: {  	[tilespmem:v2+s14+$0x0] =	vst.idx.msk $0xffff, v1;
	(pc) =	sbr.rel @p0 .LBB2_2-.Ltmp1, $4  }
0x4b: {  	[spmem:s2] =	stream.indirect.scatter.add.f32 [tilespmem:s14], [sflag:$0x1], $0x10, s3, s16, $0xb8;
	[tilespmem:$0x10280] =	vst v63  }
0x4c: {  	_ =	swait.ge [sflag:s13], $0x2800  }
0x4d: {  	[sflag:s13] =	ssyncset.done $0x0  }
0x4e: {  	[sflag:s13] =	ssyncadd.s32 $0xFFFFD800  }
0x4f: {  	s17 =	sadd.s32 $0x1, s17  }
0x50: {  	p0 =	sne.s32 s17, s11  }
.Ltmp2:
0x51: {  	[bflag:$0x0] =	sbarrier.arrive $0xFFFF;
	(pc) =	sbr.rel @p0 .LBB2_1-.Ltmp2, $4  }
0x52: {  	[hbm:s10], [sflag:s9] =	dma.local [spmem:s12], $0x1880  }
0x53: {  	_ =	swait.ge [sflag:s13], $0x1880  }
0x54: {  	[sflag:s13] =	ssyncset.done $0x0  }
0x55: {  	[sflag:s13] =	ssyncadd.s32 $0xFFFFE780  }
0x56: {  	_ =	sfence.sel $0x180000  }
0x57: {  	[bflag:$0x0] =	sbarrier.arrive $0xFFFF  }
0x58: {  	p0 =	sne.s32 s1, $0x0;
	_ =	strace $0x9000004A  }
0x59: {  	s0 =	sadd.s32 @!p0 $0x100000, s0;
	[bflag:$0x2] =	sbarrier.arrive $0xFFFF  }
0x5a: {  	[sflag:s0] =	ssyncadd.tile.s32 @!p0 $0x1;
	_ =	shalt  }
.Lfunc_end2:
_tile_overlayer_lowered:
.L_overlay_start_2:
0x5b: {  	(tag) =	ssettag $0x2  }
0x5c: {  	s0 =	rddreg [dreg:$0x0];
	s2 =	stileid.u32  }
0x5d: {  	s1 =	rddreg [dreg:$0x1];
	p0 =	sne.s32 s2, $0x0  }
0x5e: {  	s3 =	rddreg [dreg:$0x2];
	[bflag:$0x3] =	sbarrier.arrive $0xFFFF;
	s2 =	simm.s32 @!p0 $0x1C01  }
0x5f: {  	[timem:s3], [sflag:s2] =	dma.local @!p0 [hbm:s0], s1  }
0x60: {  	s0 =	simm.s32 @!p0 $0x1  }
0x61: {  	_ =	swait.ge @!p0 [sflag:s0], s1  }
0x62: {  	s1 =	ssub.s32 @!p0 $0x0, s1;
	[sflag:s0] =	ssyncset.done @!p0 $0x0  }
0x63: {  	[sflag:s0] =	ssyncadd.s32 @!p0 s1  }
0x64: {  	[bflag:$0x3] =	sbarrier.arrive $0xFFFF  }
0x65: {  	_ =	shalt  }

</sc_bundles>
